<compile_context>
chip_gen: v7x
topology: tpu7x:2x2x1
jax: 0.10.2.dev20260603
libtpu: 0.0.44.dev20260713+nightly
codegen_flags: <defaults>
</compile_context>

<pallas_src>
import functools

import jax
import jax.numpy as jnp
from jax import lax
from jax.experimental import pallas as pl
from jax.experimental.pallas import tpu as pltpu
from jax.experimental.pallas import tpu_sc as plsc

B, T, D = 2, 2048, 1024
E, K, H = 8, 2, 2048
N = B * T
A = N * K
BLK = 256
NB = A // BLK + E
APAD = NB * BLK

_PREC = jax.lax.Precision.DEFAULT

NW = 32
NS = 16
GROWS = APAD // NW
GCH = 40
SCAT = A // NS
SCH = 128
WCH = APAD // NS
CTOK = N // NW
CCH = 16


def _router_body(x_ref, wg_ref, wa_ref, p_ref, be_ref, act_ref):
    x = x_ref[...]
    logits = lax.dot_general(
        x, wg_ref[...], (((1,), (1,)), ((), ())),
        preferred_element_type=jnp.float32, precision=_PREC)
    iota = lax.broadcasted_iota(jnp.int32, (N, E), 1)
    m1 = jnp.max(logits, axis=1, keepdims=True)
    i1 = jnp.min(jnp.where(logits == m1, iota, E), axis=1, keepdims=True)
    l2 = jnp.where(iota == i1, -jnp.inf, logits)
    m2 = jnp.max(l2, axis=1, keepdims=True)
    i2 = jnp.min(jnp.where(l2 == m2, iota, E), axis=1, keepdims=True)
    bexp = jnp.exp(m2 - m1)
    w1 = 1.0 / (1.0 + bexp)
    w2 = bexp * w1
    wa_ref[...] = jnp.concatenate([w1, w2], axis=0)

    ea = jnp.concatenate([i1, i2], axis=0)
    iota_a = lax.broadcasted_iota(jnp.int32, (A, E), 1)
    onehot = (iota_a == ea).astype(jnp.int32)
    c = onehot
    s = 1
    while s < A:
        c = c + jnp.concatenate(
            [jnp.zeros((s, E), jnp.int32), c[:-s]], axis=0)
        s *= 2
    counts = c[A - 1:A, :]
    nblk = (counts + (BLK - 1)) // BLK
    cb = nblk
    s = 1
    while s < E:
        cb = cb + jnp.concatenate(
            [jnp.zeros((1, s), jnp.int32), cb[:, :-s]], axis=1)
        s *= 2
    blk_start = cb - nblk
    total_blocks = cb[:, E - 1:E]
    seg_start = blk_start * BLK

    rank = jnp.sum(c * onehot, axis=1, keepdims=True) - 1
    seg = jnp.sum(onehot * seg_start, axis=1, keepdims=True)
    p_ref[...] = seg + rank

    rowb = lax.broadcasted_iota(jnp.int32, (NB, E), 0)
    be_raw = jnp.sum((rowb >= cb).astype(jnp.int32), axis=1, keepdims=True)
    be_ref[...] = jnp.minimum(be_raw, E - 1)
    rowb1 = lax.broadcasted_iota(jnp.int32, (NB, 1), 0)
    act_ref[...] = (rowb1 < total_blocks).astype(jnp.int32)


def _route_tc(x2, Wg):
    return pl.pallas_call(
        _router_body,
        out_shape=[
            jax.ShapeDtypeStruct((A, 1), jnp.float32),
            jax.ShapeDtypeStruct((A, 1), jnp.int32),
            jax.ShapeDtypeStruct((NB, 1), jnp.int32),
            jax.ShapeDtypeStruct((NB, 1), jnp.int32),
        ],
        compiler_params=pltpu.CompilerParams(
            vmem_limit_bytes=100 * 1024 * 1024,
        ),
    )(x2, Wg)


HALF = APAD // 2
HROWS = HALF // NW
NBH = NB // 2


def _scatter_body(p_h, t_h, wa_h, zi_h, zf_h,
                  rid_h, ws_h,
                  pv, tv, wav, wsv, riv, srid, sws):
    core = lax.axis_index("c")
    sub = lax.axis_index("s")

    @pl.when(sub == 0)
    def _init():
        pltpu.sync_copy(zi_h, srid)
        pltpu.sync_copy(zf_h, sws)

    plsc.subcore_barrier()

    abase = sub * SCAT
    pltpu.sync_copy(p_h.at[sub], pv)
    pltpu.sync_copy(t_h.at[pl.ds(abase, SCAT)], tv)
    pltpu.sync_copy(wa_h.at[pl.ds(abase, SCAT)], wav)
    for j in range(SCAT // SCH):
        sl = pl.ds(j * SCH, SCH)
        pltpu.sync_copy(tv.at[sl], srid.at[pv.at[j]], add=True)
        pltpu.sync_copy(wav.at[sl], sws.at[pv.at[j]], add=True)

    plsc.subcore_barrier()

    @pl.when(core == 0)
    def _ws_out():
        pltpu.sync_copy(sws.at[pl.ds(sub * WCH, WCH)], wsv)
        pltpu.sync_copy(wsv, ws_h.at[pl.ds(sub * WCH, WCH)])

    @pl.when(core == 1)
    def _rid_out():
        pltpu.sync_copy(srid.at[pl.ds(sub * WCH, WCH)], riv)
        pltpu.sync_copy(riv, rid_h.at[pl.ds(sub * WCH, WCH)])


def _scatter_sc(p1d, t1d, wa1d):
    mesh = plsc.VectorSubcoreMesh(core_axis_name="c", subcore_axis_name="s", num_cores=2, num_subcores=16)
    f = pl.kernel(
        _scatter_body,
        out_type=[
            jax.ShapeDtypeStruct((APAD,), jnp.int32),
            jax.ShapeDtypeStruct((APAD,), jnp.float32),
        ],
        mesh=mesh,
        scratch_types=[
            pltpu.VMEM((SCAT // SCH, SCH), jnp.int32),
            pltpu.VMEM((SCAT,), jnp.int32),
            pltpu.VMEM((SCAT,), jnp.float32),
            pltpu.VMEM((WCH,), jnp.float32),
            pltpu.VMEM((WCH,), jnp.int32),
            pltpu.VMEM_SHARED((APAD,), jnp.int32),
            pltpu.VMEM_SHARED((APAD,), jnp.float32),
        ],
        compiler_params=pltpu.CompilerParams(needs_layout_passes=False),
    )
    zi = jnp.zeros((APAD,), jnp.int32)
    zf = jnp.zeros((APAD,), jnp.float32)
    p3 = p1d.reshape(NS, SCAT // SCH, SCH)
    return f(p3, t1d, wa1d, zi, zf)


def _gather_body(start, rid_h, x2_h, xg_h,
                 idx0, idx1, rows0, rows1, sem0, sem1):
    core = lax.axis_index("c")
    sub = lax.axis_index("s")
    gwid = core * NS + sub
    base = gwid * HROWS
    nch = HROWS // GCH
    idx = (idx0, idx1)
    rows = (rows0, rows1)
    sems = (sem0, sem1)
    pltpu.sync_copy(rid_h.at[pl.ds(start + base, GCH)], idx0)
    cps = [pltpu.async_copy(x2_h.at[idx0], rows0, sem0)]
    for j in range(nch):
        cur = j % 2
        nxt = (j + 1) % 2
        if j + 1 < nch:
            pltpu.sync_copy(
                rid_h.at[pl.ds(start + base + (j + 1) * GCH, GCH)], idx[nxt])
            cps.append(pltpu.async_copy(x2_h.at[idx[nxt]], rows[nxt], sems[nxt]))
        cps[j].wait()
        pltpu.sync_copy(rows[cur], xg_h.at[pl.ds(base + j * GCH, GCH)])


def _gather_sc(rid, x2, start):
    mesh = plsc.VectorSubcoreMesh(core_axis_name="c", subcore_axis_name="s", num_cores=2, num_subcores=16)
    f = pl.kernel(
        functools.partial(_gather_body, start),
        out_type=jax.ShapeDtypeStruct((HALF, D), jnp.float32),
        mesh=mesh,
        scratch_types=[
            pltpu.VMEM((GCH,), jnp.int32),
            pltpu.VMEM((GCH,), jnp.int32),
            pltpu.VMEM((GCH, D), jnp.float32),
            pltpu.VMEM((GCH, D), jnp.float32),
            pltpu.SemaphoreType.DMA,
            pltpu.SemaphoreType.DMA,
        ],
        compiler_params=pltpu.CompilerParams(needs_layout_passes=False),
    )
    return f(rid, x2)


def _gemm_body_first(be_ref, act_ref, xg_ref, wgate_ref, win_ref, wout_ref,
                     ws_ref, out_ref):
    _gemm_common(0, be_ref, act_ref, xg_ref, wgate_ref, win_ref, wout_ref,
                 ws_ref, out_ref)


def _gemm_body_second(be_ref, act_ref, prev_ref, xg_ref, wgate_ref, win_ref,
                      wout_ref, ws_ref, out_ref):
    _gemm_common(NBH, be_ref, act_ref, xg_ref, wgate_ref, win_ref, wout_ref,
                 ws_ref, out_ref)


def _gemm_common(bo, be_ref, act_ref, xg_ref, wgate_ref, win_ref, wout_ref,
                 ws_ref, out_ref):
    b = pl.program_id(0)

    @pl.when(act_ref[b + bo] == 1)
    def _():
        x = xg_ref[...]
        g = lax.dot_general(
            x, wgate_ref[0], (((1,), (1,)), ((), ())),
            preferred_element_type=jnp.float32, precision=_PREC)
        u = lax.dot_general(
            x, win_ref[0], (((1,), (1,)), ((), ())),
            preferred_element_type=jnp.float32, precision=_PREC)
        h = g / (1.0 + jnp.exp(-g)) * u
        y = lax.dot_general(
            h, wout_ref[0], (((1,), (1,)), ((), ())),
            preferred_element_type=jnp.float32, precision=_PREC)
        out_ref[...] = y * ws_ref[...]


def _gemm_tc(be, act, xg, Wgate, Win, Wout, ws2, yg_prev):
    bo = 0 if yg_prev is None else NBH
    wmap = lambda b, be, act: (be[b + bo], 0, 0)
    in_specs = [
        pl.BlockSpec((BLK, D), lambda b, be, act: (b, 0)),
        pl.BlockSpec((1, H, D), wmap),
        pl.BlockSpec((1, H, D), wmap),
        pl.BlockSpec((1, D, H), wmap),
        pl.BlockSpec((BLK, 1), lambda b, be, act: (b + bo, 0)),
    ]
    args = [be, act, xg, Wgate, Win, Wout, ws2]
    body = _gemm_body_first
    aliases = {}
    if yg_prev is not None:
        in_specs.insert(0, pl.BlockSpec((BLK, D), lambda b, be, act: (0, 0)))
        args.insert(2, yg_prev)
        body = _gemm_body_second
        aliases = {2: 0}
    grid_spec = pltpu.PrefetchScalarGridSpec(
        num_scalar_prefetch=2,
        grid=(NBH,),
        in_specs=in_specs,
        out_specs=pl.BlockSpec((BLK, D), lambda b, be, act: (b + bo, 0)),
    )
    return pl.pallas_call(
        body,
        grid_spec=grid_spec,
        out_shape=jax.ShapeDtypeStruct((APAD, D), jnp.float32),
        input_output_aliases=aliases,
        compiler_params=pltpu.CompilerParams(
            dimension_semantics=("arbitrary",),
            vmem_limit_bytes=100 * 1024 * 1024,
        ),
    )(*args)


def _combine_body(yg_h, p1_h, p2_h, out_h,
                  i1a, i1b, i2a, i2b, r1a, r1b, r2a, r2b, ov,
                  s1a, s1b, s2a, s2b):
    core = lax.axis_index("c")
    sub = lax.axis_index("s")
    gwid = core * NS + sub
    base = gwid * CTOK
    nch = CTOK // CCH
    i1 = (i1a, i1b)
    i2 = (i2a, i2b)
    r1 = (r1a, r1b)
    r2 = (r2a, r2b)
    s1 = (s1a, s1b)
    s2 = (s2a, s2b)

    def issue(j, buf):
        off = base + j * CCH
        pltpu.sync_copy(p1_h.at[pl.ds(off, CCH)], i1[buf])
        pltpu.sync_copy(p2_h.at[pl.ds(off, CCH)], i2[buf])
        return (pltpu.async_copy(yg_h.at[i1[buf]], r1[buf], s1[buf]),
                pltpu.async_copy(yg_h.at[i2[buf]], r2[buf], s2[buf]))

    cps = [issue(0, 0)]
    for j in range(nch):
        cur = j % 2
        if j + 1 < nch:
            cps.append(issue(j + 1, (j + 1) % 2))
        c1, c2 = cps[j]
        c1.wait()
        c2.wait()
        a, b = r1[cur], r2[cur]

        def body(i, _):
            def inner(cc, _):
                for u in range(4):
                    sl = pl.ds(cc * 64 + u * 16, 16)
                    ov[i, sl] = a[i, sl] + b[i, sl]
                return _
            return lax.fori_loop(0, D // 64, inner, _)

        lax.fori_loop(0, CCH, body, None)
        pltpu.sync_copy(ov, out_h.at[pl.ds(base + j * CCH, CCH)])


def _combine_sc(yg, pos1, pos2):
    mesh = plsc.VectorSubcoreMesh(core_axis_name="c", subcore_axis_name="s", num_cores=2, num_subcores=16)
    f = pl.kernel(
        _combine_body,
        out_type=jax.ShapeDtypeStruct((N, D), jnp.float32),
        mesh=mesh,
        scratch_types=[
            pltpu.VMEM((CCH,), jnp.int32),
            pltpu.VMEM((CCH,), jnp.int32),
            pltpu.VMEM((CCH,), jnp.int32),
            pltpu.VMEM((CCH,), jnp.int32),
            pltpu.VMEM((CCH, D), jnp.float32),
            pltpu.VMEM((CCH, D), jnp.float32),
            pltpu.VMEM((CCH, D), jnp.float32),
            pltpu.VMEM((CCH, D), jnp.float32),
            pltpu.VMEM((CCH, D), jnp.float32),
            pltpu.SemaphoreType.DMA,
            pltpu.SemaphoreType.DMA,
            pltpu.SemaphoreType.DMA,
            pltpu.SemaphoreType.DMA,
        ],
        compiler_params=pltpu.CompilerParams(needs_layout_passes=False),
    )
    return f(yg, pos1, pos2)


@jax.jit
def kernel(x, Wg, Wgate, Win, Wout):
    x2 = x.reshape(N, D)
    wa, p, be, act = _route_tc(x2, Wg)
    p1d = p.reshape(A)
    t1d = jnp.tile(jnp.arange(N, dtype=jnp.int32), K)
    rid, ws = _scatter_sc(p1d, t1d, wa.reshape(A))
    xg1 = _gather_sc(rid, x2, 0)
    xg2 = _gather_sc(rid, x2, HALF)
    be1 = be.reshape(NB)
    act1 = act.reshape(NB)
    ws2 = ws.reshape(APAD, 1)
    yg1 = _gemm_tc(be1, act1, xg1, Wgate, Win, Wout, ws2, None)
    yg = _gemm_tc(be1, act1, xg2, Wgate, Win, Wout, ws2, yg1)
    out2 = _combine_sc(yg, p1d[:N], p1d[N:])
    return out2.reshape(B, T, D)

# --- scband reference (transcript-rebuilt; emitter-appended) ---
"""Pipeline reference for scband-sparse-mo-elayer-55362128446067 (READ-ONLY COPY).

The authoritative reference and input builder live on the scoring server;
editing this copy changes nothing except your own understanding.
"""

import jax, jax.numpy as jnp
import numpy as np

B, T, D = 2, 2048, 1024
E, K, H = 8, 2, 2048


def setup_inputs(seed: int = 0) -> dict:
    key = jax.random.key(seed)
    ks = jax.random.split(key, 5)
    x = jax.random.normal(ks[0], (B, T, D), dtype=jnp.float32)
    Wg = jax.random.normal(ks[1], (E, D), dtype=jnp.float32) * 0.02
    Wgate = jax.random.normal(ks[2], (E, H, D), dtype=jnp.float32) * 0.02
    Win = jax.random.normal(ks[3], (E, H, D), dtype=jnp.float32) * 0.02
    Wout = jax.random.normal(ks[4], (E, D, H), dtype=jnp.float32) * 0.02
    return {"x": x, "Wg": Wg, "Wgate": Wgate, "Win": Win, "Wout": Wout}


def reference(x, Wg, Wgate, Win, Wout):
    # Router: gate logits -> top-k -> softmax over selected logits
    gate_logits = jnp.einsum('btd,ed->bte', x, Wg)            # (B,T,E)
    top_k_values, selected_indices = jax.lax.top_k(gate_logits, K)  # (B,T,K)
    routing_weights = jax.nn.softmax(top_k_values, axis=-1)   # (B,T,K)

    final_output = jnp.zeros_like(x)
    for i in range(E):
        sel = (selected_indices == i)                          # (B,T,K) bool
        mask = jnp.any(sel, axis=-1)                           # (B,T)
        expert_weight = jnp.sum(routing_weights * sel.astype(routing_weights.dtype), axis=-1)  # (B,T)
        masked_x = x * mask[..., None].astype(x.dtype)         # (B,T,D)
        g = jnp.einsum('btd,hd->bth', masked_x, Wgate[i])      # (B,T,H)
        u = jnp.einsum('btd,hd->bth', masked_x, Win[i])        # (B,T,H)
        h = jax.nn.silu(g) * u
        expert_out = jnp.einsum('bth,dh->btd', h, Wout[i])     # (B,T,D)
        final_output = final_output + expert_out * expert_weight[..., None]
    return final_output

if __name__ == "__main__":
    import jax
    _d = setup_inputs()
    print(jax.jit(kernel)(*tuple(_d.values())))

</pallas_src>

<mosaic_0001>
#map = affine_map<(d0, d1) -> (0, 0)>
#map1 = affine_map<(d0, d1) -> (0)>
module attributes {stable_mosaic.version = 14 : i64} {
  func.func @_combine_body(%arg0: i32, %arg1: i32, %arg2: memref<10240x1024xf32, #tpu.memory_space<hbm>>, %arg3: memref<4096xi32, #tpu.memory_space<hbm>>, %arg4: memref<4096xi32, #tpu.memory_space<hbm>>, %arg5: memref<4096x1024xf32, #tpu.memory_space<hbm>>, %arg6: memref<16xi32, #tpu.memory_space<vmem>>, %arg7: memref<16xi32, #tpu.memory_space<vmem>>, %arg8: memref<16xi32, #tpu.memory_space<vmem>>, %arg9: memref<16xi32, #tpu.memory_space<vmem>>, %arg10: memref<16x1024xf32, #tpu.memory_space<vmem>>, %arg11: memref<16x1024xf32, #tpu.memory_space<vmem>>, %arg12: memref<16x1024xf32, #tpu.memory_space<vmem>>, %arg13: memref<16x1024xf32, #tpu.memory_space<vmem>>, %arg14: memref<16x1024xf32, #tpu.memory_space<vmem>>, %arg15: memref<!tpu.dma_semaphore, #tpu.memory_space<semaphore_mem>>, %arg16: memref<!tpu.dma_semaphore, #tpu.memory_space<semaphore_mem>>, %arg17: memref<!tpu.dma_semaphore, #tpu.memory_space<semaphore_mem>>, %arg18: memref<!tpu.dma_semaphore, #tpu.memory_space<semaphore_mem>>) attributes {dimension_semantics = [#tpu.dimension_semantics<core_parallel>, #tpu.dimension_semantics<subcore_parallel>], iteration_bounds = array<i64: 2, 16>, scalar_prefetch = 0 : i64, scratch_operands = 13 : i64, tpu.core_type = #tpu.core_type<sc_vector_subcore>, window_params = [{transform_indices = #map}, {transform_indices = #map1}, {transform_indices = #map1}, {transform_indices = #map}]} {
    %mul3A = arith.constant 16 : i32
    %mul3A_0 = arith.muli %arg0, %mul3A : i32
    %add3A = arith.addi %mul3A_0, %arg1 : i32
    %mul3A_1 = arith.constant 128 : i32
    %mul3A_2 = arith.muli %add3A, %mul3A_1 : i32
    %add3A_3 = arith.constant 0 : i32
    %add3A_4 = arith.addi %mul3A_2, %add3A_3 : i32
    "tpu.region"() ({
      %run_scoped3A = tpu.sem_alloc : memref<!tpu.dma_semaphore, #tpu.memory_space<semaphore_mem>>
      %dma_start3A_168 = tpu.memref_slice %arg3[%add3A_4] : memref<4096xi32, #tpu.memory_space<hbm>> -> memref<16xi32, #tpu.memory_space<hbm>>
      %dma_start3A_169 = tpu.memref_slice %arg3[%add3A_4] : memref<4096xi32, #tpu.memory_space<hbm>> -> memref<16xi32, #tpu.memory_space<hbm>>
      tpu.enqueue_dma source(%dma_start3A_169 : memref<16xi32, #tpu.memory_space<hbm>>) target(%arg6 : memref<16xi32, #tpu.memory_space<vmem>>) target_semaphore(%run_scoped3A : memref<!tpu.dma_semaphore, #tpu.memory_space<semaphore_mem>>)
      %dma_wait3A_170 = tpu.memref_slice %arg3[%add3A_4] : memref<4096xi32, #tpu.memory_space<hbm>> -> memref<16xi32, #tpu.memory_space<hbm>>
      %dma_wait3A_171 = tpu.memref_slice %arg3[%add3A_4] : memref<4096xi32, #tpu.memory_space<hbm>> -> memref<16xi32, #tpu.memory_space<hbm>>
      tpu.wait_dma2 semaphore(%run_scoped3A : memref<!tpu.dma_semaphore, #tpu.memory_space<semaphore_mem>>) src(%dma_wait3A_171 : memref<16xi32, #tpu.memory_space<hbm>>) dst(%arg6 : memref<16xi32, #tpu.memory_space<vmem>>)
      tpu.yield
    }) : () -> ()
    "tpu.region"() ({
      %run_scoped3A = tpu.sem_alloc : memref<!tpu.dma_semaphore, #tpu.memory_space<semaphore_mem>>
      %dma_start3A_168 = tpu.memref_slice %arg4[%add3A_4] : memref<4096xi32, #tpu.memory_space<hbm>> -> memref<16xi32, #tpu.memory_space<hbm>>
      %dma_start3A_169 = tpu.memref_slice %arg4[%add3A_4] : memref<4096xi32, #tpu.memory_space<hbm>> -> memref<16xi32, #tpu.memory_space<hbm>>
      tpu.enqueue_dma source(%dma_start3A_169 : memref<16xi32, #tpu.memory_space<hbm>>) target(%arg8 : memref<16xi32, #tpu.memory_space<vmem>>) target_semaphore(%run_scoped3A : memref<!tpu.dma_semaphore, #tpu.memory_space<semaphore_mem>>)
      %dma_wait3A_170 = tpu.memref_slice %arg4[%add3A_4] : memref<4096xi32, #tpu.memory_space<hbm>> -> memref<16xi32, #tpu.memory_space<hbm>>
      %dma_wait3A_171 = tpu.memref_slice %arg4[%add3A_4] : memref<4096xi32, #tpu.memory_space<hbm>> -> memref<16xi32, #tpu.memory_space<hbm>>
      tpu.wait_dma2 semaphore(%run_scoped3A : memref<!tpu.dma_semaphore, #tpu.memory_space<semaphore_mem>>) src(%dma_wait3A_171 : memref<16xi32, #tpu.memory_space<hbm>>) dst(%arg8 : memref<16xi32, #tpu.memory_space<vmem>>)
      tpu.yield
    }) : () -> ()
    %dma_start3A = arith.constant 0 : i32
    %dma_start3A_5 = arith.constant 0 : i32
    %dma_start3A_6 = tpu.memref_slice %arg2[%dma_start3A, %dma_start3A_5] : memref<10240x1024xf32, #tpu.memory_space<hbm>> -> memref<10240x1024xf32, #tpu.memory_space<hbm>>
    tpu.enqueue_indirect_dma source(%dma_start3A_6 : memref<10240x1024xf32, #tpu.memory_space<hbm>>) target(%arg10 : memref<16x1024xf32, #tpu.memory_space<vmem>>) offsets(%arg6 : memref<16xi32, #tpu.memory_space<vmem>>) semaphore(%arg15 : memref<!tpu.dma_semaphore, #tpu.memory_space<semaphore_mem>>)
    %dma_start3A_7 = arith.constant 0 : i32
    %dma_start3A_8 = arith.constant 0 : i32
    %dma_start3A_9 = tpu.memref_slice %arg2[%dma_start3A_7, %dma_start3A_8] : memref<10240x1024xf32, #tpu.memory_space<hbm>> -> memref<10240x1024xf32, #tpu.memory_space<hbm>>
    tpu.enqueue_indirect_dma source(%dma_start3A_9 : memref<10240x1024xf32, #tpu.memory_space<hbm>>) target(%arg12 : memref<16x1024xf32, #tpu.memory_space<vmem>>) offsets(%arg8 : memref<16xi32, #tpu.memory_space<vmem>>) semaphore(%arg17 : memref<!tpu.dma_semaphore, #tpu.memory_space<semaphore_mem>>)
    %add3A_10 = arith.constant 16 : i32
    %add3A_11 = arith.addi %mul3A_2, %add3A_10 : i32
    "tpu.region"() ({
      %run_scoped3A = tpu.sem_alloc : memref<!tpu.dma_semaphore, #tpu.memory_space<semaphore_mem>>
      %dma_start3A_168 = tpu.memref_slice %arg3[%add3A_11] : memref<4096xi32, #tpu.memory_space<hbm>> -> memref<16xi32, #tpu.memory_space<hbm>>
      %dma_start3A_169 = tpu.memref_slice %arg3[%add3A_11] : memref<4096xi32, #tpu.memory_space<hbm>> -> memref<16xi32, #tpu.memory_space<hbm>>
      tpu.enqueue_dma source(%dma_start3A_169 : memref<16xi32, #tpu.memory_space<hbm>>) target(%arg7 : memref<16xi32, #tpu.memory_space<vmem>>) target_semaphore(%run_scoped3A : memref<!tpu.dma_semaphore, #tpu.memory_space<semaphore_mem>>)
      %dma_wait3A_170 = tpu.memref_slice %arg3[%add3A_11] : memref<4096xi32, #tpu.memory_space<hbm>> -> memref<16xi32, #tpu.memory_space<hbm>>
      %dma_wait3A_171 = tpu.memref_slice %arg3[%add3A_11] : memref<4096xi32, #tpu.memory_space<hbm>> -> memref<16xi32, #tpu.memory_space<hbm>>
      tpu.wait_dma2 semaphore(%run_scoped3A : memref<!tpu.dma_semaphore, #tpu.memory_space<semaphore_mem>>) src(%dma_wait3A_171 : memref<16xi32, #tpu.memory_space<hbm>>) dst(%arg7 : memref<16xi32, #tpu.memory_space<vmem>>)
      tpu.yield
    }) : () -> ()
    "tpu.region"() ({
      %run_scoped3A = tpu.sem_alloc : memref<!tpu.dma_semaphore, #tpu.memory_space<semaphore_mem>>
      %dma_start3A_168 = tpu.memref_slice %arg4[%add3A_11] : memref<4096xi32, #tpu.memory_space<hbm>> -> memref<16xi32, #tpu.memory_space<hbm>>
      %dma_start3A_169 = tpu.memref_slice %arg4[%add3A_11] : memref<4096xi32, #tpu.memory_space<hbm>> -> memref<16xi32, #tpu.memory_space<hbm>>
      tpu.enqueue_dma source(%dma_start3A_169 : memref<16xi32, #tpu.memory_space<hbm>>) target(%arg9 : memref<16xi32, #tpu.memory_space<vmem>>) target_semaphore(%run_scoped3A : memref<!tpu.dma_semaphore, #tpu.memory_space<semaphore_mem>>)
      %dma_wait3A_170 = tpu.memref_slice %arg4[%add3A_11] : memref<4096xi32, #tpu.memory_space<hbm>> -> memref<16xi32, #tpu.memory_space<hbm>>
      %dma_wait3A_171 = tpu.memref_slice %arg4[%add3A_11] : memref<4096xi32, #tpu.memory_space<hbm>> -> memref<16xi32, #tpu.memory_space<hbm>>
      tpu.wait_dma2 semaphore(%run_scoped3A : memref<!tpu.dma_semaphore, #tpu.memory_space<semaphore_mem>>) src(%dma_wait3A_171 : memref<16xi32, #tpu.memory_space<hbm>>) dst(%arg9 : memref<16xi32, #tpu.memory_space<vmem>>)
      tpu.yield
    }) : () -> ()
    %dma_start3A_12 = arith.constant 0 : i32
    %dma_start3A_13 = arith.constant 0 : i32
    %dma_start3A_14 = tpu.memref_slice %arg2[%dma_start3A_12, %dma_start3A_13] : memref<10240x1024xf32, #tpu.memory_space<hbm>> -> memref<10240x1024xf32, #tpu.memory_space<hbm>>
    tpu.enqueue_indirect_dma source(%dma_start3A_14 : memref<10240x1024xf32, #tpu.memory_space<hbm>>) target(%arg11 : memref<16x1024xf32, #tpu.memory_space<vmem>>) offsets(%arg7 : memref<16xi32, #tpu.memory_space<vmem>>) semaphore(%arg16 : memref<!tpu.dma_semaphore, #tpu.memory_space<semaphore_mem>>)
    %dma_start3A_15 = arith.constant 0 : i32
    %dma_start3A_16 = arith.constant 0 : i32
    %dma_start3A_17 = tpu.memref_slice %arg2[%dma_start3A_15, %dma_start3A_16] : memref<10240x1024xf32, #tpu.memory_space<hbm>> -> memref<10240x1024xf32, #tpu.memory_space<hbm>>
    tpu.enqueue_indirect_dma source(%dma_start3A_17 : memref<10240x1024xf32, #tpu.memory_space<hbm>>) target(%arg13 : memref<16x1024xf32, #tpu.memory_space<vmem>>) offsets(%arg9 : memref<16xi32, #tpu.memory_space<vmem>>) semaphore(%arg18 : memref<!tpu.dma_semaphore, #tpu.memory_space<semaphore_mem>>)
    %dma_wait3A = arith.constant 0 : i32
    %dma_wait3A_18 = arith.constant 0 : i32
    %dma_wait3A_19 = tpu.memref_slice %arg2[%dma_wait3A, %dma_wait3A_18] : memref<10240x1024xf32, #tpu.memory_space<hbm>> -> memref<10240x1024xf32, #tpu.memory_space<hbm>>
    tpu.wait_indirect_dma semaphore(%arg15 : memref<!tpu.dma_semaphore, #tpu.memory_space<semaphore_mem>>) src(%dma_wait3A_19 : memref<10240x1024xf32, #tpu.memory_space<hbm>>) dst(%arg10 : memref<16x1024xf32, #tpu.memory_space<vmem>>)
    %dma_wait3A_20 = arith.constant 0 : i32
    %dma_wait3A_21 = arith.constant 0 : i32
    %dma_wait3A_22 = tpu.memref_slice %arg2[%dma_wait3A_20, %dma_wait3A_21] : memref<10240x1024xf32, #tpu.memory_space<hbm>> -> memref<10240x1024xf32, #tpu.memory_space<hbm>>
    tpu.wait_indirect_dma semaphore(%arg17 : memref<!tpu.dma_semaphore, #tpu.memory_space<semaphore_mem>>) src(%dma_wait3A_22 : memref<10240x1024xf32, #tpu.memory_space<hbm>>) dst(%arg12 : memref<16x1024xf32, #tpu.memory_space<vmem>>)
    %scan3A = arith.constant 0 : i32
    %scan3A_23 = arith.constant 16 : i32
    %scan3A_24 = arith.addi %scan3A, %scan3A_23 : i32
    %scan3A_25 = arith.constant 1 : i32
    scf.for %scan3A_168 = %scan3A to %scan3A_24 step %scan3A_25  : i32 {
      %scan3A_169 = arith.constant 0 : i32
      %scan3A_170 = arith.constant 16 : i32
      %scan3A_171 = arith.addi %scan3A_169, %scan3A_170 : i32
      %scan3A_172 = arith.constant 1 : i32
      scf.for %scan3A_174 = %scan3A_169 to %scan3A_171 step %scan3A_172  : i32 {
        %mul3A_175 = arith.constant 64 : i32
        %mul3A_176 = arith.muli %scan3A_174, %mul3A_175 : i32
        %add3A_177 = arith.constant 0 : i32
        %add3A_178 = arith.addi %mul3A_176, %add3A_177 : i32
        %get3A = arith.index_cast %scan3A_168 : i32 to index
        %get3A_179 = arith.index_cast %add3A_178 : i32 to index
        %get3A_180 = tpu.vector_load %arg10[%get3A, %get3A_179] {strides = array<i32>} : memref<16x1024xf32, #tpu.memory_space<vmem>>, vector<16xf32>,
        %get3A_181 = arith.index_cast %scan3A_168 : i32 to index
        %get3A_182 = arith.index_cast %add3A_178 : i32 to index
        %get3A_183 = tpu.vector_load %arg12[%get3A_181, %get3A_182] {strides = array<i32>} : memref<16x1024xf32, #tpu.memory_space<vmem>>, vector<16xf32>,
        %add3A_184 = arith.addf %get3A_180, %get3A_183 : vector<16xf32>
        %swap3A = arith.index_cast %scan3A_168 : i32 to index
        %swap3A_185 = arith.index_cast %add3A_178 : i32 to index
        %swap3A_186 = tpu.vector_load %arg14[%swap3A, %swap3A_185] {strides = array<i32>} : memref<16x1024xf32, #tpu.memory_space<vmem>>, vector<16xf32>,
        tpu.vector_store %arg14[%swap3A, %swap3A_185], %add3A_184 {strides = array<i32>} : memref<16x1024xf32, #tpu.memory_space<vmem>>, vector<16xf32>,
        %mul3A_187 = arith.constant 64 : i32
        %mul3A_188 = arith.muli %scan3A_174, %mul3A_187 : i32
        %add3A_189 = arith.constant 16 : i32
        %add3A_190 = arith.addi %mul3A_188, %add3A_189 : i32
        %get3A_191 = arith.index_cast %scan3A_168 : i32 to index
        %get3A_192 = arith.index_cast %add3A_190 : i32 to index
        %get3A_193 = tpu.vector_load %arg10[%get3A_191, %get3A_192] {strides = array<i32>} : memref<16x1024xf32, #tpu.memory_space<vmem>>, vector<16xf32>,
        %get3A_194 = arith.index_cast %scan3A_168 : i32 to index
        %get3A_195 = arith.index_cast %add3A_190 : i32 to index
        %get3A_196 = tpu.vector_load %arg12[%get3A_194, %get3A_195] {strides = array<i32>} : memref<16x1024xf32, #tpu.memory_space<vmem>>, vector<16xf32>,
        %add3A_197 = arith.addf %get3A_193, %get3A_196 : vector<16xf32>
        %swap3A_198 = arith.index_cast %scan3A_168 : i32 to index
        %swap3A_199 = arith.index_cast %add3A_190 : i32 to index
        %swap3A_200 = tpu.vector_load %arg14[%swap3A_198, %swap3A_199] {strides = array<i32>} : memref<16x1024xf32, #tpu.memory_space<vmem>>, vector<16xf32>,
        tpu.vector_store %arg14[%swap3A_198, %swap3A_199], %add3A_197 {strides = array<i32>} : memref<16x1024xf32, #tpu.memory_space<vmem>>, vector<16xf32>,
        %mul3A_201 = arith.constant 64 : i32
        %mul3A_202 = arith.muli %scan3A_174, %mul3A_201 : i32
        %add3A_203 = arith.constant 32 : i32
        %add3A_204 = arith.addi %mul3A_202, %add3A_203 : i32
        %get3A_205 = arith.index_cast %scan3A_168 : i32 to index
        %get3A_206 = arith.index_cast %add3A_204 : i32 to index
        %get3A_207 = tpu.vector_load %arg10[%get3A_205, %get3A_206] {strides = array<i32>} : memref<16x1024xf32, #tpu.memory_space<vmem>>, vector<16xf32>,
        %get3A_208 = arith.index_cast %scan3A_168 : i32 to index
        %get3A_209 = arith.index_cast %add3A_204 : i32 to index
        %get3A_210 = tpu.vector_load %arg12[%get3A_208, %get3A_209] {strides = array<i32>} : memref<16x1024xf32, #tpu.memory_space<vmem>>, vector<16xf32>,
        %add3A_211 = arith.addf %get3A_207, %get3A_210 : vector<16xf32>
        %swap3A_212 = arith.index_cast %scan3A_168 : i32 to index
        %swap3A_213 = arith.index_cast %add3A_204 : i32 to index
        %swap3A_214 = tpu.vector_load %arg14[%swap3A_212, %swap3A_213] {strides = array<i32>} : memref<16x1024xf32, #tpu.memory_space<vmem>>, vector<16xf32>,
        tpu.vector_store %arg14[%swap3A_212, %swap3A_213], %add3A_211 {strides = array<i32>} : memref<16x1024xf32, #tpu.memory_space<vmem>>, vector<16xf32>,
        %mul3A_215 = arith.constant 64 : i32
        %mul3A_216 = arith.muli %scan3A_174, %mul3A_215 : i32
        %add3A_217 = arith.constant 48 : i32
        %add3A_218 = arith.addi %mul3A_216, %add3A_217 : i32
        %get3A_219 = arith.index_cast %scan3A_168 : i32 to index
        %get3A_220 = arith.index_cast %add3A_218 : i32 to index
        %get3A_221 = tpu.vector_load %arg10[%get3A_219, %get3A_220] {strides = array<i32>} : memref<16x1024xf32, #tpu.memory_space<vmem>>, vector<16xf32>,
        %get3A_222 = arith.index_cast %scan3A_168 : i32 to index
        %get3A_223 = arith.index_cast %add3A_218 : i32 to index
        %get3A_224 = tpu.vector_load %arg12[%get3A_222, %get3A_223] {strides = array<i32>} : memref<16x1024xf32, #tpu.memory_space<vmem>>, vector<16xf32>,
        %add3A_225 = arith.addf %get3A_221, %get3A_224 : vector<16xf32>
        %swap3A_226 = arith.index_cast %scan3A_168 : i32 to index
        %swap3A_227 = arith.index_cast %add3A_218 : i32 to index
        %swap3A_228 = tpu.vector_load %arg14[%swap3A_226, %swap3A_227] {strides = array<i32>} : memref<16x1024xf32, #tpu.memory_space<vmem>>, vector<16xf32>,
        tpu.vector_store %arg14[%swap3A_226, %swap3A_227], %add3A_225 {strides = array<i32>} : memref<16x1024xf32, #tpu.memory_space<vmem>>, vector<16xf32>,
      }
      %scan3A_173 = arith.constant 16 : i32
    }
    %scan3A_26 = arith.constant 16 : i32
    %add3A_27 = arith.constant 0 : i32
    %add3A_28 = arith.addi %mul3A_2, %add3A_27 : i32
    "tpu.region"() ({
      %run_scoped3A = tpu.sem_alloc : memref<!tpu.dma_semaphore, #tpu.memory_space<semaphore_mem>>
      %dma_start3A_168 = arith.constant 0 : i32
      %dma_start3A_169 = tpu.memref_slice %arg5[%add3A_28, %dma_start3A_168] : memref<4096x1024xf32, #tpu.memory_space<hbm>> -> memref<16x1024xf32, #tpu.memory_space<hbm>>
      %dma_start3A_170 = arith.constant 0 : i32
      %dma_start3A_171 = tpu.memref_slice %arg5[%add3A_28, %dma_start3A_170] : memref<4096x1024xf32, #tpu.memory_space<hbm>> -> memref<16x1024xf32, #tpu.memory_space<hbm>>
      tpu.enqueue_dma source(%arg14 : memref<16x1024xf32, #tpu.memory_space<vmem>>) target(%dma_start3A_171 : memref<16x1024xf32, #tpu.memory_space<hbm>>) target_semaphore(%run_scoped3A : memref<!tpu.dma_semaphore, #tpu.memory_space<semaphore_mem>>)
      %dma_wait3A_172 = arith.constant 0 : i32
      %dma_wait3A_173 = tpu.memref_slice %arg5[%add3A_28, %dma_wait3A_172] : memref<4096x1024xf32, #tpu.memory_space<hbm>> -> memref<16x1024xf32, #tpu.memory_space<hbm>>
      %dma_wait3A_174 = arith.constant 0 : i32
      %dma_wait3A_175 = tpu.memref_slice %arg5[%add3A_28, %dma_wait3A_174] : memref<4096x1024xf32, #tpu.memory_space<hbm>> -> memref<16x1024xf32, #tpu.memory_space<hbm>>
      tpu.wait_dma2 semaphore(%run_scoped3A : memref<!tpu.dma_semaphore, #tpu.memory_space<semaphore_mem>>) src(%arg14 : memref<16x1024xf32, #tpu.memory_space<vmem>>) dst(%dma_wait3A_175 : memref<16x1024xf32, #tpu.memory_space<hbm>>)
      tpu.yield
    }) : () -> ()
    %add3A_29 = arith.constant 32 : i32
    %add3A_30 = arith.addi %mul3A_2, %add3A_29 : i32
    "tpu.region"() ({
      %run_scoped3A = tpu.sem_alloc : memref<!tpu.dma_semaphore, #tpu.memory_space<semaphore_mem>>
      %dma_start3A_168 = tpu.memref_slice %arg3[%add3A_30] : memref<4096xi32, #tpu.memory_space<hbm>> -> memref<16xi32, #tpu.memory_space<hbm>>
      %dma_start3A_169 = tpu.memref_slice %arg3[%add3A_30] : memref<4096xi32, #tpu.memory_space<hbm>> -> memref<16xi32, #tpu.memory_space<hbm>>
      tpu.enqueue_dma source(%dma_start3A_169 : memref<16xi32, #tpu.memory_space<hbm>>) target(%arg6 : memref<16xi32, #tpu.memory_space<vmem>>) target_semaphore(%run_scoped3A : memref<!tpu.dma_semaphore, #tpu.memory_space<semaphore_mem>>)
      %dma_wait3A_170 = tpu.memref_slice %arg3[%add3A_30] : memref<4096xi32, #tpu.memory_space<hbm>> -> memref<16xi32, #tpu.memory_space<hbm>>
      %dma_wait3A_171 = tpu.memref_slice %arg3[%add3A_30] : memref<4096xi32, #tpu.memory_space<hbm>> -> memref<16xi32, #tpu.memory_space<hbm>>
      tpu.wait_dma2 semaphore(%run_scoped3A : memref<!tpu.dma_semaphore, #tpu.memory_space<semaphore_mem>>) src(%dma_wait3A_171 : memref<16xi32, #tpu.memory_space<hbm>>) dst(%arg6 : memref<16xi32, #tpu.memory_space<vmem>>)
      tpu.yield
    }) : () -> ()
    "tpu.region"() ({
      %run_scoped3A = tpu.sem_alloc : memref<!tpu.dma_semaphore, #tpu.memory_space<semaphore_mem>>
      %dma_start3A_168 = tpu.memref_slice %arg4[%add3A_30] : memref<4096xi32, #tpu.memory_space<hbm>> -> memref<16xi32, #tpu.memory_space<hbm>>
      %dma_start3A_169 = tpu.memref_slice %arg4[%add3A_30] : memref<4096xi32, #tpu.memory_space<hbm>> -> memref<16xi32, #tpu.memory_space<hbm>>
      tpu.enqueue_dma source(%dma_start3A_169 : memref<16xi32, #tpu.memory_space<hbm>>) target(%arg8 : memref<16xi32, #tpu.memory_space<vmem>>) target_semaphore(%run_scoped3A : memref<!tpu.dma_semaphore, #tpu.memory_space<semaphore_mem>>)
      %dma_wait3A_170 = tpu.memref_slice %arg4[%add3A_30] : memref<4096xi32, #tpu.memory_space<hbm>> -> memref<16xi32, #tpu.memory_space<hbm>>
      %dma_wait3A_171 = tpu.memref_slice %arg4[%add3A_30] : memref<4096xi32, #tpu.memory_space<hbm>> -> memref<16xi32, #tpu.memory_space<hbm>>
      tpu.wait_dma2 semaphore(%run_scoped3A : memref<!tpu.dma_semaphore, #tpu.memory_space<semaphore_mem>>) src(%dma_wait3A_171 : memref<16xi32, #tpu.memory_space<hbm>>) dst(%arg8 : memref<16xi32, #tpu.memory_space<vmem>>)
      tpu.yield
    }) : () -> ()
    %dma_start3A_31 = arith.constant 0 : i32
    %dma_start3A_32 = arith.constant 0 : i32
    %dma_start3A_33 = tpu.memref_slice %arg2[%dma_start3A_31, %dma_start3A_32] : memref<10240x1024xf32, #tpu.memory_space<hbm>> -> memref<10240x1024xf32, #tpu.memory_space<hbm>>
    tpu.enqueue_indirect_dma source(%dma_start3A_33 : memref<10240x1024xf32, #tpu.memory_space<hbm>>) target(%arg10 : memref<16x1024xf32, #tpu.memory_space<vmem>>) offsets(%arg6 : memref<16xi32, #tpu.memory_space<vmem>>) semaphore(%arg15 : memref<!tpu.dma_semaphore, #tpu.memory_space<semaphore_mem>>)
    %dma_start3A_34 = arith.constant 0 : i32
    %dma_start3A_35 = arith.constant 0 : i32
    %dma_start3A_36 = tpu.memref_slice %arg2[%dma_start3A_34, %dma_start3A_35] : memref<10240x1024xf32, #tpu.memory_space<hbm>> -> memref<10240x1024xf32, #tpu.memory_space<hbm>>
    tpu.enqueue_indirect_dma source(%dma_start3A_36 : memref<10240x1024xf32, #tpu.memory_space<hbm>>) target(%arg12 : memref<16x1024xf32, #tpu.memory_space<vmem>>) offsets(%arg8 : memref<16xi32, #tpu.memory_space<vmem>>) semaphore(%arg17 : memref<!tpu.dma_semaphore, #tpu.memory_space<semaphore_mem>>)
    %dma_wait3A_37 = arith.constant 0 : i32
    %dma_wait3A_38 = arith.constant 0 : i32
    %dma_wait3A_39 = tpu.memref_slice %arg2[%dma_wait3A_37, %dma_wait3A_38] : memref<10240x1024xf32, #tpu.memory_space<hbm>> -> memref<10240x1024xf32, #tpu.memory_space<hbm>>
    tpu.wait_indirect_dma semaphore(%arg16 : memref<!tpu.dma_semaphore, #tpu.memory_space<semaphore_mem>>) src(%dma_wait3A_39 : memref<10240x1024xf32, #tpu.memory_space<hbm>>) dst(%arg11 : memref<16x1024xf32, #tpu.memory_space<vmem>>)
    %dma_wait3A_40 = arith.constant 0 : i32
    %dma_wait3A_41 = arith.constant 0 : i32
    %dma_wait3A_42 = tpu.memref_slice %arg2[%dma_wait3A_40, %dma_wait3A_41] : memref<10240x1024xf32, #tpu.memory_space<hbm>> -> memref<10240x1024xf32, #tpu.memory_space<hbm>>
    tpu.wait_indirect_dma semaphore(%arg18 : memref<!tpu.dma_semaphore, #tpu.memory_space<semaphore_mem>>) src(%dma_wait3A_42 : memref<10240x1024xf32, #tpu.memory_space<hbm>>) dst(%arg13 : memref<16x1024xf32, #tpu.memory_space<vmem>>)
    %scan3A_43 = arith.constant 0 : i32
    %scan3A_44 = arith.constant 16 : i32
    %scan3A_45 = arith.addi %scan3A_43, %scan3A_44 : i32
    %scan3A_46 = arith.constant 1 : i32
    scf.for %scan3A_168 = %scan3A_43 to %scan3A_45 step %scan3A_46  : i32 {
      %scan3A_169 = arith.constant 0 : i32
      %scan3A_170 = arith.constant 16 : i32
      %scan3A_171 = arith.addi %scan3A_169, %scan3A_170 : i32
      %scan3A_172 = arith.constant 1 : i32
      scf.for %scan3A_174 = %scan3A_169 to %scan3A_171 step %scan3A_172  : i32 {
        %mul3A_175 = arith.constant 64 : i32
        %mul3A_176 = arith.muli %scan3A_174, %mul3A_175 : i32
        %add3A_177 = arith.constant 0 : i32
        %add3A_178 = arith.addi %mul3A_176, %add3A_177 : i32
        %get3A = arith.index_cast %scan3A_168 : i32 to index
        %get3A_179 = arith.index_cast %add3A_178 : i32 to index
        %get3A_180 = tpu.vector_load %arg11[%get3A, %get3A_179] {strides = array<i32>} : memref<16x1024xf32, #tpu.memory_space<vmem>>, vector<16xf32>,
        %get3A_181 = arith.index_cast %scan3A_168 : i32 to index
        %get3A_182 = arith.index_cast %add3A_178 : i32 to index
        %get3A_183 = tpu.vector_load %arg13[%get3A_181, %get3A_182] {strides = array<i32>} : memref<16x1024xf32, #tpu.memory_space<vmem>>, vector<16xf32>,
        %add3A_184 = arith.addf %get3A_180, %get3A_183 : vector<16xf32>
        %swap3A = arith.index_cast %scan3A_168 : i32 to index
        %swap3A_185 = arith.index_cast %add3A_178 : i32 to index
        %swap3A_186 = tpu.vector_load %arg14[%swap3A, %swap3A_185] {strides = array<i32>} : memref<16x1024xf32, #tpu.memory_space<vmem>>, vector<16xf32>,
        tpu.vector_store %arg14[%swap3A, %swap3A_185], %add3A_184 {strides = array<i32>} : memref<16x1024xf32, #tpu.memory_space<vmem>>, vector<16xf32>,
        %mul3A_187 = arith.constant 64 : i32
        %mul3A_188 = arith.muli %scan3A_174, %mul3A_187 : i32
        %add3A_189 = arith.constant 16 : i32
        %add3A_190 = arith.addi %mul3A_188, %add3A_189 : i32
        %get3A_191 = arith.index_cast %scan3A_168 : i32 to index
        %get3A_192 = arith.index_cast %add3A_190 : i32 to index
        %get3A_193 = tpu.vector_load %arg11[%get3A_191, %get3A_192] {strides = array<i32>} : memref<16x1024xf32, #tpu.memory_space<vmem>>, vector<16xf32>,
        %get3A_194 = arith.index_cast %scan3A_168 : i32 to index
        %get3A_195 = arith.index_cast %add3A_190 : i32 to index
        %get3A_196 = tpu.vector_load %arg13[%get3A_194, %get3A_195] {strides = array<i32>} : memref<16x1024xf32, #tpu.memory_space<vmem>>, vector<16xf32>,
        %add3A_197 = arith.addf %get3A_193, %get3A_196 : vector<16xf32>
        %swap3A_198 = arith.index_cast %scan3A_168 : i32 to index
        %swap3A_199 = arith.index_cast %add3A_190 : i32 to index
        %swap3A_200 = tpu.vector_load %arg14[%swap3A_198, %swap3A_199] {strides = array<i32>} : memref<16x1024xf32, #tpu.memory_space<vmem>>, vector<16xf32>,
        tpu.vector_store %arg14[%swap3A_198, %swap3A_199], %add3A_197 {strides = array<i32>} : memref<16x1024xf32, #tpu.memory_space<vmem>>, vector<16xf32>,
        %mul3A_201 = arith.constant 64 : i32
        %mul3A_202 = arith.muli %scan3A_174, %mul3A_201 : i32
        %add3A_203 = arith.constant 32 : i32
        %add3A_204 = arith.addi %mul3A_202, %add3A_203 : i32
        %get3A_205 = arith.index_cast %scan3A_168 : i32 to index
        %get3A_206 = arith.index_cast %add3A_204 : i32 to index
        %get3A_207 = tpu.vector_load %arg11[%get3A_205, %get3A_206] {strides = array<i32>} : memref<16x1024xf32, #tpu.memory_space<vmem>>, vector<16xf32>,
        %get3A_208 = arith.index_cast %scan3A_168 : i32 to index
        %get3A_209 = arith.index_cast %add3A_204 : i32 to index
        %get3A_210 = tpu.vector_load %arg13[%get3A_208, %get3A_209] {strides = array<i32>} : memref<16x1024xf32, #tpu.memory_space<vmem>>, vector<16xf32>,
        %add3A_211 = arith.addf %get3A_207, %get3A_210 : vector<16xf32>
        %swap3A_212 = arith.index_cast %scan3A_168 : i32 to index
        %swap3A_213 = arith.index_cast %add3A_204 : i32 to index
        %swap3A_214 = tpu.vector_load %arg14[%swap3A_212, %swap3A_213] {strides = array<i32>} : memref<16x1024xf32, #tpu.memory_space<vmem>>, vector<16xf32>,
        tpu.vector_store %arg14[%swap3A_212, %swap3A_213], %add3A_211 {strides = array<i32>} : memref<16x1024xf32, #tpu.memory_space<vmem>>, vector<16xf32>,
        %mul3A_215 = arith.constant 64 : i32
        %mul3A_216 = arith.muli %scan3A_174, %mul3A_215 : i32
        %add3A_217 = arith.constant 48 : i32
        %add3A_218 = arith.addi %mul3A_216, %add3A_217 : i32
        %get3A_219 = arith.index_cast %scan3A_168 : i32 to index
        %get3A_220 = arith.index_cast %add3A_218 : i32 to index
        %get3A_221 = tpu.vector_load %arg11[%get3A_219, %get3A_220] {strides = array<i32>} : memref<16x1024xf32, #tpu.memory_space<vmem>>, vector<16xf32>,
        %get3A_222 = arith.index_cast %scan3A_168 : i32 to index
        %get3A_223 = arith.index_cast %add3A_218 : i32 to index
        %get3A_224 = tpu.vector_load %arg13[%get3A_222, %get3A_223] {strides = array<i32>} : memref<16x1024xf32, #tpu.memory_space<vmem>>, vector<16xf32>,
        %add3A_225 = arith.addf %get3A_221, %get3A_224 : vector<16xf32>
        %swap3A_226 = arith.index_cast %scan3A_168 : i32 to index
        %swap3A_227 = arith.index_cast %add3A_218 : i32 to index
        %swap3A_228 = tpu.vector_load %arg14[%swap3A_226, %swap3A_227] {strides = array<i32>} : memref<16x1024xf32, #tpu.memory_space<vmem>>, vector<16xf32>,
        tpu.vector_store %arg14[%swap3A_226, %swap3A_227], %add3A_225 {strides = array<i32>} : memref<16x1024xf32, #tpu.memory_space<vmem>>, vector<16xf32>,
      }
      %scan3A_173 = arith.constant 16 : i32
    }
    %scan3A_47 = arith.constant 16 : i32
    %add3A_48 = arith.constant 16 : i32
    %add3A_49 = arith.addi %mul3A_2, %add3A_48 : i32
    "tpu.region"() ({
      %run_scoped3A = tpu.sem_alloc : memref<!tpu.dma_semaphore, #tpu.memory_space<semaphore_mem>>
      %dma_start3A_168 = arith.constant 0 : i32
      %dma_start3A_169 = tpu.memref_slice %arg5[%add3A_49, %dma_start3A_168] : memref<4096x1024xf32, #tpu.memory_space<hbm>> -> memref<16x1024xf32, #tpu.memory_space<hbm>>
      %dma_start3A_170 = arith.constant 0 : i32
      %dma_start3A_171 = tpu.memref_slice %arg5[%add3A_49, %dma_start3A_170] : memref<4096x1024xf32, #tpu.memory_space<hbm>> -> memref<16x1024xf32, #tpu.memory_space<hbm>>
      tpu.enqueue_dma source(%arg14 : memref<16x1024xf32, #tpu.memory_space<vmem>>) target(%dma_start3A_171 : memref<16x1024xf32, #tpu.memory_space<hbm>>) target_semaphore(%run_scoped3A : memref<!tpu.dma_semaphore, #tpu.memory_space<semaphore_mem>>)
      %dma_wait3A_172 = arith.constant 0 : i32
      %dma_wait3A_173 = tpu.memref_slice %arg5[%add3A_49, %dma_wait3A_172] : memref<4096x1024xf32, #tpu.memory_space<hbm>> -> memref<16x1024xf32, #tpu.memory_space<hbm>>
      %dma_wait3A_174 = arith.constant 0 : i32
      %dma_wait3A_175 = tpu.memref_slice %arg5[%add3A_49, %dma_wait3A_174] : memref<4096x1024xf32, #tpu.memory_space<hbm>> -> memref<16x1024xf32, #tpu.memory_space<hbm>>
      tpu.wait_dma2 semaphore(%run_scoped3A : memref<!tpu.dma_semaphore, #tpu.memory_space<semaphore_mem>>) src(%arg14 : memref<16x1024xf32, #tpu.memory_space<vmem>>) dst(%dma_wait3A_175 : memref<16x1024xf32, #tpu.memory_space<hbm>>)
      tpu.yield
    }) : () -> ()
    %add3A_50 = arith.constant 48 : i32
    %add3A_51 = arith.addi %mul3A_2, %add3A_50 : i32
    "tpu.region"() ({
      %run_scoped3A = tpu.sem_alloc : memref<!tpu.dma_semaphore, #tpu.memory_space<semaphore_mem>>
      %dma_start3A_168 = tpu.memref_slice %arg3[%add3A_51] : memref<4096xi32, #tpu.memory_space<hbm>> -> memref<16xi32, #tpu.memory_space<hbm>>
      %dma_start3A_169 = tpu.memref_slice %arg3[%add3A_51] : memref<4096xi32, #tpu.memory_space<hbm>> -> memref<16xi32, #tpu.memory_space<hbm>>
      tpu.enqueue_dma source(%dma_start3A_169 : memref<16xi32, #tpu.memory_space<hbm>>) target(%arg7 : memref<16xi32, #tpu.memory_space<vmem>>) target_semaphore(%run_scoped3A : memref<!tpu.dma_semaphore, #tpu.memory_space<semaphore_mem>>)
      %dma_wait3A_170 = tpu.memref_slice %arg3[%add3A_51] : memref<4096xi32, #tpu.memory_space<hbm>> -> memref<16xi32, #tpu.memory_space<hbm>>
      %dma_wait3A_171 = tpu.memref_slice %arg3[%add3A_51] : memref<4096xi32, #tpu.memory_space<hbm>> -> memref<16xi32, #tpu.memory_space<hbm>>
      tpu.wait_dma2 semaphore(%run_scoped3A : memref<!tpu.dma_semaphore, #tpu.memory_space<semaphore_mem>>) src(%dma_wait3A_171 : memref<16xi32, #tpu.memory_space<hbm>>) dst(%arg7 : memref<16xi32, #tpu.memory_space<vmem>>)
      tpu.yield
    }) : () -> ()
    "tpu.region"() ({
      %run_scoped3A = tpu.sem_alloc : memref<!tpu.dma_semaphore, #tpu.memory_space<semaphore_mem>>
      %dma_start3A_168 = tpu.memref_slice %arg4[%add3A_51] : memref<4096xi32, #tpu.memory_space<hbm>> -> memref<16xi32, #tpu.memory_space<hbm>>
      %dma_start3A_169 = tpu.memref_slice %arg4[%add3A_51] : memref<4096xi32, #tpu.memory_space<hbm>> -> memref<16xi32, #tpu.memory_space<hbm>>
      tpu.enqueue_dma source(%dma_start3A_169 : memref<16xi32, #tpu.memory_space<hbm>>) target(%arg9 : memref<16xi32, #tpu.memory_space<vmem>>) target_semaphore(%run_scoped3A : memref<!tpu.dma_semaphore, #tpu.memory_space<semaphore_mem>>)
      %dma_wait3A_170 = tpu.memref_slice %arg4[%add3A_51] : memref<4096xi32, #tpu.memory_space<hbm>> -> memref<16xi32, #tpu.memory_space<hbm>>
      %dma_wait3A_171 = tpu.memref_slice %arg4[%add3A_51] : memref<4096xi32, #tpu.memory_space<hbm>> -> memref<16xi32, #tpu.memory_space<hbm>>
      tpu.wait_dma2 semaphore(%run_scoped3A : memref<!tpu.dma_semaphore, #tpu.memory_space<semaphore_mem>>) src(%dma_wait3A_171 : memref<16xi32, #tpu.memory_space<hbm>>) dst(%arg9 : memref<16xi32, #tpu.memory_space<vmem>>)
      tpu.yield
    }) : () -> ()
    %dma_start3A_52 = arith.constant 0 : i32
    %dma_start3A_53 = arith.constant 0 : i32
    %dma_start3A_54 = tpu.memref_slice %arg2[%dma_start3A_52, %dma_start3A_53] : memref<10240x1024xf32, #tpu.memory_space<hbm>> -> memref<10240x1024xf32, #tpu.memory_space<hbm>>
    tpu.enqueue_indirect_dma source(%dma_start3A_54 : memref<10240x1024xf32, #tpu.memory_space<hbm>>) target(%arg11 : memref<16x1024xf32, #tpu.memory_space<vmem>>) offsets(%arg7 : memref<16xi32, #tpu.memory_space<vmem>>) semaphore(%arg16 : memref<!tpu.dma_semaphore, #tpu.memory_space<semaphore_mem>>)
    %dma_start3A_55 = arith.constant 0 : i32
    %dma_start3A_56 = arith.constant 0 : i32
    %dma_start3A_57 = tpu.memref_slice %arg2[%dma_start3A_55, %dma_start3A_56] : memref<10240x1024xf32, #tpu.memory_space<hbm>> -> memref<10240x1024xf32, #tpu.memory_space<hbm>>
    tpu.enqueue_indirect_dma source(%dma_start3A_57 : memref<10240x1024xf32, #tpu.memory_space<hbm>>) target(%arg13 : memref<16x1024xf32, #tpu.memory_space<vmem>>) offsets(%arg9 : memref<16xi32, #tpu.memory_space<vmem>>) semaphore(%arg18 : memref<!tpu.dma_semaphore, #tpu.memory_space<semaphore_mem>>)
    %dma_wait3A_58 = arith.constant 0 : i32
    %dma_wait3A_59 = arith.constant 0 : i32
    %dma_wait3A_60 = tpu.memref_slice %arg2[%dma_wait3A_58, %dma_wait3A_59] : memref<10240x1024xf32, #tpu.memory_space<hbm>> -> memref<10240x1024xf32, #tpu.memory_space<hbm>>
    tpu.wait_indirect_dma semaphore(%arg15 : memref<!tpu.dma_semaphore, #tpu.memory_space<semaphore_mem>>) src(%dma_wait3A_60 : memref<10240x1024xf32, #tpu.memory_space<hbm>>) dst(%arg10 : memref<16x1024xf32, #tpu.memory_space<vmem>>)
    %dma_wait3A_61 = arith.constant 0 : i32
    %dma_wait3A_62 = arith.constant 0 : i32
    %dma_wait3A_63 = tpu.memref_slice %arg2[%dma_wait3A_61, %dma_wait3A_62] : memref<10240x1024xf32, #tpu.memory_space<hbm>> -> memref<10240x1024xf32, #tpu.memory_space<hbm>>
    tpu.wait_indirect_dma semaphore(%arg17 : memref<!tpu.dma_semaphore, #tpu.memory_space<semaphore_mem>>) src(%dma_wait3A_63 : memref<10240x1024xf32, #tpu.memory_space<hbm>>) dst(%arg12 : memref<16x1024xf32, #tpu.memory_space<vmem>>)
    %scan3A_64 = arith.constant 0 : i32
    %scan3A_65 = arith.constant 16 : i32
    %scan3A_66 = arith.addi %scan3A_64, %scan3A_65 : i32
    %scan3A_67 = arith.constant 1 : i32
    scf.for %scan3A_168 = %scan3A_64 to %scan3A_66 step %scan3A_67  : i32 {
      %scan3A_169 = arith.constant 0 : i32
      %scan3A_170 = arith.constant 16 : i32
      %scan3A_171 = arith.addi %scan3A_169, %scan3A_170 : i32
      %scan3A_172 = arith.constant 1 : i32
      scf.for %scan3A_174 = %scan3A_169 to %scan3A_171 step %scan3A_172  : i32 {
        %mul3A_175 = arith.constant 64 : i32
        %mul3A_176 = arith.muli %scan3A_174, %mul3A_175 : i32
        %add3A_177 = arith.constant 0 : i32
        %add3A_178 = arith.addi %mul3A_176, %add3A_177 : i32
        %get3A = arith.index_cast %scan3A_168 : i32 to index
        %get3A_179 = arith.index_cast %add3A_178 : i32 to index
        %get3A_180 = tpu.vector_load %arg10[%get3A, %get3A_179] {strides = array<i32>} : memref<16x1024xf32, #tpu.memory_space<vmem>>, vector<16xf32>,
        %get3A_181 = arith.index_cast %scan3A_168 : i32 to index
        %get3A_182 = arith.index_cast %add3A_178 : i32 to index
        %get3A_183 = tpu.vector_load %arg12[%get3A_181, %get3A_182] {strides = array<i32>} : memref<16x1024xf32, #tpu.memory_space<vmem>>, vector<16xf32>,
        %add3A_184 = arith.addf %get3A_180, %get3A_183 : vector<16xf32>
        %swap3A = arith.index_cast %scan3A_168 : i32 to index
        %swap3A_185 = arith.index_cast %add3A_178 : i32 to index
        %swap3A_186 = tpu.vector_load %arg14[%swap3A, %swap3A_185] {strides = array<i32>} : memref<16x1024xf32, #tpu.memory_space<vmem>>, vector<16xf32>,
        tpu.vector_store %arg14[%swap3A, %swap3A_185], %add3A_184 {strides = array<i32>} : memref<16x1024xf32, #tpu.memory_space<vmem>>, vector<16xf32>,
        %mul3A_187 = arith.constant 64 : i32
        %mul3A_188 = arith.muli %scan3A_174, %mul3A_187 : i32
        %add3A_189 = arith.constant 16 : i32
        %add3A_190 = arith.addi %mul3A_188, %add3A_189 : i32
        %get3A_191 = arith.index_cast %scan3A_168 : i32 to index
        %get3A_192 = arith.index_cast %add3A_190 : i32 to index
        %get3A_193 = tpu.vector_load %arg10[%get3A_191, %get3A_192] {strides = array<i32>} : memref<16x1024xf32, #tpu.memory_space<vmem>>, vector<16xf32>,
        %get3A_194 = arith.index_cast %scan3A_168 : i32 to index
        %get3A_195 = arith.index_cast %add3A_190 : i32 to index
        %get3A_196 = tpu.vector_load %arg12[%get3A_194, %get3A_195] {strides = array<i32>} : memref<16x1024xf32, #tpu.memory_space<vmem>>, vector<16xf32>,
        %add3A_197 = arith.addf %get3A_193, %get3A_196 : vector<16xf32>
        %swap3A_198 = arith.index_cast %scan3A_168 : i32 to index
        %swap3A_199 = arith.index_cast %add3A_190 : i32 to index
        %swap3A_200 = tpu.vector_load %arg14[%swap3A_198, %swap3A_199] {strides = array<i32>} : memref<16x1024xf32, #tpu.memory_space<vmem>>, vector<16xf32>,
        tpu.vector_store %arg14[%swap3A_198, %swap3A_199], %add3A_197 {strides = array<i32>} : memref<16x1024xf32, #tpu.memory_space<vmem>>, vector<16xf32>,
        %mul3A_201 = arith.constant 64 : i32
        %mul3A_202 = arith.muli %scan3A_174, %mul3A_201 : i32
        %add3A_203 = arith.constant 32 : i32
        %add3A_204 = arith.addi %mul3A_202, %add3A_203 : i32
        %get3A_205 = arith.index_cast %scan3A_168 : i32 to index
        %get3A_206 = arith.index_cast %add3A_204 : i32 to index
        %get3A_207 = tpu.vector_load %arg10[%get3A_205, %get3A_206] {strides = array<i32>} : memref<16x1024xf32, #tpu.memory_space<vmem>>, vector<16xf32>,
        %get3A_208 = arith.index_cast %scan3A_168 : i32 to index
        %get3A_209 = arith.index_cast %add3A_204 : i32 to index
        %get3A_210 = tpu.vector_load %arg12[%get3A_208, %get3A_209] {strides = array<i32>} : memref<16x1024xf32, #tpu.memory_space<vmem>>, vector<16xf32>,
        %add3A_211 = arith.addf %get3A_207, %get3A_210 : vector<16xf32>
        %swap3A_212 = arith.index_cast %scan3A_168 : i32 to index
        %swap3A_213 = arith.index_cast %add3A_204 : i32 to index
        %swap3A_214 = tpu.vector_load %arg14[%swap3A_212, %swap3A_213] {strides = array<i32>} : memref<16x1024xf32, #tpu.memory_space<vmem>>, vector<16xf32>,
        tpu.vector_store %arg14[%swap3A_212, %swap3A_213], %add3A_211 {strides = array<i32>} : memref<16x1024xf32, #tpu.memory_space<vmem>>, vector<16xf32>,
        %mul3A_215 = arith.constant 64 : i32
        %mul3A_216 = arith.muli %scan3A_174, %mul3A_215 : i32
        %add3A_217 = arith.constant 48 : i32
        %add3A_218 = arith.addi %mul3A_216, %add3A_217 : i32
        %get3A_219 = arith.index_cast %scan3A_168 : i32 to index
        %get3A_220 = arith.index_cast %add3A_218 : i32 to index
        %get3A_221 = tpu.vector_load %arg10[%get3A_219, %get3A_220] {strides = array<i32>} : memref<16x1024xf32, #tpu.memory_space<vmem>>, vector<16xf32>,
        %get3A_222 = arith.index_cast %scan3A_168 : i32 to index
        %get3A_223 = arith.index_cast %add3A_218 : i32 to index
        %get3A_224 = tpu.vector_load %arg12[%get3A_222, %get3A_223] {strides = array<i32>} : memref<16x1024xf32, #tpu.memory_space<vmem>>, vector<16xf32>,
        %add3A_225 = arith.addf %get3A_221, %get3A_224 : vector<16xf32>
        %swap3A_226 = arith.index_cast %scan3A_168 : i32 to index
        %swap3A_227 = arith.index_cast %add3A_218 : i32 to index
        %swap3A_228 = tpu.vector_load %arg14[%swap3A_226, %swap3A_227] {strides = array<i32>} : memref<16x1024xf32, #tpu.memory_space<vmem>>, vector<16xf32>,
        tpu.vector_store %arg14[%swap3A_226, %swap3A_227], %add3A_225 {strides = array<i32>} : memref<16x1024xf32, #tpu.memory_space<vmem>>, vector<16xf32>,
      }
      %scan3A_173 = arith.constant 16 : i32
    }
    %scan3A_68 = arith.constant 16 : i32
    %add3A_69 = arith.constant 32 : i32
    %add3A_70 = arith.addi %mul3A_2, %add3A_69 : i32
    "tpu.region"() ({
      %run_scoped3A = tpu.sem_alloc : memref<!tpu.dma_semaphore, #tpu.memory_space<semaphore_mem>>
      %dma_start3A_168 = arith.constant 0 : i32
      %dma_start3A_169 = tpu.memref_slice %arg5[%add3A_70, %dma_start3A_168] : memref<4096x1024xf32, #tpu.memory_space<hbm>> -> memref<16x1024xf32, #tpu.memory_space<hbm>>
      %dma_start3A_170 = arith.constant 0 : i32
      %dma_start3A_171 = tpu.memref_slice %arg5[%add3A_70, %dma_start3A_170] : memref<4096x1024xf32, #tpu.memory_space<hbm>> -> memref<16x1024xf32, #tpu.memory_space<hbm>>
      tpu.enqueue_dma source(%arg14 : memref<16x1024xf32, #tpu.memory_space<vmem>>) target(%dma_start3A_171 : memref<16x1024xf32, #tpu.memory_space<hbm>>) target_semaphore(%run_scoped3A : memref<!tpu.dma_semaphore, #tpu.memory_space<semaphore_mem>>)
      %dma_wait3A_172 = arith.constant 0 : i32
      %dma_wait3A_173 = tpu.memref_slice %arg5[%add3A_70, %dma_wait3A_172] : memref<4096x1024xf32, #tpu.memory_space<hbm>> -> memref<16x1024xf32, #tpu.memory_space<hbm>>
      %dma_wait3A_174 = arith.constant 0 : i32
      %dma_wait3A_175 = tpu.memref_slice %arg5[%add3A_70, %dma_wait3A_174] : memref<4096x1024xf32, #tpu.memory_space<hbm>> -> memref<16x1024xf32, #tpu.memory_space<hbm>>
      tpu.wait_dma2 semaphore(%run_scoped3A : memref<!tpu.dma_semaphore, #tpu.memory_space<semaphore_mem>>) src(%arg14 : memref<16x1024xf32, #tpu.memory_space<vmem>>) dst(%dma_wait3A_175 : memref<16x1024xf32, #tpu.memory_space<hbm>>)
      tpu.yield
    }) : () -> ()
    %add3A_71 = arith.constant 64 : i32
    %add3A_72 = arith.addi %mul3A_2, %add3A_71 : i32
    "tpu.region"() ({
      %run_scoped3A = tpu.sem_alloc : memref<!tpu.dma_semaphore, #tpu.memory_space<semaphore_mem>>
      %dma_start3A_168 = tpu.memref_slice %arg3[%add3A_72] : memref<4096xi32, #tpu.memory_space<hbm>> -> memref<16xi32, #tpu.memory_space<hbm>>
      %dma_start3A_169 = tpu.memref_slice %arg3[%add3A_72] : memref<4096xi32, #tpu.memory_space<hbm>> -> memref<16xi32, #tpu.memory_space<hbm>>
      tpu.enqueue_dma source(%dma_start3A_169 : memref<16xi32, #tpu.memory_space<hbm>>) target(%arg6 : memref<16xi32, #tpu.memory_space<vmem>>) target_semaphore(%run_scoped3A : memref<!tpu.dma_semaphore, #tpu.memory_space<semaphore_mem>>)
      %dma_wait3A_170 = tpu.memref_slice %arg3[%add3A_72] : memref<4096xi32, #tpu.memory_space<hbm>> -> memref<16xi32, #tpu.memory_space<hbm>>
      %dma_wait3A_171 = tpu.memref_slice %arg3[%add3A_72] : memref<4096xi32, #tpu.memory_space<hbm>> -> memref<16xi32, #tpu.memory_space<hbm>>
      tpu.wait_dma2 semaphore(%run_scoped3A : memref<!tpu.dma_semaphore, #tpu.memory_space<semaphore_mem>>) src(%dma_wait3A_171 : memref<16xi32, #tpu.memory_space<hbm>>) dst(%arg6 : memref<16xi32, #tpu.memory_space<vmem>>)
      tpu.yield
    }) : () -> ()
    "tpu.region"() ({
      %run_scoped3A = tpu.sem_alloc : memref<!tpu.dma_semaphore, #tpu.memory_space<semaphore_mem>>
      %dma_start3A_168 = tpu.memref_slice %arg4[%add3A_72] : memref<4096xi32, #tpu.memory_space<hbm>> -> memref<16xi32, #tpu.memory_space<hbm>>
      %dma_start3A_169 = tpu.memref_slice %arg4[%add3A_72] : memref<4096xi32, #tpu.memory_space<hbm>> -> memref<16xi32, #tpu.memory_space<hbm>>
      tpu.enqueue_dma source(%dma_start3A_169 : memref<16xi32, #tpu.memory_space<hbm>>) target(%arg8 : memref<16xi32, #tpu.memory_space<vmem>>) target_semaphore(%run_scoped3A : memref<!tpu.dma_semaphore, #tpu.memory_space<semaphore_mem>>)
      %dma_wait3A_170 = tpu.memref_slice %arg4[%add3A_72] : memref<4096xi32, #tpu.memory_space<hbm>> -> memref<16xi32, #tpu.memory_space<hbm>>
      %dma_wait3A_171 = tpu.memref_slice %arg4[%add3A_72] : memref<4096xi32, #tpu.memory_space<hbm>> -> memref<16xi32, #tpu.memory_space<hbm>>
      tpu.wait_dma2 semaphore(%run_scoped3A : memref<!tpu.dma_semaphore, #tpu.memory_space<semaphore_mem>>) src(%dma_wait3A_171 : memref<16xi32, #tpu.memory_space<hbm>>) dst(%arg8 : memref<16xi32, #tpu.memory_space<vmem>>)
      tpu.yield
    }) : () -> ()
    %dma_start3A_73 = arith.constant 0 : i32
    %dma_start3A_74 = arith.constant 0 : i32
    %dma_start3A_75 = tpu.memref_slice %arg2[%dma_start3A_73, %dma_start3A_74] : memref<10240x1024xf32, #tpu.memory_space<hbm>> -> memref<10240x1024xf32, #tpu.memory_space<hbm>>
    tpu.enqueue_indirect_dma source(%dma_start3A_75 : memref<10240x1024xf32, #tpu.memory_space<hbm>>) target(%arg10 : memref<16x1024xf32, #tpu.memory_space<vmem>>) offsets(%arg6 : memref<16xi32, #tpu.memory_space<vmem>>) semaphore(%arg15 : memref<!tpu.dma_semaphore, #tpu.memory_space<semaphore_mem>>)
    %dma_start3A_76 = arith.constant 0 : i32
    %dma_start3A_77 = arith.constant 0 : i32
    %dma_start3A_78 = tpu.memref_slice %arg2[%dma_start3A_76, %dma_start3A_77] : memref<10240x1024xf32, #tpu.memory_space<hbm>> -> memref<10240x1024xf32, #tpu.memory_space<hbm>>
    tpu.enqueue_indirect_dma source(%dma_start3A_78 : memref<10240x1024xf32, #tpu.memory_space<hbm>>) target(%arg12 : memref<16x1024xf32, #tpu.memory_space<vmem>>) offsets(%arg8 : memref<16xi32, #tpu.memory_space<vmem>>) semaphore(%arg17 : memref<!tpu.dma_semaphore, #tpu.memory_space<semaphore_mem>>)
    %dma_wait3A_79 = arith.constant 0 : i32
    %dma_wait3A_80 = arith.constant 0 : i32
    %dma_wait3A_81 = tpu.memref_slice %arg2[%dma_wait3A_79, %dma_wait3A_80] : memref<10240x1024xf32, #tpu.memory_space<hbm>> -> memref<10240x1024xf32, #tpu.memory_space<hbm>>
    tpu.wait_indirect_dma semaphore(%arg16 : memref<!tpu.dma_semaphore, #tpu.memory_space<semaphore_mem>>) src(%dma_wait3A_81 : memref<10240x1024xf32, #tpu.memory_space<hbm>>) dst(%arg11 : memref<16x1024xf32, #tpu.memory_space<vmem>>)
    %dma_wait3A_82 = arith.constant 0 : i32
    %dma_wait3A_83 = arith.constant 0 : i32
    %dma_wait3A_84 = tpu.memref_slice %arg2[%dma_wait3A_82, %dma_wait3A_83] : memref<10240x1024xf32, #tpu.memory_space<hbm>> -> memref<10240x1024xf32, #tpu.memory_space<hbm>>
    tpu.wait_indirect_dma semaphore(%arg18 : memref<!tpu.dma_semaphore, #tpu.memory_space<semaphore_mem>>) src(%dma_wait3A_84 : memref<10240x1024xf32, #tpu.memory_space<hbm>>) dst(%arg13 : memref<16x1024xf32, #tpu.memory_space<vmem>>)
    %scan3A_85 = arith.constant 0 : i32
    %scan3A_86 = arith.constant 16 : i32
    %scan3A_87 = arith.addi %scan3A_85, %scan3A_86 : i32
    %scan3A_88 = arith.constant 1 : i32
    scf.for %scan3A_168 = %scan3A_85 to %scan3A_87 step %scan3A_88  : i32 {
      %scan3A_169 = arith.constant 0 : i32
      %scan3A_170 = arith.constant 16 : i32
      %scan3A_171 = arith.addi %scan3A_169, %scan3A_170 : i32
      %scan3A_172 = arith.constant 1 : i32
      scf.for %scan3A_174 = %scan3A_169 to %scan3A_171 step %scan3A_172  : i32 {
        %mul3A_175 = arith.constant 64 : i32
        %mul3A_176 = arith.muli %scan3A_174, %mul3A_175 : i32
        %add3A_177 = arith.constant 0 : i32
        %add3A_178 = arith.addi %mul3A_176, %add3A_177 : i32
        %get3A = arith.index_cast %scan3A_168 : i32 to index
        %get3A_179 = arith.index_cast %add3A_178 : i32 to index
        %get3A_180 = tpu.vector_load %arg11[%get3A, %get3A_179] {strides = array<i32>} : memref<16x1024xf32, #tpu.memory_space<vmem>>, vector<16xf32>,
        %get3A_181 = arith.index_cast %scan3A_168 : i32 to index
        %get3A_182 = arith.index_cast %add3A_178 : i32 to index
        %get3A_183 = tpu.vector_load %arg13[%get3A_181, %get3A_182] {strides = array<i32>} : memref<16x1024xf32, #tpu.memory_space<vmem>>, vector<16xf32>,
        %add3A_184 = arith.addf %get3A_180, %get3A_183 : vector<16xf32>
        %swap3A = arith.index_cast %scan3A_168 : i32 to index
        %swap3A_185 = arith.index_cast %add3A_178 : i32 to index
        %swap3A_186 = tpu.vector_load %arg14[%swap3A, %swap3A_185] {strides = array<i32>} : memref<16x1024xf32, #tpu.memory_space<vmem>>, vector<16xf32>,
        tpu.vector_store %arg14[%swap3A, %swap3A_185], %add3A_184 {strides = array<i32>} : memref<16x1024xf32, #tpu.memory_space<vmem>>, vector<16xf32>,
        %mul3A_187 = arith.constant 64 : i32
        %mul3A_188 = arith.muli %scan3A_174, %mul3A_187 : i32
        %add3A_189 = arith.constant 16 : i32
        %add3A_190 = arith.addi %mul3A_188, %add3A_189 : i32
        %get3A_191 = arith.index_cast %scan3A_168 : i32 to index
        %get3A_192 = arith.index_cast %add3A_190 : i32 to index
        %get3A_193 = tpu.vector_load %arg11[%get3A_191, %get3A_192] {strides = array<i32>} : memref<16x1024xf32, #tpu.memory_space<vmem>>, vector<16xf32>,
        %get3A_194 = arith.index_cast %scan3A_168 : i32 to index
        %get3A_195 = arith.index_cast %add3A_190 : i32 to index
        %get3A_196 = tpu.vector_load %arg13[%get3A_194, %get3A_195] {strides = array<i32>} : memref<16x1024xf32, #tpu.memory_space<vmem>>, vector<16xf32>,
        %add3A_197 = arith.addf %get3A_193, %get3A_196 : vector<16xf32>
        %swap3A_198 = arith.index_cast %scan3A_168 : i32 to index
        %swap3A_199 = arith.index_cast %add3A_190 : i32 to index
        %swap3A_200 = tpu.vector_load %arg14[%swap3A_198, %swap3A_199] {strides = array<i32>} : memref<16x1024xf32, #tpu.memory_space<vmem>>, vector<16xf32>,
        tpu.vector_store %arg14[%swap3A_198, %swap3A_199], %add3A_197 {strides = array<i32>} : memref<16x1024xf32, #tpu.memory_space<vmem>>, vector<16xf32>,
        %mul3A_201 = arith.constant 64 : i32
        %mul3A_202 = arith.muli %scan3A_174, %mul3A_201 : i32
        %add3A_203 = arith.constant 32 : i32
        %add3A_204 = arith.addi %mul3A_202, %add3A_203 : i32
        %get3A_205 = arith.index_cast %scan3A_168 : i32 to index
        %get3A_206 = arith.index_cast %add3A_204 : i32 to index
        %get3A_207 = tpu.vector_load %arg11[%get3A_205, %get3A_206] {strides = array<i32>} : memref<16x1024xf32, #tpu.memory_space<vmem>>, vector<16xf32>,
        %get3A_208 = arith.index_cast %scan3A_168 : i32 to index
        %get3A_209 = arith.index_cast %add3A_204 : i32 to index
        %get3A_210 = tpu.vector_load %arg13[%get3A_208, %get3A_209] {strides = array<i32>} : memref<16x1024xf32, #tpu.memory_space<vmem>>, vector<16xf32>,
        %add3A_211 = arith.addf %get3A_207, %get3A_210 : vector<16xf32>
        %swap3A_212 = arith.index_cast %scan3A_168 : i32 to index
        %swap3A_213 = arith.index_cast %add3A_204 : i32 to index
        %swap3A_214 = tpu.vector_load %arg14[%swap3A_212, %swap3A_213] {strides = array<i32>} : memref<16x1024xf32, #tpu.memory_space<vmem>>, vector<16xf32>,
        tpu.vector_store %arg14[%swap3A_212, %swap3A_213], %add3A_211 {strides = array<i32>} : memref<16x1024xf32, #tpu.memory_space<vmem>>, vector<16xf32>,
        %mul3A_215 = arith.constant 64 : i32
        %mul3A_216 = arith.muli %scan3A_174, %mul3A_215 : i32
        %add3A_217 = arith.constant 48 : i32
        %add3A_218 = arith.addi %mul3A_216, %add3A_217 : i32
        %get3A_219 = arith.index_cast %scan3A_168 : i32 to index
        %get3A_220 = arith.index_cast %add3A_218 : i32 to index
        %get3A_221 = tpu.vector_load %arg11[%get3A_219, %get3A_220] {strides = array<i32>} : memref<16x1024xf32, #tpu.memory_space<vmem>>, vector<16xf32>,
        %get3A_222 = arith.index_cast %scan3A_168 : i32 to index
        %get3A_223 = arith.index_cast %add3A_218 : i32 to index
        %get3A_224 = tpu.vector_load %arg13[%get3A_222, %get3A_223] {strides = array<i32>} : memref<16x1024xf32, #tpu.memory_space<vmem>>, vector<16xf32>,
        %add3A_225 = arith.addf %get3A_221, %get3A_224 : vector<16xf32>
        %swap3A_226 = arith.index_cast %scan3A_168 : i32 to index
        %swap3A_227 = arith.index_cast %add3A_218 : i32 to index
        %swap3A_228 = tpu.vector_load %arg14[%swap3A_226, %swap3A_227] {strides = array<i32>} : memref<16x1024xf32, #tpu.memory_space<vmem>>, vector<16xf32>,
        tpu.vector_store %arg14[%swap3A_226, %swap3A_227], %add3A_225 {strides = array<i32>} : memref<16x1024xf32, #tpu.memory_space<vmem>>, vector<16xf32>,
      }
      %scan3A_173 = arith.constant 16 : i32
    }
    %scan3A_89 = arith.constant 16 : i32
    %add3A_90 = arith.constant 48 : i32
    %add3A_91 = arith.addi %mul3A_2, %add3A_90 : i32
    "tpu.region"() ({
      %run_scoped3A = tpu.sem_alloc : memref<!tpu.dma_semaphore, #tpu.memory_space<semaphore_mem>>
      %dma_start3A_168 = arith.constant 0 : i32
      %dma_start3A_169 = tpu.memref_slice %arg5[%add3A_91, %dma_start3A_168] : memref<4096x1024xf32, #tpu.memory_space<hbm>> -> memref<16x1024xf32, #tpu.memory_space<hbm>>
      %dma_start3A_170 = arith.constant 0 : i32
      %dma_start3A_171 = tpu.memref_slice %arg5[%add3A_91, %dma_start3A_170] : memref<4096x1024xf32, #tpu.memory_space<hbm>> -> memref<16x1024xf32, #tpu.memory_space<hbm>>
      tpu.enqueue_dma source(%arg14 : memref<16x1024xf32, #tpu.memory_space<vmem>>) target(%dma_start3A_171 : memref<16x1024xf32, #tpu.memory_space<hbm>>) target_semaphore(%run_scoped3A : memref<!tpu.dma_semaphore, #tpu.memory_space<semaphore_mem>>)
      %dma_wait3A_172 = arith.constant 0 : i32
      %dma_wait3A_173 = tpu.memref_slice %arg5[%add3A_91, %dma_wait3A_172] : memref<4096x1024xf32, #tpu.memory_space<hbm>> -> memref<16x1024xf32, #tpu.memory_space<hbm>>
      %dma_wait3A_174 = arith.constant 0 : i32
      %dma_wait3A_175 = tpu.memref_slice %arg5[%add3A_91, %dma_wait3A_174] : memref<4096x1024xf32, #tpu.memory_space<hbm>> -> memref<16x1024xf32, #tpu.memory_space<hbm>>
      tpu.wait_dma2 semaphore(%run_scoped3A : memref<!tpu.dma_semaphore, #tpu.memory_space<semaphore_mem>>) src(%arg14 : memref<16x1024xf32, #tpu.memory_space<vmem>>) dst(%dma_wait3A_175 : memref<16x1024xf32, #tpu.memory_space<hbm>>)
      tpu.yield
    }) : () -> ()
    %add3A_92 = arith.constant 80 : i32
    %add3A_93 = arith.addi %mul3A_2, %add3A_92 : i32
    "tpu.region"() ({
      %run_scoped3A = tpu.sem_alloc : memref<!tpu.dma_semaphore, #tpu.memory_space<semaphore_mem>>
      %dma_start3A_168 = tpu.memref_slice %arg3[%add3A_93] : memref<4096xi32, #tpu.memory_space<hbm>> -> memref<16xi32, #tpu.memory_space<hbm>>
      %dma_start3A_169 = tpu.memref_slice %arg3[%add3A_93] : memref<4096xi32, #tpu.memory_space<hbm>> -> memref<16xi32, #tpu.memory_space<hbm>>
      tpu.enqueue_dma source(%dma_start3A_169 : memref<16xi32, #tpu.memory_space<hbm>>) target(%arg7 : memref<16xi32, #tpu.memory_space<vmem>>) target_semaphore(%run_scoped3A : memref<!tpu.dma_semaphore, #tpu.memory_space<semaphore_mem>>)
      %dma_wait3A_170 = tpu.memref_slice %arg3[%add3A_93] : memref<4096xi32, #tpu.memory_space<hbm>> -> memref<16xi32, #tpu.memory_space<hbm>>
      %dma_wait3A_171 = tpu.memref_slice %arg3[%add3A_93] : memref<4096xi32, #tpu.memory_space<hbm>> -> memref<16xi32, #tpu.memory_space<hbm>>
      tpu.wait_dma2 semaphore(%run_scoped3A : memref<!tpu.dma_semaphore, #tpu.memory_space<semaphore_mem>>) src(%dma_wait3A_171 : memref<16xi32, #tpu.memory_space<hbm>>) dst(%arg7 : memref<16xi32, #tpu.memory_space<vmem>>)
      tpu.yield
    }) : () -> ()
    "tpu.region"() ({
      %run_scoped3A = tpu.sem_alloc : memref<!tpu.dma_semaphore, #tpu.memory_space<semaphore_mem>>
      %dma_start3A_168 = tpu.memref_slice %arg4[%add3A_93] : memref<4096xi32, #tpu.memory_space<hbm>> -> memref<16xi32, #tpu.memory_space<hbm>>
      %dma_start3A_169 = tpu.memref_slice %arg4[%add3A_93] : memref<4096xi32, #tpu.memory_space<hbm>> -> memref<16xi32, #tpu.memory_space<hbm>>
      tpu.enqueue_dma source(%dma_start3A_169 : memref<16xi32, #tpu.memory_space<hbm>>) target(%arg9 : memref<16xi32, #tpu.memory_space<vmem>>) target_semaphore(%run_scoped3A : memref<!tpu.dma_semaphore, #tpu.memory_space<semaphore_mem>>)
      %dma_wait3A_170 = tpu.memref_slice %arg4[%add3A_93] : memref<4096xi32, #tpu.memory_space<hbm>> -> memref<16xi32, #tpu.memory_space<hbm>>
      %dma_wait3A_171 = tpu.memref_slice %arg4[%add3A_93] : memref<4096xi32, #tpu.memory_space<hbm>> -> memref<16xi32, #tpu.memory_space<hbm>>
      tpu.wait_dma2 semaphore(%run_scoped3A : memref<!tpu.dma_semaphore, #tpu.memory_space<semaphore_mem>>) src(%dma_wait3A_171 : memref<16xi32, #tpu.memory_space<hbm>>) dst(%arg9 : memref<16xi32, #tpu.memory_space<vmem>>)
      tpu.yield
    }) : () -> ()
    %dma_start3A_94 = arith.constant 0 : i32
    %dma_start3A_95 = arith.constant 0 : i32
    %dma_start3A_96 = tpu.memref_slice %arg2[%dma_start3A_94, %dma_start3A_95] : memref<10240x1024xf32, #tpu.memory_space<hbm>> -> memref<10240x1024xf32, #tpu.memory_space<hbm>>
    tpu.enqueue_indirect_dma source(%dma_start3A_96 : memref<10240x1024xf32, #tpu.memory_space<hbm>>) target(%arg11 : memref<16x1024xf32, #tpu.memory_space<vmem>>) offsets(%arg7 : memref<16xi32, #tpu.memory_space<vmem>>) semaphore(%arg16 : memref<!tpu.dma_semaphore, #tpu.memory_space<semaphore_mem>>)
    %dma_start3A_97 = arith.constant 0 : i32
    %dma_start3A_98 = arith.constant 0 : i32
    %dma_start3A_99 = tpu.memref_slice %arg2[%dma_start3A_97, %dma_start3A_98] : memref<10240x1024xf32, #tpu.memory_space<hbm>> -> memref<10240x1024xf32, #tpu.memory_space<hbm>>
    tpu.enqueue_indirect_dma source(%dma_start3A_99 : memref<10240x1024xf32, #tpu.memory_space<hbm>>) target(%arg13 : memref<16x1024xf32, #tpu.memory_space<vmem>>) offsets(%arg9 : memref<16xi32, #tpu.memory_space<vmem>>) semaphore(%arg18 : memref<!tpu.dma_semaphore, #tpu.memory_space<semaphore_mem>>)
    %dma_wait3A_100 = arith.constant 0 : i32
    %dma_wait3A_101 = arith.constant 0 : i32
    %dma_wait3A_102 = tpu.memref_slice %arg2[%dma_wait3A_100, %dma_wait3A_101] : memref<10240x1024xf32, #tpu.memory_space<hbm>> -> memref<10240x1024xf32, #tpu.memory_space<hbm>>
    tpu.wait_indirect_dma semaphore(%arg15 : memref<!tpu.dma_semaphore, #tpu.memory_space<semaphore_mem>>) src(%dma_wait3A_102 : memref<10240x1024xf32, #tpu.memory_space<hbm>>) dst(%arg10 : memref<16x1024xf32, #tpu.memory_space<vmem>>)
    %dma_wait3A_103 = arith.constant 0 : i32
    %dma_wait3A_104 = arith.constant 0 : i32
    %dma_wait3A_105 = tpu.memref_slice %arg2[%dma_wait3A_103, %dma_wait3A_104] : memref<10240x1024xf32, #tpu.memory_space<hbm>> -> memref<10240x1024xf32, #tpu.memory_space<hbm>>
    tpu.wait_indirect_dma semaphore(%arg17 : memref<!tpu.dma_semaphore, #tpu.memory_space<semaphore_mem>>) src(%dma_wait3A_105 : memref<10240x1024xf32, #tpu.memory_space<hbm>>) dst(%arg12 : memref<16x1024xf32, #tpu.memory_space<vmem>>)
    %scan3A_106 = arith.constant 0 : i32
    %scan3A_107 = arith.constant 16 : i32
    %scan3A_108 = arith.addi %scan3A_106, %scan3A_107 : i32
    %scan3A_109 = arith.constant 1 : i32
    scf.for %scan3A_168 = %scan3A_106 to %scan3A_108 step %scan3A_109  : i32 {
      %scan3A_169 = arith.constant 0 : i32
      %scan3A_170 = arith.constant 16 : i32
      %scan3A_171 = arith.addi %scan3A_169, %scan3A_170 : i32
      %scan3A_172 = arith.constant 1 : i32
      scf.for %scan3A_174 = %scan3A_169 to %scan3A_171 step %scan3A_172  : i32 {
        %mul3A_175 = arith.constant 64 : i32
        %mul3A_176 = arith.muli %scan3A_174, %mul3A_175 : i32
        %add3A_177 = arith.constant 0 : i32
        %add3A_178 = arith.addi %mul3A_176, %add3A_177 : i32
        %get3A = arith.index_cast %scan3A_168 : i32 to index
        %get3A_179 = arith.index_cast %add3A_178 : i32 to index
        %get3A_180 = tpu.vector_load %arg10[%get3A, %get3A_179] {strides = array<i32>} : memref<16x1024xf32, #tpu.memory_space<vmem>>, vector<16xf32>,
        %get3A_181 = arith.index_cast %scan3A_168 : i32 to index
        %get3A_182 = arith.index_cast %add3A_178 : i32 to index
        %get3A_183 = tpu.vector_load %arg12[%get3A_181, %get3A_182] {strides = array<i32>} : memref<16x1024xf32, #tpu.memory_space<vmem>>, vector<16xf32>,
        %add3A_184 = arith.addf %get3A_180, %get3A_183 : vector<16xf32>
        %swap3A = arith.index_cast %scan3A_168 : i32 to index
        %swap3A_185 = arith.index_cast %add3A_178 : i32 to index
        %swap3A_186 = tpu.vector_load %arg14[%swap3A, %swap3A_185] {strides = array<i32>} : memref<16x1024xf32, #tpu.memory_space<vmem>>, vector<16xf32>,
        tpu.vector_store %arg14[%swap3A, %swap3A_185], %add3A_184 {strides = array<i32>} : memref<16x1024xf32, #tpu.memory_space<vmem>>, vector<16xf32>,
        %mul3A_187 = arith.constant 64 : i32
        %mul3A_188 = arith.muli %scan3A_174, %mul3A_187 : i32
        %add3A_189 = arith.constant 16 : i32
        %add3A_190 = arith.addi %mul3A_188, %add3A_189 : i32
        %get3A_191 = arith.index_cast %scan3A_168 : i32 to index
        %get3A_192 = arith.index_cast %add3A_190 : i32 to index
        %get3A_193 = tpu.vector_load %arg10[%get3A_191, %get3A_192] {strides = array<i32>} : memref<16x1024xf32, #tpu.memory_space<vmem>>, vector<16xf32>,
        %get3A_194 = arith.index_cast %scan3A_168 : i32 to index
        %get3A_195 = arith.index_cast %add3A_190 : i32 to index
        %get3A_196 = tpu.vector_load %arg12[%get3A_194, %get3A_195] {strides = array<i32>} : memref<16x1024xf32, #tpu.memory_space<vmem>>, vector<16xf32>,
        %add3A_197 = arith.addf %get3A_193, %get3A_196 : vector<16xf32>
        %swap3A_198 = arith.index_cast %scan3A_168 : i32 to index
        %swap3A_199 = arith.index_cast %add3A_190 : i32 to index
        %swap3A_200 = tpu.vector_load %arg14[%swap3A_198, %swap3A_199] {strides = array<i32>} : memref<16x1024xf32, #tpu.memory_space<vmem>>, vector<16xf32>,
        tpu.vector_store %arg14[%swap3A_198, %swap3A_199], %add3A_197 {strides = array<i32>} : memref<16x1024xf32, #tpu.memory_space<vmem>>, vector<16xf32>,
        %mul3A_201 = arith.constant 64 : i32
        %mul3A_202 = arith.muli %scan3A_174, %mul3A_201 : i32
        %add3A_203 = arith.constant 32 : i32
        %add3A_204 = arith.addi %mul3A_202, %add3A_203 : i32
        %get3A_205 = arith.index_cast %scan3A_168 : i32 to index
        %get3A_206 = arith.index_cast %add3A_204 : i32 to index
        %get3A_207 = tpu.vector_load %arg10[%get3A_205, %get3A_206] {strides = array<i32>} : memref<16x1024xf32, #tpu.memory_space<vmem>>, vector<16xf32>,
        %get3A_208 = arith.index_cast %scan3A_168 : i32 to index
        %get3A_209 = arith.index_cast %add3A_204 : i32 to index
        %get3A_210 = tpu.vector_load %arg12[%get3A_208, %get3A_209] {strides = array<i32>} : memref<16x1024xf32, #tpu.memory_space<vmem>>, vector<16xf32>,
        %add3A_211 = arith.addf %get3A_207, %get3A_210 : vector<16xf32>
        %swap3A_212 = arith.index_cast %scan3A_168 : i32 to index
        %swap3A_213 = arith.index_cast %add3A_204 : i32 to index
        %swap3A_214 = tpu.vector_load %arg14[%swap3A_212, %swap3A_213] {strides = array<i32>} : memref<16x1024xf32, #tpu.memory_space<vmem>>, vector<16xf32>,
        tpu.vector_store %arg14[%swap3A_212, %swap3A_213], %add3A_211 {strides = array<i32>} : memref<16x1024xf32, #tpu.memory_space<vmem>>, vector<16xf32>,
        %mul3A_215 = arith.constant 64 : i32
        %mul3A_216 = arith.muli %scan3A_174, %mul3A_215 : i32
        %add3A_217 = arith.constant 48 : i32
        %add3A_218 = arith.addi %mul3A_216, %add3A_217 : i32
        %get3A_219 = arith.index_cast %scan3A_168 : i32 to index
        %get3A_220 = arith.index_cast %add3A_218 : i32 to index
        %get3A_221 = tpu.vector_load %arg10[%get3A_219, %get3A_220] {strides = array<i32>} : memref<16x1024xf32, #tpu.memory_space<vmem>>, vector<16xf32>,
        %get3A_222 = arith.index_cast %scan3A_168 : i32 to index
        %get3A_223 = arith.index_cast %add3A_218 : i32 to index
        %get3A_224 = tpu.vector_load %arg12[%get3A_222, %get3A_223] {strides = array<i32>} : memref<16x1024xf32, #tpu.memory_space<vmem>>, vector<16xf32>,
        %add3A_225 = arith.addf %get3A_221, %get3A_224 : vector<16xf32>
        %swap3A_226 = arith.index_cast %scan3A_168 : i32 to index
        %swap3A_227 = arith.index_cast %add3A_218 : i32 to index
        %swap3A_228 = tpu.vector_load %arg14[%swap3A_226, %swap3A_227] {strides = array<i32>} : memref<16x1024xf32, #tpu.memory_space<vmem>>, vector<16xf32>,
        tpu.vector_store %arg14[%swap3A_226, %swap3A_227], %add3A_225 {strides = array<i32>} : memref<16x1024xf32, #tpu.memory_space<vmem>>, vector<16xf32>,
      }
      %scan3A_173 = arith.constant 16 : i32
    }
    %scan3A_110 = arith.constant 16 : i32
    %add3A_111 = arith.constant 64 : i32
    %add3A_112 = arith.addi %mul3A_2, %add3A_111 : i32
    "tpu.region"() ({
      %run_scoped3A = tpu.sem_alloc : memref<!tpu.dma_semaphore, #tpu.memory_space<semaphore_mem>>
      %dma_start3A_168 = arith.constant 0 : i32
      %dma_start3A_169 = tpu.memref_slice %arg5[%add3A_112, %dma_start3A_168] : memref<4096x1024xf32, #tpu.memory_space<hbm>> -> memref<16x1024xf32, #tpu.memory_space<hbm>>
      %dma_start3A_170 = arith.constant 0 : i32
      %dma_start3A_171 = tpu.memref_slice %arg5[%add3A_112, %dma_start3A_170] : memref<4096x1024xf32, #tpu.memory_space<hbm>> -> memref<16x1024xf32, #tpu.memory_space<hbm>>
      tpu.enqueue_dma source(%arg14 : memref<16x1024xf32, #tpu.memory_space<vmem>>) target(%dma_start3A_171 : memref<16x1024xf32, #tpu.memory_space<hbm>>) target_semaphore(%run_scoped3A : memref<!tpu.dma_semaphore, #tpu.memory_space<semaphore_mem>>)
      %dma_wait3A_172 = arith.constant 0 : i32
      %dma_wait3A_173 = tpu.memref_slice %arg5[%add3A_112, %dma_wait3A_172] : memref<4096x1024xf32, #tpu.memory_space<hbm>> -> memref<16x1024xf32, #tpu.memory_space<hbm>>
      %dma_wait3A_174 = arith.constant 0 : i32
      %dma_wait3A_175 = tpu.memref_slice %arg5[%add3A_112, %dma_wait3A_174] : memref<4096x1024xf32, #tpu.memory_space<hbm>> -> memref<16x1024xf32, #tpu.memory_space<hbm>>
      tpu.wait_dma2 semaphore(%run_scoped3A : memref<!tpu.dma_semaphore, #tpu.memory_space<semaphore_mem>>) src(%arg14 : memref<16x1024xf32, #tpu.memory_space<vmem>>) dst(%dma_wait3A_175 : memref<16x1024xf32, #tpu.memory_space<hbm>>)
      tpu.yield
    }) : () -> ()
    %add3A_113 = arith.constant 96 : i32
    %add3A_114 = arith.addi %mul3A_2, %add3A_113 : i32
    "tpu.region"() ({
      %run_scoped3A = tpu.sem_alloc : memref<!tpu.dma_semaphore, #tpu.memory_space<semaphore_mem>>
      %dma_start3A_168 = tpu.memref_slice %arg3[%add3A_114] : memref<4096xi32, #tpu.memory_space<hbm>> -> memref<16xi32, #tpu.memory_space<hbm>>
      %dma_start3A_169 = tpu.memref_slice %arg3[%add3A_114] : memref<4096xi32, #tpu.memory_space<hbm>> -> memref<16xi32, #tpu.memory_space<hbm>>
      tpu.enqueue_dma source(%dma_start3A_169 : memref<16xi32, #tpu.memory_space<hbm>>) target(%arg6 : memref<16xi32, #tpu.memory_space<vmem>>) target_semaphore(%run_scoped3A : memref<!tpu.dma_semaphore, #tpu.memory_space<semaphore_mem>>)
      %dma_wait3A_170 = tpu.memref_slice %arg3[%add3A_114] : memref<4096xi32, #tpu.memory_space<hbm>> -> memref<16xi32, #tpu.memory_space<hbm>>
      %dma_wait3A_171 = tpu.memref_slice %arg3[%add3A_114] : memref<4096xi32, #tpu.memory_space<hbm>> -> memref<16xi32, #tpu.memory_space<hbm>>
      tpu.wait_dma2 semaphore(%run_scoped3A : memref<!tpu.dma_semaphore, #tpu.memory_space<semaphore_mem>>) src(%dma_wait3A_171 : memref<16xi32, #tpu.memory_space<hbm>>) dst(%arg6 : memref<16xi32, #tpu.memory_space<vmem>>)
      tpu.yield
    }) : () -> ()
    "tpu.region"() ({
      %run_scoped3A = tpu.sem_alloc : memref<!tpu.dma_semaphore, #tpu.memory_space<semaphore_mem>>
      %dma_start3A_168 = tpu.memref_slice %arg4[%add3A_114] : memref<4096xi32, #tpu.memory_space<hbm>> -> memref<16xi32, #tpu.memory_space<hbm>>
      %dma_start3A_169 = tpu.memref_slice %arg4[%add3A_114] : memref<4096xi32, #tpu.memory_space<hbm>> -> memref<16xi32, #tpu.memory_space<hbm>>
      tpu.enqueue_dma source(%dma_start3A_169 : memref<16xi32, #tpu.memory_space<hbm>>) target(%arg8 : memref<16xi32, #tpu.memory_space<vmem>>) target_semaphore(%run_scoped3A : memref<!tpu.dma_semaphore, #tpu.memory_space<semaphore_mem>>)
      %dma_wait3A_170 = tpu.memref_slice %arg4[%add3A_114] : memref<4096xi32, #tpu.memory_space<hbm>> -> memref<16xi32, #tpu.memory_space<hbm>>
      %dma_wait3A_171 = tpu.memref_slice %arg4[%add3A_114] : memref<4096xi32, #tpu.memory_space<hbm>> -> memref<16xi32, #tpu.memory_space<hbm>>
      tpu.wait_dma2 semaphore(%run_scoped3A : memref<!tpu.dma_semaphore, #tpu.memory_space<semaphore_mem>>) src(%dma_wait3A_171 : memref<16xi32, #tpu.memory_space<hbm>>) dst(%arg8 : memref<16xi32, #tpu.memory_space<vmem>>)
      tpu.yield
    }) : () -> ()
    %dma_start3A_115 = arith.constant 0 : i32
    %dma_start3A_116 = arith.constant 0 : i32
    %dma_start3A_117 = tpu.memref_slice %arg2[%dma_start3A_115, %dma_start3A_116] : memref<10240x1024xf32, #tpu.memory_space<hbm>> -> memref<10240x1024xf32, #tpu.memory_space<hbm>>
    tpu.enqueue_indirect_dma source(%dma_start3A_117 : memref<10240x1024xf32, #tpu.memory_space<hbm>>) target(%arg10 : memref<16x1024xf32, #tpu.memory_space<vmem>>) offsets(%arg6 : memref<16xi32, #tpu.memory_space<vmem>>) semaphore(%arg15 : memref<!tpu.dma_semaphore, #tpu.memory_space<semaphore_mem>>)
    %dma_start3A_118 = arith.constant 0 : i32
    %dma_start3A_119 = arith.constant 0 : i32
    %dma_start3A_120 = tpu.memref_slice %arg2[%dma_start3A_118, %dma_start3A_119] : memref<10240x1024xf32, #tpu.memory_space<hbm>> -> memref<10240x1024xf32, #tpu.memory_space<hbm>>
    tpu.enqueue_indirect_dma source(%dma_start3A_120 : memref<10240x1024xf32, #tpu.memory_space<hbm>>) target(%arg12 : memref<16x1024xf32, #tpu.memory_space<vmem>>) offsets(%arg8 : memref<16xi32, #tpu.memory_space<vmem>>) semaphore(%arg17 : memref<!tpu.dma_semaphore, #tpu.memory_space<semaphore_mem>>)
    %dma_wait3A_121 = arith.constant 0 : i32
    %dma_wait3A_122 = arith.constant 0 : i32
    %dma_wait3A_123 = tpu.memref_slice %arg2[%dma_wait3A_121, %dma_wait3A_122] : memref<10240x1024xf32, #tpu.memory_space<hbm>> -> memref<10240x1024xf32, #tpu.memory_space<hbm>>
    tpu.wait_indirect_dma semaphore(%arg16 : memref<!tpu.dma_semaphore, #tpu.memory_space<semaphore_mem>>) src(%dma_wait3A_123 : memref<10240x1024xf32, #tpu.memory_space<hbm>>) dst(%arg11 : memref<16x1024xf32, #tpu.memory_space<vmem>>)
    %dma_wait3A_124 = arith.constant 0 : i32
    %dma_wait3A_125 = arith.constant 0 : i32
    %dma_wait3A_126 = tpu.memref_slice %arg2[%dma_wait3A_124, %dma_wait3A_125] : memref<10240x1024xf32, #tpu.memory_space<hbm>> -> memref<10240x1024xf32, #tpu.memory_space<hbm>>
    tpu.wait_indirect_dma semaphore(%arg18 : memref<!tpu.dma_semaphore, #tpu.memory_space<semaphore_mem>>) src(%dma_wait3A_126 : memref<10240x1024xf32, #tpu.memory_space<hbm>>) dst(%arg13 : memref<16x1024xf32, #tpu.memory_space<vmem>>)
    %scan3A_127 = arith.constant 0 : i32
    %scan3A_128 = arith.constant 16 : i32
    %scan3A_129 = arith.addi %scan3A_127, %scan3A_128 : i32
    %scan3A_130 = arith.constant 1 : i32
    scf.for %scan3A_168 = %scan3A_127 to %scan3A_129 step %scan3A_130  : i32 {
      %scan3A_169 = arith.constant 0 : i32
      %scan3A_170 = arith.constant 16 : i32
      %scan3A_171 = arith.addi %scan3A_169, %scan3A_170 : i32
      %scan3A_172 = arith.constant 1 : i32
      scf.for %scan3A_174 = %scan3A_169 to %scan3A_171 step %scan3A_172  : i32 {
        %mul3A_175 = arith.constant 64 : i32
        %mul3A_176 = arith.muli %scan3A_174, %mul3A_175 : i32
        %add3A_177 = arith.constant 0 : i32
        %add3A_178 = arith.addi %mul3A_176, %add3A_177 : i32
        %get3A = arith.index_cast %scan3A_168 : i32 to index
        %get3A_179 = arith.index_cast %add3A_178 : i32 to index
        %get3A_180 = tpu.vector_load %arg11[%get3A, %get3A_179] {strides = array<i32>} : memref<16x1024xf32, #tpu.memory_space<vmem>>, vector<16xf32>,
        %get3A_181 = arith.index_cast %scan3A_168 : i32 to index
        %get3A_182 = arith.index_cast %add3A_178 : i32 to index
        %get3A_183 = tpu.vector_load %arg13[%get3A_181, %get3A_182] {strides = array<i32>} : memref<16x1024xf32, #tpu.memory_space<vmem>>, vector<16xf32>,
        %add3A_184 = arith.addf %get3A_180, %get3A_183 : vector<16xf32>
        %swap3A = arith.index_cast %scan3A_168 : i32 to index
        %swap3A_185 = arith.index_cast %add3A_178 : i32 to index
        %swap3A_186 = tpu.vector_load %arg14[%swap3A, %swap3A_185] {strides = array<i32>} : memref<16x1024xf32, #tpu.memory_space<vmem>>, vector<16xf32>,
        tpu.vector_store %arg14[%swap3A, %swap3A_185], %add3A_184 {strides = array<i32>} : memref<16x1024xf32, #tpu.memory_space<vmem>>, vector<16xf32>,
        %mul3A_187 = arith.constant 64 : i32
        %mul3A_188 = arith.muli %scan3A_174, %mul3A_187 : i32
        %add3A_189 = arith.constant 16 : i32
        %add3A_190 = arith.addi %mul3A_188, %add3A_189 : i32
        %get3A_191 = arith.index_cast %scan3A_168 : i32 to index
        %get3A_192 = arith.index_cast %add3A_190 : i32 to index
        %get3A_193 = tpu.vector_load %arg11[%get3A_191, %get3A_192] {strides = array<i32>} : memref<16x1024xf32, #tpu.memory_space<vmem>>, vector<16xf32>,
        %get3A_194 = arith.index_cast %scan3A_168 : i32 to index
        %get3A_195 = arith.index_cast %add3A_190 : i32 to index
        %get3A_196 = tpu.vector_load %arg13[%get3A_194, %get3A_195] {strides = array<i32>} : memref<16x1024xf32, #tpu.memory_space<vmem>>, vector<16xf32>,
        %add3A_197 = arith.addf %get3A_193, %get3A_196 : vector<16xf32>
        %swap3A_198 = arith.index_cast %scan3A_168 : i32 to index
        %swap3A_199 = arith.index_cast %add3A_190 : i32 to index
        %swap3A_200 = tpu.vector_load %arg14[%swap3A_198, %swap3A_199] {strides = array<i32>} : memref<16x1024xf32, #tpu.memory_space<vmem>>, vector<16xf32>,
        tpu.vector_store %arg14[%swap3A_198, %swap3A_199], %add3A_197 {strides = array<i32>} : memref<16x1024xf32, #tpu.memory_space<vmem>>, vector<16xf32>,
        %mul3A_201 = arith.constant 64 : i32
        %mul3A_202 = arith.muli %scan3A_174, %mul3A_201 : i32
        %add3A_203 = arith.constant 32 : i32
        %add3A_204 = arith.addi %mul3A_202, %add3A_203 : i32
        %get3A_205 = arith.index_cast %scan3A_168 : i32 to index
        %get3A_206 = arith.index_cast %add3A_204 : i32 to index
        %get3A_207 = tpu.vector_load %arg11[%get3A_205, %get3A_206] {strides = array<i32>} : memref<16x1024xf32, #tpu.memory_space<vmem>>, vector<16xf32>,
        %get3A_208 = arith.index_cast %scan3A_168 : i32 to index
        %get3A_209 = arith.index_cast %add3A_204 : i32 to index
        %get3A_210 = tpu.vector_load %arg13[%get3A_208, %get3A_209] {strides = array<i32>} : memref<16x1024xf32, #tpu.memory_space<vmem>>, vector<16xf32>,
        %add3A_211 = arith.addf %get3A_207, %get3A_210 : vector<16xf32>
        %swap3A_212 = arith.index_cast %scan3A_168 : i32 to index
        %swap3A_213 = arith.index_cast %add3A_204 : i32 to index
        %swap3A_214 = tpu.vector_load %arg14[%swap3A_212, %swap3A_213] {strides = array<i32>} : memref<16x1024xf32, #tpu.memory_space<vmem>>, vector<16xf32>,
        tpu.vector_store %arg14[%swap3A_212, %swap3A_213], %add3A_211 {strides = array<i32>} : memref<16x1024xf32, #tpu.memory_space<vmem>>, vector<16xf32>,
        %mul3A_215 = arith.constant 64 : i32
        %mul3A_216 = arith.muli %scan3A_174, %mul3A_215 : i32
        %add3A_217 = arith.constant 48 : i32
        %add3A_218 = arith.addi %mul3A_216, %add3A_217 : i32
        %get3A_219 = arith.index_cast %scan3A_168 : i32 to index
        %get3A_220 = arith.index_cast %add3A_218 : i32 to index
        %get3A_221 = tpu.vector_load %arg11[%get3A_219, %get3A_220] {strides = array<i32>} : memref<16x1024xf32, #tpu.memory_space<vmem>>, vector<16xf32>,
        %get3A_222 = arith.index_cast %scan3A_168 : i32 to index
        %get3A_223 = arith.index_cast %add3A_218 : i32 to index
        %get3A_224 = tpu.vector_load %arg13[%get3A_222, %get3A_223] {strides = array<i32>} : memref<16x1024xf32, #tpu.memory_space<vmem>>, vector<16xf32>,
        %add3A_225 = arith.addf %get3A_221, %get3A_224 : vector<16xf32>
        %swap3A_226 = arith.index_cast %scan3A_168 : i32 to index
        %swap3A_227 = arith.index_cast %add3A_218 : i32 to index
        %swap3A_228 = tpu.vector_load %arg14[%swap3A_226, %swap3A_227] {strides = array<i32>} : memref<16x1024xf32, #tpu.memory_space<vmem>>, vector<16xf32>,
        tpu.vector_store %arg14[%swap3A_226, %swap3A_227], %add3A_225 {strides = array<i32>} : memref<16x1024xf32, #tpu.memory_space<vmem>>, vector<16xf32>,
      }
      %scan3A_173 = arith.constant 16 : i32
    }
    %scan3A_131 = arith.constant 16 : i32
    %add3A_132 = arith.constant 80 : i32
    %add3A_133 = arith.addi %mul3A_2, %add3A_132 : i32
    "tpu.region"() ({
      %run_scoped3A = tpu.sem_alloc : memref<!tpu.dma_semaphore, #tpu.memory_space<semaphore_mem>>
      %dma_start3A_168 = arith.constant 0 : i32
      %dma_start3A_169 = tpu.memref_slice %arg5[%add3A_133, %dma_start3A_168] : memref<4096x1024xf32, #tpu.memory_space<hbm>> -> memref<16x1024xf32, #tpu.memory_space<hbm>>
      %dma_start3A_170 = arith.constant 0 : i32
      %dma_start3A_171 = tpu.memref_slice %arg5[%add3A_133, %dma_start3A_170] : memref<4096x1024xf32, #tpu.memory_space<hbm>> -> memref<16x1024xf32, #tpu.memory_space<hbm>>
      tpu.enqueue_dma source(%arg14 : memref<16x1024xf32, #tpu.memory_space<vmem>>) target(%dma_start3A_171 : memref<16x1024xf32, #tpu.memory_space<hbm>>) target_semaphore(%run_scoped3A : memref<!tpu.dma_semaphore, #tpu.memory_space<semaphore_mem>>)
      %dma_wait3A_172 = arith.constant 0 : i32
      %dma_wait3A_173 = tpu.memref_slice %arg5[%add3A_133, %dma_wait3A_172] : memref<4096x1024xf32, #tpu.memory_space<hbm>> -> memref<16x1024xf32, #tpu.memory_space<hbm>>
      %dma_wait3A_174 = arith.constant 0 : i32
      %dma_wait3A_175 = tpu.memref_slice %arg5[%add3A_133, %dma_wait3A_174] : memref<4096x1024xf32, #tpu.memory_space<hbm>> -> memref<16x1024xf32, #tpu.memory_space<hbm>>
      tpu.wait_dma2 semaphore(%run_scoped3A : memref<!tpu.dma_semaphore, #tpu.memory_space<semaphore_mem>>) src(%arg14 : memref<16x1024xf32, #tpu.memory_space<vmem>>) dst(%dma_wait3A_175 : memref<16x1024xf32, #tpu.memory_space<hbm>>)
      tpu.yield
    }) : () -> ()
    %add3A_134 = arith.constant 112 : i32
    %add3A_135 = arith.addi %mul3A_2, %add3A_134 : i32
    "tpu.region"() ({
      %run_scoped3A = tpu.sem_alloc : memref<!tpu.dma_semaphore, #tpu.memory_space<semaphore_mem>>
      %dma_start3A_168 = tpu.memref_slice %arg3[%add3A_135] : memref<4096xi32, #tpu.memory_space<hbm>> -> memref<16xi32, #tpu.memory_space<hbm>>
      %dma_start3A_169 = tpu.memref_slice %arg3[%add3A_135] : memref<4096xi32, #tpu.memory_space<hbm>> -> memref<16xi32, #tpu.memory_space<hbm>>
      tpu.enqueue_dma source(%dma_start3A_169 : memref<16xi32, #tpu.memory_space<hbm>>) target(%arg7 : memref<16xi32, #tpu.memory_space<vmem>>) target_semaphore(%run_scoped3A : memref<!tpu.dma_semaphore, #tpu.memory_space<semaphore_mem>>)
      %dma_wait3A_170 = tpu.memref_slice %arg3[%add3A_135] : memref<4096xi32, #tpu.memory_space<hbm>> -> memref<16xi32, #tpu.memory_space<hbm>>
      %dma_wait3A_171 = tpu.memref_slice %arg3[%add3A_135] : memref<4096xi32, #tpu.memory_space<hbm>> -> memref<16xi32, #tpu.memory_space<hbm>>
      tpu.wait_dma2 semaphore(%run_scoped3A : memref<!tpu.dma_semaphore, #tpu.memory_space<semaphore_mem>>) src(%dma_wait3A_171 : memref<16xi32, #tpu.memory_space<hbm>>) dst(%arg7 : memref<16xi32, #tpu.memory_space<vmem>>)
      tpu.yield
    }) : () -> ()
    "tpu.region"() ({
      %run_scoped3A = tpu.sem_alloc : memref<!tpu.dma_semaphore, #tpu.memory_space<semaphore_mem>>
      %dma_start3A_168 = tpu.memref_slice %arg4[%add3A_135] : memref<4096xi32, #tpu.memory_space<hbm>> -> memref<16xi32, #tpu.memory_space<hbm>>
      %dma_start3A_169 = tpu.memref_slice %arg4[%add3A_135] : memref<4096xi32, #tpu.memory_space<hbm>> -> memref<16xi32, #tpu.memory_space<hbm>>
      tpu.enqueue_dma source(%dma_start3A_169 : memref<16xi32, #tpu.memory_space<hbm>>) target(%arg9 : memref<16xi32, #tpu.memory_space<vmem>>) target_semaphore(%run_scoped3A : memref<!tpu.dma_semaphore, #tpu.memory_space<semaphore_mem>>)
      %dma_wait3A_170 = tpu.memref_slice %arg4[%add3A_135] : memref<4096xi32, #tpu.memory_space<hbm>> -> memref<16xi32, #tpu.memory_space<hbm>>
      %dma_wait3A_171 = tpu.memref_slice %arg4[%add3A_135] : memref<4096xi32, #tpu.memory_space<hbm>> -> memref<16xi32, #tpu.memory_space<hbm>>
      tpu.wait_dma2 semaphore(%run_scoped3A : memref<!tpu.dma_semaphore, #tpu.memory_space<semaphore_mem>>) src(%dma_wait3A_171 : memref<16xi32, #tpu.memory_space<hbm>>) dst(%arg9 : memref<16xi32, #tpu.memory_space<vmem>>)
      tpu.yield
    }) : () -> ()
    %dma_start3A_136 = arith.constant 0 : i32
    %dma_start3A_137 = arith.constant 0 : i32
    %dma_start3A_138 = tpu.memref_slice %arg2[%dma_start3A_136, %dma_start3A_137] : memref<10240x1024xf32, #tpu.memory_space<hbm>> -> memref<10240x1024xf32, #tpu.memory_space<hbm>>
    tpu.enqueue_indirect_dma source(%dma_start3A_138 : memref<10240x1024xf32, #tpu.memory_space<hbm>>) target(%arg11 : memref<16x1024xf32, #tpu.memory_space<vmem>>) offsets(%arg7 : memref<16xi32, #tpu.memory_space<vmem>>) semaphore(%arg16 : memref<!tpu.dma_semaphore, #tpu.memory_space<semaphore_mem>>)
    %dma_start3A_139 = arith.constant 0 : i32
    %dma_start3A_140 = arith.constant 0 : i32
    %dma_start3A_141 = tpu.memref_slice %arg2[%dma_start3A_139, %dma_start3A_140] : memref<10240x1024xf32, #tpu.memory_space<hbm>> -> memref<10240x1024xf32, #tpu.memory_space<hbm>>
    tpu.enqueue_indirect_dma source(%dma_start3A_141 : memref<10240x1024xf32, #tpu.memory_space<hbm>>) target(%arg13 : memref<16x1024xf32, #tpu.memory_space<vmem>>) offsets(%arg9 : memref<16xi32, #tpu.memory_space<vmem>>) semaphore(%arg18 : memref<!tpu.dma_semaphore, #tpu.memory_space<semaphore_mem>>)
    %dma_wait3A_142 = arith.constant 0 : i32
    %dma_wait3A_143 = arith.constant 0 : i32
    %dma_wait3A_144 = tpu.memref_slice %arg2[%dma_wait3A_142, %dma_wait3A_143] : memref<10240x1024xf32, #tpu.memory_space<hbm>> -> memref<10240x1024xf32, #tpu.memory_space<hbm>>
    tpu.wait_indirect_dma semaphore(%arg15 : memref<!tpu.dma_semaphore, #tpu.memory_space<semaphore_mem>>) src(%dma_wait3A_144 : memref<10240x1024xf32, #tpu.memory_space<hbm>>) dst(%arg10 : memref<16x1024xf32, #tpu.memory_space<vmem>>)
    %dma_wait3A_145 = arith.constant 0 : i32
    %dma_wait3A_146 = arith.constant 0 : i32
    %dma_wait3A_147 = tpu.memref_slice %arg2[%dma_wait3A_145, %dma_wait3A_146] : memref<10240x1024xf32, #tpu.memory_space<hbm>> -> memref<10240x1024xf32, #tpu.memory_space<hbm>>
    tpu.wait_indirect_dma semaphore(%arg17 : memref<!tpu.dma_semaphore, #tpu.memory_space<semaphore_mem>>) src(%dma_wait3A_147 : memref<10240x1024xf32, #tpu.memory_space<hbm>>) dst(%arg12 : memref<16x1024xf32, #tpu.memory_space<vmem>>)
    %scan3A_148 = arith.constant 0 : i32
    %scan3A_149 = arith.constant 16 : i32
    %scan3A_150 = arith.addi %scan3A_148, %scan3A_149 : i32
    %scan3A_151 = arith.constant 1 : i32
    scf.for %scan3A_168 = %scan3A_148 to %scan3A_150 step %scan3A_151  : i32 {
      %scan3A_169 = arith.constant 0 : i32
      %scan3A_170 = arith.constant 16 : i32
      %scan3A_171 = arith.addi %scan3A_169, %scan3A_170 : i32
      %scan3A_172 = arith.constant 1 : i32
      scf.for %scan3A_174 = %scan3A_169 to %scan3A_171 step %scan3A_172  : i32 {
        %mul3A_175 = arith.constant 64 : i32
        %mul3A_176 = arith.muli %scan3A_174, %mul3A_175 : i32
        %add3A_177 = arith.constant 0 : i32
        %add3A_178 = arith.addi %mul3A_176, %add3A_177 : i32
        %get3A = arith.index_cast %scan3A_168 : i32 to index
        %get3A_179 = arith.index_cast %add3A_178 : i32 to index
        %get3A_180 = tpu.vector_load %arg10[%get3A, %get3A_179] {strides = array<i32>} : memref<16x1024xf32, #tpu.memory_space<vmem>>, vector<16xf32>,
        %get3A_181 = arith.index_cast %scan3A_168 : i32 to index
        %get3A_182 = arith.index_cast %add3A_178 : i32 to index
        %get3A_183 = tpu.vector_load %arg12[%get3A_181, %get3A_182] {strides = array<i32>} : memref<16x1024xf32, #tpu.memory_space<vmem>>, vector<16xf32>,
        %add3A_184 = arith.addf %get3A_180, %get3A_183 : vector<16xf32>
        %swap3A = arith.index_cast %scan3A_168 : i32 to index
        %swap3A_185 = arith.index_cast %add3A_178 : i32 to index
        %swap3A_186 = tpu.vector_load %arg14[%swap3A, %swap3A_185] {strides = array<i32>} : memref<16x1024xf32, #tpu.memory_space<vmem>>, vector<16xf32>,
        tpu.vector_store %arg14[%swap3A, %swap3A_185], %add3A_184 {strides = array<i32>} : memref<16x1024xf32, #tpu.memory_space<vmem>>, vector<16xf32>,
        %mul3A_187 = arith.constant 64 : i32
        %mul3A_188 = arith.muli %scan3A_174, %mul3A_187 : i32
        %add3A_189 = arith.constant 16 : i32
        %add3A_190 = arith.addi %mul3A_188, %add3A_189 : i32
        %get3A_191 = arith.index_cast %scan3A_168 : i32 to index
        %get3A_192 = arith.index_cast %add3A_190 : i32 to index
        %get3A_193 = tpu.vector_load %arg10[%get3A_191, %get3A_192] {strides = array<i32>} : memref<16x1024xf32, #tpu.memory_space<vmem>>, vector<16xf32>,
        %get3A_194 = arith.index_cast %scan3A_168 : i32 to index
        %get3A_195 = arith.index_cast %add3A_190 : i32 to index
        %get3A_196 = tpu.vector_load %arg12[%get3A_194, %get3A_195] {strides = array<i32>} : memref<16x1024xf32, #tpu.memory_space<vmem>>, vector<16xf32>,
        %add3A_197 = arith.addf %get3A_193, %get3A_196 : vector<16xf32>
        %swap3A_198 = arith.index_cast %scan3A_168 : i32 to index
        %swap3A_199 = arith.index_cast %add3A_190 : i32 to index
        %swap3A_200 = tpu.vector_load %arg14[%swap3A_198, %swap3A_199] {strides = array<i32>} : memref<16x1024xf32, #tpu.memory_space<vmem>>, vector<16xf32>,
        tpu.vector_store %arg14[%swap3A_198, %swap3A_199], %add3A_197 {strides = array<i32>} : memref<16x1024xf32, #tpu.memory_space<vmem>>, vector<16xf32>,
        %mul3A_201 = arith.constant 64 : i32
        %mul3A_202 = arith.muli %scan3A_174, %mul3A_201 : i32
        %add3A_203 = arith.constant 32 : i32
        %add3A_204 = arith.addi %mul3A_202, %add3A_203 : i32
        %get3A_205 = arith.index_cast %scan3A_168 : i32 to index
        %get3A_206 = arith.index_cast %add3A_204 : i32 to index
        %get3A_207 = tpu.vector_load %arg10[%get3A_205, %get3A_206] {strides = array<i32>} : memref<16x1024xf32, #tpu.memory_space<vmem>>, vector<16xf32>,
        %get3A_208 = arith.index_cast %scan3A_168 : i32 to index
        %get3A_209 = arith.index_cast %add3A_204 : i32 to index
        %get3A_210 = tpu.vector_load %arg12[%get3A_208, %get3A_209] {strides = array<i32>} : memref<16x1024xf32, #tpu.memory_space<vmem>>, vector<16xf32>,
        %add3A_211 = arith.addf %get3A_207, %get3A_210 : vector<16xf32>
        %swap3A_212 = arith.index_cast %scan3A_168 : i32 to index
        %swap3A_213 = arith.index_cast %add3A_204 : i32 to index
        %swap3A_214 = tpu.vector_load %arg14[%swap3A_212, %swap3A_213] {strides = array<i32>} : memref<16x1024xf32, #tpu.memory_space<vmem>>, vector<16xf32>,
        tpu.vector_store %arg14[%swap3A_212, %swap3A_213], %add3A_211 {strides = array<i32>} : memref<16x1024xf32, #tpu.memory_space<vmem>>, vector<16xf32>,
        %mul3A_215 = arith.constant 64 : i32
        %mul3A_216 = arith.muli %scan3A_174, %mul3A_215 : i32
        %add3A_217 = arith.constant 48 : i32
        %add3A_218 = arith.addi %mul3A_216, %add3A_217 : i32
        %get3A_219 = arith.index_cast %scan3A_168 : i32 to index
        %get3A_220 = arith.index_cast %add3A_218 : i32 to index
        %get3A_221 = tpu.vector_load %arg10[%get3A_219, %get3A_220] {strides = array<i32>} : memref<16x1024xf32, #tpu.memory_space<vmem>>, vector<16xf32>,
        %get3A_222 = arith.index_cast %scan3A_168 : i32 to index
        %get3A_223 = arith.index_cast %add3A_218 : i32 to index
        %get3A_224 = tpu.vector_load %arg12[%get3A_222, %get3A_223] {strides = array<i32>} : memref<16x1024xf32, #tpu.memory_space<vmem>>, vector<16xf32>,
        %add3A_225 = arith.addf %get3A_221, %get3A_224 : vector<16xf32>
        %swap3A_226 = arith.index_cast %scan3A_168 : i32 to index
        %swap3A_227 = arith.index_cast %add3A_218 : i32 to index
        %swap3A_228 = tpu.vector_load %arg14[%swap3A_226, %swap3A_227] {strides = array<i32>} : memref<16x1024xf32, #tpu.memory_space<vmem>>, vector<16xf32>,
        tpu.vector_store %arg14[%swap3A_226, %swap3A_227], %add3A_225 {strides = array<i32>} : memref<16x1024xf32, #tpu.memory_space<vmem>>, vector<16xf32>,
      }
      %scan3A_173 = arith.constant 16 : i32
    }
    %scan3A_152 = arith.constant 16 : i32
    %add3A_153 = arith.constant 96 : i32
    %add3A_154 = arith.addi %mul3A_2, %add3A_153 : i32
    "tpu.region"() ({
      %run_scoped3A = tpu.sem_alloc : memref<!tpu.dma_semaphore, #tpu.memory_space<semaphore_mem>>
      %dma_start3A_168 = arith.constant 0 : i32
      %dma_start3A_169 = tpu.memref_slice %arg5[%add3A_154, %dma_start3A_168] : memref<4096x1024xf32, #tpu.memory_space<hbm>> -> memref<16x1024xf32, #tpu.memory_space<hbm>>
      %dma_start3A_170 = arith.constant 0 : i32
      %dma_start3A_171 = tpu.memref_slice %arg5[%add3A_154, %dma_start3A_170] : memref<4096x1024xf32, #tpu.memory_space<hbm>> -> memref<16x1024xf32, #tpu.memory_space<hbm>>
      tpu.enqueue_dma source(%arg14 : memref<16x1024xf32, #tpu.memory_space<vmem>>) target(%dma_start3A_171 : memref<16x1024xf32, #tpu.memory_space<hbm>>) target_semaphore(%run_scoped3A : memref<!tpu.dma_semaphore, #tpu.memory_space<semaphore_mem>>)
      %dma_wait3A_172 = arith.constant 0 : i32
      %dma_wait3A_173 = tpu.memref_slice %arg5[%add3A_154, %dma_wait3A_172] : memref<4096x1024xf32, #tpu.memory_space<hbm>> -> memref<16x1024xf32, #tpu.memory_space<hbm>>
      %dma_wait3A_174 = arith.constant 0 : i32
      %dma_wait3A_175 = tpu.memref_slice %arg5[%add3A_154, %dma_wait3A_174] : memref<4096x1024xf32, #tpu.memory_space<hbm>> -> memref<16x1024xf32, #tpu.memory_space<hbm>>
      tpu.wait_dma2 semaphore(%run_scoped3A : memref<!tpu.dma_semaphore, #tpu.memory_space<semaphore_mem>>) src(%arg14 : memref<16x1024xf32, #tpu.memory_space<vmem>>) dst(%dma_wait3A_175 : memref<16x1024xf32, #tpu.memory_space<hbm>>)
      tpu.yield
    }) : () -> ()
    %dma_wait3A_155 = arith.constant 0 : i32
    %dma_wait3A_156 = arith.constant 0 : i32
    %dma_wait3A_157 = tpu.memref_slice %arg2[%dma_wait3A_155, %dma_wait3A_156] : memref<10240x1024xf32, #tpu.memory_space<hbm>> -> memref<10240x1024xf32, #tpu.memory_space<hbm>>
    tpu.wait_indirect_dma semaphore(%arg16 : memref<!tpu.dma_semaphore, #tpu.memory_space<semaphore_mem>>) src(%dma_wait3A_157 : memref<10240x1024xf32, #tpu.memory_space<hbm>>) dst(%arg11 : memref<16x1024xf32, #tpu.memory_space<vmem>>)
    %dma_wait3A_158 = arith.constant 0 : i32
    %dma_wait3A_159 = arith.constant 0 : i32
    %dma_wait3A_160 = tpu.memref_slice %arg2[%dma_wait3A_158, %dma_wait3A_159] : memref<10240x1024xf32, #tpu.memory_space<hbm>> -> memref<10240x1024xf32, #tpu.memory_space<hbm>>
    tpu.wait_indirect_dma semaphore(%arg18 : memref<!tpu.dma_semaphore, #tpu.memory_space<semaphore_mem>>) src(%dma_wait3A_160 : memref<10240x1024xf32, #tpu.memory_space<hbm>>) dst(%arg13 : memref<16x1024xf32, #tpu.memory_space<vmem>>)
    %scan3A_161 = arith.constant 0 : i32
    %scan3A_162 = arith.constant 16 : i32
    %scan3A_163 = arith.addi %scan3A_161, %scan3A_162 : i32
    %scan3A_164 = arith.constant 1 : i32
    scf.for %scan3A_168 = %scan3A_161 to %scan3A_163 step %scan3A_164  : i32 {
      %scan3A_169 = arith.constant 0 : i32
      %scan3A_170 = arith.constant 16 : i32
      %scan3A_171 = arith.addi %scan3A_169, %scan3A_170 : i32
      %scan3A_172 = arith.constant 1 : i32
      scf.for %scan3A_174 = %scan3A_169 to %scan3A_171 step %scan3A_172  : i32 {
        %mul3A_175 = arith.constant 64 : i32
        %mul3A_176 = arith.muli %scan3A_174, %mul3A_175 : i32
        %add3A_177 = arith.constant 0 : i32
        %add3A_178 = arith.addi %mul3A_176, %add3A_177 : i32
        %get3A = arith.index_cast %scan3A_168 : i32 to index
        %get3A_179 = arith.index_cast %add3A_178 : i32 to index
        %get3A_180 = tpu.vector_load %arg11[%get3A, %get3A_179] {strides = array<i32>} : memref<16x1024xf32, #tpu.memory_space<vmem>>, vector<16xf32>,
        %get3A_181 = arith.index_cast %scan3A_168 : i32 to index
        %get3A_182 = arith.index_cast %add3A_178 : i32 to index
        %get3A_183 = tpu.vector_load %arg13[%get3A_181, %get3A_182] {strides = array<i32>} : memref<16x1024xf32, #tpu.memory_space<vmem>>, vector<16xf32>,
        %add3A_184 = arith.addf %get3A_180, %get3A_183 : vector<16xf32>
        %swap3A = arith.index_cast %scan3A_168 : i32 to index
        %swap3A_185 = arith.index_cast %add3A_178 : i32 to index
        %swap3A_186 = tpu.vector_load %arg14[%swap3A, %swap3A_185] {strides = array<i32>} : memref<16x1024xf32, #tpu.memory_space<vmem>>, vector<16xf32>,
        tpu.vector_store %arg14[%swap3A, %swap3A_185], %add3A_184 {strides = array<i32>} : memref<16x1024xf32, #tpu.memory_space<vmem>>, vector<16xf32>,
        %mul3A_187 = arith.constant 64 : i32
        %mul3A_188 = arith.muli %scan3A_174, %mul3A_187 : i32
        %add3A_189 = arith.constant 16 : i32
        %add3A_190 = arith.addi %mul3A_188, %add3A_189 : i32
        %get3A_191 = arith.index_cast %scan3A_168 : i32 to index
        %get3A_192 = arith.index_cast %add3A_190 : i32 to index
        %get3A_193 = tpu.vector_load %arg11[%get3A_191, %get3A_192] {strides = array<i32>} : memref<16x1024xf32, #tpu.memory_space<vmem>>, vector<16xf32>,
        %get3A_194 = arith.index_cast %scan3A_168 : i32 to index
        %get3A_195 = arith.index_cast %add3A_190 : i32 to index
        %get3A_196 = tpu.vector_load %arg13[%get3A_194, %get3A_195] {strides = array<i32>} : memref<16x1024xf32, #tpu.memory_space<vmem>>, vector<16xf32>,
        %add3A_197 = arith.addf %get3A_193, %get3A_196 : vector<16xf32>
        %swap3A_198 = arith.index_cast %scan3A_168 : i32 to index
        %swap3A_199 = arith.index_cast %add3A_190 : i32 to index
        %swap3A_200 = tpu.vector_load %arg14[%swap3A_198, %swap3A_199] {strides = array<i32>} : memref<16x1024xf32, #tpu.memory_space<vmem>>, vector<16xf32>,
        tpu.vector_store %arg14[%swap3A_198, %swap3A_199], %add3A_197 {strides = array<i32>} : memref<16x1024xf32, #tpu.memory_space<vmem>>, vector<16xf32>,
        %mul3A_201 = arith.constant 64 : i32
        %mul3A_202 = arith.muli %scan3A_174, %mul3A_201 : i32
        %add3A_203 = arith.constant 32 : i32
        %add3A_204 = arith.addi %mul3A_202, %add3A_203 : i32
        %get3A_205 = arith.index_cast %scan3A_168 : i32 to index
        %get3A_206 = arith.index_cast %add3A_204 : i32 to index
        %get3A_207 = tpu.vector_load %arg11[%get3A_205, %get3A_206] {strides = array<i32>} : memref<16x1024xf32, #tpu.memory_space<vmem>>, vector<16xf32>,
        %get3A_208 = arith.index_cast %scan3A_168 : i32 to index
        %get3A_209 = arith.index_cast %add3A_204 : i32 to index
        %get3A_210 = tpu.vector_load %arg13[%get3A_208, %get3A_209] {strides = array<i32>} : memref<16x1024xf32, #tpu.memory_space<vmem>>, vector<16xf32>,
        %add3A_211 = arith.addf %get3A_207, %get3A_210 : vector<16xf32>
        %swap3A_212 = arith.index_cast %scan3A_168 : i32 to index
        %swap3A_213 = arith.index_cast %add3A_204 : i32 to index
        %swap3A_214 = tpu.vector_load %arg14[%swap3A_212, %swap3A_213] {strides = array<i32>} : memref<16x1024xf32, #tpu.memory_space<vmem>>, vector<16xf32>,
        tpu.vector_store %arg14[%swap3A_212, %swap3A_213], %add3A_211 {strides = array<i32>} : memref<16x1024xf32, #tpu.memory_space<vmem>>, vector<16xf32>,
        %mul3A_215 = arith.constant 64 : i32
        %mul3A_216 = arith.muli %scan3A_174, %mul3A_215 : i32
        %add3A_217 = arith.constant 48 : i32
        %add3A_218 = arith.addi %mul3A_216, %add3A_217 : i32
        %get3A_219 = arith.index_cast %scan3A_168 : i32 to index
        %get3A_220 = arith.index_cast %add3A_218 : i32 to index
        %get3A_221 = tpu.vector_load %arg11[%get3A_219, %get3A_220] {strides = array<i32>} : memref<16x1024xf32, #tpu.memory_space<vmem>>, vector<16xf32>,
        %get3A_222 = arith.index_cast %scan3A_168 : i32 to index
        %get3A_223 = arith.index_cast %add3A_218 : i32 to index
        %get3A_224 = tpu.vector_load %arg13[%get3A_222, %get3A_223] {strides = array<i32>} : memref<16x1024xf32, #tpu.memory_space<vmem>>, vector<16xf32>,
        %add3A_225 = arith.addf %get3A_221, %get3A_224 : vector<16xf32>
        %swap3A_226 = arith.index_cast %scan3A_168 : i32 to index
        %swap3A_227 = arith.index_cast %add3A_218 : i32 to index
        %swap3A_228 = tpu.vector_load %arg14[%swap3A_226, %swap3A_227] {strides = array<i32>} : memref<16x1024xf32, #tpu.memory_space<vmem>>, vector<16xf32>,
        tpu.vector_store %arg14[%swap3A_226, %swap3A_227], %add3A_225 {strides = array<i32>} : memref<16x1024xf32, #tpu.memory_space<vmem>>, vector<16xf32>,
      }
      %scan3A_173 = arith.constant 16 : i32
    }
    %scan3A_165 = arith.constant 16 : i32
    %add3A_166 = arith.constant 112 : i32
    %add3A_167 = arith.addi %mul3A_2, %add3A_166 : i32
    "tpu.region"() ({
      %run_scoped3A = tpu.sem_alloc : memref<!tpu.dma_semaphore, #tpu.memory_space<semaphore_mem>>
      %dma_start3A_168 = arith.constant 0 : i32
      %dma_start3A_169 = tpu.memref_slice %arg5[%add3A_167, %dma_start3A_168] : memref<4096x1024xf32, #tpu.memory_space<hbm>> -> memref<16x1024xf32, #tpu.memory_space<hbm>>
      %dma_start3A_170 = arith.constant 0 : i32
      %dma_start3A_171 = tpu.memref_slice %arg5[%add3A_167, %dma_start3A_170] : memref<4096x1024xf32, #tpu.memory_space<hbm>> -> memref<16x1024xf32, #tpu.memory_space<hbm>>
      tpu.enqueue_dma source(%arg14 : memref<16x1024xf32, #tpu.memory_space<vmem>>) target(%dma_start3A_171 : memref<16x1024xf32, #tpu.memory_space<hbm>>) target_semaphore(%run_scoped3A : memref<!tpu.dma_semaphore, #tpu.memory_space<semaphore_mem>>)
      %dma_wait3A_172 = arith.constant 0 : i32
      %dma_wait3A_173 = tpu.memref_slice %arg5[%add3A_167, %dma_wait3A_172] : memref<4096x1024xf32, #tpu.memory_space<hbm>> -> memref<16x1024xf32, #tpu.memory_space<hbm>>
      %dma_wait3A_174 = arith.constant 0 : i32
      %dma_wait3A_175 = tpu.memref_slice %arg5[%add3A_167, %dma_wait3A_174] : memref<4096x1024xf32, #tpu.memory_space<hbm>> -> memref<16x1024xf32, #tpu.memory_space<hbm>>
      tpu.wait_dma2 semaphore(%run_scoped3A : memref<!tpu.dma_semaphore, #tpu.memory_space<semaphore_mem>>) src(%arg14 : memref<16x1024xf32, #tpu.memory_space<vmem>>) dst(%dma_wait3A_175 : memref<16x1024xf32, #tpu.memory_space<hbm>>)
      tpu.yield
    }) : () -> ()
    return
  }
}

#map = affine_map<(d0, d1) -> (0)>
#map1 = affine_map<(d0, d1) -> (0, 0)>
module attributes {stable_mosaic.version = 14 : i64} {
  func.func @_gather_body(%arg0: i32, %arg1: i32, %arg2: memref<10240xi32, #tpu.memory_space<hbm>>, %arg3: memref<4096x1024xf32, #tpu.memory_space<hbm>>, %arg4: memref<5120x1024xf32, #tpu.memory_space<hbm>>, %arg5: memref<40xi32, #tpu.memory_space<vmem>>, %arg6: memref<40xi32, #tpu.memory_space<vmem>>, %arg7: memref<40x1024xf32, #tpu.memory_space<vmem>>, %arg8: memref<40x1024xf32, #tpu.memory_space<vmem>>, %arg9: memref<!tpu.dma_semaphore, #tpu.memory_space<semaphore_mem>>, %arg10: memref<!tpu.dma_semaphore, #tpu.memory_space<semaphore_mem>>) attributes {dimension_semantics = [#tpu.dimension_semantics<core_parallel>, #tpu.dimension_semantics<subcore_parallel>], iteration_bounds = array<i64: 2, 16>, scalar_prefetch = 0 : i64, scratch_operands = 6 : i64, tpu.core_type = #tpu.core_type<sc_vector_subcore>, window_params = [{transform_indices = #map}, {transform_indices = #map1}, {transform_indices = #map1}]} {
    %mul3A = arith.constant 16 : i32
    %mul3A_0 = arith.muli %arg0, %mul3A : i32
    %add3A = arith.addi %mul3A_0, %arg1 : i32
    %mul3A_1 = arith.constant 160 : i32
    %mul3A_2 = arith.muli %add3A, %mul3A_1 : i32
    %add3A_3 = arith.constant 0 : i32
    %add3A_4 = arith.addi %add3A_3, %mul3A_2 : i32
    "tpu.region"() ({
      %run_scoped3A = tpu.sem_alloc : memref<!tpu.dma_semaphore, #tpu.memory_space<semaphore_mem>>
      %dma_start3A_47 = tpu.memref_slice %arg2[%add3A_4] : memref<10240xi32, #tpu.memory_space<hbm>> -> memref<40xi32, #tpu.memory_space<hbm>>
      %dma_start3A_48 = tpu.memref_slice %arg2[%add3A_4] : memref<10240xi32, #tpu.memory_space<hbm>> -> memref<40xi32, #tpu.memory_space<hbm>>
      tpu.enqueue_dma source(%dma_start3A_48 : memref<40xi32, #tpu.memory_space<hbm>>) target(%arg5 : memref<40xi32, #tpu.memory_space<vmem>>) target_semaphore(%run_scoped3A : memref<!tpu.dma_semaphore, #tpu.memory_space<semaphore_mem>>)
      %dma_wait3A_49 = tpu.memref_slice %arg2[%add3A_4] : memref<10240xi32, #tpu.memory_space<hbm>> -> memref<40xi32, #tpu.memory_space<hbm>>
      %dma_wait3A_50 = tpu.memref_slice %arg2[%add3A_4] : memref<10240xi32, #tpu.memory_space<hbm>> -> memref<40xi32, #tpu.memory_space<hbm>>
      tpu.wait_dma2 semaphore(%run_scoped3A : memref<!tpu.dma_semaphore, #tpu.memory_space<semaphore_mem>>) src(%dma_wait3A_50 : memref<40xi32, #tpu.memory_space<hbm>>) dst(%arg5 : memref<40xi32, #tpu.memory_space<vmem>>)
      tpu.yield
    }) : () -> ()
    %dma_start3A = arith.constant 0 : i32
    %dma_start3A_5 = arith.constant 0 : i32
    %dma_start3A_6 = tpu.memref_slice %arg3[%dma_start3A, %dma_start3A_5] : memref<4096x1024xf32, #tpu.memory_space<hbm>> -> memref<4096x1024xf32, #tpu.memory_space<hbm>>
    tpu.enqueue_indirect_dma source(%dma_start3A_6 : memref<4096x1024xf32, #tpu.memory_space<hbm>>) target(%arg7 : memref<40x1024xf32, #tpu.memory_space<vmem>>) offsets(%arg5 : memref<40xi32, #tpu.memory_space<vmem>>) semaphore(%arg9 : memref<!tpu.dma_semaphore, #tpu.memory_space<semaphore_mem>>)
    %add3A_7 = arith.constant 0 : i32
    %add3A_8 = arith.addi %add3A_7, %mul3A_2 : i32
    %add3A_9 = arith.constant 40 : i32
    %add3A_10 = arith.addi %add3A_8, %add3A_9 : i32
    "tpu.region"() ({
      %run_scoped3A = tpu.sem_alloc : memref<!tpu.dma_semaphore, #tpu.memory_space<semaphore_mem>>
      %dma_start3A_47 = tpu.memref_slice %arg2[%add3A_10] : memref<10240xi32, #tpu.memory_space<hbm>> -> memref<40xi32, #tpu.memory_space<hbm>>
      %dma_start3A_48 = tpu.memref_slice %arg2[%add3A_10] : memref<10240xi32, #tpu.memory_space<hbm>> -> memref<40xi32, #tpu.memory_space<hbm>>
      tpu.enqueue_dma source(%dma_start3A_48 : memref<40xi32, #tpu.memory_space<hbm>>) target(%arg6 : memref<40xi32, #tpu.memory_space<vmem>>) target_semaphore(%run_scoped3A : memref<!tpu.dma_semaphore, #tpu.memory_space<semaphore_mem>>)
      %dma_wait3A_49 = tpu.memref_slice %arg2[%add3A_10] : memref<10240xi32, #tpu.memory_space<hbm>> -> memref<40xi32, #tpu.memory_space<hbm>>
      %dma_wait3A_50 = tpu.memref_slice %arg2[%add3A_10] : memref<10240xi32, #tpu.memory_space<hbm>> -> memref<40xi32, #tpu.memory_space<hbm>>
      tpu.wait_dma2 semaphore(%run_scoped3A : memref<!tpu.dma_semaphore, #tpu.memory_space<semaphore_mem>>) src(%dma_wait3A_50 : memref<40xi32, #tpu.memory_space<hbm>>) dst(%arg6 : memref<40xi32, #tpu.memory_space<vmem>>)
      tpu.yield
    }) : () -> ()
    %dma_start3A_11 = arith.constant 0 : i32
    %dma_start3A_12 = arith.constant 0 : i32
    %dma_start3A_13 = tpu.memref_slice %arg3[%dma_start3A_11, %dma_start3A_12] : memref<4096x1024xf32, #tpu.memory_space<hbm>> -> memref<4096x1024xf32, #tpu.memory_space<hbm>>
    tpu.enqueue_indirect_dma source(%dma_start3A_13 : memref<4096x1024xf32, #tpu.memory_space<hbm>>) target(%arg8 : memref<40x1024xf32, #tpu.memory_space<vmem>>) offsets(%arg6 : memref<40xi32, #tpu.memory_space<vmem>>) semaphore(%arg10 : memref<!tpu.dma_semaphore, #tpu.memory_space<semaphore_mem>>)
    %dma_wait3A = arith.constant 0 : i32
    %dma_wait3A_14 = arith.constant 0 : i32
    %dma_wait3A_15 = tpu.memref_slice %arg3[%dma_wait3A, %dma_wait3A_14] : memref<4096x1024xf32, #tpu.memory_space<hbm>> -> memref<4096x1024xf32, #tpu.memory_space<hbm>>
    tpu.wait_indirect_dma semaphore(%arg9 : memref<!tpu.dma_semaphore, #tpu.memory_space<semaphore_mem>>) src(%dma_wait3A_15 : memref<4096x1024xf32, #tpu.memory_space<hbm>>) dst(%arg7 : memref<40x1024xf32, #tpu.memory_space<vmem>>)
    %add3A_16 = arith.constant 0 : i32
    %add3A_17 = arith.addi %mul3A_2, %add3A_16 : i32
    "tpu.region"() ({
      %run_scoped3A = tpu.sem_alloc : memref<!tpu.dma_semaphore, #tpu.memory_space<semaphore_mem>>
      %dma_start3A_47 = arith.constant 0 : i32
      %dma_start3A_48 = tpu.memref_slice %arg4[%add3A_17, %dma_start3A_47] : memref<5120x1024xf32, #tpu.memory_space<hbm>> -> memref<40x1024xf32, #tpu.memory_space<hbm>>
      %dma_start3A_49 = arith.constant 0 : i32
      %dma_start3A_50 = tpu.memref_slice %arg4[%add3A_17, %dma_start3A_49] : memref<5120x1024xf32, #tpu.memory_space<hbm>> -> memref<40x1024xf32, #tpu.memory_space<hbm>>
      tpu.enqueue_dma source(%arg7 : memref<40x1024xf32, #tpu.memory_space<vmem>>) target(%dma_start3A_50 : memref<40x1024xf32, #tpu.memory_space<hbm>>) target_semaphore(%run_scoped3A : memref<!tpu.dma_semaphore, #tpu.memory_space<semaphore_mem>>)
      %dma_wait3A_51 = arith.constant 0 : i32
      %dma_wait3A_52 = tpu.memref_slice %arg4[%add3A_17, %dma_wait3A_51] : memref<5120x1024xf32, #tpu.memory_space<hbm>> -> memref<40x1024xf32, #tpu.memory_space<hbm>>
      %dma_wait3A_53 = arith.constant 0 : i32
      %dma_wait3A_54 = tpu.memref_slice %arg4[%add3A_17, %dma_wait3A_53] : memref<5120x1024xf32, #tpu.memory_space<hbm>> -> memref<40x1024xf32, #tpu.memory_space<hbm>>
      tpu.wait_dma2 semaphore(%run_scoped3A : memref<!tpu.dma_semaphore, #tpu.memory_space<semaphore_mem>>) src(%arg7 : memref<40x1024xf32, #tpu.memory_space<vmem>>) dst(%dma_wait3A_54 : memref<40x1024xf32, #tpu.memory_space<hbm>>)
      tpu.yield
    }) : () -> ()
    %add3A_18 = arith.constant 0 : i32
    %add3A_19 = arith.addi %add3A_18, %mul3A_2 : i32
    %add3A_20 = arith.constant 80 : i32
    %add3A_21 = arith.addi %add3A_19, %add3A_20 : i32
    "tpu.region"() ({
      %run_scoped3A = tpu.sem_alloc : memref<!tpu.dma_semaphore, #tpu.memory_space<semaphore_mem>>
      %dma_start3A_47 = tpu.memref_slice %arg2[%add3A_21] : memref<10240xi32, #tpu.memory_space<hbm>> -> memref<40xi32, #tpu.memory_space<hbm>>
      %dma_start3A_48 = tpu.memref_slice %arg2[%add3A_21] : memref<10240xi32, #tpu.memory_space<hbm>> -> memref<40xi32, #tpu.memory_space<hbm>>
      tpu.enqueue_dma source(%dma_start3A_48 : memref<40xi32, #tpu.memory_space<hbm>>) target(%arg5 : memref<40xi32, #tpu.memory_space<vmem>>) target_semaphore(%run_scoped3A : memref<!tpu.dma_semaphore, #tpu.memory_space<semaphore_mem>>)
      %dma_wait3A_49 = tpu.memref_slice %arg2[%add3A_21] : memref<10240xi32, #tpu.memory_space<hbm>> -> memref<40xi32, #tpu.memory_space<hbm>>
      %dma_wait3A_50 = tpu.memref_slice %arg2[%add3A_21] : memref<10240xi32, #tpu.memory_space<hbm>> -> memref<40xi32, #tpu.memory_space<hbm>>
      tpu.wait_dma2 semaphore(%run_scoped3A : memref<!tpu.dma_semaphore, #tpu.memory_space<semaphore_mem>>) src(%dma_wait3A_50 : memref<40xi32, #tpu.memory_space<hbm>>) dst(%arg5 : memref<40xi32, #tpu.memory_space<vmem>>)
      tpu.yield
    }) : () -> ()
    %dma_start3A_22 = arith.constant 0 : i32
    %dma_start3A_23 = arith.constant 0 : i32
    %dma_start3A_24 = tpu.memref_slice %arg3[%dma_start3A_22, %dma_start3A_23] : memref<4096x1024xf32, #tpu.memory_space<hbm>> -> memref<4096x1024xf32, #tpu.memory_space<hbm>>
    tpu.enqueue_indirect_dma source(%dma_start3A_24 : memref<4096x1024xf32, #tpu.memory_space<hbm>>) target(%arg7 : memref<40x1024xf32, #tpu.memory_space<vmem>>) offsets(%arg5 : memref<40xi32, #tpu.memory_space<vmem>>) semaphore(%arg9 : memref<!tpu.dma_semaphore, #tpu.memory_space<semaphore_mem>>)
    %dma_wait3A_25 = arith.constant 0 : i32
    %dma_wait3A_26 = arith.constant 0 : i32
    %dma_wait3A_27 = tpu.memref_slice %arg3[%dma_wait3A_25, %dma_wait3A_26] : memref<4096x1024xf32, #tpu.memory_space<hbm>> -> memref<4096x1024xf32, #tpu.memory_space<hbm>>
    tpu.wait_indirect_dma semaphore(%arg10 : memref<!tpu.dma_semaphore, #tpu.memory_space<semaphore_mem>>) src(%dma_wait3A_27 : memref<4096x1024xf32, #tpu.memory_space<hbm>>) dst(%arg8 : memref<40x1024xf32, #tpu.memory_space<vmem>>)
    %add3A_28 = arith.constant 40 : i32
    %add3A_29 = arith.addi %mul3A_2, %add3A_28 : i32
    "tpu.region"() ({
      %run_scoped3A = tpu.sem_alloc : memref<!tpu.dma_semaphore, #tpu.memory_space<semaphore_mem>>
      %dma_start3A_47 = arith.constant 0 : i32
      %dma_start3A_48 = tpu.memref_slice %arg4[%add3A_29, %dma_start3A_47] : memref<5120x1024xf32, #tpu.memory_space<hbm>> -> memref<40x1024xf32, #tpu.memory_space<hbm>>
      %dma_start3A_49 = arith.constant 0 : i32
      %dma_start3A_50 = tpu.memref_slice %arg4[%add3A_29, %dma_start3A_49] : memref<5120x1024xf32, #tpu.memory_space<hbm>> -> memref<40x1024xf32, #tpu.memory_space<hbm>>
      tpu.enqueue_dma source(%arg8 : memref<40x1024xf32, #tpu.memory_space<vmem>>) target(%dma_start3A_50 : memref<40x1024xf32, #tpu.memory_space<hbm>>) target_semaphore(%run_scoped3A : memref<!tpu.dma_semaphore, #tpu.memory_space<semaphore_mem>>)
      %dma_wait3A_51 = arith.constant 0 : i32
      %dma_wait3A_52 = tpu.memref_slice %arg4[%add3A_29, %dma_wait3A_51] : memref<5120x1024xf32, #tpu.memory_space<hbm>> -> memref<40x1024xf32, #tpu.memory_space<hbm>>
      %dma_wait3A_53 = arith.constant 0 : i32
      %dma_wait3A_54 = tpu.memref_slice %arg4[%add3A_29, %dma_wait3A_53] : memref<5120x1024xf32, #tpu.memory_space<hbm>> -> memref<40x1024xf32, #tpu.memory_space<hbm>>
      tpu.wait_dma2 semaphore(%run_scoped3A : memref<!tpu.dma_semaphore, #tpu.memory_space<semaphore_mem>>) src(%arg8 : memref<40x1024xf32, #tpu.memory_space<vmem>>) dst(%dma_wait3A_54 : memref<40x1024xf32, #tpu.memory_space<hbm>>)
      tpu.yield
    }) : () -> ()
    %add3A_30 = arith.constant 0 : i32
    %add3A_31 = arith.addi %add3A_30, %mul3A_2 : i32
    %add3A_32 = arith.constant 120 : i32
    %add3A_33 = arith.addi %add3A_31, %add3A_32 : i32
    "tpu.region"() ({
      %run_scoped3A = tpu.sem_alloc : memref<!tpu.dma_semaphore, #tpu.memory_space<semaphore_mem>>
      %dma_start3A_47 = tpu.memref_slice %arg2[%add3A_33] : memref<10240xi32, #tpu.memory_space<hbm>> -> memref<40xi32, #tpu.memory_space<hbm>>
      %dma_start3A_48 = tpu.memref_slice %arg2[%add3A_33] : memref<10240xi32, #tpu.memory_space<hbm>> -> memref<40xi32, #tpu.memory_space<hbm>>
      tpu.enqueue_dma source(%dma_start3A_48 : memref<40xi32, #tpu.memory_space<hbm>>) target(%arg6 : memref<40xi32, #tpu.memory_space<vmem>>) target_semaphore(%run_scoped3A : memref<!tpu.dma_semaphore, #tpu.memory_space<semaphore_mem>>)
      %dma_wait3A_49 = tpu.memref_slice %arg2[%add3A_33] : memref<10240xi32, #tpu.memory_space<hbm>> -> memref<40xi32, #tpu.memory_space<hbm>>
      %dma_wait3A_50 = tpu.memref_slice %arg2[%add3A_33] : memref<10240xi32, #tpu.memory_space<hbm>> -> memref<40xi32, #tpu.memory_space<hbm>>
      tpu.wait_dma2 semaphore(%run_scoped3A : memref<!tpu.dma_semaphore, #tpu.memory_space<semaphore_mem>>) src(%dma_wait3A_50 : memref<40xi32, #tpu.memory_space<hbm>>) dst(%arg6 : memref<40xi32, #tpu.memory_space<vmem>>)
      tpu.yield
    }) : () -> ()
    %dma_start3A_34 = arith.constant 0 : i32
    %dma_start3A_35 = arith.constant 0 : i32
    %dma_start3A_36 = tpu.memref_slice %arg3[%dma_start3A_34, %dma_start3A_35] : memref<4096x1024xf32, #tpu.memory_space<hbm>> -> memref<4096x1024xf32, #tpu.memory_space<hbm>>
    tpu.enqueue_indirect_dma source(%dma_start3A_36 : memref<4096x1024xf32, #tpu.memory_space<hbm>>) target(%arg8 : memref<40x1024xf32, #tpu.memory_space<vmem>>) offsets(%arg6 : memref<40xi32, #tpu.memory_space<vmem>>) semaphore(%arg10 : memref<!tpu.dma_semaphore, #tpu.memory_space<semaphore_mem>>)
    %dma_wait3A_37 = arith.constant 0 : i32
    %dma_wait3A_38 = arith.constant 0 : i32
    %dma_wait3A_39 = tpu.memref_slice %arg3[%dma_wait3A_37, %dma_wait3A_38] : memref<4096x1024xf32, #tpu.memory_space<hbm>> -> memref<4096x1024xf32, #tpu.memory_space<hbm>>
    tpu.wait_indirect_dma semaphore(%arg9 : memref<!tpu.dma_semaphore, #tpu.memory_space<semaphore_mem>>) src(%dma_wait3A_39 : memref<4096x1024xf32, #tpu.memory_space<hbm>>) dst(%arg7 : memref<40x1024xf32, #tpu.memory_space<vmem>>)
    %add3A_40 = arith.constant 80 : i32
    %add3A_41 = arith.addi %mul3A_2, %add3A_40 : i32
    "tpu.region"() ({
      %run_scoped3A = tpu.sem_alloc : memref<!tpu.dma_semaphore, #tpu.memory_space<semaphore_mem>>
      %dma_start3A_47 = arith.constant 0 : i32
      %dma_start3A_48 = tpu.memref_slice %arg4[%add3A_41, %dma_start3A_47] : memref<5120x1024xf32, #tpu.memory_space<hbm>> -> memref<40x1024xf32, #tpu.memory_space<hbm>>
      %dma_start3A_49 = arith.constant 0 : i32
      %dma_start3A_50 = tpu.memref_slice %arg4[%add3A_41, %dma_start3A_49] : memref<5120x1024xf32, #tpu.memory_space<hbm>> -> memref<40x1024xf32, #tpu.memory_space<hbm>>
      tpu.enqueue_dma source(%arg7 : memref<40x1024xf32, #tpu.memory_space<vmem>>) target(%dma_start3A_50 : memref<40x1024xf32, #tpu.memory_space<hbm>>) target_semaphore(%run_scoped3A : memref<!tpu.dma_semaphore, #tpu.memory_space<semaphore_mem>>)
      %dma_wait3A_51 = arith.constant 0 : i32
      %dma_wait3A_52 = tpu.memref_slice %arg4[%add3A_41, %dma_wait3A_51] : memref<5120x1024xf32, #tpu.memory_space<hbm>> -> memref<40x1024xf32, #tpu.memory_space<hbm>>
      %dma_wait3A_53 = arith.constant 0 : i32
      %dma_wait3A_54 = tpu.memref_slice %arg4[%add3A_41, %dma_wait3A_53] : memref<5120x1024xf32, #tpu.memory_space<hbm>> -> memref<40x1024xf32, #tpu.memory_space<hbm>>
      tpu.wait_dma2 semaphore(%run_scoped3A : memref<!tpu.dma_semaphore, #tpu.memory_space<semaphore_mem>>) src(%arg7 : memref<40x1024xf32, #tpu.memory_space<vmem>>) dst(%dma_wait3A_54 : memref<40x1024xf32, #tpu.memory_space<hbm>>)
      tpu.yield
    }) : () -> ()
    %dma_wait3A_42 = arith.constant 0 : i32
    %dma_wait3A_43 = arith.constant 0 : i32
    %dma_wait3A_44 = tpu.memref_slice %arg3[%dma_wait3A_42, %dma_wait3A_43] : memref<4096x1024xf32, #tpu.memory_space<hbm>> -> memref<4096x1024xf32, #tpu.memory_space<hbm>>
    tpu.wait_indirect_dma semaphore(%arg10 : memref<!tpu.dma_semaphore, #tpu.memory_space<semaphore_mem>>) src(%dma_wait3A_44 : memref<4096x1024xf32, #tpu.memory_space<hbm>>) dst(%arg8 : memref<40x1024xf32, #tpu.memory_space<vmem>>)
    %add3A_45 = arith.constant 120 : i32
    %add3A_46 = arith.addi %mul3A_2, %add3A_45 : i32
    "tpu.region"() ({
      %run_scoped3A = tpu.sem_alloc : memref<!tpu.dma_semaphore, #tpu.memory_space<semaphore_mem>>
      %dma_start3A_47 = arith.constant 0 : i32
      %dma_start3A_48 = tpu.memref_slice %arg4[%add3A_46, %dma_start3A_47] : memref<5120x1024xf32, #tpu.memory_space<hbm>> -> memref<40x1024xf32, #tpu.memory_space<hbm>>
      %dma_start3A_49 = arith.constant 0 : i32
      %dma_start3A_50 = tpu.memref_slice %arg4[%add3A_46, %dma_start3A_49] : memref<5120x1024xf32, #tpu.memory_space<hbm>> -> memref<40x1024xf32, #tpu.memory_space<hbm>>
      tpu.enqueue_dma source(%arg8 : memref<40x1024xf32, #tpu.memory_space<vmem>>) target(%dma_start3A_50 : memref<40x1024xf32, #tpu.memory_space<hbm>>) target_semaphore(%run_scoped3A : memref<!tpu.dma_semaphore, #tpu.memory_space<semaphore_mem>>)
      %dma_wait3A_51 = arith.constant 0 : i32
      %dma_wait3A_52 = tpu.memref_slice %arg4[%add3A_46, %dma_wait3A_51] : memref<5120x1024xf32, #tpu.memory_space<hbm>> -> memref<40x1024xf32, #tpu.memory_space<hbm>>
      %dma_wait3A_53 = arith.constant 0 : i32
      %dma_wait3A_54 = tpu.memref_slice %arg4[%add3A_46, %dma_wait3A_53] : memref<5120x1024xf32, #tpu.memory_space<hbm>> -> memref<40x1024xf32, #tpu.memory_space<hbm>>
      tpu.wait_dma2 semaphore(%run_scoped3A : memref<!tpu.dma_semaphore, #tpu.memory_space<semaphore_mem>>) src(%arg8 : memref<40x1024xf32, #tpu.memory_space<vmem>>) dst(%dma_wait3A_54 : memref<40x1024xf32, #tpu.memory_space<hbm>>)
      tpu.yield
    }) : () -> ()
    return
  }
}

#map = affine_map<(d0, d1) -> (0)>
#map1 = affine_map<(d0, d1) -> (0, 0)>
module attributes {stable_mosaic.version = 14 : i64} {
  func.func @_gather_body(%arg0: i32, %arg1: i32, %arg2: memref<10240xi32, #tpu.memory_space<hbm>>, %arg3: memref<4096x1024xf32, #tpu.memory_space<hbm>>, %arg4: memref<5120x1024xf32, #tpu.memory_space<hbm>>, %arg5: memref<40xi32, #tpu.memory_space<vmem>>, %arg6: memref<40xi32, #tpu.memory_space<vmem>>, %arg7: memref<40x1024xf32, #tpu.memory_space<vmem>>, %arg8: memref<40x1024xf32, #tpu.memory_space<vmem>>, %arg9: memref<!tpu.dma_semaphore, #tpu.memory_space<semaphore_mem>>, %arg10: memref<!tpu.dma_semaphore, #tpu.memory_space<semaphore_mem>>) attributes {dimension_semantics = [#tpu.dimension_semantics<core_parallel>, #tpu.dimension_semantics<subcore_parallel>], iteration_bounds = array<i64: 2, 16>, scalar_prefetch = 0 : i64, scratch_operands = 6 : i64, tpu.core_type = #tpu.core_type<sc_vector_subcore>, window_params = [{transform_indices = #map}, {transform_indices = #map1}, {transform_indices = #map1}]} {
    %mul3A = arith.constant 16 : i32
    %mul3A_0 = arith.muli %arg0, %mul3A : i32
    %add3A = arith.addi %mul3A_0, %arg1 : i32
    %mul3A_1 = arith.constant 160 : i32
    %mul3A_2 = arith.muli %add3A, %mul3A_1 : i32
    %add3A_3 = arith.constant 5120 : i32
    %add3A_4 = arith.addi %add3A_3, %mul3A_2 : i32
    "tpu.region"() ({
      %run_scoped3A = tpu.sem_alloc : memref<!tpu.dma_semaphore, #tpu.memory_space<semaphore_mem>>
      %dma_start3A_47 = tpu.memref_slice %arg2[%add3A_4] : memref<10240xi32, #tpu.memory_space<hbm>> -> memref<40xi32, #tpu.memory_space<hbm>>
      %dma_start3A_48 = tpu.memref_slice %arg2[%add3A_4] : memref<10240xi32, #tpu.memory_space<hbm>> -> memref<40xi32, #tpu.memory_space<hbm>>
      tpu.enqueue_dma source(%dma_start3A_48 : memref<40xi32, #tpu.memory_space<hbm>>) target(%arg5 : memref<40xi32, #tpu.memory_space<vmem>>) target_semaphore(%run_scoped3A : memref<!tpu.dma_semaphore, #tpu.memory_space<semaphore_mem>>)
      %dma_wait3A_49 = tpu.memref_slice %arg2[%add3A_4] : memref<10240xi32, #tpu.memory_space<hbm>> -> memref<40xi32, #tpu.memory_space<hbm>>
      %dma_wait3A_50 = tpu.memref_slice %arg2[%add3A_4] : memref<10240xi32, #tpu.memory_space<hbm>> -> memref<40xi32, #tpu.memory_space<hbm>>
      tpu.wait_dma2 semaphore(%run_scoped3A : memref<!tpu.dma_semaphore, #tpu.memory_space<semaphore_mem>>) src(%dma_wait3A_50 : memref<40xi32, #tpu.memory_space<hbm>>) dst(%arg5 : memref<40xi32, #tpu.memory_space<vmem>>)
      tpu.yield
    }) : () -> ()
    %dma_start3A = arith.constant 0 : i32
    %dma_start3A_5 = arith.constant 0 : i32
    %dma_start3A_6 = tpu.memref_slice %arg3[%dma_start3A, %dma_start3A_5] : memref<4096x1024xf32, #tpu.memory_space<hbm>> -> memref<4096x1024xf32, #tpu.memory_space<hbm>>
    tpu.enqueue_indirect_dma source(%dma_start3A_6 : memref<4096x1024xf32, #tpu.memory_space<hbm>>) target(%arg7 : memref<40x1024xf32, #tpu.memory_space<vmem>>) offsets(%arg5 : memref<40xi32, #tpu.memory_space<vmem>>) semaphore(%arg9 : memref<!tpu.dma_semaphore, #tpu.memory_space<semaphore_mem>>)
    %add3A_7 = arith.constant 5120 : i32
    %add3A_8 = arith.addi %add3A_7, %mul3A_2 : i32
    %add3A_9 = arith.constant 40 : i32
    %add3A_10 = arith.addi %add3A_8, %add3A_9 : i32
    "tpu.region"() ({
      %run_scoped3A = tpu.sem_alloc : memref<!tpu.dma_semaphore, #tpu.memory_space<semaphore_mem>>
      %dma_start3A_47 = tpu.memref_slice %arg2[%add3A_10] : memref<10240xi32, #tpu.memory_space<hbm>> -> memref<40xi32, #tpu.memory_space<hbm>>
      %dma_start3A_48 = tpu.memref_slice %arg2[%add3A_10] : memref<10240xi32, #tpu.memory_space<hbm>> -> memref<40xi32, #tpu.memory_space<hbm>>
      tpu.enqueue_dma source(%dma_start3A_48 : memref<40xi32, #tpu.memory_space<hbm>>) target(%arg6 : memref<40xi32, #tpu.memory_space<vmem>>) target_semaphore(%run_scoped3A : memref<!tpu.dma_semaphore, #tpu.memory_space<semaphore_mem>>)
      %dma_wait3A_49 = tpu.memref_slice %arg2[%add3A_10] : memref<10240xi32, #tpu.memory_space<hbm>> -> memref<40xi32, #tpu.memory_space<hbm>>
      %dma_wait3A_50 = tpu.memref_slice %arg2[%add3A_10] : memref<10240xi32, #tpu.memory_space<hbm>> -> memref<40xi32, #tpu.memory_space<hbm>>
      tpu.wait_dma2 semaphore(%run_scoped3A : memref<!tpu.dma_semaphore, #tpu.memory_space<semaphore_mem>>) src(%dma_wait3A_50 : memref<40xi32, #tpu.memory_space<hbm>>) dst(%arg6 : memref<40xi32, #tpu.memory_space<vmem>>)
      tpu.yield
    }) : () -> ()
    %dma_start3A_11 = arith.constant 0 : i32
    %dma_start3A_12 = arith.constant 0 : i32
    %dma_start3A_13 = tpu.memref_slice %arg3[%dma_start3A_11, %dma_start3A_12] : memref<4096x1024xf32, #tpu.memory_space<hbm>> -> memref<4096x1024xf32, #tpu.memory_space<hbm>>
    tpu.enqueue_indirect_dma source(%dma_start3A_13 : memref<4096x1024xf32, #tpu.memory_space<hbm>>) target(%arg8 : memref<40x1024xf32, #tpu.memory_space<vmem>>) offsets(%arg6 : memref<40xi32, #tpu.memory_space<vmem>>) semaphore(%arg10 : memref<!tpu.dma_semaphore, #tpu.memory_space<semaphore_mem>>)
    %dma_wait3A = arith.constant 0 : i32
    %dma_wait3A_14 = arith.constant 0 : i32
    %dma_wait3A_15 = tpu.memref_slice %arg3[%dma_wait3A, %dma_wait3A_14] : memref<4096x1024xf32, #tpu.memory_space<hbm>> -> memref<4096x1024xf32, #tpu.memory_space<hbm>>
    tpu.wait_indirect_dma semaphore(%arg9 : memref<!tpu.dma_semaphore, #tpu.memory_space<semaphore_mem>>) src(%dma_wait3A_15 : memref<4096x1024xf32, #tpu.memory_space<hbm>>) dst(%arg7 : memref<40x1024xf32, #tpu.memory_space<vmem>>)
    %add3A_16 = arith.constant 0 : i32
    %add3A_17 = arith.addi %mul3A_2, %add3A_16 : i32
    "tpu.region"() ({
      %run_scoped3A = tpu.sem_alloc : memref<!tpu.dma_semaphore, #tpu.memory_space<semaphore_mem>>
      %dma_start3A_47 = arith.constant 0 : i32
      %dma_start3A_48 = tpu.memref_slice %arg4[%add3A_17, %dma_start3A_47] : memref<5120x1024xf32, #tpu.memory_space<hbm>> -> memref<40x1024xf32, #tpu.memory_space<hbm>>
      %dma_start3A_49 = arith.constant 0 : i32
      %dma_start3A_50 = tpu.memref_slice %arg4[%add3A_17, %dma_start3A_49] : memref<5120x1024xf32, #tpu.memory_space<hbm>> -> memref<40x1024xf32, #tpu.memory_space<hbm>>
      tpu.enqueue_dma source(%arg7 : memref<40x1024xf32, #tpu.memory_space<vmem>>) target(%dma_start3A_50 : memref<40x1024xf32, #tpu.memory_space<hbm>>) target_semaphore(%run_scoped3A : memref<!tpu.dma_semaphore, #tpu.memory_space<semaphore_mem>>)
      %dma_wait3A_51 = arith.constant 0 : i32
      %dma_wait3A_52 = tpu.memref_slice %arg4[%add3A_17, %dma_wait3A_51] : memref<5120x1024xf32, #tpu.memory_space<hbm>> -> memref<40x1024xf32, #tpu.memory_space<hbm>>
      %dma_wait3A_53 = arith.constant 0 : i32
      %dma_wait3A_54 = tpu.memref_slice %arg4[%add3A_17, %dma_wait3A_53] : memref<5120x1024xf32, #tpu.memory_space<hbm>> -> memref<40x1024xf32, #tpu.memory_space<hbm>>
      tpu.wait_dma2 semaphore(%run_scoped3A : memref<!tpu.dma_semaphore, #tpu.memory_space<semaphore_mem>>) src(%arg7 : memref<40x1024xf32, #tpu.memory_space<vmem>>) dst(%dma_wait3A_54 : memref<40x1024xf32, #tpu.memory_space<hbm>>)
      tpu.yield
    }) : () -> ()
    %add3A_18 = arith.constant 5120 : i32
    %add3A_19 = arith.addi %add3A_18, %mul3A_2 : i32
    %add3A_20 = arith.constant 80 : i32
    %add3A_21 = arith.addi %add3A_19, %add3A_20 : i32
    "tpu.region"() ({
      %run_scoped3A = tpu.sem_alloc : memref<!tpu.dma_semaphore, #tpu.memory_space<semaphore_mem>>
      %dma_start3A_47 = tpu.memref_slice %arg2[%add3A_21] : memref<10240xi32, #tpu.memory_space<hbm>> -> memref<40xi32, #tpu.memory_space<hbm>>
      %dma_start3A_48 = tpu.memref_slice %arg2[%add3A_21] : memref<10240xi32, #tpu.memory_space<hbm>> -> memref<40xi32, #tpu.memory_space<hbm>>
      tpu.enqueue_dma source(%dma_start3A_48 : memref<40xi32, #tpu.memory_space<hbm>>) target(%arg5 : memref<40xi32, #tpu.memory_space<vmem>>) target_semaphore(%run_scoped3A : memref<!tpu.dma_semaphore, #tpu.memory_space<semaphore_mem>>)
      %dma_wait3A_49 = tpu.memref_slice %arg2[%add3A_21] : memref<10240xi32, #tpu.memory_space<hbm>> -> memref<40xi32, #tpu.memory_space<hbm>>
      %dma_wait3A_50 = tpu.memref_slice %arg2[%add3A_21] : memref<10240xi32, #tpu.memory_space<hbm>> -> memref<40xi32, #tpu.memory_space<hbm>>
      tpu.wait_dma2 semaphore(%run_scoped3A : memref<!tpu.dma_semaphore, #tpu.memory_space<semaphore_mem>>) src(%dma_wait3A_50 : memref<40xi32, #tpu.memory_space<hbm>>) dst(%arg5 : memref<40xi32, #tpu.memory_space<vmem>>)
      tpu.yield
    }) : () -> ()
    %dma_start3A_22 = arith.constant 0 : i32
    %dma_start3A_23 = arith.constant 0 : i32
    %dma_start3A_24 = tpu.memref_slice %arg3[%dma_start3A_22, %dma_start3A_23] : memref<4096x1024xf32, #tpu.memory_space<hbm>> -> memref<4096x1024xf32, #tpu.memory_space<hbm>>
    tpu.enqueue_indirect_dma source(%dma_start3A_24 : memref<4096x1024xf32, #tpu.memory_space<hbm>>) target(%arg7 : memref<40x1024xf32, #tpu.memory_space<vmem>>) offsets(%arg5 : memref<40xi32, #tpu.memory_space<vmem>>) semaphore(%arg9 : memref<!tpu.dma_semaphore, #tpu.memory_space<semaphore_mem>>)
    %dma_wait3A_25 = arith.constant 0 : i32
    %dma_wait3A_26 = arith.constant 0 : i32
    %dma_wait3A_27 = tpu.memref_slice %arg3[%dma_wait3A_25, %dma_wait3A_26] : memref<4096x1024xf32, #tpu.memory_space<hbm>> -> memref<4096x1024xf32, #tpu.memory_space<hbm>>
    tpu.wait_indirect_dma semaphore(%arg10 : memref<!tpu.dma_semaphore, #tpu.memory_space<semaphore_mem>>) src(%dma_wait3A_27 : memref<4096x1024xf32, #tpu.memory_space<hbm>>) dst(%arg8 : memref<40x1024xf32, #tpu.memory_space<vmem>>)
    %add3A_28 = arith.constant 40 : i32
    %add3A_29 = arith.addi %mul3A_2, %add3A_28 : i32
    "tpu.region"() ({
      %run_scoped3A = tpu.sem_alloc : memref<!tpu.dma_semaphore, #tpu.memory_space<semaphore_mem>>
      %dma_start3A_47 = arith.constant 0 : i32
      %dma_start3A_48 = tpu.memref_slice %arg4[%add3A_29, %dma_start3A_47] : memref<5120x1024xf32, #tpu.memory_space<hbm>> -> memref<40x1024xf32, #tpu.memory_space<hbm>>
      %dma_start3A_49 = arith.constant 0 : i32
      %dma_start3A_50 = tpu.memref_slice %arg4[%add3A_29, %dma_start3A_49] : memref<5120x1024xf32, #tpu.memory_space<hbm>> -> memref<40x1024xf32, #tpu.memory_space<hbm>>
      tpu.enqueue_dma source(%arg8 : memref<40x1024xf32, #tpu.memory_space<vmem>>) target(%dma_start3A_50 : memref<40x1024xf32, #tpu.memory_space<hbm>>) target_semaphore(%run_scoped3A : memref<!tpu.dma_semaphore, #tpu.memory_space<semaphore_mem>>)
      %dma_wait3A_51 = arith.constant 0 : i32
      %dma_wait3A_52 = tpu.memref_slice %arg4[%add3A_29, %dma_wait3A_51] : memref<5120x1024xf32, #tpu.memory_space<hbm>> -> memref<40x1024xf32, #tpu.memory_space<hbm>>
      %dma_wait3A_53 = arith.constant 0 : i32
      %dma_wait3A_54 = tpu.memref_slice %arg4[%add3A_29, %dma_wait3A_53] : memref<5120x1024xf32, #tpu.memory_space<hbm>> -> memref<40x1024xf32, #tpu.memory_space<hbm>>
      tpu.wait_dma2 semaphore(%run_scoped3A : memref<!tpu.dma_semaphore, #tpu.memory_space<semaphore_mem>>) src(%arg8 : memref<40x1024xf32, #tpu.memory_space<vmem>>) dst(%dma_wait3A_54 : memref<40x1024xf32, #tpu.memory_space<hbm>>)
      tpu.yield
    }) : () -> ()
    %add3A_30 = arith.constant 5120 : i32
    %add3A_31 = arith.addi %add3A_30, %mul3A_2 : i32
    %add3A_32 = arith.constant 120 : i32
    %add3A_33 = arith.addi %add3A_31, %add3A_32 : i32
    "tpu.region"() ({
      %run_scoped3A = tpu.sem_alloc : memref<!tpu.dma_semaphore, #tpu.memory_space<semaphore_mem>>
      %dma_start3A_47 = tpu.memref_slice %arg2[%add3A_33] : memref<10240xi32, #tpu.memory_space<hbm>> -> memref<40xi32, #tpu.memory_space<hbm>>
      %dma_start3A_48 = tpu.memref_slice %arg2[%add3A_33] : memref<10240xi32, #tpu.memory_space<hbm>> -> memref<40xi32, #tpu.memory_space<hbm>>
      tpu.enqueue_dma source(%dma_start3A_48 : memref<40xi32, #tpu.memory_space<hbm>>) target(%arg6 : memref<40xi32, #tpu.memory_space<vmem>>) target_semaphore(%run_scoped3A : memref<!tpu.dma_semaphore, #tpu.memory_space<semaphore_mem>>)
      %dma_wait3A_49 = tpu.memref_slice %arg2[%add3A_33] : memref<10240xi32, #tpu.memory_space<hbm>> -> memref<40xi32, #tpu.memory_space<hbm>>
      %dma_wait3A_50 = tpu.memref_slice %arg2[%add3A_33] : memref<10240xi32, #tpu.memory_space<hbm>> -> memref<40xi32, #tpu.memory_space<hbm>>
      tpu.wait_dma2 semaphore(%run_scoped3A : memref<!tpu.dma_semaphore, #tpu.memory_space<semaphore_mem>>) src(%dma_wait3A_50 : memref<40xi32, #tpu.memory_space<hbm>>) dst(%arg6 : memref<40xi32, #tpu.memory_space<vmem>>)
      tpu.yield
    }) : () -> ()
    %dma_start3A_34 = arith.constant 0 : i32
    %dma_start3A_35 = arith.constant 0 : i32
    %dma_start3A_36 = tpu.memref_slice %arg3[%dma_start3A_34, %dma_start3A_35] : memref<4096x1024xf32, #tpu.memory_space<hbm>> -> memref<4096x1024xf32, #tpu.memory_space<hbm>>
    tpu.enqueue_indirect_dma source(%dma_start3A_36 : memref<4096x1024xf32, #tpu.memory_space<hbm>>) target(%arg8 : memref<40x1024xf32, #tpu.memory_space<vmem>>) offsets(%arg6 : memref<40xi32, #tpu.memory_space<vmem>>) semaphore(%arg10 : memref<!tpu.dma_semaphore, #tpu.memory_space<semaphore_mem>>)
    %dma_wait3A_37 = arith.constant 0 : i32
    %dma_wait3A_38 = arith.constant 0 : i32
    %dma_wait3A_39 = tpu.memref_slice %arg3[%dma_wait3A_37, %dma_wait3A_38] : memref<4096x1024xf32, #tpu.memory_space<hbm>> -> memref<4096x1024xf32, #tpu.memory_space<hbm>>
    tpu.wait_indirect_dma semaphore(%arg9 : memref<!tpu.dma_semaphore, #tpu.memory_space<semaphore_mem>>) src(%dma_wait3A_39 : memref<4096x1024xf32, #tpu.memory_space<hbm>>) dst(%arg7 : memref<40x1024xf32, #tpu.memory_space<vmem>>)
    %add3A_40 = arith.constant 80 : i32
    %add3A_41 = arith.addi %mul3A_2, %add3A_40 : i32
    "tpu.region"() ({
      %run_scoped3A = tpu.sem_alloc : memref<!tpu.dma_semaphore, #tpu.memory_space<semaphore_mem>>
      %dma_start3A_47 = arith.constant 0 : i32
      %dma_start3A_48 = tpu.memref_slice %arg4[%add3A_41, %dma_start3A_47] : memref<5120x1024xf32, #tpu.memory_space<hbm>> -> memref<40x1024xf32, #tpu.memory_space<hbm>>
      %dma_start3A_49 = arith.constant 0 : i32
      %dma_start3A_50 = tpu.memref_slice %arg4[%add3A_41, %dma_start3A_49] : memref<5120x1024xf32, #tpu.memory_space<hbm>> -> memref<40x1024xf32, #tpu.memory_space<hbm>>
      tpu.enqueue_dma source(%arg7 : memref<40x1024xf32, #tpu.memory_space<vmem>>) target(%dma_start3A_50 : memref<40x1024xf32, #tpu.memory_space<hbm>>) target_semaphore(%run_scoped3A : memref<!tpu.dma_semaphore, #tpu.memory_space<semaphore_mem>>)
      %dma_wait3A_51 = arith.constant 0 : i32
      %dma_wait3A_52 = tpu.memref_slice %arg4[%add3A_41, %dma_wait3A_51] : memref<5120x1024xf32, #tpu.memory_space<hbm>> -> memref<40x1024xf32, #tpu.memory_space<hbm>>
      %dma_wait3A_53 = arith.constant 0 : i32
      %dma_wait3A_54 = tpu.memref_slice %arg4[%add3A_41, %dma_wait3A_53] : memref<5120x1024xf32, #tpu.memory_space<hbm>> -> memref<40x1024xf32, #tpu.memory_space<hbm>>
      tpu.wait_dma2 semaphore(%run_scoped3A : memref<!tpu.dma_semaphore, #tpu.memory_space<semaphore_mem>>) src(%arg7 : memref<40x1024xf32, #tpu.memory_space<vmem>>) dst(%dma_wait3A_54 : memref<40x1024xf32, #tpu.memory_space<hbm>>)
      tpu.yield
    }) : () -> ()
    %dma_wait3A_42 = arith.constant 0 : i32
    %dma_wait3A_43 = arith.constant 0 : i32
    %dma_wait3A_44 = tpu.memref_slice %arg3[%dma_wait3A_42, %dma_wait3A_43] : memref<4096x1024xf32, #tpu.memory_space<hbm>> -> memref<4096x1024xf32, #tpu.memory_space<hbm>>
    tpu.wait_indirect_dma semaphore(%arg10 : memref<!tpu.dma_semaphore, #tpu.memory_space<semaphore_mem>>) src(%dma_wait3A_44 : memref<4096x1024xf32, #tpu.memory_space<hbm>>) dst(%arg8 : memref<40x1024xf32, #tpu.memory_space<vmem>>)
    %add3A_45 = arith.constant 120 : i32
    %add3A_46 = arith.addi %mul3A_2, %add3A_45 : i32
    "tpu.region"() ({
      %run_scoped3A = tpu.sem_alloc : memref<!tpu.dma_semaphore, #tpu.memory_space<semaphore_mem>>
      %dma_start3A_47 = arith.constant 0 : i32
      %dma_start3A_48 = tpu.memref_slice %arg4[%add3A_46, %dma_start3A_47] : memref<5120x1024xf32, #tpu.memory_space<hbm>> -> memref<40x1024xf32, #tpu.memory_space<hbm>>
      %dma_start3A_49 = arith.constant 0 : i32
      %dma_start3A_50 = tpu.memref_slice %arg4[%add3A_46, %dma_start3A_49] : memref<5120x1024xf32, #tpu.memory_space<hbm>> -> memref<40x1024xf32, #tpu.memory_space<hbm>>
      tpu.enqueue_dma source(%arg8 : memref<40x1024xf32, #tpu.memory_space<vmem>>) target(%dma_start3A_50 : memref<40x1024xf32, #tpu.memory_space<hbm>>) target_semaphore(%run_scoped3A : memref<!tpu.dma_semaphore, #tpu.memory_space<semaphore_mem>>)
      %dma_wait3A_51 = arith.constant 0 : i32
      %dma_wait3A_52 = tpu.memref_slice %arg4[%add3A_46, %dma_wait3A_51] : memref<5120x1024xf32, #tpu.memory_space<hbm>> -> memref<40x1024xf32, #tpu.memory_space<hbm>>
      %dma_wait3A_53 = arith.constant 0 : i32
      %dma_wait3A_54 = tpu.memref_slice %arg4[%add3A_46, %dma_wait3A_53] : memref<5120x1024xf32, #tpu.memory_space<hbm>> -> memref<40x1024xf32, #tpu.memory_space<hbm>>
      tpu.wait_dma2 semaphore(%run_scoped3A : memref<!tpu.dma_semaphore, #tpu.memory_space<semaphore_mem>>) src(%arg8 : memref<40x1024xf32, #tpu.memory_space<vmem>>) dst(%dma_wait3A_54 : memref<40x1024xf32, #tpu.memory_space<hbm>>)
      tpu.yield
    }) : () -> ()
    return
  }
}

#map = affine_map<(d0, d1) -> (0, 0, 0)>
#map1 = affine_map<(d0, d1) -> (0)>
module attributes {stable_mosaic.version = 14 : i64} {
  func.func @_scatter_body(%arg0: i32, %arg1: i32, %arg2: memref<16x4x128xi32, #tpu.memory_space<hbm>>, %arg3: memref<8192xi32, #tpu.memory_space<hbm>>, %arg4: memref<8192xf32, #tpu.memory_space<hbm>>, %arg5: memref<10240xi32, #tpu.memory_space<hbm>>, %arg6: memref<10240xf32, #tpu.memory_space<hbm>>, %arg7: memref<10240xi32, #tpu.memory_space<hbm>>, %arg8: memref<10240xf32, #tpu.memory_space<hbm>>, %arg9: memref<4x128xi32, #tpu.memory_space<vmem>>, %arg10: memref<512xi32, #tpu.memory_space<vmem>>, %arg11: memref<512xf32, #tpu.memory_space<vmem>>, %arg12: memref<640xf32, #tpu.memory_space<vmem>>, %arg13: memref<640xi32, #tpu.memory_space<vmem>>, %arg14: memref<10240xi32, #tpu.memory_space<vmem_shared>>, %arg15: memref<10240xf32, #tpu.memory_space<vmem_shared>>) attributes {dimension_semantics = [#tpu.dimension_semantics<core_parallel>, #tpu.dimension_semantics<subcore_parallel>], iteration_bounds = array<i64: 2, 16>, scalar_prefetch = 0 : i64, scratch_operands = 7 : i64, tpu.core_type = #tpu.core_type<sc_vector_subcore>, window_params = [{transform_indices = #map}, {transform_indices = #map1}, {transform_indices = #map1}, {transform_indices = #map1}, {transform_indices = #map1}, {transform_indices = #map1}, {transform_indices = #map1}]} {
    %eq3A = arith.constant 0 : i32
    %eq3A_0 = arith.cmpi eq, %arg1, %eq3A : i32
    %convert_element_type3A = arith.extui %eq3A_0 : i1 to i32
    %cond3A = arith.constant 0 : i32
    %cond3A_1 = arith.cmpi ne, %convert_element_type3A, %cond3A : i32
    scf.if %cond3A_1 {
      "tpu.region"() ({
        %run_scoped3A_21 = tpu.sem_alloc : memref<!tpu.dma_semaphore, #tpu.memory_space<semaphore_mem>>
        tpu.enqueue_dma source(%arg5 : memref<10240xi32, #tpu.memory_space<hbm>>) target(%arg14 : memref<10240xi32, #tpu.memory_space<vmem_shared>>) target_semaphore(%run_scoped3A_21 : memref<!tpu.dma_semaphore, #tpu.memory_space<semaphore_mem>>)
        tpu.wait_dma2 semaphore(%run_scoped3A_21 : memref<!tpu.dma_semaphore, #tpu.memory_space<semaphore_mem>>) src(%arg5 : memref<10240xi32, #tpu.memory_space<hbm>>) dst(%arg14 : memref<10240xi32, #tpu.memory_space<vmem_shared>>)
        tpu.yield
      }) : () -> ()
      "tpu.region"() ({
        %run_scoped3A_21 = tpu.sem_alloc : memref<!tpu.dma_semaphore, #tpu.memory_space<semaphore_mem>>
        tpu.enqueue_dma source(%arg6 : memref<10240xf32, #tpu.memory_space<hbm>>) target(%arg15 : memref<10240xf32, #tpu.memory_space<vmem_shared>>) target_semaphore(%run_scoped3A_21 : memref<!tpu.dma_semaphore, #tpu.memory_space<semaphore_mem>>)
        tpu.wait_dma2 semaphore(%run_scoped3A_21 : memref<!tpu.dma_semaphore, #tpu.memory_space<semaphore_mem>>) src(%arg6 : memref<10240xf32, #tpu.memory_space<hbm>>) dst(%arg15 : memref<10240xf32, #tpu.memory_space<vmem_shared>>)
        tpu.yield
      }) : () -> ()
    } else {
    }
    %barrier3A = arith.constant 0 : index
    tpu.barrier barrier_id(%barrier3A)
    %mul3A = arith.constant 512 : i32
    %mul3A_2 = arith.muli %arg1, %mul3A : i32
    "tpu.region"() ({
      %run_scoped3A_21 = tpu.sem_alloc : memref<!tpu.dma_semaphore, #tpu.memory_space<semaphore_mem>>
      %dma_start3A = arith.constant 0 : i32
      %dma_start3A_22 = arith.constant 0 : i32
      %dma_start3A_23 = tpu.memref_slice %arg2[%arg1, %dma_start3A, %dma_start3A_22] : memref<16x4x128xi32, #tpu.memory_space<hbm>> -> memref<1x4x128xi32, #tpu.memory_space<hbm>>
      %dma_start3A_24 = tpu.memref_squeeze %dma_start3A_23 : memref<1x4x128xi32, #tpu.memory_space<hbm>> -> memref<4x128xi32, #tpu.memory_space<hbm>>
      %dma_start3A_25 = arith.constant 0 : i32
      %dma_start3A_26 = arith.constant 0 : i32
      %dma_start3A_27 = tpu.memref_slice %arg2[%arg1, %dma_start3A_25, %dma_start3A_26] : memref<16x4x128xi32, #tpu.memory_space<hbm>> -> memref<1x4x128xi32, #tpu.memory_space<hbm>>
      %dma_start3A_28 = tpu.memref_squeeze %dma_start3A_27 : memref<1x4x128xi32, #tpu.memory_space<hbm>> -> memref<4x128xi32, #tpu.memory_space<hbm>>
      tpu.enqueue_dma source(%dma_start3A_28 : memref<4x128xi32, #tpu.memory_space<hbm>>) target(%arg9 : memref<4x128xi32, #tpu.memory_space<vmem>>) target_semaphore(%run_scoped3A_21 : memref<!tpu.dma_semaphore, #tpu.memory_space<semaphore_mem>>)
      %dma_wait3A = arith.constant 0 : i32
      %dma_wait3A_29 = arith.constant 0 : i32
      %dma_wait3A_30 = tpu.memref_slice %arg2[%arg1, %dma_wait3A, %dma_wait3A_29] : memref<16x4x128xi32, #tpu.memory_space<hbm>> -> memref<1x4x128xi32, #tpu.memory_space<hbm>>
      %dma_wait3A_31 = tpu.memref_squeeze %dma_wait3A_30 : memref<1x4x128xi32, #tpu.memory_space<hbm>> -> memref<4x128xi32, #tpu.memory_space<hbm>>
      %dma_wait3A_32 = arith.constant 0 : i32
      %dma_wait3A_33 = arith.constant 0 : i32
      %dma_wait3A_34 = tpu.memref_slice %arg2[%arg1, %dma_wait3A_32, %dma_wait3A_33] : memref<16x4x128xi32, #tpu.memory_space<hbm>> -> memref<1x4x128xi32, #tpu.memory_space<hbm>>
      %dma_wait3A_35 = tpu.memref_squeeze %dma_wait3A_34 : memref<1x4x128xi32, #tpu.memory_space<hbm>> -> memref<4x128xi32, #tpu.memory_space<hbm>>
      tpu.wait_dma2 semaphore(%run_scoped3A_21 : memref<!tpu.dma_semaphore, #tpu.memory_space<semaphore_mem>>) src(%dma_wait3A_35 : memref<4x128xi32, #tpu.memory_space<hbm>>) dst(%arg9 : memref<4x128xi32, #tpu.memory_space<vmem>>)
      tpu.yield
    }) : () -> ()
    "tpu.region"() ({
      %run_scoped3A_21 = tpu.sem_alloc : memref<!tpu.dma_semaphore, #tpu.memory_space<semaphore_mem>>
      %dma_start3A = tpu.memref_slice %arg3[%mul3A_2] : memref<8192xi32, #tpu.memory_space<hbm>> -> memref<512xi32, #tpu.memory_space<hbm>>
      %dma_start3A_22 = tpu.memref_slice %arg3[%mul3A_2] : memref<8192xi32, #tpu.memory_space<hbm>> -> memref<512xi32, #tpu.memory_space<hbm>>
      tpu.enqueue_dma source(%dma_start3A_22 : memref<512xi32, #tpu.memory_space<hbm>>) target(%arg10 : memref<512xi32, #tpu.memory_space<vmem>>) target_semaphore(%run_scoped3A_21 : memref<!tpu.dma_semaphore, #tpu.memory_space<semaphore_mem>>)
      %dma_wait3A = tpu.memref_slice %arg3[%mul3A_2] : memref<8192xi32, #tpu.memory_space<hbm>> -> memref<512xi32, #tpu.memory_space<hbm>>
      %dma_wait3A_23 = tpu.memref_slice %arg3[%mul3A_2] : memref<8192xi32, #tpu.memory_space<hbm>> -> memref<512xi32, #tpu.memory_space<hbm>>
      tpu.wait_dma2 semaphore(%run_scoped3A_21 : memref<!tpu.dma_semaphore, #tpu.memory_space<semaphore_mem>>) src(%dma_wait3A_23 : memref<512xi32, #tpu.memory_space<hbm>>) dst(%arg10 : memref<512xi32, #tpu.memory_space<vmem>>)
      tpu.yield
    }) : () -> ()
    "tpu.region"() ({
      %run_scoped3A_21 = tpu.sem_alloc : memref<!tpu.dma_semaphore, #tpu.memory_space<semaphore_mem>>
      %dma_start3A = tpu.memref_slice %arg4[%mul3A_2] : memref<8192xf32, #tpu.memory_space<hbm>> -> memref<512xf32, #tpu.memory_space<hbm>>
      %dma_start3A_22 = tpu.memref_slice %arg4[%mul3A_2] : memref<8192xf32, #tpu.memory_space<hbm>> -> memref<512xf32, #tpu.memory_space<hbm>>
      tpu.enqueue_dma source(%dma_start3A_22 : memref<512xf32, #tpu.memory_space<hbm>>) target(%arg11 : memref<512xf32, #tpu.memory_space<vmem>>) target_semaphore(%run_scoped3A_21 : memref<!tpu.dma_semaphore, #tpu.memory_space<semaphore_mem>>)
      %dma_wait3A = tpu.memref_slice %arg4[%mul3A_2] : memref<8192xf32, #tpu.memory_space<hbm>> -> memref<512xf32, #tpu.memory_space<hbm>>
      %dma_wait3A_23 = tpu.memref_slice %arg4[%mul3A_2] : memref<8192xf32, #tpu.memory_space<hbm>> -> memref<512xf32, #tpu.memory_space<hbm>>
      tpu.wait_dma2 semaphore(%run_scoped3A_21 : memref<!tpu.dma_semaphore, #tpu.memory_space<semaphore_mem>>) src(%dma_wait3A_23 : memref<512xf32, #tpu.memory_space<hbm>>) dst(%arg11 : memref<512xf32, #tpu.memory_space<vmem>>)
      tpu.yield
    }) : () -> ()
    %run_scoped3A = arith.constant 0 : i32
    "tpu.region"() ({
      %run_scoped3A_21 = tpu.sem_alloc : memref<!tpu.dma_semaphore, #tpu.memory_space<semaphore_mem>>
      %dma_start3A = arith.constant 0 : i32
      %dma_start3A_22 = tpu.memref_slice %arg10[%dma_start3A] : memref<512xi32, #tpu.memory_space<vmem>> -> memref<128xi32, #tpu.memory_space<vmem>>
      %dma_start3A_23 = arith.constant 0 : i32
      %dma_start3A_24 = tpu.memref_slice %arg9[%run_scoped3A, %dma_start3A_23] : memref<4x128xi32, #tpu.memory_space<vmem>> -> memref<1x128xi32, #tpu.memory_space<vmem>>
      %dma_start3A_25 = tpu.memref_squeeze %dma_start3A_24 : memref<1x128xi32, #tpu.memory_space<vmem>> -> memref<128xi32, #tpu.memory_space<vmem>>
      %dma_start3A_26 = arith.constant 0 : i32
      %dma_start3A_27 = tpu.memref_slice %arg14[%dma_start3A_26] : memref<10240xi32, #tpu.memory_space<vmem_shared>> -> memref<10240xi32, #tpu.memory_space<vmem_shared>>
      tpu.enqueue_indirect_dma source(%dma_start3A_22 : memref<128xi32, #tpu.memory_space<vmem>>) target(%dma_start3A_27 : memref<10240xi32, #tpu.memory_space<vmem_shared>>) offsets(%dma_start3A_25 : memref<128xi32, #tpu.memory_space<vmem>>) semaphore(%run_scoped3A_21 : memref<!tpu.dma_semaphore, #tpu.memory_space<semaphore_mem>>) {add = true}
      %dma_wait3A = arith.constant 0 : i32
      %dma_wait3A_28 = tpu.memref_slice %arg10[%dma_wait3A] : memref<512xi32, #tpu.memory_space<vmem>> -> memref<128xi32, #tpu.memory_space<vmem>>
      %dma_wait3A_29 = arith.constant 0 : i32
      %dma_wait3A_30 = tpu.memref_slice %arg9[%run_scoped3A, %dma_wait3A_29] : memref<4x128xi32, #tpu.memory_space<vmem>> -> memref<1x128xi32, #tpu.memory_space<vmem>>
      %dma_wait3A_31 = tpu.memref_squeeze %dma_wait3A_30 : memref<1x128xi32, #tpu.memory_space<vmem>> -> memref<128xi32, #tpu.memory_space<vmem>>
      %dma_wait3A_32 = arith.constant 0 : i32
      %dma_wait3A_33 = tpu.memref_slice %arg14[%dma_wait3A_32] : memref<10240xi32, #tpu.memory_space<vmem_shared>> -> memref<10240xi32, #tpu.memory_space<vmem_shared>>
      tpu.wait_indirect_dma semaphore(%run_scoped3A_21 : memref<!tpu.dma_semaphore, #tpu.memory_space<semaphore_mem>>) src(%dma_wait3A_28 : memref<128xi32, #tpu.memory_space<vmem>>) dst(%dma_wait3A_33 : memref<10240xi32, #tpu.memory_space<vmem_shared>>)
      tpu.yield
    }) : () -> ()
    %run_scoped3A_3 = arith.constant 0 : i32
    "tpu.region"() ({
      %run_scoped3A_21 = tpu.sem_alloc : memref<!tpu.dma_semaphore, #tpu.memory_space<semaphore_mem>>
      %dma_start3A = arith.constant 0 : i32
      %dma_start3A_22 = tpu.memref_slice %arg11[%dma_start3A] : memref<512xf32, #tpu.memory_space<vmem>> -> memref<128xf32, #tpu.memory_space<vmem>>
      %dma_start3A_23 = arith.constant 0 : i32
      %dma_start3A_24 = tpu.memref_slice %arg9[%run_scoped3A_3, %dma_start3A_23] : memref<4x128xi32, #tpu.memory_space<vmem>> -> memref<1x128xi32, #tpu.memory_space<vmem>>
      %dma_start3A_25 = tpu.memref_squeeze %dma_start3A_24 : memref<1x128xi32, #tpu.memory_space<vmem>> -> memref<128xi32, #tpu.memory_space<vmem>>
      %dma_start3A_26 = arith.constant 0 : i32
      %dma_start3A_27 = tpu.memref_slice %arg15[%dma_start3A_26] : memref<10240xf32, #tpu.memory_space<vmem_shared>> -> memref<10240xf32, #tpu.memory_space<vmem_shared>>
      tpu.enqueue_indirect_dma source(%dma_start3A_22 : memref<128xf32, #tpu.memory_space<vmem>>) target(%dma_start3A_27 : memref<10240xf32, #tpu.memory_space<vmem_shared>>) offsets(%dma_start3A_25 : memref<128xi32, #tpu.memory_space<vmem>>) semaphore(%run_scoped3A_21 : memref<!tpu.dma_semaphore, #tpu.memory_space<semaphore_mem>>) {add = true}
      %dma_wait3A = arith.constant 0 : i32
      %dma_wait3A_28 = tpu.memref_slice %arg11[%dma_wait3A] : memref<512xf32, #tpu.memory_space<vmem>> -> memref<128xf32, #tpu.memory_space<vmem>>
      %dma_wait3A_29 = arith.constant 0 : i32
      %dma_wait3A_30 = tpu.memref_slice %arg9[%run_scoped3A_3, %dma_wait3A_29] : memref<4x128xi32, #tpu.memory_space<vmem>> -> memref<1x128xi32, #tpu.memory_space<vmem>>
      %dma_wait3A_31 = tpu.memref_squeeze %dma_wait3A_30 : memref<1x128xi32, #tpu.memory_space<vmem>> -> memref<128xi32, #tpu.memory_space<vmem>>
      %dma_wait3A_32 = arith.constant 0 : i32
      %dma_wait3A_33 = tpu.memref_slice %arg15[%dma_wait3A_32] : memref<10240xf32, #tpu.memory_space<vmem_shared>> -> memref<10240xf32, #tpu.memory_space<vmem_shared>>
      tpu.wait_indirect_dma semaphore(%run_scoped3A_21 : memref<!tpu.dma_semaphore, #tpu.memory_space<semaphore_mem>>) src(%dma_wait3A_28 : memref<128xf32, #tpu.memory_space<vmem>>) dst(%dma_wait3A_33 : memref<10240xf32, #tpu.memory_space<vmem_shared>>)
      tpu.yield
    }) : () -> ()
    %run_scoped3A_4 = arith.constant 1 : i32
    "tpu.region"() ({
      %run_scoped3A_21 = tpu.sem_alloc : memref<!tpu.dma_semaphore, #tpu.memory_space<semaphore_mem>>
      %dma_start3A = arith.constant 128 : i32
      %dma_start3A_22 = tpu.memref_slice %arg10[%dma_start3A] : memref<512xi32, #tpu.memory_space<vmem>> -> memref<128xi32, #tpu.memory_space<vmem>>
      %dma_start3A_23 = arith.constant 0 : i32
      %dma_start3A_24 = tpu.memref_slice %arg9[%run_scoped3A_4, %dma_start3A_23] : memref<4x128xi32, #tpu.memory_space<vmem>> -> memref<1x128xi32, #tpu.memory_space<vmem>>
      %dma_start3A_25 = tpu.memref_squeeze %dma_start3A_24 : memref<1x128xi32, #tpu.memory_space<vmem>> -> memref<128xi32, #tpu.memory_space<vmem>>
      %dma_start3A_26 = arith.constant 0 : i32
      %dma_start3A_27 = tpu.memref_slice %arg14[%dma_start3A_26] : memref<10240xi32, #tpu.memory_space<vmem_shared>> -> memref<10240xi32, #tpu.memory_space<vmem_shared>>
      tpu.enqueue_indirect_dma source(%dma_start3A_22 : memref<128xi32, #tpu.memory_space<vmem>>) target(%dma_start3A_27 : memref<10240xi32, #tpu.memory_space<vmem_shared>>) offsets(%dma_start3A_25 : memref<128xi32, #tpu.memory_space<vmem>>) semaphore(%run_scoped3A_21 : memref<!tpu.dma_semaphore, #tpu.memory_space<semaphore_mem>>) {add = true}
      %dma_wait3A = arith.constant 128 : i32
      %dma_wait3A_28 = tpu.memref_slice %arg10[%dma_wait3A] : memref<512xi32, #tpu.memory_space<vmem>> -> memref<128xi32, #tpu.memory_space<vmem>>
      %dma_wait3A_29 = arith.constant 0 : i32
      %dma_wait3A_30 = tpu.memref_slice %arg9[%run_scoped3A_4, %dma_wait3A_29] : memref<4x128xi32, #tpu.memory_space<vmem>> -> memref<1x128xi32, #tpu.memory_space<vmem>>
      %dma_wait3A_31 = tpu.memref_squeeze %dma_wait3A_30 : memref<1x128xi32, #tpu.memory_space<vmem>> -> memref<128xi32, #tpu.memory_space<vmem>>
      %dma_wait3A_32 = arith.constant 0 : i32
      %dma_wait3A_33 = tpu.memref_slice %arg14[%dma_wait3A_32] : memref<10240xi32, #tpu.memory_space<vmem_shared>> -> memref<10240xi32, #tpu.memory_space<vmem_shared>>
      tpu.wait_indirect_dma semaphore(%run_scoped3A_21 : memref<!tpu.dma_semaphore, #tpu.memory_space<semaphore_mem>>) src(%dma_wait3A_28 : memref<128xi32, #tpu.memory_space<vmem>>) dst(%dma_wait3A_33 : memref<10240xi32, #tpu.memory_space<vmem_shared>>)
      tpu.yield
    }) : () -> ()
    %run_scoped3A_5 = arith.constant 1 : i32
    "tpu.region"() ({
      %run_scoped3A_21 = tpu.sem_alloc : memref<!tpu.dma_semaphore, #tpu.memory_space<semaphore_mem>>
      %dma_start3A = arith.constant 128 : i32
      %dma_start3A_22 = tpu.memref_slice %arg11[%dma_start3A] : memref<512xf32, #tpu.memory_space<vmem>> -> memref<128xf32, #tpu.memory_space<vmem>>
      %dma_start3A_23 = arith.constant 0 : i32
      %dma_start3A_24 = tpu.memref_slice %arg9[%run_scoped3A_5, %dma_start3A_23] : memref<4x128xi32, #tpu.memory_space<vmem>> -> memref<1x128xi32, #tpu.memory_space<vmem>>
      %dma_start3A_25 = tpu.memref_squeeze %dma_start3A_24 : memref<1x128xi32, #tpu.memory_space<vmem>> -> memref<128xi32, #tpu.memory_space<vmem>>
      %dma_start3A_26 = arith.constant 0 : i32
      %dma_start3A_27 = tpu.memref_slice %arg15[%dma_start3A_26] : memref<10240xf32, #tpu.memory_space<vmem_shared>> -> memref<10240xf32, #tpu.memory_space<vmem_shared>>
      tpu.enqueue_indirect_dma source(%dma_start3A_22 : memref<128xf32, #tpu.memory_space<vmem>>) target(%dma_start3A_27 : memref<10240xf32, #tpu.memory_space<vmem_shared>>) offsets(%dma_start3A_25 : memref<128xi32, #tpu.memory_space<vmem>>) semaphore(%run_scoped3A_21 : memref<!tpu.dma_semaphore, #tpu.memory_space<semaphore_mem>>) {add = true}
      %dma_wait3A = arith.constant 128 : i32
      %dma_wait3A_28 = tpu.memref_slice %arg11[%dma_wait3A] : memref<512xf32, #tpu.memory_space<vmem>> -> memref<128xf32, #tpu.memory_space<vmem>>
      %dma_wait3A_29 = arith.constant 0 : i32
      %dma_wait3A_30 = tpu.memref_slice %arg9[%run_scoped3A_5, %dma_wait3A_29] : memref<4x128xi32, #tpu.memory_space<vmem>> -> memref<1x128xi32, #tpu.memory_space<vmem>>
      %dma_wait3A_31 = tpu.memref_squeeze %dma_wait3A_30 : memref<1x128xi32, #tpu.memory_space<vmem>> -> memref<128xi32, #tpu.memory_space<vmem>>
      %dma_wait3A_32 = arith.constant 0 : i32
      %dma_wait3A_33 = tpu.memref_slice %arg15[%dma_wait3A_32] : memref<10240xf32, #tpu.memory_space<vmem_shared>> -> memref<10240xf32, #tpu.memory_space<vmem_shared>>
      tpu.wait_indirect_dma semaphore(%run_scoped3A_21 : memref<!tpu.dma_semaphore, #tpu.memory_space<semaphore_mem>>) src(%dma_wait3A_28 : memref<128xf32, #tpu.memory_space<vmem>>) dst(%dma_wait3A_33 : memref<10240xf32, #tpu.memory_space<vmem_shared>>)
      tpu.yield
    }) : () -> ()
    %run_scoped3A_6 = arith.constant 2 : i32
    "tpu.region"() ({
      %run_scoped3A_21 = tpu.sem_alloc : memref<!tpu.dma_semaphore, #tpu.memory_space<semaphore_mem>>
      %dma_start3A = arith.constant 256 : i32
      %dma_start3A_22 = tpu.memref_slice %arg10[%dma_start3A] : memref<512xi32, #tpu.memory_space<vmem>> -> memref<128xi32, #tpu.memory_space<vmem>>
      %dma_start3A_23 = arith.constant 0 : i32
      %dma_start3A_24 = tpu.memref_slice %arg9[%run_scoped3A_6, %dma_start3A_23] : memref<4x128xi32, #tpu.memory_space<vmem>> -> memref<1x128xi32, #tpu.memory_space<vmem>>
      %dma_start3A_25 = tpu.memref_squeeze %dma_start3A_24 : memref<1x128xi32, #tpu.memory_space<vmem>> -> memref<128xi32, #tpu.memory_space<vmem>>
      %dma_start3A_26 = arith.constant 0 : i32
      %dma_start3A_27 = tpu.memref_slice %arg14[%dma_start3A_26] : memref<10240xi32, #tpu.memory_space<vmem_shared>> -> memref<10240xi32, #tpu.memory_space<vmem_shared>>
      tpu.enqueue_indirect_dma source(%dma_start3A_22 : memref<128xi32, #tpu.memory_space<vmem>>) target(%dma_start3A_27 : memref<10240xi32, #tpu.memory_space<vmem_shared>>) offsets(%dma_start3A_25 : memref<128xi32, #tpu.memory_space<vmem>>) semaphore(%run_scoped3A_21 : memref<!tpu.dma_semaphore, #tpu.memory_space<semaphore_mem>>) {add = true}
      %dma_wait3A = arith.constant 256 : i32
      %dma_wait3A_28 = tpu.memref_slice %arg10[%dma_wait3A] : memref<512xi32, #tpu.memory_space<vmem>> -> memref<128xi32, #tpu.memory_space<vmem>>
      %dma_wait3A_29 = arith.constant 0 : i32
      %dma_wait3A_30 = tpu.memref_slice %arg9[%run_scoped3A_6, %dma_wait3A_29] : memref<4x128xi32, #tpu.memory_space<vmem>> -> memref<1x128xi32, #tpu.memory_space<vmem>>
      %dma_wait3A_31 = tpu.memref_squeeze %dma_wait3A_30 : memref<1x128xi32, #tpu.memory_space<vmem>> -> memref<128xi32, #tpu.memory_space<vmem>>
      %dma_wait3A_32 = arith.constant 0 : i32
      %dma_wait3A_33 = tpu.memref_slice %arg14[%dma_wait3A_32] : memref<10240xi32, #tpu.memory_space<vmem_shared>> -> memref<10240xi32, #tpu.memory_space<vmem_shared>>
      tpu.wait_indirect_dma semaphore(%run_scoped3A_21 : memref<!tpu.dma_semaphore, #tpu.memory_space<semaphore_mem>>) src(%dma_wait3A_28 : memref<128xi32, #tpu.memory_space<vmem>>) dst(%dma_wait3A_33 : memref<10240xi32, #tpu.memory_space<vmem_shared>>)
      tpu.yield
    }) : () -> ()
    %run_scoped3A_7 = arith.constant 2 : i32
    "tpu.region"() ({
      %run_scoped3A_21 = tpu.sem_alloc : memref<!tpu.dma_semaphore, #tpu.memory_space<semaphore_mem>>
      %dma_start3A = arith.constant 256 : i32
      %dma_start3A_22 = tpu.memref_slice %arg11[%dma_start3A] : memref<512xf32, #tpu.memory_space<vmem>> -> memref<128xf32, #tpu.memory_space<vmem>>
      %dma_start3A_23 = arith.constant 0 : i32
      %dma_start3A_24 = tpu.memref_slice %arg9[%run_scoped3A_7, %dma_start3A_23] : memref<4x128xi32, #tpu.memory_space<vmem>> -> memref<1x128xi32, #tpu.memory_space<vmem>>
      %dma_start3A_25 = tpu.memref_squeeze %dma_start3A_24 : memref<1x128xi32, #tpu.memory_space<vmem>> -> memref<128xi32, #tpu.memory_space<vmem>>
      %dma_start3A_26 = arith.constant 0 : i32
      %dma_start3A_27 = tpu.memref_slice %arg15[%dma_start3A_26] : memref<10240xf32, #tpu.memory_space<vmem_shared>> -> memref<10240xf32, #tpu.memory_space<vmem_shared>>
      tpu.enqueue_indirect_dma source(%dma_start3A_22 : memref<128xf32, #tpu.memory_space<vmem>>) target(%dma_start3A_27 : memref<10240xf32, #tpu.memory_space<vmem_shared>>) offsets(%dma_start3A_25 : memref<128xi32, #tpu.memory_space<vmem>>) semaphore(%run_scoped3A_21 : memref<!tpu.dma_semaphore, #tpu.memory_space<semaphore_mem>>) {add = true}
      %dma_wait3A = arith.constant 256 : i32
      %dma_wait3A_28 = tpu.memref_slice %arg11[%dma_wait3A] : memref<512xf32, #tpu.memory_space<vmem>> -> memref<128xf32, #tpu.memory_space<vmem>>
      %dma_wait3A_29 = arith.constant 0 : i32
      %dma_wait3A_30 = tpu.memref_slice %arg9[%run_scoped3A_7, %dma_wait3A_29] : memref<4x128xi32, #tpu.memory_space<vmem>> -> memref<1x128xi32, #tpu.memory_space<vmem>>
      %dma_wait3A_31 = tpu.memref_squeeze %dma_wait3A_30 : memref<1x128xi32, #tpu.memory_space<vmem>> -> memref<128xi32, #tpu.memory_space<vmem>>
      %dma_wait3A_32 = arith.constant 0 : i32
      %dma_wait3A_33 = tpu.memref_slice %arg15[%dma_wait3A_32] : memref<10240xf32, #tpu.memory_space<vmem_shared>> -> memref<10240xf32, #tpu.memory_space<vmem_shared>>
      tpu.wait_indirect_dma semaphore(%run_scoped3A_21 : memref<!tpu.dma_semaphore, #tpu.memory_space<semaphore_mem>>) src(%dma_wait3A_28 : memref<128xf32, #tpu.memory_space<vmem>>) dst(%dma_wait3A_33 : memref<10240xf32, #tpu.memory_space<vmem_shared>>)
      tpu.yield
    }) : () -> ()
    %run_scoped3A_8 = arith.constant 3 : i32
    "tpu.region"() ({
      %run_scoped3A_21 = tpu.sem_alloc : memref<!tpu.dma_semaphore, #tpu.memory_space<semaphore_mem>>
      %dma_start3A = arith.constant 384 : i32
      %dma_start3A_22 = tpu.memref_slice %arg10[%dma_start3A] : memref<512xi32, #tpu.memory_space<vmem>> -> memref<128xi32, #tpu.memory_space<vmem>>
      %dma_start3A_23 = arith.constant 0 : i32
      %dma_start3A_24 = tpu.memref_slice %arg9[%run_scoped3A_8, %dma_start3A_23] : memref<4x128xi32, #tpu.memory_space<vmem>> -> memref<1x128xi32, #tpu.memory_space<vmem>>
      %dma_start3A_25 = tpu.memref_squeeze %dma_start3A_24 : memref<1x128xi32, #tpu.memory_space<vmem>> -> memref<128xi32, #tpu.memory_space<vmem>>
      %dma_start3A_26 = arith.constant 0 : i32
      %dma_start3A_27 = tpu.memref_slice %arg14[%dma_start3A_26] : memref<10240xi32, #tpu.memory_space<vmem_shared>> -> memref<10240xi32, #tpu.memory_space<vmem_shared>>
      tpu.enqueue_indirect_dma source(%dma_start3A_22 : memref<128xi32, #tpu.memory_space<vmem>>) target(%dma_start3A_27 : memref<10240xi32, #tpu.memory_space<vmem_shared>>) offsets(%dma_start3A_25 : memref<128xi32, #tpu.memory_space<vmem>>) semaphore(%run_scoped3A_21 : memref<!tpu.dma_semaphore, #tpu.memory_space<semaphore_mem>>) {add = true}
      %dma_wait3A = arith.constant 384 : i32
      %dma_wait3A_28 = tpu.memref_slice %arg10[%dma_wait3A] : memref<512xi32, #tpu.memory_space<vmem>> -> memref<128xi32, #tpu.memory_space<vmem>>
      %dma_wait3A_29 = arith.constant 0 : i32
      %dma_wait3A_30 = tpu.memref_slice %arg9[%run_scoped3A_8, %dma_wait3A_29] : memref<4x128xi32, #tpu.memory_space<vmem>> -> memref<1x128xi32, #tpu.memory_space<vmem>>
      %dma_wait3A_31 = tpu.memref_squeeze %dma_wait3A_30 : memref<1x128xi32, #tpu.memory_space<vmem>> -> memref<128xi32, #tpu.memory_space<vmem>>
      %dma_wait3A_32 = arith.constant 0 : i32
      %dma_wait3A_33 = tpu.memref_slice %arg14[%dma_wait3A_32] : memref<10240xi32, #tpu.memory_space<vmem_shared>> -> memref<10240xi32, #tpu.memory_space<vmem_shared>>
      tpu.wait_indirect_dma semaphore(%run_scoped3A_21 : memref<!tpu.dma_semaphore, #tpu.memory_space<semaphore_mem>>) src(%dma_wait3A_28 : memref<128xi32, #tpu.memory_space<vmem>>) dst(%dma_wait3A_33 : memref<10240xi32, #tpu.memory_space<vmem_shared>>)
      tpu.yield
    }) : () -> ()
    %run_scoped3A_9 = arith.constant 3 : i32
    "tpu.region"() ({
      %run_scoped3A_21 = tpu.sem_alloc : memref<!tpu.dma_semaphore, #tpu.memory_space<semaphore_mem>>
      %dma_start3A = arith.constant 384 : i32
      %dma_start3A_22 = tpu.memref_slice %arg11[%dma_start3A] : memref<512xf32, #tpu.memory_space<vmem>> -> memref<128xf32, #tpu.memory_space<vmem>>
      %dma_start3A_23 = arith.constant 0 : i32
      %dma_start3A_24 = tpu.memref_slice %arg9[%run_scoped3A_9, %dma_start3A_23] : memref<4x128xi32, #tpu.memory_space<vmem>> -> memref<1x128xi32, #tpu.memory_space<vmem>>
      %dma_start3A_25 = tpu.memref_squeeze %dma_start3A_24 : memref<1x128xi32, #tpu.memory_space<vmem>> -> memref<128xi32, #tpu.memory_space<vmem>>
      %dma_start3A_26 = arith.constant 0 : i32
      %dma_start3A_27 = tpu.memref_slice %arg15[%dma_start3A_26] : memref<10240xf32, #tpu.memory_space<vmem_shared>> -> memref<10240xf32, #tpu.memory_space<vmem_shared>>
      tpu.enqueue_indirect_dma source(%dma_start3A_22 : memref<128xf32, #tpu.memory_space<vmem>>) target(%dma_start3A_27 : memref<10240xf32, #tpu.memory_space<vmem_shared>>) offsets(%dma_start3A_25 : memref<128xi32, #tpu.memory_space<vmem>>) semaphore(%run_scoped3A_21 : memref<!tpu.dma_semaphore, #tpu.memory_space<semaphore_mem>>) {add = true}
      %dma_wait3A = arith.constant 384 : i32
      %dma_wait3A_28 = tpu.memref_slice %arg11[%dma_wait3A] : memref<512xf32, #tpu.memory_space<vmem>> -> memref<128xf32, #tpu.memory_space<vmem>>
      %dma_wait3A_29 = arith.constant 0 : i32
      %dma_wait3A_30 = tpu.memref_slice %arg9[%run_scoped3A_9, %dma_wait3A_29] : memref<4x128xi32, #tpu.memory_space<vmem>> -> memref<1x128xi32, #tpu.memory_space<vmem>>
      %dma_wait3A_31 = tpu.memref_squeeze %dma_wait3A_30 : memref<1x128xi32, #tpu.memory_space<vmem>> -> memref<128xi32, #tpu.memory_space<vmem>>
      %dma_wait3A_32 = arith.constant 0 : i32
      %dma_wait3A_33 = tpu.memref_slice %arg15[%dma_wait3A_32] : memref<10240xf32, #tpu.memory_space<vmem_shared>> -> memref<10240xf32, #tpu.memory_space<vmem_shared>>
      tpu.wait_indirect_dma semaphore(%run_scoped3A_21 : memref<!tpu.dma_semaphore, #tpu.memory_space<semaphore_mem>>) src(%dma_wait3A_28 : memref<128xf32, #tpu.memory_space<vmem>>) dst(%dma_wait3A_33 : memref<10240xf32, #tpu.memory_space<vmem_shared>>)
      tpu.yield
    }) : () -> ()
    %barrier3A_10 = arith.constant 0 : index
    tpu.barrier barrier_id(%barrier3A_10)
    %eq3A_11 = arith.constant 0 : i32
    %eq3A_12 = arith.cmpi eq, %arg0, %eq3A_11 : i32
    %convert_element_type3A_13 = arith.extui %eq3A_12 : i1 to i32
    %cond3A_14 = arith.constant 0 : i32
    %cond3A_15 = arith.cmpi ne, %convert_element_type3A_13, %cond3A_14 : i32
    scf.if %cond3A_15 {
      %mul3A_21 = arith.constant 640 : i32
      %mul3A_22 = arith.muli %arg1, %mul3A_21 : i32
      "tpu.region"() ({
        %run_scoped3A_25 = tpu.sem_alloc : memref<!tpu.dma_semaphore, #tpu.memory_space<semaphore_mem>>
        %dma_start3A = tpu.memref_slice %arg15[%mul3A_22] : memref<10240xf32, #tpu.memory_space<vmem_shared>> -> memref<640xf32, #tpu.memory_space<vmem_shared>>
        %dma_start3A_26 = tpu.memref_slice %arg15[%mul3A_22] : memref<10240xf32, #tpu.memory_space<vmem_shared>> -> memref<640xf32, #tpu.memory_space<vmem_shared>>
        tpu.enqueue_dma source(%dma_start3A_26 : memref<640xf32, #tpu.memory_space<vmem_shared>>) target(%arg12 : memref<640xf32, #tpu.memory_space<vmem>>) target_semaphore(%run_scoped3A_25 : memref<!tpu.dma_semaphore, #tpu.memory_space<semaphore_mem>>)
        %dma_wait3A = tpu.memref_slice %arg15[%mul3A_22] : memref<10240xf32, #tpu.memory_space<vmem_shared>> -> memref<640xf32, #tpu.memory_space<vmem_shared>>
        %dma_wait3A_27 = tpu.memref_slice %arg15[%mul3A_22] : memref<10240xf32, #tpu.memory_space<vmem_shared>> -> memref<640xf32, #tpu.memory_space<vmem_shared>>
        tpu.wait_dma2 semaphore(%run_scoped3A_25 : memref<!tpu.dma_semaphore, #tpu.memory_space<semaphore_mem>>) src(%dma_wait3A_27 : memref<640xf32, #tpu.memory_space<vmem_shared>>) dst(%arg12 : memref<640xf32, #tpu.memory_space<vmem>>)
        tpu.yield
      }) : () -> ()
      %mul3A_23 = arith.constant 640 : i32
      %mul3A_24 = arith.muli %arg1, %mul3A_23 : i32
      "tpu.region"() ({
        %run_scoped3A_25 = tpu.sem_alloc : memref<!tpu.dma_semaphore, #tpu.memory_space<semaphore_mem>>
        %dma_start3A = tpu.memref_slice %arg8[%mul3A_24] : memref<10240xf32, #tpu.memory_space<hbm>> -> memref<640xf32, #tpu.memory_space<hbm>>
        %dma_start3A_26 = tpu.memref_slice %arg8[%mul3A_24] : memref<10240xf32, #tpu.memory_space<hbm>> -> memref<640xf32, #tpu.memory_space<hbm>>
        tpu.enqueue_dma source(%arg12 : memref<640xf32, #tpu.memory_space<vmem>>) target(%dma_start3A_26 : memref<640xf32, #tpu.memory_space<hbm>>) target_semaphore(%run_scoped3A_25 : memref<!tpu.dma_semaphore, #tpu.memory_space<semaphore_mem>>)
        %dma_wait3A = tpu.memref_slice %arg8[%mul3A_24] : memref<10240xf32, #tpu.memory_space<hbm>> -> memref<640xf32, #tpu.memory_space<hbm>>
        %dma_wait3A_27 = tpu.memref_slice %arg8[%mul3A_24] : memref<10240xf32, #tpu.memory_space<hbm>> -> memref<640xf32, #tpu.memory_space<hbm>>
        tpu.wait_dma2 semaphore(%run_scoped3A_25 : memref<!tpu.dma_semaphore, #tpu.memory_space<semaphore_mem>>) src(%arg12 : memref<640xf32, #tpu.memory_space<vmem>>) dst(%dma_wait3A_27 : memref<640xf32, #tpu.memory_space<hbm>>)
        tpu.yield
      }) : () -> ()
    } else {
    }
    %eq3A_16 = arith.constant 1 : i32
    %eq3A_17 = arith.cmpi eq, %arg0, %eq3A_16 : i32
    %convert_element_type3A_18 = arith.extui %eq3A_17 : i1 to i32
    %cond3A_19 = arith.constant 0 : i32
    %cond3A_20 = arith.cmpi ne, %convert_element_type3A_18, %cond3A_19 : i32
    scf.if %cond3A_20 {
      %mul3A_21 = arith.constant 640 : i32
      %mul3A_22 = arith.muli %arg1, %mul3A_21 : i32
      "tpu.region"() ({
        %run_scoped3A_25 = tpu.sem_alloc : memref<!tpu.dma_semaphore, #tpu.memory_space<semaphore_mem>>
        %dma_start3A = tpu.memref_slice %arg14[%mul3A_22] : memref<10240xi32, #tpu.memory_space<vmem_shared>> -> memref<640xi32, #tpu.memory_space<vmem_shared>>
        %dma_start3A_26 = tpu.memref_slice %arg14[%mul3A_22] : memref<10240xi32, #tpu.memory_space<vmem_shared>> -> memref<640xi32, #tpu.memory_space<vmem_shared>>
        tpu.enqueue_dma source(%dma_start3A_26 : memref<640xi32, #tpu.memory_space<vmem_shared>>) target(%arg13 : memref<640xi32, #tpu.memory_space<vmem>>) target_semaphore(%run_scoped3A_25 : memref<!tpu.dma_semaphore, #tpu.memory_space<semaphore_mem>>)
        %dma_wait3A = tpu.memref_slice %arg14[%mul3A_22] : memref<10240xi32, #tpu.memory_space<vmem_shared>> -> memref<640xi32, #tpu.memory_space<vmem_shared>>
        %dma_wait3A_27 = tpu.memref_slice %arg14[%mul3A_22] : memref<10240xi32, #tpu.memory_space<vmem_shared>> -> memref<640xi32, #tpu.memory_space<vmem_shared>>
        tpu.wait_dma2 semaphore(%run_scoped3A_25 : memref<!tpu.dma_semaphore, #tpu.memory_space<semaphore_mem>>) src(%dma_wait3A_27 : memref<640xi32, #tpu.memory_space<vmem_shared>>) dst(%arg13 : memref<640xi32, #tpu.memory_space<vmem>>)
        tpu.yield
      }) : () -> ()
      %mul3A_23 = arith.constant 640 : i32
      %mul3A_24 = arith.muli %arg1, %mul3A_23 : i32
      "tpu.region"() ({
        %run_scoped3A_25 = tpu.sem_alloc : memref<!tpu.dma_semaphore, #tpu.memory_space<semaphore_mem>>
        %dma_start3A = tpu.memref_slice %arg7[%mul3A_24] : memref<10240xi32, #tpu.memory_space<hbm>> -> memref<640xi32, #tpu.memory_space<hbm>>
        %dma_start3A_26 = tpu.memref_slice %arg7[%mul3A_24] : memref<10240xi32, #tpu.memory_space<hbm>> -> memref<640xi32, #tpu.memory_space<hbm>>
        tpu.enqueue_dma source(%arg13 : memref<640xi32, #tpu.memory_space<vmem>>) target(%dma_start3A_26 : memref<640xi32, #tpu.memory_space<hbm>>) target_semaphore(%run_scoped3A_25 : memref<!tpu.dma_semaphore, #tpu.memory_space<semaphore_mem>>)
        %dma_wait3A = tpu.memref_slice %arg7[%mul3A_24] : memref<10240xi32, #tpu.memory_space<hbm>> -> memref<640xi32, #tpu.memory_space<hbm>>
        %dma_wait3A_27 = tpu.memref_slice %arg7[%mul3A_24] : memref<10240xi32, #tpu.memory_space<hbm>> -> memref<640xi32, #tpu.memory_space<hbm>>
        tpu.wait_dma2 semaphore(%run_scoped3A_25 : memref<!tpu.dma_semaphore, #tpu.memory_space<semaphore_mem>>) src(%arg13 : memref<640xi32, #tpu.memory_space<vmem>>) dst(%dma_wait3A_27 : memref<640xi32, #tpu.memory_space<hbm>>)
        tpu.yield
      }) : () -> ()
    } else {
    }
    return
  }
}

module attributes {stable_mosaic.version = 14 : i64} {
  func.func @_router_body(%arg0: memref<4096x1024xf32, #tpu.memory_space<vmem>>, %arg1: memref<8x1024xf32, #tpu.memory_space<vmem>>, %arg2: memref<8192x1xf32, #tpu.memory_space<vmem>>, %arg3: memref<8192x1xi32, #tpu.memory_space<vmem>>, %arg4: memref<40x1xi32, #tpu.memory_space<vmem>>, %arg5: memref<40x1xi32, #tpu.memory_space<vmem>>) attributes {dimension_semantics = [], scalar_prefetch = 0 : i64, scratch_operands = 0 : i64, tpu.core_type = #tpu.core_type<tc>} {
    %get3A = arith.constant 0 : index
    %get3A_0 = arith.constant 0 : index
    %get3A_1 = vector.load %arg0[%get3A, %get3A_0] : memref<4096x1024xf32, #tpu.memory_space<vmem>>, vector<4096x1024xf32>
    %get3A_2 = arith.constant 0 : index
    %get3A_3 = arith.constant 0 : index
    %get3A_4 = vector.load %arg1[%get3A_2, %get3A_3] : memref<8x1024xf32, #tpu.memory_space<vmem>>, vector<8x1024xf32>
    %dot_general3A = arith.constant dense<0.000000e+00> : vector<4096x8xf32>
    %dot_general3A_5 = tpu.matmul %get3A_1, %get3A_4, %dot_general3A {dimension_numbers = #tpu.dot_dimension_numbers<[1], [1], [0], [0], [0, 0, 1, 0], [], []>, transpose_lhs_hint = false} : vector<4096x1024xf32>, vector<8x1024xf32>, vector<4096x8xf32> -> vector<4096x8xf32>
    %iota3A = tpu.iota {dimensions = array<i32: 1>} : vector<4096x8xi32>
    %reduce_max3A = arith.constant dense<0xFF800000> : vector<4096xf32>
    %reduce_max3A_6 = vector.multi_reduction <maximumf>, %dot_general3A_5, %reduce_max3A [1] : vector<4096x8xf32> to vector<4096xf32>
    %broadcast_in_dim3A = vector.shape_cast %reduce_max3A_6 : vector<4096xf32> to vector<4096x1xf32>
    %eq3A = vector.broadcast %broadcast_in_dim3A : vector<4096x1xf32> to vector<4096x8xf32>
    %eq3A_7 = arith.cmpf oeq, %dot_general3A_5, %eq3A : vector<4096x8xf32>
    %jit3A = arith.constant 8 : i32
    %broadcast_in_dim3A_8 = vector.broadcast %jit3A : i32 to vector<4096x8xi32>
    %select_n3A = arith.select %eq3A_7, %iota3A, %broadcast_in_dim3A_8 : vector<4096x8xi1>, vector<4096x8xi32>
    %reduce_min3A = arith.constant dense<2147483647> : vector<4096xi32>
    %reduce_min3A_9 = vector.multi_reduction <minsi>, %select_n3A, %reduce_min3A [1] : vector<4096x8xi32> to vector<4096xi32>
    %broadcast_in_dim3A_10 = vector.shape_cast %reduce_min3A_9 : vector<4096xi32> to vector<4096x1xi32>
    %eq3A_11 = vector.broadcast %broadcast_in_dim3A_10 : vector<4096x1xi32> to vector<4096x8xi32>
    %eq3A_12 = arith.cmpi eq, %iota3A, %eq3A_11 : vector<4096x8xi32>
    %jit3A_13 = arith.constant 0xFF800000 : f32
    %broadcast_in_dim3A_14 = vector.broadcast %jit3A_13 : f32 to vector<4096x8xf32>
    %select_n3A_15 = arith.select %eq3A_12, %broadcast_in_dim3A_14, %dot_general3A_5 : vector<4096x8xi1>, vector<4096x8xf32>
    %reduce_max3A_16 = arith.constant dense<0xFF800000> : vector<4096xf32>
    %reduce_max3A_17 = vector.multi_reduction <maximumf>, %select_n3A_15, %reduce_max3A_16 [1] : vector<4096x8xf32> to vector<4096xf32>
    %broadcast_in_dim3A_18 = vector.shape_cast %reduce_max3A_17 : vector<4096xf32> to vector<4096x1xf32>
    %eq3A_19 = vector.broadcast %broadcast_in_dim3A_18 : vector<4096x1xf32> to vector<4096x8xf32>
    %eq3A_20 = arith.cmpf oeq, %select_n3A_15, %eq3A_19 : vector<4096x8xf32>
    %jit3A_21 = arith.constant 8 : i32
    %broadcast_in_dim3A_22 = vector.broadcast %jit3A_21 : i32 to vector<4096x8xi32>
    %select_n3A_23 = arith.select %eq3A_20, %iota3A, %broadcast_in_dim3A_22 : vector<4096x8xi1>, vector<4096x8xi32>
    %reduce_min3A_24 = arith.constant dense<2147483647> : vector<4096xi32>
    %reduce_min3A_25 = vector.multi_reduction <minsi>, %select_n3A_23, %reduce_min3A_24 [1] : vector<4096x8xi32> to vector<4096xi32>
    %broadcast_in_dim3A_26 = vector.shape_cast %reduce_min3A_25 : vector<4096xi32> to vector<4096x1xi32>
    %sub3A = arith.subf %broadcast_in_dim3A_18, %broadcast_in_dim3A : vector<4096x1xf32>
    %exp3A = math.exp %sub3A : vector<4096x1xf32>
    %add3A = arith.constant 1.000000e+00 : f32
    %add3A_27 = vector.broadcast %add3A : f32 to vector<4096x1xf32>
    %add3A_28 = arith.addf %add3A_27, %exp3A : vector<4096x1xf32>
    %div3A = arith.constant 1.000000e+00 : f32
    %div3A_29 = vector.broadcast %div3A : f32 to vector<4096x1xf32>
    %div3A_30 = arith.divf %div3A_29, %add3A_28 : vector<4096x1xf32>
    %mul3A = arith.mulf %exp3A, %div3A_30 : vector<4096x1xf32>
    %concatenate3A = tpu.concatenate %div3A_30, %mul3A in 0 : vector<4096x1xf32>, vector<4096x1xf32> -> vector<8192x1xf32>
    %swap3A = arith.constant 0 : index
    %swap3A_31 = arith.constant 0 : index
    %swap3A_32 = vector.load %arg2[%swap3A, %swap3A_31] : memref<8192x1xf32, #tpu.memory_space<vmem>>, vector<8192x1xf32>
    tpu.vector_store %arg2[%swap3A, %swap3A_31], %concatenate3A {strides = array<i32>} : memref<8192x1xf32, #tpu.memory_space<vmem>>, vector<8192x1xf32>,
    %concatenate3A_33 = tpu.concatenate %broadcast_in_dim3A_10, %broadcast_in_dim3A_26 in 0 : vector<4096x1xi32>, vector<4096x1xi32> -> vector<8192x1xi32>
    %iota3A_34 = tpu.iota {dimensions = array<i32: 1>} : vector<8192x8xi32>
    %eq3A_35 = vector.broadcast %concatenate3A_33 : vector<8192x1xi32> to vector<8192x8xi32>
    %eq3A_36 = arith.cmpi eq, %iota3A_34, %eq3A_35 : vector<8192x8xi32>
    %convert_element_type3A = arith.extui %eq3A_36 : vector<8192x8xi1> to vector<8192x8xi32>
    %broadcast_in_dim3A_37 = arith.constant 0 : i32
    %broadcast_in_dim3A_38 = vector.broadcast %broadcast_in_dim3A_37 : i32 to vector<1x8xi32>
    %slice3A = vector.extract_strided_slice %convert_element_type3A {offsets = [0, 0], sizes = [8191, 8], strides = [1, 1]} : vector<8192x8xi32> to vector<8191x8xi32>
    %concatenate3A_39 = tpu.concatenate %broadcast_in_dim3A_38, %slice3A in 0 : vector<1x8xi32>, vector<8191x8xi32> -> vector<8192x8xi32>
    %add3A_40 = arith.addi %convert_element_type3A, %concatenate3A_39 : vector<8192x8xi32>
    %broadcast_in_dim3A_41 = arith.constant 0 : i32
    %broadcast_in_dim3A_42 = vector.broadcast %broadcast_in_dim3A_41 : i32 to vector<2x8xi32>
    %slice3A_43 = vector.extract_strided_slice %add3A_40 {offsets = [0, 0], sizes = [8190, 8], strides = [1, 1]} : vector<8192x8xi32> to vector<8190x8xi32>
    %concatenate3A_44 = tpu.concatenate %broadcast_in_dim3A_42, %slice3A_43 in 0 : vector<2x8xi32>, vector<8190x8xi32> -> vector<8192x8xi32>
    %add3A_45 = arith.addi %add3A_40, %concatenate3A_44 : vector<8192x8xi32>
    %broadcast_in_dim3A_46 = arith.constant 0 : i32
    %broadcast_in_dim3A_47 = vector.broadcast %broadcast_in_dim3A_46 : i32 to vector<4x8xi32>
    %slice3A_48 = vector.extract_strided_slice %add3A_45 {offsets = [0, 0], sizes = [8188, 8], strides = [1, 1]} : vector<8192x8xi32> to vector<8188x8xi32>
    %concatenate3A_49 = tpu.concatenate %broadcast_in_dim3A_47, %slice3A_48 in 0 : vector<4x8xi32>, vector<8188x8xi32> -> vector<8192x8xi32>
    %add3A_50 = arith.addi %add3A_45, %concatenate3A_49 : vector<8192x8xi32>
    %broadcast_in_dim3A_51 = arith.constant 0 : i32
    %broadcast_in_dim3A_52 = vector.broadcast %broadcast_in_dim3A_51 : i32 to vector<8x8xi32>
    %slice3A_53 = vector.extract_strided_slice %add3A_50 {offsets = [0, 0], sizes = [8184, 8], strides = [1, 1]} : vector<8192x8xi32> to vector<8184x8xi32>
    %concatenate3A_54 = tpu.concatenate %broadcast_in_dim3A_52, %slice3A_53 in 0 : vector<8x8xi32>, vector<8184x8xi32> -> vector<8192x8xi32>
    %add3A_55 = arith.addi %add3A_50, %concatenate3A_54 : vector<8192x8xi32>
    %broadcast_in_dim3A_56 = arith.constant 0 : i32
    %broadcast_in_dim3A_57 = vector.broadcast %broadcast_in_dim3A_56 : i32 to vector<16x8xi32>
    %slice3A_58 = vector.extract_strided_slice %add3A_55 {offsets = [0, 0], sizes = [8176, 8], strides = [1, 1]} : vector<8192x8xi32> to vector<8176x8xi32>
    %concatenate3A_59 = tpu.concatenate %broadcast_in_dim3A_57, %slice3A_58 in 0 : vector<16x8xi32>, vector<8176x8xi32> -> vector<8192x8xi32>
    %add3A_60 = arith.addi %add3A_55, %concatenate3A_59 : vector<8192x8xi32>
    %broadcast_in_dim3A_61 = arith.constant 0 : i32
    %broadcast_in_dim3A_62 = vector.broadcast %broadcast_in_dim3A_61 : i32 to vector<32x8xi32>
    %slice3A_63 = vector.extract_strided_slice %add3A_60 {offsets = [0, 0], sizes = [8160, 8], strides = [1, 1]} : vector<8192x8xi32> to vector<8160x8xi32>
    %concatenate3A_64 = tpu.concatenate %broadcast_in_dim3A_62, %slice3A_63 in 0 : vector<32x8xi32>, vector<8160x8xi32> -> vector<8192x8xi32>
    %add3A_65 = arith.addi %add3A_60, %concatenate3A_64 : vector<8192x8xi32>
    %broadcast_in_dim3A_66 = arith.constant 0 : i32
    %broadcast_in_dim3A_67 = vector.broadcast %broadcast_in_dim3A_66 : i32 to vector<64x8xi32>
    %slice3A_68 = vector.extract_strided_slice %add3A_65 {offsets = [0, 0], sizes = [8128, 8], strides = [1, 1]} : vector<8192x8xi32> to vector<8128x8xi32>
    %concatenate3A_69 = tpu.concatenate %broadcast_in_dim3A_67, %slice3A_68 in 0 : vector<64x8xi32>, vector<8128x8xi32> -> vector<8192x8xi32>
    %add3A_70 = arith.addi %add3A_65, %concatenate3A_69 : vector<8192x8xi32>
    %broadcast_in_dim3A_71 = arith.constant 0 : i32
    %broadcast_in_dim3A_72 = vector.broadcast %broadcast_in_dim3A_71 : i32 to vector<128x8xi32>
    %slice3A_73 = vector.extract_strided_slice %add3A_70 {offsets = [0, 0], sizes = [8064, 8], strides = [1, 1]} : vector<8192x8xi32> to vector<8064x8xi32>
    %concatenate3A_74 = tpu.concatenate %broadcast_in_dim3A_72, %slice3A_73 in 0 : vector<128x8xi32>, vector<8064x8xi32> -> vector<8192x8xi32>
    %add3A_75 = arith.addi %add3A_70, %concatenate3A_74 : vector<8192x8xi32>
    %broadcast_in_dim3A_76 = arith.constant 0 : i32
    %broadcast_in_dim3A_77 = vector.broadcast %broadcast_in_dim3A_76 : i32 to vector<256x8xi32>
    %slice3A_78 = vector.extract_strided_slice %add3A_75 {offsets = [0, 0], sizes = [7936, 8], strides = [1, 1]} : vector<8192x8xi32> to vector<7936x8xi32>
    %concatenate3A_79 = tpu.concatenate %broadcast_in_dim3A_77, %slice3A_78 in 0 : vector<256x8xi32>, vector<7936x8xi32> -> vector<8192x8xi32>
    %add3A_80 = arith.addi %add3A_75, %concatenate3A_79 : vector<8192x8xi32>
    %broadcast_in_dim3A_81 = arith.constant 0 : i32
    %broadcast_in_dim3A_82 = vector.broadcast %broadcast_in_dim3A_81 : i32 to vector<512x8xi32>
    %slice3A_83 = vector.extract_strided_slice %add3A_80 {offsets = [0, 0], sizes = [7680, 8], strides = [1, 1]} : vector<8192x8xi32> to vector<7680x8xi32>
    %concatenate3A_84 = tpu.concatenate %broadcast_in_dim3A_82, %slice3A_83 in 0 : vector<512x8xi32>, vector<7680x8xi32> -> vector<8192x8xi32>
    %add3A_85 = arith.addi %add3A_80, %concatenate3A_84 : vector<8192x8xi32>
    %broadcast_in_dim3A_86 = arith.constant 0 : i32
    %broadcast_in_dim3A_87 = vector.broadcast %broadcast_in_dim3A_86 : i32 to vector<1024x8xi32>
    %slice3A_88 = vector.extract_strided_slice %add3A_85 {offsets = [0, 0], sizes = [7168, 8], strides = [1, 1]} : vector<8192x8xi32> to vector<7168x8xi32>
    %concatenate3A_89 = tpu.concatenate %broadcast_in_dim3A_87, %slice3A_88 in 0 : vector<1024x8xi32>, vector<7168x8xi32> -> vector<8192x8xi32>
    %add3A_90 = arith.addi %add3A_85, %concatenate3A_89 : vector<8192x8xi32>
    %broadcast_in_dim3A_91 = arith.constant 0 : i32
    %broadcast_in_dim3A_92 = vector.broadcast %broadcast_in_dim3A_91 : i32 to vector<2048x8xi32>
    %slice3A_93 = vector.extract_strided_slice %add3A_90 {offsets = [0, 0], sizes = [6144, 8], strides = [1, 1]} : vector<8192x8xi32> to vector<6144x8xi32>
    %concatenate3A_94 = tpu.concatenate %broadcast_in_dim3A_92, %slice3A_93 in 0 : vector<2048x8xi32>, vector<6144x8xi32> -> vector<8192x8xi32>
    %add3A_95 = arith.addi %add3A_90, %concatenate3A_94 : vector<8192x8xi32>
    %broadcast_in_dim3A_96 = arith.constant 0 : i32
    %broadcast_in_dim3A_97 = vector.broadcast %broadcast_in_dim3A_96 : i32 to vector<4096x8xi32>
    %slice3A_98 = vector.extract_strided_slice %add3A_95 {offsets = [0, 0], sizes = [4096, 8], strides = [1, 1]} : vector<8192x8xi32> to vector<4096x8xi32>
    %concatenate3A_99 = tpu.concatenate %broadcast_in_dim3A_97, %slice3A_98 in 0 : vector<4096x8xi32>, vector<4096x8xi32> -> vector<8192x8xi32>
    %add3A_100 = arith.addi %add3A_95, %concatenate3A_99 : vector<8192x8xi32>
    %slice3A_101 = vector.extract_strided_slice %add3A_100 {offsets = [8191, 0], sizes = [1, 8], strides = [1, 1]} : vector<8192x8xi32> to vector<1x8xi32>
    %add3A_102 = arith.constant 255 : i32
    %add3A_103 = vector.broadcast %add3A_102 : i32 to vector<1x8xi32>
    %add3A_104 = arith.addi %slice3A_101, %add3A_103 : vector<1x8xi32>
    %jit3A_105 = arith.constant 256 : i32
    %div3A_106 = vector.broadcast %jit3A_105 : i32 to vector<1x8xi32>
    %div3A_107 = arith.divsi %add3A_104, %div3A_106 : vector<1x8xi32>
    %sign3A = arith.constant 0 : i32
    %sign3A_108 = vector.broadcast %sign3A : i32 to vector<1x8xi32>
    %sign3A_109 = arith.cmpi sgt, %add3A_104, %sign3A_108 : vector<1x8xi32>
    %sign3A_110 = arith.extui %sign3A_109 : vector<1x8xi1> to vector<1x8xi32>
    %sign3A_111 = arith.constant 0 : i32
    %sign3A_112 = vector.broadcast %sign3A_111 : i32 to vector<1x8xi32>
    %sign3A_113 = arith.cmpi slt, %add3A_104, %sign3A_112 : vector<1x8xi32>
    %sign3A_114 = arith.extui %sign3A_113 : vector<1x8xi1> to vector<1x8xi32>
    %sign3A_115 = arith.subi %sign3A_110, %sign3A_114 : vector<1x8xi32>
    %sign3A_116 = arith.constant 0 : i32
    %sign3A_117 = arith.cmpi sgt, %jit3A_105, %sign3A_116 : i32
    %sign3A_118 = arith.extui %sign3A_117 : i1 to i32
    %sign3A_119 = arith.constant 0 : i32
    %sign3A_120 = arith.cmpi slt, %jit3A_105, %sign3A_119 : i32
    %sign3A_121 = arith.extui %sign3A_120 : i1 to i32
    %sign3A_122 = arith.subi %sign3A_118, %sign3A_121 : i32
    %ne3A = vector.broadcast %sign3A_122 : i32 to vector<1x8xi32>
    %ne3A_123 = arith.cmpi ne, %sign3A_115, %ne3A : vector<1x8xi32>
    %rem3A = vector.broadcast %jit3A_105 : i32 to vector<1x8xi32>
    %rem3A_124 = arith.remsi %add3A_104, %rem3A : vector<1x8xi32>
    %ne3A_125 = arith.constant 0 : i32
    %ne3A_126 = vector.broadcast %ne3A_125 : i32 to vector<1x8xi32>
    %ne3A_127 = arith.cmpi ne, %rem3A_124, %ne3A_126 : vector<1x8xi32>
    %and3A = arith.andi %ne3A_123, %ne3A_127 : vector<1x8xi1>
    %sub3A_128 = arith.constant 1 : i32
    %sub3A_129 = vector.broadcast %sub3A_128 : i32 to vector<1x8xi32>
    %sub3A_130 = arith.subi %div3A_107, %sub3A_129 : vector<1x8xi32>
    %select_n3A_131 = arith.select %and3A, %sub3A_130, %div3A_107 : vector<1x8xi1>, vector<1x8xi32>
    %broadcast_in_dim3A_132 = arith.constant 0 : i32
    %broadcast_in_dim3A_133 = vector.broadcast %broadcast_in_dim3A_132 : i32 to vector<1x1xi32>
    %slice3A_134 = vector.extract_strided_slice %select_n3A_131 {offsets = [0, 0], sizes = [1, 7], strides = [1, 1]} : vector<1x8xi32> to vector<1x7xi32>
    %concatenate3A_135 = tpu.concatenate %broadcast_in_dim3A_133, %slice3A_134 in 1 : vector<1x1xi32>, vector<1x7xi32> -> vector<1x8xi32>
    %add3A_136 = arith.addi %select_n3A_131, %concatenate3A_135 : vector<1x8xi32>
    %broadcast_in_dim3A_137 = arith.constant 0 : i32
    %broadcast_in_dim3A_138 = vector.broadcast %broadcast_in_dim3A_137 : i32 to vector<1x2xi32>
    %slice3A_139 = vector.extract_strided_slice %add3A_136 {offsets = [0, 0], sizes = [1, 6], strides = [1, 1]} : vector<1x8xi32> to vector<1x6xi32>
    %concatenate3A_140 = tpu.concatenate %broadcast_in_dim3A_138, %slice3A_139 in 1 : vector<1x2xi32>, vector<1x6xi32> -> vector<1x8xi32>
    %add3A_141 = arith.addi %add3A_136, %concatenate3A_140 : vector<1x8xi32>
    %broadcast_in_dim3A_142 = arith.constant 0 : i32
    %broadcast_in_dim3A_143 = vector.broadcast %broadcast_in_dim3A_142 : i32 to vector<1x4xi32>
    %slice3A_144 = vector.extract_strided_slice %add3A_141 {offsets = [0, 0], sizes = [1, 4], strides = [1, 1]} : vector<1x8xi32> to vector<1x4xi32>
    %concatenate3A_145 = tpu.concatenate %broadcast_in_dim3A_143, %slice3A_144 in 1 : vector<1x4xi32>, vector<1x4xi32> -> vector<1x8xi32>
    %add3A_146 = arith.addi %add3A_141, %concatenate3A_145 : vector<1x8xi32>
    %sub3A_147 = arith.subi %add3A_146, %select_n3A_131 : vector<1x8xi32>
    %slice3A_148 = vector.extract_strided_slice %add3A_146 {offsets = [0, 7], sizes = [1, 1], strides = [1, 1]} : vector<1x8xi32> to vector<1x1xi32>
    %mul3A_149 = arith.constant 256 : i32
    %mul3A_150 = vector.broadcast %mul3A_149 : i32 to vector<1x8xi32>
    %mul3A_151 = arith.muli %sub3A_147, %mul3A_150 : vector<1x8xi32>
    %mul3A_152 = arith.muli %add3A_100, %convert_element_type3A : vector<8192x8xi32>
    %reduce_sum3A = arith.constant dense<0> : vector<8192xi32>
    %reduce_sum3A_153 = vector.multi_reduction <add>, %mul3A_152, %reduce_sum3A [1] : vector<8192x8xi32> to vector<8192xi32>
    %broadcast_in_dim3A_154 = vector.shape_cast %reduce_sum3A_153 : vector<8192xi32> to vector<8192x1xi32>
    %sub3A_155 = arith.constant 1 : i32
    %sub3A_156 = vector.broadcast %sub3A_155 : i32 to vector<8192x1xi32>
    %sub3A_157 = arith.subi %broadcast_in_dim3A_154, %sub3A_156 : vector<8192x1xi32>
    %mul3A_158 = vector.broadcast %mul3A_151 : vector<1x8xi32> to vector<8192x8xi32>
    %mul3A_159 = arith.muli %convert_element_type3A, %mul3A_158 : vector<8192x8xi32>
    %reduce_sum3A_160 = arith.constant dense<0> : vector<8192xi32>
    %reduce_sum3A_161 = vector.multi_reduction <add>, %mul3A_159, %reduce_sum3A_160 [1] : vector<8192x8xi32> to vector<8192xi32>
    %broadcast_in_dim3A_162 = vector.shape_cast %reduce_sum3A_161 : vector<8192xi32> to vector<8192x1xi32>
    %add3A_163 = arith.addi %broadcast_in_dim3A_162, %sub3A_157 : vector<8192x1xi32>
    %swap3A_164 = arith.constant 0 : index
    %swap3A_165 = arith.constant 0 : index
    %swap3A_166 = vector.load %arg3[%swap3A_164, %swap3A_165] : memref<8192x1xi32, #tpu.memory_space<vmem>>, vector<8192x1xi32>
    tpu.vector_store %arg3[%swap3A_164, %swap3A_165], %add3A_163 {strides = array<i32>} : memref<8192x1xi32, #tpu.memory_space<vmem>>, vector<8192x1xi32>,
    %iota3A_167 = tpu.iota {dimensions = array<i32: 0>} : vector<40x8xi32>
    %ge3A = vector.broadcast %add3A_146 : vector<1x8xi32> to vector<40x8xi32>
    %ge3A_168 = arith.cmpi sge, %iota3A_167, %ge3A : vector<40x8xi32>
    %convert_element_type3A_169 = arith.extui %ge3A_168 : vector<40x8xi1> to vector<40x8xi32>
    %reduce_sum3A_170 = arith.constant dense<0> : vector<40xi32>
    %reduce_sum3A_171 = vector.multi_reduction <add>, %convert_element_type3A_169, %reduce_sum3A_170 [1] : vector<40x8xi32> to vector<40xi32>
    %broadcast_in_dim3A_172 = vector.shape_cast %reduce_sum3A_171 : vector<40xi32> to vector<40x1xi32>
    %min3A = arith.constant 7 : i32
    %min3A_173 = vector.broadcast %min3A : i32 to vector<40x1xi32>
    %min3A_174 = arith.minsi %broadcast_in_dim3A_172, %min3A_173 : vector<40x1xi32>
    %swap3A_175 = arith.constant 0 : index
    %swap3A_176 = arith.constant 0 : index
    %swap3A_177 = vector.load %arg4[%swap3A_175, %swap3A_176] : memref<40x1xi32, #tpu.memory_space<vmem>>, vector<40x1xi32>
    tpu.vector_store %arg4[%swap3A_175, %swap3A_176], %min3A_174 {strides = array<i32>} : memref<40x1xi32, #tpu.memory_space<vmem>>, vector<40x1xi32>,
    %iota3A_178 = tpu.iota {dimensions = array<i32: 0>} : vector<40x1xi32>
    %lt3A = vector.broadcast %slice3A_148 : vector<1x1xi32> to vector<40x1xi32>
    %lt3A_179 = arith.cmpi slt, %iota3A_178, %lt3A : vector<40x1xi32>
    %convert_element_type3A_180 = arith.extui %lt3A_179 : vector<40x1xi1> to vector<40x1xi32>
    %swap3A_181 = arith.constant 0 : index
    %swap3A_182 = arith.constant 0 : index
    %swap3A_183 = vector.load %arg5[%swap3A_181, %swap3A_182] : memref<40x1xi32, #tpu.memory_space<vmem>>, vector<40x1xi32>
    tpu.vector_store %arg5[%swap3A_181, %swap3A_182], %convert_element_type3A_180 {strides = array<i32>} : memref<40x1xi32, #tpu.memory_space<vmem>>, vector<40x1xi32>,
    return
  }
}

module attributes {stable_mosaic.version = 14 : i64} {
  func.func @_gemm_body_first(%arg0: i32, %arg1: memref<40xi32, #tpu.memory_space<smem>>, %arg2: memref<40xi32, #tpu.memory_space<smem>>, %arg3: memref<256x1024xf32, #tpu.memory_space<vmem>>, %arg4: memref<1x2048x1024xf32, #tpu.memory_space<vmem>>, %arg5: memref<1x2048x1024xf32, #tpu.memory_space<vmem>>, %arg6: memref<1x1024x2048xf32, #tpu.memory_space<vmem>>, %arg7: memref<256x1xf32, #tpu.memory_space<vmem>>, %arg8: memref<256x1024xf32, #tpu.memory_space<vmem>>) attributes {dimension_semantics = [#tpu.dimension_semantics<arbitrary>], iteration_bounds = array<i64: 20>, scalar_prefetch = 2 : i64, scratch_operands = 0 : i64, tpu.core_type = #tpu.core_type<tc>, window_params = [{transform_indices = @transform_0, window_bounds = array<i64: 256, 1024>}, {transform_indices = @transform_1, window_bounds = array<i64: 1, 2048, 1024>}, {transform_indices = @transform_2, window_bounds = array<i64: 1, 2048, 1024>}, {transform_indices = @transform_3, window_bounds = array<i64: 1, 1024, 2048>}, {transform_indices = @transform_4, window_bounds = array<i64: 256, 1>}, {transform_indices = @transform_5, window_bounds = array<i64: 256, 1024>}]} {
    %add3A = arith.constant 0 : i32
    %add3A_0 = arith.addi %arg0, %add3A : i32
    %get3A = arith.index_cast %add3A_0 : i32 to index
    %get3A_1 = memref.load %arg2[%get3A] : memref<40xi32, #tpu.memory_space<smem>>
    %eq3A = arith.constant 1 : i32
    %eq3A_2 = arith.cmpi eq, %get3A_1, %eq3A : i32
    %convert_element_type3A = arith.extui %eq3A_2 : i1 to i32
    %cond3A = arith.constant 0 : i32
    %cond3A_3 = arith.cmpi ne, %convert_element_type3A, %cond3A : i32
    scf.if %cond3A_3 {
      %get3A_4 = arith.constant 0 : index
      %get3A_5 = arith.constant 0 : index
      %get3A_6 = vector.load %arg3[%get3A_4, %get3A_5] : memref<256x1024xf32, #tpu.memory_space<vmem>>, vector<256x1024xf32>
      %get3A_7 = arith.constant 0 : index
      %get3A_8 = arith.constant 0 : index
      %get3A_9 = arith.constant 0 : index
      %get3A_10 = vector.load %arg4[%get3A_7, %get3A_8, %get3A_9] : memref<1x2048x1024xf32, #tpu.memory_space<vmem>>, vector<1x2048x1024xf32>
      %get3A_11 = vector.shape_cast %get3A_10 : vector<1x2048x1024xf32> to vector<2048x1024xf32>
      %dot_general3A = arith.constant dense<0.000000e+00> : vector<256x2048xf32>
      %dot_general3A_12 = tpu.matmul %get3A_6, %get3A_11, %dot_general3A {dimension_numbers = #tpu.dot_dimension_numbers<[1], [1], [0], [0], [0, 0, 1, 0], [], []>, transpose_lhs_hint = false} : vector<256x1024xf32>, vector<2048x1024xf32>, vector<256x2048xf32> -> vector<256x2048xf32>
      %get3A_13 = arith.constant 0 : index
      %get3A_14 = arith.constant 0 : index
      %get3A_15 = arith.constant 0 : index
      %get3A_16 = vector.load %arg5[%get3A_13, %get3A_14, %get3A_15] : memref<1x2048x1024xf32, #tpu.memory_space<vmem>>, vector<1x2048x1024xf32>
      %get3A_17 = vector.shape_cast %get3A_16 : vector<1x2048x1024xf32> to vector<2048x1024xf32>
      %dot_general3A_18 = arith.constant dense<0.000000e+00> : vector<256x2048xf32>
      %dot_general3A_19 = tpu.matmul %get3A_6, %get3A_17, %dot_general3A_18 {dimension_numbers = #tpu.dot_dimension_numbers<[1], [1], [0], [0], [0, 0, 1, 0], [], []>, transpose_lhs_hint = false} : vector<256x1024xf32>, vector<2048x1024xf32>, vector<256x2048xf32> -> vector<256x2048xf32>
      %neg3A = arith.constant 0.000000e+00 : f32
      %neg3A_20 = vector.broadcast %neg3A : f32 to vector<256x2048xf32>
      %neg3A_21 = arith.subf %neg3A_20, %dot_general3A_12 : vector<256x2048xf32>
      %exp3A = math.exp %neg3A_21 : vector<256x2048xf32>
      %add3A_22 = arith.constant 1.000000e+00 : f32
      %add3A_23 = vector.broadcast %add3A_22 : f32 to vector<256x2048xf32>
      %add3A_24 = arith.addf %add3A_23, %exp3A : vector<256x2048xf32>
      %div3A = arith.divf %dot_general3A_12, %add3A_24 : vector<256x2048xf32>
      %mul3A = arith.mulf %div3A, %dot_general3A_19 : vector<256x2048xf32>
      %get3A_25 = arith.constant 0 : index
      %get3A_26 = arith.constant 0 : index
      %get3A_27 = arith.constant 0 : index
      %get3A_28 = vector.load %arg6[%get3A_25, %get3A_26, %get3A_27] : memref<1x1024x2048xf32, #tpu.memory_space<vmem>>, vector<1x1024x2048xf32>
      %get3A_29 = vector.shape_cast %get3A_28 : vector<1x1024x2048xf32> to vector<1024x2048xf32>
      %dot_general3A_30 = arith.constant dense<0.000000e+00> : vector<256x1024xf32>
      %dot_general3A_31 = tpu.matmul %mul3A, %get3A_29, %dot_general3A_30 {dimension_numbers = #tpu.dot_dimension_numbers<[1], [1], [0], [0], [0, 0, 1, 0], [], []>, transpose_lhs_hint = false} : vector<256x2048xf32>, vector<1024x2048xf32>, vector<256x1024xf32> -> vector<256x1024xf32>
      %get3A_32 = arith.constant 0 : index
      %get3A_33 = arith.constant 0 : index
      %get3A_34 = vector.load %arg7[%get3A_32, %get3A_33] : memref<256x1xf32, #tpu.memory_space<vmem>>, vector<256x1xf32>
      %mul3A_35 = vector.broadcast %get3A_34 : vector<256x1xf32> to vector<256x1024xf32>
      %mul3A_36 = arith.mulf %dot_general3A_31, %mul3A_35 : vector<256x1024xf32>
      %swap3A = arith.constant 0 : index
      %swap3A_37 = arith.constant 0 : index
      %swap3A_38 = vector.load %arg8[%swap3A, %swap3A_37] : memref<256x1024xf32, #tpu.memory_space<vmem>>, vector<256x1024xf32>
      tpu.vector_store %arg8[%swap3A, %swap3A_37], %mul3A_36 {strides = array<i32>} : memref<256x1024xf32, #tpu.memory_space<vmem>>, vector<256x1024xf32>,
    } else {
    }
    return
  }
  func.func @transform_0(%arg0: i32, %arg1: memref<40xi32, #tpu.memory_space<smem>>, %arg2: memref<40xi32, #tpu.memory_space<smem>>) -> (i32, i32) {
    %c0_i32 = arith.constant 0 : i32
    %c0_i32_0 = arith.constant 0 : i32
    return %arg0, %c0_i32 : i32, i32
  }
  func.func @transform_1(%arg0: i32, %arg1: memref<40xi32, #tpu.memory_space<smem>>, %arg2: memref<40xi32, #tpu.memory_space<smem>>) -> (i32, i32, i32) {
    %add3A = arith.constant 0 : i32
    %add3A_0 = arith.addi %arg0, %add3A : i32
    %get3A = arith.index_cast %add3A_0 : i32 to index
    %get3A_1 = memref.load %arg1[%get3A] : memref<40xi32, #tpu.memory_space<smem>>
    %c0_i32 = arith.constant 0 : i32
    %c0_i32_2 = arith.constant 0 : i32
    %c0_i32_3 = arith.constant 0 : i32
    return %get3A_1, %c0_i32, %c0_i32_2 : i32, i32, i32
  }
  func.func @transform_2(%arg0: i32, %arg1: memref<40xi32, #tpu.memory_space<smem>>, %arg2: memref<40xi32, #tpu.memory_space<smem>>) -> (i32, i32, i32) {
    %add3A = arith.constant 0 : i32
    %add3A_0 = arith.addi %arg0, %add3A : i32
    %get3A = arith.index_cast %add3A_0 : i32 to index
    %get3A_1 = memref.load %arg1[%get3A] : memref<40xi32, #tpu.memory_space<smem>>
    %c0_i32 = arith.constant 0 : i32
    %c0_i32_2 = arith.constant 0 : i32
    %c0_i32_3 = arith.constant 0 : i32
    return %get3A_1, %c0_i32, %c0_i32_2 : i32, i32, i32
  }
  func.func @transform_3(%arg0: i32, %arg1: memref<40xi32, #tpu.memory_space<smem>>, %arg2: memref<40xi32, #tpu.memory_space<smem>>) -> (i32, i32, i32) {
    %add3A = arith.constant 0 : i32
    %add3A_0 = arith.addi %arg0, %add3A : i32
    %get3A = arith.index_cast %add3A_0 : i32 to index
    %get3A_1 = memref.load %arg1[%get3A] : memref<40xi32, #tpu.memory_space<smem>>
    %c0_i32 = arith.constant 0 : i32
    %c0_i32_2 = arith.constant 0 : i32
    %c0_i32_3 = arith.constant 0 : i32
    return %get3A_1, %c0_i32, %c0_i32_2 : i32, i32, i32
  }
  func.func @transform_4(%arg0: i32, %arg1: memref<40xi32, #tpu.memory_space<smem>>, %arg2: memref<40xi32, #tpu.memory_space<smem>>) -> (i32, i32) {
    %add3A = arith.constant 0 : i32
    %add3A_0 = arith.addi %arg0, %add3A : i32
    %c0_i32 = arith.constant 0 : i32
    %c0_i32_1 = arith.constant 0 : i32
    return %add3A_0, %c0_i32 : i32, i32
  }
  func.func @transform_5(%arg0: i32, %arg1: memref<40xi32, #tpu.memory_space<smem>>, %arg2: memref<40xi32, #tpu.memory_space<smem>>) -> (i32, i32) {
    %add3A = arith.constant 0 : i32
    %add3A_0 = arith.addi %arg0, %add3A : i32
    %c0_i32 = arith.constant 0 : i32
    %c0_i32_1 = arith.constant 0 : i32
    return %add3A_0, %c0_i32 : i32, i32
  }
}

module attributes {stable_mosaic.version = 14 : i64} {
  func.func @_gemm_body_second(%arg0: i32, %arg1: memref<40xi32, #tpu.memory_space<smem>>, %arg2: memref<40xi32, #tpu.memory_space<smem>>, %arg3: memref<256x1024xf32, #tpu.memory_space<vmem>>, %arg4: memref<256x1024xf32, #tpu.memory_space<vmem>>, %arg5: memref<1x2048x1024xf32, #tpu.memory_space<vmem>>, %arg6: memref<1x2048x1024xf32, #tpu.memory_space<vmem>>, %arg7: memref<1x1024x2048xf32, #tpu.memory_space<vmem>>, %arg8: memref<256x1xf32, #tpu.memory_space<vmem>>, %arg9: memref<256x1024xf32, #tpu.memory_space<vmem>>) attributes {dimension_semantics = [#tpu.dimension_semantics<arbitrary>], iteration_bounds = array<i64: 20>, scalar_prefetch = 2 : i64, scratch_operands = 0 : i64, tpu.core_type = #tpu.core_type<tc>, window_params = [{transform_indices = @transform_0, window_bounds = array<i64: 256, 1024>}, {transform_indices = @transform_1, window_bounds = array<i64: 256, 1024>}, {transform_indices = @transform_2, window_bounds = array<i64: 1, 2048, 1024>}, {transform_indices = @transform_3, window_bounds = array<i64: 1, 2048, 1024>}, {transform_indices = @transform_4, window_bounds = array<i64: 1, 1024, 2048>}, {transform_indices = @transform_5, window_bounds = array<i64: 256, 1>}, {transform_indices = @transform_6, window_bounds = array<i64: 256, 1024>}]} {
    %add3A = arith.constant 20 : i32
    %add3A_0 = arith.addi %arg0, %add3A : i32
    %get3A = arith.index_cast %add3A_0 : i32 to index
    %get3A_1 = memref.load %arg2[%get3A] : memref<40xi32, #tpu.memory_space<smem>>
    %eq3A = arith.constant 1 : i32
    %eq3A_2 = arith.cmpi eq, %get3A_1, %eq3A : i32
    %convert_element_type3A = arith.extui %eq3A_2 : i1 to i32
    %cond3A = arith.constant 0 : i32
    %cond3A_3 = arith.cmpi ne, %convert_element_type3A, %cond3A : i32
    scf.if %cond3A_3 {
      %get3A_4 = arith.constant 0 : index
      %get3A_5 = arith.constant 0 : index
      %get3A_6 = vector.load %arg4[%get3A_4, %get3A_5] : memref<256x1024xf32, #tpu.memory_space<vmem>>, vector<256x1024xf32>
      %get3A_7 = arith.constant 0 : index
      %get3A_8 = arith.constant 0 : index
      %get3A_9 = arith.constant 0 : index
      %get3A_10 = vector.load %arg5[%get3A_7, %get3A_8, %get3A_9] : memref<1x2048x1024xf32, #tpu.memory_space<vmem>>, vector<1x2048x1024xf32>
      %get3A_11 = vector.shape_cast %get3A_10 : vector<1x2048x1024xf32> to vector<2048x1024xf32>
      %dot_general3A = arith.constant dense<0.000000e+00> : vector<256x2048xf32>
      %dot_general3A_12 = tpu.matmul %get3A_6, %get3A_11, %dot_general3A {dimension_numbers = #tpu.dot_dimension_numbers<[1], [1], [0], [0], [0, 0, 1, 0], [], []>, transpose_lhs_hint = false} : vector<256x1024xf32>, vector<2048x1024xf32>, vector<256x2048xf32> -> vector<256x2048xf32>
      %get3A_13 = arith.constant 0 : index
      %get3A_14 = arith.constant 0 : index
      %get3A_15 = arith.constant 0 : index
      %get3A_16 = vector.load %arg6[%get3A_13, %get3A_14, %get3A_15] : memref<1x2048x1024xf32, #tpu.memory_space<vmem>>, vector<1x2048x1024xf32>
      %get3A_17 = vector.shape_cast %get3A_16 : vector<1x2048x1024xf32> to vector<2048x1024xf32>
      %dot_general3A_18 = arith.constant dense<0.000000e+00> : vector<256x2048xf32>
      %dot_general3A_19 = tpu.matmul %get3A_6, %get3A_17, %dot_general3A_18 {dimension_numbers = #tpu.dot_dimension_numbers<[1], [1], [0], [0], [0, 0, 1, 0], [], []>, transpose_lhs_hint = false} : vector<256x1024xf32>, vector<2048x1024xf32>, vector<256x2048xf32> -> vector<256x2048xf32>
      %neg3A = arith.constant 0.000000e+00 : f32
      %neg3A_20 = vector.broadcast %neg3A : f32 to vector<256x2048xf32>
      %neg3A_21 = arith.subf %neg3A_20, %dot_general3A_12 : vector<256x2048xf32>
      %exp3A = math.exp %neg3A_21 : vector<256x2048xf32>
      %add3A_22 = arith.constant 1.000000e+00 : f32
      %add3A_23 = vector.broadcast %add3A_22 : f32 to vector<256x2048xf32>
      %add3A_24 = arith.addf %add3A_23, %exp3A : vector<256x2048xf32>
      %div3A = arith.divf %dot_general3A_12, %add3A_24 : vector<256x2048xf32>
      %mul3A = arith.mulf %div3A, %dot_general3A_19 : vector<256x2048xf32>
      %get3A_25 = arith.constant 0 : index
      %get3A_26 = arith.constant 0 : index
      %get3A_27 = arith.constant 0 : index
      %get3A_28 = vector.load %arg7[%get3A_25, %get3A_26, %get3A_27] : memref<1x1024x2048xf32, #tpu.memory_space<vmem>>, vector<1x1024x2048xf32>
      %get3A_29 = vector.shape_cast %get3A_28 : vector<1x1024x2048xf32> to vector<1024x2048xf32>
      %dot_general3A_30 = arith.constant dense<0.000000e+00> : vector<256x1024xf32>
      %dot_general3A_31 = tpu.matmul %mul3A, %get3A_29, %dot_general3A_30 {dimension_numbers = #tpu.dot_dimension_numbers<[1], [1], [0], [0], [0, 0, 1, 0], [], []>, transpose_lhs_hint = false} : vector<256x2048xf32>, vector<1024x2048xf32>, vector<256x1024xf32> -> vector<256x1024xf32>
      %get3A_32 = arith.constant 0 : index
      %get3A_33 = arith.constant 0 : index
      %get3A_34 = vector.load %arg8[%get3A_32, %get3A_33] : memref<256x1xf32, #tpu.memory_space<vmem>>, vector<256x1xf32>
      %mul3A_35 = vector.broadcast %get3A_34 : vector<256x1xf32> to vector<256x1024xf32>
      %mul3A_36 = arith.mulf %dot_general3A_31, %mul3A_35 : vector<256x1024xf32>
      %swap3A = arith.constant 0 : index
      %swap3A_37 = arith.constant 0 : index
      %swap3A_38 = vector.load %arg9[%swap3A, %swap3A_37] : memref<256x1024xf32, #tpu.memory_space<vmem>>, vector<256x1024xf32>
      tpu.vector_store %arg9[%swap3A, %swap3A_37], %mul3A_36 {strides = array<i32>} : memref<256x1024xf32, #tpu.memory_space<vmem>>, vector<256x1024xf32>,
    } else {
    }
    return
  }
  func.func @transform_0(%arg0: i32, %arg1: memref<40xi32, #tpu.memory_space<smem>>, %arg2: memref<40xi32, #tpu.memory_space<smem>>) -> (i32, i32) {
    %c0_i32 = arith.constant 0 : i32
    %c0_i32_0 = arith.constant 0 : i32
    %c0_i32_1 = arith.constant 0 : i32
    return %c0_i32, %c0_i32_0 : i32, i32
  }
  func.func @transform_1(%arg0: i32, %arg1: memref<40xi32, #tpu.memory_space<smem>>, %arg2: memref<40xi32, #tpu.memory_space<smem>>) -> (i32, i32) {
    %c0_i32 = arith.constant 0 : i32
    %c0_i32_0 = arith.constant 0 : i32
    return %arg0, %c0_i32 : i32, i32
  }
  func.func @transform_2(%arg0: i32, %arg1: memref<40xi32, #tpu.memory_space<smem>>, %arg2: memref<40xi32, #tpu.memory_space<smem>>) -> (i32, i32, i32) {
    %add3A = arith.constant 20 : i32
    %add3A_0 = arith.addi %arg0, %add3A : i32
    %get3A = arith.index_cast %add3A_0 : i32 to index
    %get3A_1 = memref.load %arg1[%get3A] : memref<40xi32, #tpu.memory_space<smem>>
    %c0_i32 = arith.constant 0 : i32
    %c0_i32_2 = arith.constant 0 : i32
    %c0_i32_3 = arith.constant 0 : i32
    return %get3A_1, %c0_i32, %c0_i32_2 : i32, i32, i32
  }
  func.func @transform_3(%arg0: i32, %arg1: memref<40xi32, #tpu.memory_space<smem>>, %arg2: memref<40xi32, #tpu.memory_space<smem>>) -> (i32, i32, i32) {
    %add3A = arith.constant 20 : i32
    %add3A_0 = arith.addi %arg0, %add3A : i32
    %get3A = arith.index_cast %add3A_0 : i32 to index
    %get3A_1 = memref.load %arg1[%get3A] : memref<40xi32, #tpu.memory_space<smem>>
    %c0_i32 = arith.constant 0 : i32
    %c0_i32_2 = arith.constant 0 : i32
    %c0_i32_3 = arith.constant 0 : i32
    return %get3A_1, %c0_i32, %c0_i32_2 : i32, i32, i32
  }
  func.func @transform_4(%arg0: i32, %arg1: memref<40xi32, #tpu.memory_space<smem>>, %arg2: memref<40xi32, #tpu.memory_space<smem>>) -> (i32, i32, i32) {
    %add3A = arith.constant 20 : i32
    %add3A_0 = arith.addi %arg0, %add3A : i32
    %get3A = arith.index_cast %add3A_0 : i32 to index
    %get3A_1 = memref.load %arg1[%get3A] : memref<40xi32, #tpu.memory_space<smem>>
    %c0_i32 = arith.constant 0 : i32
    %c0_i32_2 = arith.constant 0 : i32
    %c0_i32_3 = arith.constant 0 : i32
    return %get3A_1, %c0_i32, %c0_i32_2 : i32, i32, i32
  }
  func.func @transform_5(%arg0: i32, %arg1: memref<40xi32, #tpu.memory_space<smem>>, %arg2: memref<40xi32, #tpu.memory_space<smem>>) -> (i32, i32) {
    %add3A = arith.constant 20 : i32
    %add3A_0 = arith.addi %arg0, %add3A : i32
    %c0_i32 = arith.constant 0 : i32
    %c0_i32_1 = arith.constant 0 : i32
    return %add3A_0, %c0_i32 : i32, i32
  }
  func.func @transform_6(%arg0: i32, %arg1: memref<40xi32, #tpu.memory_space<smem>>, %arg2: memref<40xi32, #tpu.memory_space<smem>>) -> (i32, i32) {
    %add3A = arith.constant 20 : i32
    %add3A_0 = arith.addi %arg0, %add3A : i32
    %c0_i32 = arith.constant 0 : i32
    %c0_i32_1 = arith.constant 0 : i32
    return %add3A_0, %c0_i32 : i32, i32
  }
}

</mosaic_0001>

<sc_bundles>
// kernel: kernel.12.cloned.1.call-start
scs
__scs_entry_jumppad:
0x0: {  	(pc) =	sbr.rel $0x88, $3  }
0x1: {  	(tag) =	ssettag $0x0;
	lr =	simm.s32 $0x1  }
0x2: {  	[smem:$0x3F9C] =	sst lr;
	_ =	strace $0xD0000000  }
0x3: {  	_ = 	snop  }
0x4: {  	_ = 	snop  }
0x5: {  	_ = 	snop  }
0x6: {  	_ = 	snop  }
0x7: {  	_ = 	snop  }
__scs_overlays_trampoline_lowered:
0x8: {  	[smem:$0x3FAB] =	sst s0  }
0x9: {  	[smem:$0x3FAC] =	sst s1  }
0xa: {  	[smem:$0x3FAD] =	sst s2  }
0xb: {  	[smem:$0x3FAE] =	sst s3  }
0xc: {  	[smem:$0x3FAF] =	sst s4  }
0xd: {  	[smem:$0x3FB0] =	sst s5  }
0xe: {  	[smem:$0x3FB1] =	sst s6  }
0xf: {  	[smem:$0x3FB2] =	sst s7  }
0x10: {  	[smem:$0x3FB3] =	sst s8  }
0x11: {  	[smem:$0x3FB4] =	sst s9;
	s0 =	simm.s32 @!p0 $0x0  }
0x12: {  	s1 =	sld [smem:$0x3F9A];
	s0 =	simm.s32 @p0 $0x1  }
0x13: {  	[smem:$0x3FB5] =	sst s0;
	s0 =	simm.s32 @!p1 $0x0  }
0x14: {  	s2 =	sld [smem:$0x3F99];
	s0 =	simm.s32 @p1 $0x1  }
0x15: {  	[smem:$0x3FB6] =	sst s0;
	s0 =	simm.s32 @!p2 $0x0  }
0x16: {  	s3 =	sld [smem:$0x3FDB];
	s0 =	simm.s32 @p2 $0x1  }
0x17: {  	s4 =	simm.s32 $0x1BF5;
	[smem:$0x3FB8] =	sst s0  }
0x18: {  	s0 =	sld [smem:$0x3F9B];
	_ =	swait.ge [sflag:s4], $0x0  }
0x19: {  	s7 =	sld [smem:$0x3F9C]  }
0x1a: {  	s8 =	sadd.s32 $0xFFFFE003, lr  }
0x1b: {  	s9 =	sadd.s32 $0xFFFFFEF7, lr;
	s5 =	simm.s32 $0xFFFFFFFF;
	p2 =	slt.u32 s8, $0xFFFFF086  }
0x1c: {  	p1 =	slt.u32 s9, $0xF7A;
	s5 =	simm.s32 @!p2 $0x0  }
0x1d: {  	s5 =	simm.s32 @p1 $0x1;
	p0 =	seq.s32 s7, s2  }
0x1e: {  	s7 =	smul.u32 @!p0 $0xF7A, s2;
	p2 =	seq.s32 @!p0 s5, $0x0  }
0x1f: {  	s9 =	smul.u32 $0xF7A, s1;
	s8 =	simm.s32 @!p0 $0x1BF5;
	p2 =	por !p2, p0  }
0x20: {  	[sflag:s8] =	ssyncset.s32 @!p0 $0xFFFFF086;
	s6 =	sadd.s32 @!p0 s3, s7;
	s7 =	simm.s32 @!p0 $0x108  }
0x21: {  	s3 =	sadd.s32 s3, s9;
	s6 =	sadd.s32 @!p0 $0x88, s6;
	s7 =	simm.s32 @p2 $0x1082  }
0x22: {  	[simem:s7], [sflag:s8] =	dma.local @!p0 [hbm:s6], $0xF7A  }
0x23: {  	s9 =	sor.u32 $0xD0000000, s2;
	s6 =	simm.s32 $0x108;
	_ =	swait.ge @!p0 [sflag:s8], $0x0  }
0x24: {  	s3 =	sadd.s32 $0x88, s3;
	s6 =	simm.s32 @!p1 $0x1082;
	[sflag:s4] =	ssyncset.s32 $0xFFFFF086  }
0x25: {  	[simem:s6], [sflag:s4] =	dma.local [hbm:s3], $0xF7A  }
0x26: {  	[smem:$0x3F9C] =	sst s1;
	(tag) =	ssettag s2;
	_ =	strace s9  }
0x27: {  	s1 =	sld [smem:$0x3FAC]  }
0x28: {  	s2 =	sld [smem:$0x3FAD]  }
0x29: {  	s4 =	sld [smem:$0x3FAF]  }
0x2a: {  	p0 =	seq.s32 s5, $0x0;
	s5 =	sld [smem:$0x3FB0]  }
0x2b: {  	s6 =	sld [smem:$0x3FB1]  }
0x2c: {  	s7 =	sld [smem:$0x3FB2]  }
0x2d: {  	s3 =	simm.s32 $0x108;
	s8 =	sld [smem:$0x3FB3]  }
0x2e: {  	s3 =	simm.s32 @!p0 $0x1082;
	s9 =	sld [smem:$0x3FB4]  }
0x2f: {  	lr =	sadd.s32 s0, s3;
	s0 =	sld [smem:$0x3FAB]  }
0x30: {  	s3 =	sld [smem:$0x3FAE]  }
0x31: {  	[smem:$0x3FB7] =	sst s10  }
0x32: {  	s10 =	sld [smem:$0x3FB5];
	_ =	sdelay $0x3  }
0x33: {  	p0 =	seq.s32 s10, $0x1;
	s10 =	sld [smem:$0x3FB7];
	_ =	sdelay $0x3  }
0x34: {  	[smem:$0x3FB7] =	sst s10  }
0x35: {  	s10 =	sld [smem:$0x3FB6];
	_ =	sdelay $0x3  }
0x36: {  	p1 =	seq.s32 s10, $0x1;
	s10 =	sld [smem:$0x3FB7];
	_ =	sdelay $0x3  }
0x37: {  	[smem:$0x3FB7] =	sst s10  }
0x38: {  	s10 =	sld [smem:$0x3FB8]  }
0x39: {  	_ = 	snop;
	(pc) =	sbr.ind lr, $3  }
0x3a: {  	_ = 	snop  }
0x3b: {  	_ = 	snop  }
0x3c: {  	p2 =	seq.s32 s10, $0x1;
	s10 =	sld [smem:$0x3FB7]  }
0x3d: {  	_ =	shalt  }
0x3e: {  	_ =	shalt  }
0x3f: {  	_ =	shalt  }
0x40: {  	_ =	shalt  }
0x41: {  	_ =	shalt  }
0x42: {  	_ =	shalt  }
0x43: {  	_ =	shalt  }
0x44: {  	_ =	shalt  }
0x45: {  	_ =	shalt  }
0x46: {  	_ =	shalt  }
0x47: {  	_ =	shalt  }
0x48: {  	_ =	shalt  }
0x49: {  	_ =	shalt  }
0x4a: {  	_ =	shalt  }
0x4b: {  	_ =	shalt  }
0x4c: {  	_ =	shalt  }
0x4d: {  	_ =	shalt  }
0x4e: {  	_ =	shalt  }
0x4f: {  	_ =	shalt  }
0x50: {  	_ =	shalt  }
0x51: {  	_ =	shalt  }
0x52: {  	_ =	shalt  }
0x53: {  	_ =	shalt  }
0x54: {  	_ =	shalt  }
0x55: {  	_ =	shalt  }
0x56: {  	_ =	shalt  }
0x57: {  	_ =	shalt  }
0x58: {  	_ =	shalt  }
0x59: {  	_ =	shalt  }
0x5a: {  	_ =	shalt  }
0x5b: {  	_ =	shalt  }
0x5c: {  	_ =	shalt  }
0x5d: {  	_ =	shalt  }
0x5e: {  	_ =	shalt  }
0x5f: {  	_ =	shalt  }
0x60: {  	_ =	shalt  }
0x61: {  	_ =	shalt  }
0x62: {  	_ =	shalt  }
0x63: {  	_ =	shalt  }
0x64: {  	_ =	shalt  }
0x65: {  	_ =	shalt  }
0x66: {  	_ =	shalt  }
0x67: {  	_ =	shalt  }
0x68: {  	_ =	shalt  }
0x69: {  	_ =	shalt  }
0x6a: {  	_ =	shalt  }
0x6b: {  	_ =	shalt  }
0x6c: {  	_ =	shalt  }
0x6d: {  	_ =	shalt  }
0x6e: {  	_ =	shalt  }
0x6f: {  	_ =	shalt  }
0x70: {  	_ =	shalt  }
0x71: {  	_ =	shalt  }
0x72: {  	_ =	shalt  }
0x73: {  	_ =	shalt  }
0x74: {  	_ =	shalt  }
0x75: {  	_ =	shalt  }
0x76: {  	_ =	shalt  }
0x77: {  	_ =	shalt  }
0x78: {  	_ =	shalt  }
0x79: {  	_ =	shalt  }
0x7a: {  	_ =	shalt  }
0x7b: {  	_ =	shalt  }
0x7c: {  	_ =	shalt  }
0x7d: {  	_ =	shalt  }
0x7e: {  	_ =	shalt  }
0x7f: {  	_ =	shalt  }
0x80: {  	_ =	shalt  }
0x81: {  	_ =	shalt  }
0x82: {  	_ =	shalt  }
0x83: {  	_ =	shalt  }
0x84: {  	_ =	shalt  }
0x85: {  	_ =	shalt  }
0x86: {  	_ =	shalt  }
0x87: {  	_ =	shalt  }
.Lfunc_end0:
.L_simem_size_0:
called_computation.1_lowered:
.L_overlay_start_0:
0x88: {  	s2 =	sld [smem:$0x3FD9]  }
0x89: {  	s3 =	sld [smem:$0x3FFE];
	_ =	sdelay $0x1  }
0x8a: {  	s1 =	srdreg.scid  }
0x8b: {  	s0 =	sand.u32 $0x1, s1  }
0x8c: {  	s17 =	sshll.u32 s0, $0xA;
	s2 =	sadd.s32 s3, s2  }
0x8d: {  	s2 =	sadd.s32 s2, s17  }
0x8e: {  	[smem:$0x3FC3] =	sst s2  }
0x8f: {  	_ = 	snop  }
0x90: {  	s2 =	sld [smem:$0x3FC9];
	(tm) =	ssettm $0x1  }
0x91: {  	s18 =	sld [smem:$0x3FFB];
	_ =	sdelay $0x3  }
0x92: {  	_ =	strace s18  }
0x93: {  	s3 =	sld [smem:$0x3FFC];
	_ =	sdelay $0x3  }
0x94: {  	_ =	strace s3  }
0x95: {  	s3 =	sld [smem:$0x3FFD];
	_ =	sdelay $0x3  }
0x96: {  	_ =	strace s3  }
0x97: {  	_ =	strace $0x8FFFFFFF  }
0x98: {  	s19 =	sld [smem:$0x3FDB];
	_ =	sdelay $0x1  }
0x99: {  	s4 =	simm.s32 $_scs_section_size  }
0x9a: {  	s5 =	simm.s32 $_size__tile_overlayer_lowered;
	s6 =	simm.s32 $_tile_overlayer_lowered  }
0x9b: {  	s22 =	simm.s32 $0x1BFF;
	s21 =	sshll.u32 s6, $0x1;
	s3 =	sadd.s32 s4, s19  }
0x9c: {  	s7 =	simm.s32 $0x0;
	s20 =	sshll.u32 s5, $0x1;
	s5 =	sadd.s32 s21, s3  }
0x9d: {  	[timem:s7], [sflag:s22] =	dma.local [hbm:s5], s20  }
0x9e: {  	_ =	swait.ge [sflag:s22], s20  }
0x9f: {  	s4 =	ssub.s32 $0x0, s20;
	[sflag:s22] =	ssyncset.done $0x0  }
0xa0: {  	[sflag:s22] =	ssyncadd.s32 s4;
	_ =	sdelay $0x1  }
0xa1: {  	s23 =	simm.s32 $0x1B8B  }
0xa2: {  	_ =	swait.ge [sflag:s23], $0x1  }
0xa3: {  	[sflag:s23] =	ssyncset.done $0x0  }
0xa4: {  	s25 =	simm.s32 $0x1B8E;
	s24 =	sld [smem:$0x3FFE];
	[sflag:s23] =	ssyncadd.s32 $0xFFFFFFFF  }
0xa5: {  	s26 =	simm.s32 $execute0_lowered;
	[smem:$0x3FD2] =	sst s25  }
0xa6: {  	s5 =	sshll.u32 s26, $0x1;
	_ =	strace $0x80000049;
	[dreg:$0x1] =	wrdreg $0xFFFFFFFF  }
0xa7: {  	s28 =	simm.s32 $_size_execute0_lowered;
	s3 =	sadd.s32 s3, s5;
	[dreg:$0x0] =	wrdreg $0x0  }
0xa8: {  	s5 =	sshll.u32 s28, $0x1;
	[dreg:$0x2] =	wrdreg s3  }
0xa9: {  	[dreg:$0x3] =	wrdreg s5  }
0xaa: {  	[dreg:$0x4] =	wrdreg $0xC0  }
0xab: {  	_ =	task [dreg:s7], $0x5FFFF  }
0xac: {  	[dreg:$0x1] =	wrdreg $0xFFFFFFFF  }
0xad: {  	[dreg:$0x0] =	wrdreg $0x60  }
0xae: {  	[dreg:$0x2] =	wrdreg s24  }
0xaf: {  	[dreg:$0x3] =	wrdreg s2  }
0xb0: {  	[dreg:$0x4] =	wrdreg $0x9  }
0xb1: {  	_ =	task.clear_ibuf [dreg:s7], $0x5FFFF;
	_ =	strace $0x90000049  }
0xb2: {  	s29 =	simm.s32 $0x9;
	_ =	strace $0x8000004B  }
0xb3: {  	_ =	swait.ge [sflag:s29], $0x1  }
0xb4: {  	[sflag:s29] =	ssyncadd.s32 $0xFFFFFFFF  }
0xb5: {  	_ =	strace $0x9000004B  }
0xb6: {  	_ =	sfence  }
0xb7: {  	s30 =	sld [smem:$0x0];
	_ =	sdelay $0x2  }
0xb8: {  	s31 =	sshll.u32 s1, $0xD;
	s1 =	sshrl.u32 s1, $0x2  }
0xb9: {  	s3 =	sand.u32 $0x4000, s31;
	s1 =	sadd.s32 s1, s30  }
0xba: {  	s0 =	sor.u32 s3, s0;
	s1 =	sshll.u32 s1, $0x11  }
0xbb: {  	s0 =	sor.u32 s1, s0  }
0xbc: {  	s0 =	sadd.s32 $0x8F2B, s0  }
0xbd: {  	[sflag:s0] =	ssyncadd.remote.s32 $0x1  }
0xbe: {  	_ =	sfence.sel $0xFFFF  }
0xbf: {  	[dreg:$0x0] =	wrdreg $0xFFFFFFFF;
	(pc) =	sbr.abs _section_cstart, $3  }
0xc0: {  	[dreg:$0x1] =	wrdreg $0xFFFFFFFF  }
0xc1: {  	_ =	task.clear_ibuf [dreg:s7], $0x2FFFF;
	_ =	strace $0x9FFFFFFF  }
0xc2: {  	(tm) =	ssettm $0x7FFFFFFF  }
0xc3: {  	_ =	shalt  }
tec
execute0_lowered:
.L_overlay_start_1:
0x0: {  	(tag) =	ssettag $0x1  }
0x1: {  	s1 =	rddreg [dreg:$0x0]  }
0x2: {  	s0 =	srdreg.scid;
	s2 =	rddreg [dreg:$0x1]  }
0x3: {  	s5 =	stileid.u32;
	s3 =	simm.s32 $0x0;
	s28 =	simm.s32 $0x1  }
0x4: {  	s29 =	simm.s32 $0x2;
	s31 =	simm.s32 $0x100;
	s11 =	simm.s32 $0x2100  }
0x5: {  	s12 =	simm.s32 $0x2900;
	s13 =	simm.s32 $0x3100;
	s14 =	simm.s32 $0x3900  }
0x6: {  	s15 =	simm.s32 $0x4100;
	s16 =	simm.s32 $0x4900;
	s17 =	simm.s32 $0x5100  }
0x7: {  	s18 =	simm.s32 $0x5900;
	s19 =	simm.s32 $0x6100;
	s0 =	sand.u32 $0x1, s0  }
0x8: {  	s20 =	simm.s32 $0x6900;
	[smem:$0x7FF] =	sst s3;
	s4 =	sshll.u32 s0, $0x4  }
0x9: {  	s6 =	sadd.s32 $0x22400, s1;
	s0 =	ssub.s32 $0x2, s0;
	s4 =	sor.u32 s5, s4  }
0xa: {  	s1 =	sadd.s32 $0x22A00, s1;
	s10 =	sshrl.u32 s0, $0x1;
	s5 =	smul.u32 $0xA0, s4  }
0xb: {  	_ =	strace $0x8000004A;
	s4 =	smul.u32 $0x5000, s4;
	s0 =	ssub.s32 s0, s10  }
0xc: {  	s10 =	simm.s32 $0x1900;
	s7 =	sshrl.u32 s5, $0x3;
	s8 =	sadd.s32 $0x28, s5  }
0xd: {  	s4 =	sadd.s32 s1, s4;
	s22 =	sadd.s32 $0x50, s5;
	s5 =	sadd.s32 $0x78, s5  }
0xe: {  	s7 =	sadd.s32 s6, s7;
	s9 =	sshrl.u32 s8, $0x3;
	[dreg:$0x5] =	wrdreg s4  }
0xf: {  	s23 =	sshrl.u32 s22, $0x3;
	s8 =	sshll.u32 s8, $0x7;
	s25 =	sshrl.u32 s5, $0x3  }
0x10: {  	s30 =	sshll.u32 s22, $0x7;
	s5 =	sshll.u32 s5, $0x7;
	s22 =	simm.s32 $0x7900  }
0x11: {  	[dreg:$0x3] =	wrdreg s7;
	s21 =	sadd.s32 s6, s9;
	s4 =	sadd.s32 s6, s23  }
0x12: {  	s24 =	sadd.s32 s1, s8;
	s26 =	sadd.s32 s6, s25;
	[dreg:$0x4] =	wrdreg s21  }
0x13: {  	s6 =	sadd.s32 s1, s30;
	s1 =	sadd.s32 s1, s5;
	[dreg:$0x6] =	wrdreg s4  }
0x14: {  	s5 =	sadd.s32 $0x200, s2;
	s7 =	smax.u32 s0, $0x1;
	[dreg:$0x7] =	wrdreg s24  }
0x15: {  	s8 =	simm.s32 $0x3;
	s9 =	simm.s32 $0x900;
	[dreg:$0x8] =	wrdreg s26  }
0x16: {  	v2 =	vlaneseq.u32;
	s23 =	simm.s32 $0x8100;
	s25 =	simm.s32 $0x9100;
	[dreg:$0x9] =	wrdreg s6  }
0x17: {  	vm0 =	vmmov $0xffff;
	v1 =	vshrl.u32 v2, $0x3;
	s4 =	sadd.s32 $0x100, s2;
	s6 =	sadd.s32 $0x300, s2;
	[dreg:$0xa] =	wrdreg s1  }
0x18: {  	v0 =	vand.u32 $0x7, v2;
	v2 =	vor.u32 $0x8, v2;
	v1 =	vmul.u32 $0x8, v1;
	s21 =	simm.s32 $0x7100;
	s24 =	simm.s32 $0x8900;
	s26 =	simm.s32 $0x9900  }
.LBB2_1:
0x19: {  	s30 =	rddreg [dreg:$0x3]  }
0x1a: {  	[tilespmem:s3], [sflag:$0x3] =	stream.linear.gather [hbm4b:s30+s3], $0x28, $0x38;
	[tilespmem:$0x14100] =	vst v63  }
0x1b: {  	_ =	swait.ge [sflag:s8], $0x28  }
0x1c: {  	[sflag:s8] =	ssyncset.done $0x0  }
0x1d: {  	[sflag:s8] =	ssyncadd.s32 $0xFFFFFFD8  }
0x1e: {  	v3 =	vld [tilespmem:$0x0];
	_ =	sdelay $0x4  }
0x1f: {  	v4 =	vshll.u32 v3, $0x3  }
0x20: {  	v3 =	vand.u32 $0x7, v3;
	v4 =	vand.u32 $0xFFFFFFC0, v4  }
0x21: {  	v3 =	vor.u32 v3, v4  }
0x22: {  	v4 =	vperm.xlane v3, v0;
	_ =	sdelay $0x1  }
0x23: {  	v4 =	vadd.s32 v1, v4;
	_ =	sdelay $0x4  }
0x24: {  	[tilespmem:s31], [sflag:$0x1] =	stream.indirect_vreg.gather [hbm4b:s2+s3], $0x80, v4, vm0, $0xb8;
	[tilespmem:$0x14100] =	vst v63  }
0x25: {  	v3 =	vperm.xlane v3, v2  }
0x26: {  	[tilespmem:s9], [sflag:$0x1] =	stream.indirect_vreg.gather [hbm4b:s4+s3], $0x80, v4, vm0, $0xb8;
	[tilespmem:$0x14100] =	vst v63  }
0x27: {  	s1 =	simm.s32 $0x1100;
	v3 =	vadd.s32 v1, v3  }
0x28: {  	[tilespmem:s1], [sflag:$0x1] =	stream.indirect_vreg.gather [hbm4b:s5+s3], $0x80, v4, vm0, $0xb8;
	[tilespmem:$0x14100] =	vst v63  }
0x29: {  	_ = 	snop  }
0x2a: {  	[tilespmem:s10], [sflag:$0x1] =	stream.indirect_vreg.gather [hbm4b:s6+s3], $0x80, v4, vm0, $0xb8;
	[tilespmem:$0x14100] =	vst v63  }
0x2b: {  	_ = 	snop  }
0x2c: {  	[tilespmem:s11], [sflag:$0x1] =	stream.indirect_vreg.gather [hbm4b:s2+s3], $0x80, v3, vm0, $0xb8;
	[tilespmem:$0x14100] =	vst v63  }
0x2d: {  	_ = 	snop  }
0x2e: {  	[tilespmem:s12], [sflag:$0x1] =	stream.indirect_vreg.gather [hbm4b:s4+s3], $0x80, v3, vm0, $0xb8;
	[tilespmem:$0x14100] =	vst v63  }
0x2f: {  	_ = 	snop  }
0x30: {  	[tilespmem:s13], [sflag:$0x1] =	stream.indirect_vreg.gather [hbm4b:s5+s3], $0x80, v3, vm0, $0xb8;
	[tilespmem:$0x14100] =	vst v63  }
0x31: {  	_ = 	snop  }
0x32: {  	[tilespmem:s14], [sflag:$0x1] =	stream.indirect_vreg.gather [hbm4b:s6+s3], $0x80, v3, vm0, $0xb8;
	[tilespmem:$0x14100] =	vst v63  }
0x33: {  	v3 =	vld [tilespmem:$0x10];
	_ =	sdelay $0x4  }
0x34: {  	v53 =	vshll.u32 v3, $0x3  }
0x35: {  	v3 =	vand.u32 $0x7, v3;
	v4 =	vand.u32 $0xFFFFFFC0, v53  }
0x36: {  	v3 =	vor.u32 v3, v4  }
0x37: {  	v4 =	vperm.xlane v3, v0;
	_ =	sdelay $0x1  }
0x38: {  	v4 =	vadd.s32 v1, v4;
	_ =	sdelay $0x4  }
0x39: {  	[tilespmem:s15], [sflag:$0x1] =	stream.indirect_vreg.gather [hbm4b:s2+s3], $0x80, v4, vm0, $0xb8;
	[tilespmem:$0x14100] =	vst v63  }
0x3a: {  	v3 =	vperm.xlane v3, v2  }
0x3b: {  	[tilespmem:s16], [sflag:$0x1] =	stream.indirect_vreg.gather [hbm4b:s4+s3], $0x80, v4, vm0, $0xb8;
	[tilespmem:$0x14100] =	vst v63  }
0x3c: {  	v3 =	vadd.s32 v1, v3  }
0x3d: {  	[tilespmem:s17], [sflag:$0x1] =	stream.indirect_vreg.gather [hbm4b:s5+s3], $0x80, v4, vm0, $0xb8;
	[tilespmem:$0x14100] =	vst v63  }
0x3e: {  	_ = 	snop  }
0x3f: {  	[tilespmem:s18], [sflag:$0x1] =	stream.indirect_vreg.gather [hbm4b:s6+s3], $0x80, v4, vm0, $0xb8;
	[tilespmem:$0x14100] =	vst v63  }
0x40: {  	_ = 	snop  }
0x41: {  	[tilespmem:s19], [sflag:$0x1] =	stream.indirect_vreg.gather [hbm4b:s2+s3], $0x80, v3, vm0, $0xb8;
	[tilespmem:$0x14100] =	vst v63  }
0x42: {  	_ = 	snop  }
0x43: {  	[tilespmem:s20], [sflag:$0x1] =	stream.indirect_vreg.gather [hbm4b:s4+s3], $0x80, v3, vm0, $0xb8;
	[tilespmem:$0x14100] =	vst v63  }
0x44: {  	_ = 	snop  }
0x45: {  	[tilespmem:s21], [sflag:$0x1] =	stream.indirect_vreg.gather [hbm4b:s5+s3], $0x80, v3, vm0, $0xb8;
	[tilespmem:$0x14100] =	vst v63  }
0x46: {  	_ = 	snop  }
0x47: {  	[tilespmem:s22], [sflag:$0x1] =	stream.indirect_vreg.gather [hbm4b:s6+s3], $0x80, v3, vm0, $0xb8;
	[tilespmem:$0x14100] =	vst v63  }
0x48: {  	v3 =	vld.msk [tilespmem:$0x20], $0xff;
	_ =	sdelay $0x4  }
0x49: {  	v54 =	vshll.u32 v3, $0x3  }
0x4a: {  	v3 =	vand.u32 $0x7, v3;
	v4 =	vand.u32 $0xFFFFFFC0, v54  }
0x4b: {  	v3 =	vor.u32 v3, v4  }
0x4c: {  	v3 =	vperm.xlane v3, v0;
	_ =	sdelay $0x1  }
0x4d: {  	v3 =	vadd.s32 v1, v3;
	_ =	sdelay $0x4  }
0x4e: {  	[tilespmem:s23], [sflag:$0x1] =	stream.indirect_vreg.gather [hbm4b:s2+s3], $0x80, v3, vm0, $0xb8;
	[tilespmem:$0x14100] =	vst v63  }
0x4f: {  	_ = 	snop  }
0x50: {  	[tilespmem:s24], [sflag:$0x1] =	stream.indirect_vreg.gather [hbm4b:s4+s3], $0x80, v3, vm0, $0xb8;
	[tilespmem:$0x14100] =	vst v63  }
0x51: {  	_ = 	snop  }
0x52: {  	[tilespmem:s25], [sflag:$0x1] =	stream.indirect_vreg.gather [hbm4b:s5+s3], $0x80, v3, vm0, $0xb8;
	[tilespmem:$0x14100] =	vst v63  }
0x53: {  	_ = 	snop  }
0x54: {  	[tilespmem:s26], [sflag:$0x1] =	stream.indirect_vreg.gather [hbm4b:s6+s3], $0x80, v3, vm0, $0xb8;
	[tilespmem:$0x14100] =	vst v63  }
0x55: {  	s0 =	simm.s32 $0x80;
	s30 =	rddreg [dreg:$0x4]  }
0x56: {  	[tilespmem:s0], [sflag:$0x3] =	stream.linear.gather [hbm4b:s30+s3], $0x28, $0x38;
	[tilespmem:$0x14100] =	vst v63  }
0x57: {  	_ =	swait.ge [sflag:s8], $0x28  }
0x58: {  	[sflag:s8] =	ssyncset.done $0x0  }
0x59: {  	[sflag:s8] =	ssyncadd.s32 $0xFFFFFFD8  }
0x5a: {  	v3 =	vld [tilespmem:$0x80];
	_ =	sdelay $0x4  }
0x5b: {  	v55 =	vshll.u32 v3, $0x3  }
0x5c: {  	v3 =	vand.u32 $0x7, v3;
	v4 =	vand.u32 $0xFFFFFFC0, v55  }
0x5d: {  	v3 =	vor.u32 v3, v4  }
0x5e: {  	v4 =	vperm.xlane v3, v0;
	_ =	sdelay $0x1  }
0x5f: {  	v4 =	vadd.s32 v1, v4;
	_ =	sdelay $0x3  }
0x60: {  	s0 =	simm.s32 $0xA100  }
0x61: {  	[tilespmem:s0], [sflag:$0x2] =	stream.indirect_vreg.gather [hbm4b:s2+s3], $0x80, v4, vm0, $0xb8;
	[tilespmem:$0x14100] =	vst v63  }
0x62: {  	s30 =	simm.s32 $0xA900;
	v3 =	vperm.xlane v3, v2  }
0x63: {  	[tilespmem:s30], [sflag:$0x2] =	stream.indirect_vreg.gather [hbm4b:s4+s3], $0x80, v4, vm0, $0xb8;
	[tilespmem:$0x14100] =	vst v63  }
0x64: {  	v3 =	vadd.s32 v1, v3;
	s30 =	simm.s32 $0xB100  }
0x65: {  	[tilespmem:s30], [sflag:$0x2] =	stream.indirect_vreg.gather [hbm4b:s5+s3], $0x80, v4, vm0, $0xb8;
	[tilespmem:$0x14100] =	vst v63  }
0x66: {  	s30 =	simm.s32 $0xB900  }
0x67: {  	[tilespmem:s30], [sflag:$0x2] =	stream.indirect_vreg.gather [hbm4b:s6+s3], $0x80, v4, vm0, $0xb8;
	[tilespmem:$0x14100] =	vst v63  }
0x68: {  	s30 =	simm.s32 $0xC100  }
0x69: {  	[tilespmem:s30], [sflag:$0x2] =	stream.indirect_vreg.gather [hbm4b:s2+s3], $0x80, v3, vm0, $0xb8;
	[tilespmem:$0x14100] =	vst v63  }
0x6a: {  	s30 =	simm.s32 $0xC900  }
0x6b: {  	[tilespmem:s30], [sflag:$0x2] =	stream.indirect_vreg.gather [hbm4b:s4+s3], $0x80, v3, vm0, $0xb8;
	[tilespmem:$0x14100] =	vst v63  }
0x6c: {  	s30 =	simm.s32 $0xD100  }
0x6d: {  	[tilespmem:s30], [sflag:$0x2] =	stream.indirect_vreg.gather [hbm4b:s5+s3], $0x80, v3, vm0, $0xb8;
	[tilespmem:$0x14100] =	vst v63  }
0x6e: {  	s30 =	simm.s32 $0xD900  }
0x6f: {  	[tilespmem:s30], [sflag:$0x2] =	stream.indirect_vreg.gather [hbm4b:s6+s3], $0x80, v3, vm0, $0xb8;
	[tilespmem:$0x14100] =	vst v63  }
0x70: {  	v3 =	vld [tilespmem:$0x90];
	_ =	sdelay $0x4  }
0x71: {  	v56 =	vshll.u32 v3, $0x3  }
0x72: {  	v3 =	vand.u32 $0x7, v3;
	v4 =	vand.u32 $0xFFFFFFC0, v56  }
0x73: {  	v3 =	vor.u32 v3, v4  }
0x74: {  	v4 =	vperm.xlane v3, v0;
	_ =	sdelay $0x1  }
0x75: {  	v4 =	vadd.s32 v1, v4;
	_ =	sdelay $0x3  }
0x76: {  	s30 =	simm.s32 $0xE100  }
0x77: {  	[tilespmem:s30], [sflag:$0x2] =	stream.indirect_vreg.gather [hbm4b:s2+s3], $0x80, v4, vm0, $0xb8;
	[tilespmem:$0x14100] =	vst v63  }
0x78: {  	v3 =	vperm.xlane v3, v2;
	s30 =	simm.s32 $0xE900  }
0x79: {  	[tilespmem:s30], [sflag:$0x2] =	stream.indirect_vreg.gather [hbm4b:s4+s3], $0x80, v4, vm0, $0xb8;
	[tilespmem:$0x14100] =	vst v63  }
0x7a: {  	v3 =	vadd.s32 v1, v3;
	s30 =	simm.s32 $0xF100  }
0x7b: {  	[tilespmem:s30], [sflag:$0x2] =	stream.indirect_vreg.gather [hbm4b:s5+s3], $0x80, v4, vm0, $0xb8;
	[tilespmem:$0x14100] =	vst v63  }
0x7c: {  	s30 =	simm.s32 $0xF900  }
0x7d: {  	[tilespmem:s30], [sflag:$0x2] =	stream.indirect_vreg.gather [hbm4b:s6+s3], $0x80, v4, vm0, $0xb8;
	[tilespmem:$0x14100] =	vst v63  }
0x7e: {  	s30 =	simm.s32 $0x10100  }
0x7f: {  	[tilespmem:s30], [sflag:$0x2] =	stream.indirect_vreg.gather [hbm4b:s2+s3], $0x80, v3, vm0, $0xb8;
	[tilespmem:$0x14100] =	vst v63  }
0x80: {  	s30 =	simm.s32 $0x10900  }
0x81: {  	[tilespmem:s30], [sflag:$0x2] =	stream.indirect_vreg.gather [hbm4b:s4+s3], $0x80, v3, vm0, $0xb8;
	[tilespmem:$0x14100] =	vst v63  }
0x82: {  	s30 =	simm.s32 $0x11100  }
0x83: {  	[tilespmem:s30], [sflag:$0x2] =	stream.indirect_vreg.gather [hbm4b:s5+s3], $0x80, v3, vm0, $0xb8;
	[tilespmem:$0x14100] =	vst v63  }
0x84: {  	s30 =	simm.s32 $0x11900  }
0x85: {  	[tilespmem:s30], [sflag:$0x2] =	stream.indirect_vreg.gather [hbm4b:s6+s3], $0x80, v3, vm0, $0xb8;
	[tilespmem:$0x14100] =	vst v63  }
0x86: {  	v3 =	vld.msk [tilespmem:$0xA0], $0xff;
	_ =	sdelay $0x4  }
0x87: {  	v57 =	vshll.u32 v3, $0x3  }
0x88: {  	v3 =	vand.u32 $0x7, v3;
	v4 =	vand.u32 $0xFFFFFFC0, v57  }
0x89: {  	v3 =	vor.u32 v3, v4  }
0x8a: {  	v3 =	vperm.xlane v3, v0;
	_ =	sdelay $0x1  }
0x8b: {  	v3 =	vadd.s32 v1, v3;
	_ =	sdelay $0x3  }
0x8c: {  	s30 =	simm.s32 $0x12100  }
0x8d: {  	[tilespmem:s30], [sflag:$0x2] =	stream.indirect_vreg.gather [hbm4b:s2+s3], $0x80, v3, vm0, $0xb8;
	[tilespmem:$0x14100] =	vst v63  }
0x8e: {  	s30 =	simm.s32 $0x12900  }
0x8f: {  	[tilespmem:s30], [sflag:$0x2] =	stream.indirect_vreg.gather [hbm4b:s4+s3], $0x80, v3, vm0, $0xb8;
	[tilespmem:$0x14100] =	vst v63  }
0x90: {  	s30 =	simm.s32 $0x13100  }
0x91: {  	[tilespmem:s30], [sflag:$0x2] =	stream.indirect_vreg.gather [hbm4b:s5+s3], $0x80, v3, vm0, $0xb8;
	[tilespmem:$0x14100] =	vst v63  }
0x92: {  	s30 =	simm.s32 $0x13900  }
0x93: {  	[tilespmem:s30], [sflag:$0x2] =	stream.indirect_vreg.gather [hbm4b:s6+s3], $0x80, v3, vm0, $0xb8;
	[tilespmem:$0x14100] =	vst v63  }
0x94: {  	_ =	swait.ge [sflag:s28], $0xA000  }
0x95: {  	[sflag:s28] =	ssyncset.done $0x0  }
0x96: {  	s30 =	rddreg [dreg:$0x5];
	[sflag:s28] =	ssyncadd.s32 $0xFFFF6000  }
0x97: {  	[hbm4b:s30+s3] =	stream.linear.scatter [tilespmem:s31], [sflag:$0x3], $0xA000, $0x38;
	[tilespmem:$0x14100] =	vst v63  }
0x98: {  	_ =	swait.ge [sflag:s8], $0xA000  }
0x99: {  	[sflag:s8] =	ssyncset.done $0x0  }
0x9a: {  	s30 =	rddreg [dreg:$0x6];
	[sflag:s8] =	ssyncadd.s32 $0xFFFF6000  }
0x9b: {  	[tilespmem:s3], [sflag:$0x3] =	stream.linear.gather [hbm4b:s30+s3], $0x28, $0x38;
	[tilespmem:$0x14100] =	vst v63  }
0x9c: {  	_ =	swait.ge [sflag:s8], $0x28  }
0x9d: {  	[sflag:s8] =	ssyncset.done $0x0  }
0x9e: {  	[sflag:s8] =	ssyncadd.s32 $0xFFFFFFD8  }
0x9f: {  	v3 =	vld [tilespmem:$0x0];
	_ =	sdelay $0x4  }
0xa0: {  	v58 =	vshll.u32 v3, $0x3  }
0xa1: {  	v3 =	vand.u32 $0x7, v3;
	v4 =	vand.u32 $0xFFFFFFC0, v58  }
0xa2: {  	v3 =	vor.u32 v3, v4  }
0xa3: {  	v4 =	vperm.xlane v3, v0;
	_ =	sdelay $0x1  }
0xa4: {  	v4 =	vadd.s32 v1, v4;
	_ =	sdelay $0x4  }
0xa5: {  	[tilespmem:s31], [sflag:$0x1] =	stream.indirect_vreg.gather [hbm4b:s2+s3], $0x80, v4, vm0, $0xb8;
	[tilespmem:$0x14100] =	vst v63  }
0xa6: {  	v3 =	vperm.xlane v3, v2  }
0xa7: {  	[tilespmem:s9], [sflag:$0x1] =	stream.indirect_vreg.gather [hbm4b:s4+s3], $0x80, v4, vm0, $0xb8;
	[tilespmem:$0x14100] =	vst v63  }
0xa8: {  	v3 =	vadd.s32 v1, v3  }
0xa9: {  	[tilespmem:s1], [sflag:$0x1] =	stream.indirect_vreg.gather [hbm4b:s5+s3], $0x80, v4, vm0, $0xb8;
	[tilespmem:$0x14100] =	vst v63  }
0xaa: {  	_ = 	snop  }
0xab: {  	[tilespmem:s10], [sflag:$0x1] =	stream.indirect_vreg.gather [hbm4b:s6+s3], $0x80, v4, vm0, $0xb8;
	[tilespmem:$0x14100] =	vst v63  }
0xac: {  	_ = 	snop  }
0xad: {  	[tilespmem:s11], [sflag:$0x1] =	stream.indirect_vreg.gather [hbm4b:s2+s3], $0x80, v3, vm0, $0xb8;
	[tilespmem:$0x14100] =	vst v63  }
0xae: {  	_ = 	snop  }
0xaf: {  	[tilespmem:s12], [sflag:$0x1] =	stream.indirect_vreg.gather [hbm4b:s4+s3], $0x80, v3, vm0, $0xb8;
	[tilespmem:$0x14100] =	vst v63  }
0xb0: {  	_ = 	snop  }
0xb1: {  	[tilespmem:s13], [sflag:$0x1] =	stream.indirect_vreg.gather [hbm4b:s5+s3], $0x80, v3, vm0, $0xb8;
	[tilespmem:$0x14100] =	vst v63  }
0xb2: {  	_ = 	snop  }
0xb3: {  	[tilespmem:s14], [sflag:$0x1] =	stream.indirect_vreg.gather [hbm4b:s6+s3], $0x80, v3, vm0, $0xb8;
	[tilespmem:$0x14100] =	vst v63  }
0xb4: {  	v3 =	vld [tilespmem:$0x10];
	_ =	sdelay $0x4  }
0xb5: {  	v59 =	vshll.u32 v3, $0x3  }
0xb6: {  	v3 =	vand.u32 $0x7, v3;
	v4 =	vand.u32 $0xFFFFFFC0, v59  }
0xb7: {  	v3 =	vor.u32 v3, v4  }
0xb8: {  	v4 =	vperm.xlane v3, v0;
	_ =	sdelay $0x1  }
0xb9: {  	v4 =	vadd.s32 v1, v4;
	_ =	sdelay $0x4  }
0xba: {  	[tilespmem:s15], [sflag:$0x1] =	stream.indirect_vreg.gather [hbm4b:s2+s3], $0x80, v4, vm0, $0xb8;
	[tilespmem:$0x14100] =	vst v63  }
0xbb: {  	v3 =	vperm.xlane v3, v2  }
0xbc: {  	[tilespmem:s16], [sflag:$0x1] =	stream.indirect_vreg.gather [hbm4b:s4+s3], $0x80, v4, vm0, $0xb8;
	[tilespmem:$0x14100] =	vst v63  }
0xbd: {  	v3 =	vadd.s32 v1, v3  }
0xbe: {  	[tilespmem:s17], [sflag:$0x1] =	stream.indirect_vreg.gather [hbm4b:s5+s3], $0x80, v4, vm0, $0xb8;
	[tilespmem:$0x14100] =	vst v63  }
0xbf: {  	_ = 	snop  }
0xc0: {  	[tilespmem:s18], [sflag:$0x1] =	stream.indirect_vreg.gather [hbm4b:s6+s3], $0x80, v4, vm0, $0xb8;
	[tilespmem:$0x14100] =	vst v63  }
0xc1: {  	_ = 	snop  }
0xc2: {  	[tilespmem:s19], [sflag:$0x1] =	stream.indirect_vreg.gather [hbm4b:s2+s3], $0x80, v3, vm0, $0xb8;
	[tilespmem:$0x14100] =	vst v63  }
0xc3: {  	_ = 	snop  }
0xc4: {  	[tilespmem:s20], [sflag:$0x1] =	stream.indirect_vreg.gather [hbm4b:s4+s3], $0x80, v3, vm0, $0xb8;
	[tilespmem:$0x14100] =	vst v63  }
0xc5: {  	_ = 	snop  }
0xc6: {  	[tilespmem:s21], [sflag:$0x1] =	stream.indirect_vreg.gather [hbm4b:s5+s3], $0x80, v3, vm0, $0xb8;
	[tilespmem:$0x14100] =	vst v63  }
0xc7: {  	_ = 	snop  }
0xc8: {  	[tilespmem:s22], [sflag:$0x1] =	stream.indirect_vreg.gather [hbm4b:s6+s3], $0x80, v3, vm0, $0xb8;
	[tilespmem:$0x14100] =	vst v63  }
0xc9: {  	v3 =	vld.msk [tilespmem:$0x20], $0xff;
	_ =	sdelay $0x4  }
0xca: {  	v60 =	vshll.u32 v3, $0x3  }
0xcb: {  	v3 =	vand.u32 $0x7, v3;
	v4 =	vand.u32 $0xFFFFFFC0, v60  }
0xcc: {  	v3 =	vor.u32 v3, v4  }
0xcd: {  	v3 =	vperm.xlane v3, v0;
	_ =	sdelay $0x1  }
0xce: {  	v3 =	vadd.s32 v1, v3;
	_ =	sdelay $0x4  }
0xcf: {  	[tilespmem:s23], [sflag:$0x1] =	stream.indirect_vreg.gather [hbm4b:s2+s3], $0x80, v3, vm0, $0xb8;
	[tilespmem:$0x14100] =	vst v63  }
0xd0: {  	_ = 	snop  }
0xd1: {  	[tilespmem:s24], [sflag:$0x1] =	stream.indirect_vreg.gather [hbm4b:s4+s3], $0x80, v3, vm0, $0xb8;
	[tilespmem:$0x14100] =	vst v63  }
0xd2: {  	_ = 	snop  }
0xd3: {  	[tilespmem:s25], [sflag:$0x1] =	stream.indirect_vreg.gather [hbm4b:s5+s3], $0x80, v3, vm0, $0xb8;
	[tilespmem:$0x14100] =	vst v63  }
0xd4: {  	_ = 	snop  }
0xd5: {  	[tilespmem:s26], [sflag:$0x1] =	stream.indirect_vreg.gather [hbm4b:s6+s3], $0x80, v3, vm0, $0xb8;
	[tilespmem:$0x14100] =	vst v63  }
0xd6: {  	_ =	swait.ge [sflag:s29], $0xA000  }
0xd7: {  	[sflag:s29] =	ssyncset.done $0x0  }
0xd8: {  	s1 =	rddreg [dreg:$0x7];
	[sflag:s29] =	ssyncadd.s32 $0xFFFF6000  }
0xd9: {  	[hbm4b:s1+s3] =	stream.linear.scatter [tilespmem:s0], [sflag:$0x3], $0xA000, $0x38;
	[tilespmem:$0x14100] =	vst v63  }
0xda: {  	_ =	swait.ge [sflag:s8], $0xA000  }
0xdb: {  	[sflag:s8] =	ssyncset.done $0x0  }
0xdc: {  	s1 =	simm.s32 $0x80;
	s30 =	rddreg [dreg:$0x8];
	[sflag:s8] =	ssyncadd.s32 $0xFFFF6000  }
0xdd: {  	[tilespmem:s1], [sflag:$0x3] =	stream.linear.gather [hbm4b:s30+s3], $0x28, $0x38;
	[tilespmem:$0x14100] =	vst v63  }
0xde: {  	_ =	swait.ge [sflag:s8], $0x28  }
0xdf: {  	[sflag:s8] =	ssyncset.done $0x0  }
0xe0: {  	[sflag:s8] =	ssyncadd.s32 $0xFFFFFFD8  }
0xe1: {  	v3 =	vld [tilespmem:$0x80];
	_ =	sdelay $0x4  }
0xe2: {  	v61 =	vshll.u32 v3, $0x3  }
0xe3: {  	v3 =	vand.u32 $0x7, v3;
	v4 =	vand.u32 $0xFFFFFFC0, v61  }
0xe4: {  	v3 =	vor.u32 v3, v4  }
0xe5: {  	v4 =	vperm.xlane v3, v0;
	_ =	sdelay $0x1  }
0xe6: {  	v4 =	vadd.s32 v1, v4;
	_ =	sdelay $0x4  }
0xe7: {  	[tilespmem:s0], [sflag:$0x2] =	stream.indirect_vreg.gather [hbm4b:s2+s3], $0x80, v4, vm0, $0xb8;
	[tilespmem:$0x14100] =	vst v63  }
0xe8: {  	s30 =	simm.s32 $0xA900;
	v3 =	vperm.xlane v3, v2  }
0xe9: {  	[tilespmem:s30], [sflag:$0x2] =	stream.indirect_vreg.gather [hbm4b:s4+s3], $0x80, v4, vm0, $0xb8;
	[tilespmem:$0x14100] =	vst v63  }
0xea: {  	v3 =	vadd.s32 v1, v3;
	s30 =	simm.s32 $0xB100  }
0xeb: {  	[tilespmem:s30], [sflag:$0x2] =	stream.indirect_vreg.gather [hbm4b:s5+s3], $0x80, v4, vm0, $0xb8;
	[tilespmem:$0x14100] =	vst v63  }
0xec: {  	s30 =	simm.s32 $0xB900  }
0xed: {  	[tilespmem:s30], [sflag:$0x2] =	stream.indirect_vreg.gather [hbm4b:s6+s3], $0x80, v4, vm0, $0xb8;
	[tilespmem:$0x14100] =	vst v63  }
0xee: {  	s30 =	simm.s32 $0xC100  }
0xef: {  	[tilespmem:s30], [sflag:$0x2] =	stream.indirect_vreg.gather [hbm4b:s2+s3], $0x80, v3, vm0, $0xb8;
	[tilespmem:$0x14100] =	vst v63  }
0xf0: {  	s30 =	simm.s32 $0xC900  }
0xf1: {  	[tilespmem:s30], [sflag:$0x2] =	stream.indirect_vreg.gather [hbm4b:s4+s3], $0x80, v3, vm0, $0xb8;
	[tilespmem:$0x14100] =	vst v63  }
0xf2: {  	s30 =	simm.s32 $0xD100  }
0xf3: {  	[tilespmem:s30], [sflag:$0x2] =	stream.indirect_vreg.gather [hbm4b:s5+s3], $0x80, v3, vm0, $0xb8;
	[tilespmem:$0x14100] =	vst v63  }
0xf4: {  	s30 =	simm.s32 $0xD900  }
0xf5: {  	[tilespmem:s30], [sflag:$0x2] =	stream.indirect_vreg.gather [hbm4b:s6+s3], $0x80, v3, vm0, $0xb8;
	[tilespmem:$0x14100] =	vst v63  }
0xf6: {  	v3 =	vld [tilespmem:$0x90];
	_ =	sdelay $0x4  }
0xf7: {  	v62 =	vshll.u32 v3, $0x3  }
0xf8: {  	v3 =	vand.u32 $0x7, v3;
	v4 =	vand.u32 $0xFFFFFFC0, v62  }
0xf9: {  	v3 =	vor.u32 v3, v4  }
0xfa: {  	v4 =	vperm.xlane v3, v0;
	_ =	sdelay $0x1  }
0xfb: {  	v4 =	vadd.s32 v1, v4;
	_ =	sdelay $0x3  }
0xfc: {  	s30 =	simm.s32 $0xE100  }
0xfd: {  	[tilespmem:s30], [sflag:$0x2] =	stream.indirect_vreg.gather [hbm4b:s2+s3], $0x80, v4, vm0, $0xb8;
	[tilespmem:$0x14100] =	vst v63  }
0xfe: {  	v3 =	vperm.xlane v3, v2;
	s30 =	simm.s32 $0xE900  }
0xff: {  	[tilespmem:s30], [sflag:$0x2] =	stream.indirect_vreg.gather [hbm4b:s4+s3], $0x80, v4, vm0, $0xb8;
	[tilespmem:$0x14100] =	vst v63  }
0x100: {  	v3 =	vadd.s32 v1, v3;
	s30 =	simm.s32 $0xF100  }
0x101: {  	[tilespmem:s30], [sflag:$0x2] =	stream.indirect_vreg.gather [hbm4b:s5+s3], $0x80, v4, vm0, $0xb8;
	[tilespmem:$0x14100] =	vst v63  }
0x102: {  	s30 =	simm.s32 $0xF900  }
0x103: {  	[tilespmem:s30], [sflag:$0x2] =	stream.indirect_vreg.gather [hbm4b:s6+s3], $0x80, v4, vm0, $0xb8;
	[tilespmem:$0x14100] =	vst v63  }
0x104: {  	s30 =	simm.s32 $0x10100  }
0x105: {  	[tilespmem:s30], [sflag:$0x2] =	stream.indirect_vreg.gather [hbm4b:s2+s3], $0x80, v3, vm0, $0xb8;
	[tilespmem:$0x14100] =	vst v63  }
0x106: {  	s30 =	simm.s32 $0x10900  }
0x107: {  	[tilespmem:s30], [sflag:$0x2] =	stream.indirect_vreg.gather [hbm4b:s4+s3], $0x80, v3, vm0, $0xb8;
	[tilespmem:$0x14100] =	vst v63  }
0x108: {  	s30 =	simm.s32 $0x11100  }
0x109: {  	[tilespmem:s30], [sflag:$0x2] =	stream.indirect_vreg.gather [hbm4b:s5+s3], $0x80, v3, vm0, $0xb8;
	[tilespmem:$0x14100] =	vst v63  }
0x10a: {  	s30 =	simm.s32 $0x11900  }
0x10b: {  	[tilespmem:s30], [sflag:$0x2] =	stream.indirect_vreg.gather [hbm4b:s6+s3], $0x80, v3, vm0, $0xb8;
	[tilespmem:$0x14100] =	vst v63  }
0x10c: {  	v3 =	vld.msk [tilespmem:$0xA0], $0xff;
	_ =	sdelay $0x4  }
0x10d: {  	v63 =	vshll.u32 v3, $0x3  }
0x10e: {  	v3 =	vand.u32 $0x7, v3;
	v4 =	vand.u32 $0xFFFFFFC0, v63  }
0x10f: {  	v3 =	vor.u32 v3, v4  }
0x110: {  	v3 =	vperm.xlane v3, v0;
	_ =	sdelay $0x1  }
0x111: {  	v3 =	vadd.s32 v1, v3;
	_ =	sdelay $0x3  }
0x112: {  	s30 =	simm.s32 $0x12100  }
0x113: {  	[tilespmem:s30], [sflag:$0x2] =	stream.indirect_vreg.gather [hbm4b:s2+s3], $0x80, v3, vm0, $0xb8;
	[tilespmem:$0x14100] =	vst v63  }
0x114: {  	s30 =	simm.s32 $0x12900  }
0x115: {  	[tilespmem:s30], [sflag:$0x2] =	stream.indirect_vreg.gather [hbm4b:s4+s3], $0x80, v3, vm0, $0xb8;
	[tilespmem:$0x14100] =	vst v63  }
0x116: {  	s30 =	simm.s32 $0x13100  }
0x117: {  	[tilespmem:s30], [sflag:$0x2] =	stream.indirect_vreg.gather [hbm4b:s5+s3], $0x80, v3, vm0, $0xb8;
	[tilespmem:$0x14100] =	vst v63  }
0x118: {  	s30 =	simm.s32 $0x13900  }
0x119: {  	[tilespmem:s30], [sflag:$0x2] =	stream.indirect_vreg.gather [hbm4b:s6+s3], $0x80, v3, vm0, $0xb8;
	[tilespmem:$0x14100] =	vst v63  }
0x11a: {  	_ =	swait.ge [sflag:s28], $0xA000  }
0x11b: {  	[sflag:s28] =	ssyncset.done $0x0  }
0x11c: {  	s1 =	rddreg [dreg:$0x9];
	[sflag:s28] =	ssyncadd.s32 $0xFFFF6000  }
0x11d: {  	[hbm4b:s1+s3] =	stream.linear.scatter [tilespmem:s31], [sflag:$0x3], $0xA000, $0x38;
	[tilespmem:$0x14100] =	vst v63  }
0x11e: {  	_ =	swait.ge [sflag:s8], $0xA000  }
0x11f: {  	[sflag:s8] =	ssyncset.done $0x0  }
0x120: {  	[sflag:s8] =	ssyncadd.s32 $0xFFFF6000  }
0x121: {  	_ =	swait.ge [sflag:s29], $0xA000  }
0x122: {  	p0 =	sne.s32 s7, $0x1;
	[sflag:s29] =	ssyncset.done $0x0  }
.Ltmp0:
0x123: {  	s1 =	rddreg [dreg:$0xa];
	[sflag:s29] =	ssyncadd.s32 $0xFFFF6000;
	(pc) =	sbr.rel @p0 .LBB2_1-.Ltmp0, $4  }
0x124: {  	[hbm4b:s1+s3] =	stream.linear.scatter [tilespmem:s0], [sflag:$0x3], $0xA000, $0x38;
	[tilespmem:$0x14100] =	vst v63  }
0x125: {  	_ =	swait.ge [sflag:s8], $0xA000  }
0x126: {  	[sflag:s8] =	ssyncset.done $0x0  }
0x127: {  	s7 =	sadd.s32 $0xFFFFFFFF, s7;
	[sflag:s8] =	ssyncadd.s32 $0xFFFF6000  }
0x128: {  	_ =	sfence.sel $0x180000  }
0x129: {  	[bflag:$0x0] =	sbarrier.arrive $0xFFFF  }
0x12a: {  	_ =	strace $0x9000004A  }
0x12b: {  	s0 =	stileid.u32;
	[bflag:$0x2] =	sbarrier.arrive $0xFFFF  }
0x12c: {  	p0 =	sne.s32 s0, $0x0;
	s0 =	rddreg [dreg:$0x2]  }
0x12d: {  	s0 =	sadd.s32 @!p0 $0x100000, s0  }
0x12e: {  	[sflag:s0] =	ssyncadd.tile.s32 @!p0 $0x1;
	_ =	shalt  }
.Lfunc_end2:
_tile_overlayer_lowered:
.L_overlay_start_2:
0x12f: {  	(tag) =	ssettag $0x2  }
0x130: {  	s0 =	rddreg [dreg:$0x0];
	s2 =	stileid.u32  }
0x131: {  	s1 =	rddreg [dreg:$0x1];
	p0 =	sne.s32 s2, $0x0  }
0x132: {  	s3 =	rddreg [dreg:$0x2];
	[bflag:$0x3] =	sbarrier.arrive $0xFFFF;
	s2 =	simm.s32 @!p0 $0x1C03  }
0x133: {  	[timem:s3], [sflag:s2] =	dma.local @!p0 [hbm:s0], s1  }
0x134: {  	s0 =	simm.s32 @!p0 $0x3  }
0x135: {  	_ =	swait.ge @!p0 [sflag:s0], s1  }
0x136: {  	s1 =	ssub.s32 @!p0 $0x0, s1;
	[sflag:s0] =	ssyncset.done @!p0 $0x0  }
0x137: {  	[sflag:s0] =	ssyncadd.s32 @!p0 s1  }
0x138: {  	[bflag:$0x3] =	sbarrier.arrive $0xFFFF  }
0x139: {  	_ =	shalt  }

// kernel: kernel.15.cloned.1.call-start
scs
__scs_entry_jumppad:
0x0: {  	(pc) =	sbr.rel $0x88, $3  }
0x1: {  	(tag) =	ssettag $0x0;
	lr =	simm.s32 $0x1  }
0x2: {  	[smem:$0x3F9C] =	sst lr;
	_ =	strace $0xD0000000  }
0x3: {  	_ = 	snop  }
0x4: {  	_ = 	snop  }
0x5: {  	_ = 	snop  }
0x6: {  	_ = 	snop  }
0x7: {  	_ = 	snop  }
__scs_overlays_trampoline_lowered:
0x8: {  	[smem:$0x3FAB] =	sst s0  }
0x9: {  	[smem:$0x3FAC] =	sst s1  }
0xa: {  	[smem:$0x3FAD] =	sst s2  }
0xb: {  	[smem:$0x3FAE] =	sst s3  }
0xc: {  	[smem:$0x3FAF] =	sst s4  }
0xd: {  	[smem:$0x3FB0] =	sst s5  }
0xe: {  	[smem:$0x3FB1] =	sst s6  }
0xf: {  	[smem:$0x3FB2] =	sst s7  }
0x10: {  	[smem:$0x3FB3] =	sst s8  }
0x11: {  	[smem:$0x3FB4] =	sst s9;
	s0 =	simm.s32 @!p0 $0x0  }
0x12: {  	s1 =	sld [smem:$0x3F9A];
	s0 =	simm.s32 @p0 $0x1  }
0x13: {  	[smem:$0x3FB5] =	sst s0;
	s0 =	simm.s32 @!p1 $0x0  }
0x14: {  	s2 =	sld [smem:$0x3F99];
	s0 =	simm.s32 @p1 $0x1  }
0x15: {  	[smem:$0x3FB6] =	sst s0;
	s0 =	simm.s32 @!p2 $0x0  }
0x16: {  	s3 =	sld [smem:$0x3FDB];
	s0 =	simm.s32 @p2 $0x1  }
0x17: {  	s4 =	simm.s32 $0x1BF5;
	[smem:$0x3FB8] =	sst s0  }
0x18: {  	s0 =	sld [smem:$0x3F9B];
	_ =	swait.ge [sflag:s4], $0x0  }
0x19: {  	s7 =	sld [smem:$0x3F9C]  }
0x1a: {  	s8 =	sadd.s32 $0xFFFFE003, lr  }
0x1b: {  	s9 =	sadd.s32 $0xFFFFFEF7, lr;
	s5 =	simm.s32 $0xFFFFFFFF;
	p2 =	slt.u32 s8, $0xFFFFF086  }
0x1c: {  	p1 =	slt.u32 s9, $0xF7A;
	s5 =	simm.s32 @!p2 $0x0  }
0x1d: {  	s5 =	simm.s32 @p1 $0x1;
	p0 =	seq.s32 s7, s2  }
0x1e: {  	s7 =	smul.u32 @!p0 $0xF7A, s2;
	p2 =	seq.s32 @!p0 s5, $0x0  }
0x1f: {  	s9 =	smul.u32 $0xF7A, s1;
	s8 =	simm.s32 @!p0 $0x1BF5;
	p2 =	por !p2, p0  }
0x20: {  	[sflag:s8] =	ssyncset.s32 @!p0 $0xFFFFF086;
	s6 =	sadd.s32 @!p0 s3, s7;
	s7 =	simm.s32 @!p0 $0x108  }
0x21: {  	s3 =	sadd.s32 s3, s9;
	s6 =	sadd.s32 @!p0 $0x88, s6;
	s7 =	simm.s32 @p2 $0x1082  }
0x22: {  	[simem:s7], [sflag:s8] =	dma.local @!p0 [hbm:s6], $0xF7A  }
0x23: {  	s9 =	sor.u32 $0xD0000000, s2;
	s6 =	simm.s32 $0x108;
	_ =	swait.ge @!p0 [sflag:s8], $0x0  }
0x24: {  	s3 =	sadd.s32 $0x88, s3;
	s6 =	simm.s32 @!p1 $0x1082;
	[sflag:s4] =	ssyncset.s32 $0xFFFFF086  }
0x25: {  	[simem:s6], [sflag:s4] =	dma.local [hbm:s3], $0xF7A  }
0x26: {  	[smem:$0x3F9C] =	sst s1;
	(tag) =	ssettag s2;
	_ =	strace s9  }
0x27: {  	s1 =	sld [smem:$0x3FAC]  }
0x28: {  	s2 =	sld [smem:$0x3FAD]  }
0x29: {  	s4 =	sld [smem:$0x3FAF]  }
0x2a: {  	p0 =	seq.s32 s5, $0x0;
	s5 =	sld [smem:$0x3FB0]  }
0x2b: {  	s6 =	sld [smem:$0x3FB1]  }
0x2c: {  	s7 =	sld [smem:$0x3FB2]  }
0x2d: {  	s3 =	simm.s32 $0x108;
	s8 =	sld [smem:$0x3FB3]  }
0x2e: {  	s3 =	simm.s32 @!p0 $0x1082;
	s9 =	sld [smem:$0x3FB4]  }
0x2f: {  	lr =	sadd.s32 s0, s3;
	s0 =	sld [smem:$0x3FAB]  }
0x30: {  	s3 =	sld [smem:$0x3FAE]  }
0x31: {  	[smem:$0x3FB7] =	sst s10  }
0x32: {  	s10 =	sld [smem:$0x3FB5];
	_ =	sdelay $0x3  }
0x33: {  	p0 =	seq.s32 s10, $0x1;
	s10 =	sld [smem:$0x3FB7];
	_ =	sdelay $0x3  }
0x34: {  	[smem:$0x3FB7] =	sst s10  }
0x35: {  	s10 =	sld [smem:$0x3FB6];
	_ =	sdelay $0x3  }
0x36: {  	p1 =	seq.s32 s10, $0x1;
	s10 =	sld [smem:$0x3FB7];
	_ =	sdelay $0x3  }
0x37: {  	[smem:$0x3FB7] =	sst s10  }
0x38: {  	s10 =	sld [smem:$0x3FB8]  }
0x39: {  	_ = 	snop;
	(pc) =	sbr.ind lr, $3  }
0x3a: {  	_ = 	snop  }
0x3b: {  	_ = 	snop  }
0x3c: {  	p2 =	seq.s32 s10, $0x1;
	s10 =	sld [smem:$0x3FB7]  }
0x3d: {  	_ =	shalt  }
0x3e: {  	_ =	shalt  }
0x3f: {  	_ =	shalt  }
0x40: {  	_ =	shalt  }
0x41: {  	_ =	shalt  }
0x42: {  	_ =	shalt  }
0x43: {  	_ =	shalt  }
0x44: {  	_ =	shalt  }
0x45: {  	_ =	shalt  }
0x46: {  	_ =	shalt  }
0x47: {  	_ =	shalt  }
0x48: {  	_ =	shalt  }
0x49: {  	_ =	shalt  }
0x4a: {  	_ =	shalt  }
0x4b: {  	_ =	shalt  }
0x4c: {  	_ =	shalt  }
0x4d: {  	_ =	shalt  }
0x4e: {  	_ =	shalt  }
0x4f: {  	_ =	shalt  }
0x50: {  	_ =	shalt  }
0x51: {  	_ =	shalt  }
0x52: {  	_ =	shalt  }
0x53: {  	_ =	shalt  }
0x54: {  	_ =	shalt  }
0x55: {  	_ =	shalt  }
0x56: {  	_ =	shalt  }
0x57: {  	_ =	shalt  }
0x58: {  	_ =	shalt  }
0x59: {  	_ =	shalt  }
0x5a: {  	_ =	shalt  }
0x5b: {  	_ =	shalt  }
0x5c: {  	_ =	shalt  }
0x5d: {  	_ =	shalt  }
0x5e: {  	_ =	shalt  }
0x5f: {  	_ =	shalt  }
0x60: {  	_ =	shalt  }
0x61: {  	_ =	shalt  }
0x62: {  	_ =	shalt  }
0x63: {  	_ =	shalt  }
0x64: {  	_ =	shalt  }
0x65: {  	_ =	shalt  }
0x66: {  	_ =	shalt  }
0x67: {  	_ =	shalt  }
0x68: {  	_ =	shalt  }
0x69: {  	_ =	shalt  }
0x6a: {  	_ =	shalt  }
0x6b: {  	_ =	shalt  }
0x6c: {  	_ =	shalt  }
0x6d: {  	_ =	shalt  }
0x6e: {  	_ =	shalt  }
0x6f: {  	_ =	shalt  }
0x70: {  	_ =	shalt  }
0x71: {  	_ =	shalt  }
0x72: {  	_ =	shalt  }
0x73: {  	_ =	shalt  }
0x74: {  	_ =	shalt  }
0x75: {  	_ =	shalt  }
0x76: {  	_ =	shalt  }
0x77: {  	_ =	shalt  }
0x78: {  	_ =	shalt  }
0x79: {  	_ =	shalt  }
0x7a: {  	_ =	shalt  }
0x7b: {  	_ =	shalt  }
0x7c: {  	_ =	shalt  }
0x7d: {  	_ =	shalt  }
0x7e: {  	_ =	shalt  }
0x7f: {  	_ =	shalt  }
0x80: {  	_ =	shalt  }
0x81: {  	_ =	shalt  }
0x82: {  	_ =	shalt  }
0x83: {  	_ =	shalt  }
0x84: {  	_ =	shalt  }
0x85: {  	_ =	shalt  }
0x86: {  	_ =	shalt  }
0x87: {  	_ =	shalt  }
.Lfunc_end0:
.L_simem_size_0:
called_computation.2_lowered:
.L_overlay_start_0:
0x88: {  	s2 =	sld [smem:$0x3FD9]  }
0x89: {  	s3 =	sld [smem:$0x3FFE];
	_ =	sdelay $0x1  }
0x8a: {  	s1 =	srdreg.scid  }
0x8b: {  	s0 =	sand.u32 $0x1, s1  }
0x8c: {  	s17 =	sshll.u32 s0, $0xA;
	s2 =	sadd.s32 s3, s2  }
0x8d: {  	s2 =	sadd.s32 s2, s17  }
0x8e: {  	[smem:$0x3FC3] =	sst s2  }
0x8f: {  	_ = 	snop  }
0x90: {  	s18 =	sld [smem:$0x3FC9];
	(tm) =	ssettm $0x1  }
0x91: {  	s19 =	sld [smem:$0x3FFB];
	_ =	sdelay $0x3  }
0x92: {  	_ =	strace s19  }
0x93: {  	s2 =	sld [smem:$0x3FFC];
	_ =	sdelay $0x3  }
0x94: {  	_ =	strace s2  }
0x95: {  	s2 =	sld [smem:$0x3FFD];
	_ =	sdelay $0x3  }
0x96: {  	_ =	strace s2  }
0x97: {  	_ =	strace $0x8FFFFFFF  }
0x98: {  	s20 =	sld [smem:$0x3FDB];
	_ =	sdelay $0x1  }
0x99: {  	s4 =	simm.s32 $_scs_section_size  }
0x9a: {  	s5 =	simm.s32 $_size__tile_overlayer_lowered;
	s6 =	simm.s32 $_tile_overlayer_lowered  }
0x9b: {  	s7 =	simm.s32 $0x1BFF;
	s21 =	sshll.u32 s6, $0x1;
	s4 =	sadd.s32 s4, s20  }
0x9c: {  	s22 =	simm.s32 $0x0;
	s5 =	sshll.u32 s5, $0x1;
	s6 =	sadd.s32 s21, s4  }
0x9d: {  	[timem:s22], [sflag:s7] =	dma.local [hbm:s6], s5  }
0x9e: {  	_ =	swait.ge [sflag:s7], s5  }
0x9f: {  	s5 =	ssub.s32 $0x0, s5;
	[sflag:s7] =	ssyncset.done $0x0  }
0xa0: {  	[sflag:s7] =	ssyncadd.s32 s5;
	_ =	sdelay $0x1  }
0xa1: {  	s23 =	simm.s32 $0x1B8B  }
0xa2: {  	_ =	swait.ge [sflag:s23], $0x1  }
0xa3: {  	[sflag:s23] =	ssyncset.done $0x0  }
0xa4: {  	[sflag:s23] =	ssyncadd.s32 $0xFFFFFFFF  }
0xa5: {  	s5 =	sld [smem:$0x0]  }
0xa6: {  	s6 =	sand.u32 $0xFFFFFFFE, s1  }
0xa7: {  	p0 =	sne.s32 s1, s6  }
0xa8: {  	s6 =	sshll.u32 @p0 s6, $0xE  }
0xa9: {  	s6 =	sadd.s32 @p0 $0x11B8D, s6;
	s7 =	sshll.u32 @p0 s5, $0x11  }
0xaa: {  	s6 =	sor.u32 @p0 s7, s6  }
0xab: {  	[sflag:s6] =	ssyncadd.remote.s32 @p0 $0x1;
	_ =	sdelay $0x1  }
0xac: {  	s6 =	simm.s32 @p0 $0x1B8D  }
0xad: {  	_ =	swait.eq @p0 [sflag:s6], $0x1  }
0xae: {  	[sflag:s6] =	ssyncadd.s32 @p0 $0xFFFFFFFF  }
0xaf: {  	s7 =	sshll.u32 @!p0 s1, $0xE  }
0xb0: {  	s7 =	sor.u32 @!p0 $0x4000, s7;
	s6 =	simm.s32 @!p0 $0x1B8D  }
0xb1: {  	s5 =	sshll.u32 @!p0 s5, $0x11;
	s7 =	sadd.s32 @!p0 $0x11B8D, s7;
	_ =	swait.eq @!p0 [sflag:s6], $0x1  }
0xb2: {  	s5 =	sor.u32 @!p0 s5, s7;
	[sflag:s6] =	ssyncadd.s32 @!p0 $0xFFFFFFFF  }
0xb3: {  	s25 =	simm.s32 $0x1B8E;
	s24 =	sld [smem:$0x3FFE];
	[sflag:s5] =	ssyncadd.remote.s32 @!p0 $0x1  }
0xb4: {  	s26 =	simm.s32 $execute0_lowered;
	[smem:$0x3FD2] =	sst s25  }
0xb5: {  	s6 =	sshll.u32 s26, $0x1;
	_ =	strace $0x8000004C;
	[dreg:$0x1] =	wrdreg $0xFFFFFFFF  }
0xb6: {  	s28 =	simm.s32 $_size_execute0_lowered;
	s4 =	sadd.s32 s4, s6;
	[dreg:$0x0] =	wrdreg $0x0  }
0xb7: {  	s6 =	sshll.u32 s28, $0x1;
	[dreg:$0x2] =	wrdreg s4  }
0xb8: {  	[dreg:$0x3] =	wrdreg s6  }
0xb9: {  	[dreg:$0x4] =	wrdreg $0xC0  }
0xba: {  	_ =	task [dreg:s22], $0x5FFFF  }
0xbb: {  	[dreg:$0x1] =	wrdreg $0xFFFFFFFF  }
0xbc: {  	[dreg:$0x0] =	wrdreg $0x60  }
0xbd: {  	[dreg:$0x2] =	wrdreg s24  }
0xbe: {  	[dreg:$0x3] =	wrdreg s18  }
0xbf: {  	[dreg:$0x4] =	wrdreg $0xA  }
0xc0: {  	_ =	task.clear_ibuf [dreg:s22], $0x5FFFF;
	_ =	strace $0x9000004C  }
0xc1: {  	s29 =	simm.s32 $0xA;
	_ =	strace $0x8000004E  }
0xc2: {  	_ =	swait.ge [sflag:s29], $0x1  }
0xc3: {  	[sflag:s29] =	ssyncadd.s32 $0xFFFFFFFF  }
0xc4: {  	_ =	strace $0x9000004E  }
0xc5: {  	_ =	sfence  }
0xc6: {  	s30 =	sld [smem:$0x0];
	_ =	sdelay $0x2  }
0xc7: {  	s31 =	sshll.u32 s1, $0xD;
	s1 =	sshrl.u32 s1, $0x2  }
0xc8: {  	s4 =	sand.u32 $0x4000, s31;
	s1 =	sadd.s32 s1, s30  }
0xc9: {  	s0 =	sor.u32 s4, s0;
	s1 =	sshll.u32 s1, $0x11  }
0xca: {  	s0 =	sor.u32 s1, s0  }
0xcb: {  	s0 =	sadd.s32 $0x8F2B, s0  }
0xcc: {  	[sflag:s0] =	ssyncadd.remote.s32 $0x1  }
0xcd: {  	_ =	sfence.sel $0xFFFF  }
0xce: {  	[dreg:$0x0] =	wrdreg $0xFFFFFFFF;
	(pc) =	sbr.abs _section_cstart, $3  }
0xcf: {  	[dreg:$0x1] =	wrdreg $0xFFFFFFFF  }
0xd0: {  	_ =	task.clear_ibuf [dreg:s22], $0x2FFFF;
	_ =	strace $0x9FFFFFFF  }
0xd1: {  	(tm) =	ssettm $0x7FFFFFFF  }
tec
execute0_lowered:
.L_overlay_start_1:
0x0: {  	(tag) =	ssettag $0x1  }
0x1: {  	s0 =	srdreg.scid;
	s1 =	rddreg [dreg:$0x0]  }
0x2: {  	s4 =	stileid.u32;
	s2 =	rddreg [dreg:$0x1];
	s28 =	simm.s32 $0x1  }
0x3: {  	s29 =	simm.s32 $0x2;
	s31 =	simm.s32 $0x100;
	s11 =	simm.s32 $0x2100  }
0x4: {  	s12 =	simm.s32 $0x2900;
	s13 =	simm.s32 $0x3100;
	s14 =	simm.s32 $0x3900  }
0x5: {  	s15 =	simm.s32 $0x4100;
	s16 =	simm.s32 $0x4900;
	s17 =	simm.s32 $0x5100  }
0x6: {  	s18 =	simm.s32 $0x5900;
	s19 =	simm.s32 $0x6100;
	s0 =	sand.u32 $0x1, s0  }
0x7: {  	s20 =	simm.s32 $0x6900;
	s21 =	simm.s32 $0x7100;
	s3 =	sshll.u32 s0, $0x4  }
0x8: {  	s22 =	simm.s32 $0x7900;
	s6 =	sadd.s32 $0x22400, s1;
	s4 =	sor.u32 s4, s3  }
0x9: {  	s1 =	sadd.s32 $0xC2A00, s1;
	s0 =	ssub.s32 $0x2, s0;
	s5 =	smul.u32 $0xA0, s4  }
0xa: {  	s3 =	simm.s32 $0x0;
	s26 =	sshrl.u32 s0, $0x1;
	s10 =	smul.u32 $0x5000, s4  }
0xb: {  	[smem:$0x7FF] =	sst s3;
	s4 =	smul.u32 $0x28000, s4;
	s0 =	ssub.s32 s0, s26  }
0xc: {  	s26 =	simm.s32 $0x9900;
	_ =	strace $0x8000004D;
	s7 =	sshrl.u32 s5, $0x3  }
0xd: {  	s8 =	sadd.s32 $0x1428, s5;
	s23 =	sadd.s32 s1, s10;
	s4 =	sshrl.u32 s4, $0x3  }
0xe: {  	s24 =	sadd.s32 $0x1478, s5;
	s5 =	sadd.s32 $0x200, s2;
	s7 =	sadd.s32 s6, s7  }
0xf: {  	s8 =	sshrl.u32 s8, $0x3;
	[dreg:$0x5] =	wrdreg s23;
	s9 =	sadd.s32 $0x280, s7  }
0x10: {  	s10 =	simm.s32 $0x1900;
	s8 =	sadd.s32 s6, s8;
	[dreg:$0x3] =	wrdreg s9  }
0x11: {  	s1 =	sadd.s32 s1, s4;
	s7 =	sadd.s32 $0x28A, s7;
	[dreg:$0x4] =	wrdreg s8  }
0x12: {  	s4 =	sshrl.u32 s24, $0x3;
	s25 =	sadd.s32 $0x1400, s1;
	[dreg:$0x6] =	wrdreg s7  }
0x13: {  	s23 =	simm.s32 $0x8100;
	s4 =	sadd.s32 s6, s4;
	[dreg:$0x7] =	wrdreg s25  }
0x14: {  	s24 =	simm.s32 $0x8900;
	s30 =	sadd.s32 $0x2800, s1;
	[dreg:$0x8] =	wrdreg s4  }
0x15: {  	v2 =	vlaneseq.u32;
	s1 =	sadd.s32 $0x3C00, s1;
	s6 =	sadd.s32 $0x300, s2;
	[dreg:$0x9] =	wrdreg s30  }
0x16: {  	vm0 =	vmmov $0xffff;
	v1 =	vshrl.u32 v2, $0x3;
	s4 =	sadd.s32 $0x100, s2;
	[dreg:$0xa] =	wrdreg s1;
	s7 =	smax.u32 s0, $0x1  }
0x17: {  	v0 =	vand.u32 $0x7, v2;
	v2 =	vor.u32 $0x8, v2;
	v1 =	vmul.u32 $0x8, v1;
	s8 =	simm.s32 $0x3;
	s9 =	simm.s32 $0x1100;
	s25 =	simm.s32 $0x9100  }
.LBB2_1:
0x18: {  	s30 =	rddreg [dreg:$0x3]  }
0x19: {  	[tilespmem:s3], [sflag:$0x3] =	stream.linear.gather [hbm4b:s30+s3], $0x28, $0x38;
	[tilespmem:$0x14100] =	vst v63  }
0x1a: {  	_ =	swait.ge [sflag:s8], $0x28  }
0x1b: {  	[sflag:s8] =	ssyncset.done $0x0  }
0x1c: {  	[sflag:s8] =	ssyncadd.s32 $0xFFFFFFD8  }
0x1d: {  	v3 =	vld [tilespmem:$0x0];
	_ =	sdelay $0x4  }
0x1e: {  	v4 =	vshll.u32 v3, $0x3  }
0x1f: {  	v3 =	vand.u32 $0x7, v3;
	v4 =	vand.u32 $0xFFFFFFC0, v4  }
0x20: {  	v3 =	vor.u32 v3, v4  }
0x21: {  	v4 =	vperm.xlane v3, v0;
	_ =	sdelay $0x1  }
0x22: {  	v4 =	vadd.s32 v1, v4;
	_ =	sdelay $0x4  }
0x23: {  	[tilespmem:s31], [sflag:$0x1] =	stream.indirect_vreg.gather [hbm4b:s2+s3], $0x80, v4, vm0, $0xb8;
	[tilespmem:$0x14100] =	vst v63  }
0x24: {  	s1 =	simm.s32 $0x900;
	v3 =	vperm.xlane v3, v2  }
0x25: {  	[tilespmem:s1], [sflag:$0x1] =	stream.indirect_vreg.gather [hbm4b:s4+s3], $0x80, v4, vm0, $0xb8;
	[tilespmem:$0x14100] =	vst v63  }
0x26: {  	v3 =	vadd.s32 v1, v3  }
0x27: {  	[tilespmem:s9], [sflag:$0x1] =	stream.indirect_vreg.gather [hbm4b:s5+s3], $0x80, v4, vm0, $0xb8;
	[tilespmem:$0x14100] =	vst v63  }
0x28: {  	_ = 	snop  }
0x29: {  	[tilespmem:s10], [sflag:$0x1] =	stream.indirect_vreg.gather [hbm4b:s6+s3], $0x80, v4, vm0, $0xb8;
	[tilespmem:$0x14100] =	vst v63  }
0x2a: {  	_ = 	snop  }
0x2b: {  	[tilespmem:s11], [sflag:$0x1] =	stream.indirect_vreg.gather [hbm4b:s2+s3], $0x80, v3, vm0, $0xb8;
	[tilespmem:$0x14100] =	vst v63  }
0x2c: {  	_ = 	snop  }
0x2d: {  	[tilespmem:s12], [sflag:$0x1] =	stream.indirect_vreg.gather [hbm4b:s4+s3], $0x80, v3, vm0, $0xb8;
	[tilespmem:$0x14100] =	vst v63  }
0x2e: {  	_ = 	snop  }
0x2f: {  	[tilespmem:s13], [sflag:$0x1] =	stream.indirect_vreg.gather [hbm4b:s5+s3], $0x80, v3, vm0, $0xb8;
	[tilespmem:$0x14100] =	vst v63  }
0x30: {  	_ = 	snop  }
0x31: {  	[tilespmem:s14], [sflag:$0x1] =	stream.indirect_vreg.gather [hbm4b:s6+s3], $0x80, v3, vm0, $0xb8;
	[tilespmem:$0x14100] =	vst v63  }
0x32: {  	v3 =	vld [tilespmem:$0x10];
	_ =	sdelay $0x4  }
0x33: {  	v53 =	vshll.u32 v3, $0x3  }
0x34: {  	v3 =	vand.u32 $0x7, v3;
	v4 =	vand.u32 $0xFFFFFFC0, v53  }
0x35: {  	v3 =	vor.u32 v3, v4  }
0x36: {  	v4 =	vperm.xlane v3, v0;
	_ =	sdelay $0x1  }
0x37: {  	v4 =	vadd.s32 v1, v4;
	_ =	sdelay $0x4  }
0x38: {  	[tilespmem:s15], [sflag:$0x1] =	stream.indirect_vreg.gather [hbm4b:s2+s3], $0x80, v4, vm0, $0xb8;
	[tilespmem:$0x14100] =	vst v63  }
0x39: {  	v3 =	vperm.xlane v3, v2  }
0x3a: {  	[tilespmem:s16], [sflag:$0x1] =	stream.indirect_vreg.gather [hbm4b:s4+s3], $0x80, v4, vm0, $0xb8;
	[tilespmem:$0x14100] =	vst v63  }
0x3b: {  	v3 =	vadd.s32 v1, v3  }
0x3c: {  	[tilespmem:s17], [sflag:$0x1] =	stream.indirect_vreg.gather [hbm4b:s5+s3], $0x80, v4, vm0, $0xb8;
	[tilespmem:$0x14100] =	vst v63  }
0x3d: {  	_ = 	snop  }
0x3e: {  	[tilespmem:s18], [sflag:$0x1] =	stream.indirect_vreg.gather [hbm4b:s6+s3], $0x80, v4, vm0, $0xb8;
	[tilespmem:$0x14100] =	vst v63  }
0x3f: {  	_ = 	snop  }
0x40: {  	[tilespmem:s19], [sflag:$0x1] =	stream.indirect_vreg.gather [hbm4b:s2+s3], $0x80, v3, vm0, $0xb8;
	[tilespmem:$0x14100] =	vst v63  }
0x41: {  	_ = 	snop  }
0x42: {  	[tilespmem:s20], [sflag:$0x1] =	stream.indirect_vreg.gather [hbm4b:s4+s3], $0x80, v3, vm0, $0xb8;
	[tilespmem:$0x14100] =	vst v63  }
0x43: {  	_ = 	snop  }
0x44: {  	[tilespmem:s21], [sflag:$0x1] =	stream.indirect_vreg.gather [hbm4b:s5+s3], $0x80, v3, vm0, $0xb8;
	[tilespmem:$0x14100] =	vst v63  }
0x45: {  	_ = 	snop  }
0x46: {  	[tilespmem:s22], [sflag:$0x1] =	stream.indirect_vreg.gather [hbm4b:s6+s3], $0x80, v3, vm0, $0xb8;
	[tilespmem:$0x14100] =	vst v63  }
0x47: {  	v3 =	vld.msk [tilespmem:$0x20], $0xff;
	_ =	sdelay $0x4  }
0x48: {  	v54 =	vshll.u32 v3, $0x3  }
0x49: {  	v3 =	vand.u32 $0x7, v3;
	v4 =	vand.u32 $0xFFFFFFC0, v54  }
0x4a: {  	v3 =	vor.u32 v3, v4  }
0x4b: {  	v3 =	vperm.xlane v3, v0;
	_ =	sdelay $0x1  }
0x4c: {  	v3 =	vadd.s32 v1, v3;
	_ =	sdelay $0x4  }
0x4d: {  	[tilespmem:s23], [sflag:$0x1] =	stream.indirect_vreg.gather [hbm4b:s2+s3], $0x80, v3, vm0, $0xb8;
	[tilespmem:$0x14100] =	vst v63  }
0x4e: {  	_ = 	snop  }
0x4f: {  	[tilespmem:s24], [sflag:$0x1] =	stream.indirect_vreg.gather [hbm4b:s4+s3], $0x80, v3, vm0, $0xb8;
	[tilespmem:$0x14100] =	vst v63  }
0x50: {  	_ = 	snop  }
0x51: {  	[tilespmem:s25], [sflag:$0x1] =	stream.indirect_vreg.gather [hbm4b:s5+s3], $0x80, v3, vm0, $0xb8;
	[tilespmem:$0x14100] =	vst v63  }
0x52: {  	_ = 	snop  }
0x53: {  	[tilespmem:s26], [sflag:$0x1] =	stream.indirect_vreg.gather [hbm4b:s6+s3], $0x80, v3, vm0, $0xb8;
	[tilespmem:$0x14100] =	vst v63  }
0x54: {  	s0 =	simm.s32 $0x80;
	s30 =	rddreg [dreg:$0x4]  }
0x55: {  	[tilespmem:s0], [sflag:$0x3] =	stream.linear.gather [hbm4b:s30+s3], $0x28, $0x38;
	[tilespmem:$0x14100] =	vst v63  }
0x56: {  	_ =	swait.ge [sflag:s8], $0x28  }
0x57: {  	[sflag:s8] =	ssyncset.done $0x0  }
0x58: {  	[sflag:s8] =	ssyncadd.s32 $0xFFFFFFD8  }
0x59: {  	v3 =	vld [tilespmem:$0x80];
	_ =	sdelay $0x4  }
0x5a: {  	v55 =	vshll.u32 v3, $0x3  }
0x5b: {  	v3 =	vand.u32 $0x7, v3;
	v4 =	vand.u32 $0xFFFFFFC0, v55  }
0x5c: {  	v3 =	vor.u32 v3, v4  }
0x5d: {  	v4 =	vperm.xlane v3, v0;
	_ =	sdelay $0x1  }
0x5e: {  	v4 =	vadd.s32 v1, v4;
	_ =	sdelay $0x3  }
0x5f: {  	s0 =	simm.s32 $0xA100  }
0x60: {  	[tilespmem:s0], [sflag:$0x2] =	stream.indirect_vreg.gather [hbm4b:s2+s3], $0x80, v4, vm0, $0xb8;
	[tilespmem:$0x14100] =	vst v63  }
0x61: {  	s30 =	simm.s32 $0xA900;
	v3 =	vperm.xlane v3, v2  }
0x62: {  	[tilespmem:s30], [sflag:$0x2] =	stream.indirect_vreg.gather [hbm4b:s4+s3], $0x80, v4, vm0, $0xb8;
	[tilespmem:$0x14100] =	vst v63  }
0x63: {  	v3 =	vadd.s32 v1, v3;
	s30 =	simm.s32 $0xB100  }
0x64: {  	[tilespmem:s30], [sflag:$0x2] =	stream.indirect_vreg.gather [hbm4b:s5+s3], $0x80, v4, vm0, $0xb8;
	[tilespmem:$0x14100] =	vst v63  }
0x65: {  	s30 =	simm.s32 $0xB900  }
0x66: {  	[tilespmem:s30], [sflag:$0x2] =	stream.indirect_vreg.gather [hbm4b:s6+s3], $0x80, v4, vm0, $0xb8;
	[tilespmem:$0x14100] =	vst v63  }
0x67: {  	s30 =	simm.s32 $0xC100  }
0x68: {  	[tilespmem:s30], [sflag:$0x2] =	stream.indirect_vreg.gather [hbm4b:s2+s3], $0x80, v3, vm0, $0xb8;
	[tilespmem:$0x14100] =	vst v63  }
0x69: {  	s30 =	simm.s32 $0xC900  }
0x6a: {  	[tilespmem:s30], [sflag:$0x2] =	stream.indirect_vreg.gather [hbm4b:s4+s3], $0x80, v3, vm0, $0xb8;
	[tilespmem:$0x14100] =	vst v63  }
0x6b: {  	s30 =	simm.s32 $0xD100  }
0x6c: {  	[tilespmem:s30], [sflag:$0x2] =	stream.indirect_vreg.gather [hbm4b:s5+s3], $0x80, v3, vm0, $0xb8;
	[tilespmem:$0x14100] =	vst v63  }
0x6d: {  	s30 =	simm.s32 $0xD900  }
0x6e: {  	[tilespmem:s30], [sflag:$0x2] =	stream.indirect_vreg.gather [hbm4b:s6+s3], $0x80, v3, vm0, $0xb8;
	[tilespmem:$0x14100] =	vst v63  }
0x6f: {  	v3 =	vld [tilespmem:$0x90];
	_ =	sdelay $0x4  }
0x70: {  	v56 =	vshll.u32 v3, $0x3  }
0x71: {  	v3 =	vand.u32 $0x7, v3;
	v4 =	vand.u32 $0xFFFFFFC0, v56  }
0x72: {  	v3 =	vor.u32 v3, v4  }
0x73: {  	v4 =	vperm.xlane v3, v0;
	_ =	sdelay $0x1  }
0x74: {  	v4 =	vadd.s32 v1, v4;
	_ =	sdelay $0x3  }
0x75: {  	s30 =	simm.s32 $0xE100  }
0x76: {  	[tilespmem:s30], [sflag:$0x2] =	stream.indirect_vreg.gather [hbm4b:s2+s3], $0x80, v4, vm0, $0xb8;
	[tilespmem:$0x14100] =	vst v63  }
0x77: {  	v3 =	vperm.xlane v3, v2;
	s30 =	simm.s32 $0xE900  }
0x78: {  	[tilespmem:s30], [sflag:$0x2] =	stream.indirect_vreg.gather [hbm4b:s4+s3], $0x80, v4, vm0, $0xb8;
	[tilespmem:$0x14100] =	vst v63  }
0x79: {  	v3 =	vadd.s32 v1, v3;
	s30 =	simm.s32 $0xF100  }
0x7a: {  	[tilespmem:s30], [sflag:$0x2] =	stream.indirect_vreg.gather [hbm4b:s5+s3], $0x80, v4, vm0, $0xb8;
	[tilespmem:$0x14100] =	vst v63  }
0x7b: {  	s30 =	simm.s32 $0xF900  }
0x7c: {  	[tilespmem:s30], [sflag:$0x2] =	stream.indirect_vreg.gather [hbm4b:s6+s3], $0x80, v4, vm0, $0xb8;
	[tilespmem:$0x14100] =	vst v63  }
0x7d: {  	s30 =	simm.s32 $0x10100  }
0x7e: {  	[tilespmem:s30], [sflag:$0x2] =	stream.indirect_vreg.gather [hbm4b:s2+s3], $0x80, v3, vm0, $0xb8;
	[tilespmem:$0x14100] =	vst v63  }
0x7f: {  	s30 =	simm.s32 $0x10900  }
0x80: {  	[tilespmem:s30], [sflag:$0x2] =	stream.indirect_vreg.gather [hbm4b:s4+s3], $0x80, v3, vm0, $0xb8;
	[tilespmem:$0x14100] =	vst v63  }
0x81: {  	s30 =	simm.s32 $0x11100  }
0x82: {  	[tilespmem:s30], [sflag:$0x2] =	stream.indirect_vreg.gather [hbm4b:s5+s3], $0x80, v3, vm0, $0xb8;
	[tilespmem:$0x14100] =	vst v63  }
0x83: {  	s30 =	simm.s32 $0x11900  }
0x84: {  	[tilespmem:s30], [sflag:$0x2] =	stream.indirect_vreg.gather [hbm4b:s6+s3], $0x80, v3, vm0, $0xb8;
	[tilespmem:$0x14100] =	vst v63  }
0x85: {  	v3 =	vld.msk [tilespmem:$0xA0], $0xff;
	_ =	sdelay $0x4  }
0x86: {  	v57 =	vshll.u32 v3, $0x3  }
0x87: {  	v3 =	vand.u32 $0x7, v3;
	v4 =	vand.u32 $0xFFFFFFC0, v57  }
0x88: {  	v3 =	vor.u32 v3, v4  }
0x89: {  	v3 =	vperm.xlane v3, v0;
	_ =	sdelay $0x1  }
0x8a: {  	v3 =	vadd.s32 v1, v3;
	_ =	sdelay $0x3  }
0x8b: {  	s30 =	simm.s32 $0x12100  }
0x8c: {  	[tilespmem:s30], [sflag:$0x2] =	stream.indirect_vreg.gather [hbm4b:s2+s3], $0x80, v3, vm0, $0xb8;
	[tilespmem:$0x14100] =	vst v63  }
0x8d: {  	s30 =	simm.s32 $0x12900  }
0x8e: {  	[tilespmem:s30], [sflag:$0x2] =	stream.indirect_vreg.gather [hbm4b:s4+s3], $0x80, v3, vm0, $0xb8;
	[tilespmem:$0x14100] =	vst v63  }
0x8f: {  	s30 =	simm.s32 $0x13100  }
0x90: {  	[tilespmem:s30], [sflag:$0x2] =	stream.indirect_vreg.gather [hbm4b:s5+s3], $0x80, v3, vm0, $0xb8;
	[tilespmem:$0x14100] =	vst v63  }
0x91: {  	s30 =	simm.s32 $0x13900  }
0x92: {  	[tilespmem:s30], [sflag:$0x2] =	stream.indirect_vreg.gather [hbm4b:s6+s3], $0x80, v3, vm0, $0xb8;
	[tilespmem:$0x14100] =	vst v63  }
0x93: {  	_ =	swait.ge [sflag:s28], $0xA000  }
0x94: {  	[sflag:s28] =	ssyncset.done $0x0  }
0x95: {  	s30 =	rddreg [dreg:$0x5];
	[sflag:s28] =	ssyncadd.s32 $0xFFFF6000  }
0x96: {  	[hbm4b:s30+s3] =	stream.linear.scatter [tilespmem:s31], [sflag:$0x3], $0xA000, $0x38;
	[tilespmem:$0x14100] =	vst v63  }
0x97: {  	_ =	swait.ge [sflag:s8], $0xA000  }
0x98: {  	[sflag:s8] =	ssyncset.done $0x0  }
0x99: {  	s30 =	rddreg [dreg:$0x6];
	[sflag:s8] =	ssyncadd.s32 $0xFFFF6000  }
0x9a: {  	[tilespmem:s3], [sflag:$0x3] =	stream.linear.gather [hbm4b:s30+s3], $0x28, $0x38;
	[tilespmem:$0x14100] =	vst v63  }
0x9b: {  	_ =	swait.ge [sflag:s8], $0x28  }
0x9c: {  	[sflag:s8] =	ssyncset.done $0x0  }
0x9d: {  	[sflag:s8] =	ssyncadd.s32 $0xFFFFFFD8  }
0x9e: {  	v3 =	vld [tilespmem:$0x0];
	_ =	sdelay $0x4  }
0x9f: {  	v58 =	vshll.u32 v3, $0x3  }
0xa0: {  	v3 =	vand.u32 $0x7, v3;
	v4 =	vand.u32 $0xFFFFFFC0, v58  }
0xa1: {  	v3 =	vor.u32 v3, v4  }
0xa2: {  	v4 =	vperm.xlane v3, v0;
	_ =	sdelay $0x1  }
0xa3: {  	v4 =	vadd.s32 v1, v4;
	_ =	sdelay $0x4  }
0xa4: {  	[tilespmem:s31], [sflag:$0x1] =	stream.indirect_vreg.gather [hbm4b:s2+s3], $0x80, v4, vm0, $0xb8;
	[tilespmem:$0x14100] =	vst v63  }
0xa5: {  	v3 =	vperm.xlane v3, v2  }
0xa6: {  	[tilespmem:s1], [sflag:$0x1] =	stream.indirect_vreg.gather [hbm4b:s4+s3], $0x80, v4, vm0, $0xb8;
	[tilespmem:$0x14100] =	vst v63  }
0xa7: {  	v3 =	vadd.s32 v1, v3  }
0xa8: {  	[tilespmem:s9], [sflag:$0x1] =	stream.indirect_vreg.gather [hbm4b:s5+s3], $0x80, v4, vm0, $0xb8;
	[tilespmem:$0x14100] =	vst v63  }
0xa9: {  	_ = 	snop  }
0xaa: {  	[tilespmem:s10], [sflag:$0x1] =	stream.indirect_vreg.gather [hbm4b:s6+s3], $0x80, v4, vm0, $0xb8;
	[tilespmem:$0x14100] =	vst v63  }
0xab: {  	_ = 	snop  }
0xac: {  	[tilespmem:s11], [sflag:$0x1] =	stream.indirect_vreg.gather [hbm4b:s2+s3], $0x80, v3, vm0, $0xb8;
	[tilespmem:$0x14100] =	vst v63  }
0xad: {  	_ = 	snop  }
0xae: {  	[tilespmem:s12], [sflag:$0x1] =	stream.indirect_vreg.gather [hbm4b:s4+s3], $0x80, v3, vm0, $0xb8;
	[tilespmem:$0x14100] =	vst v63  }
0xaf: {  	_ = 	snop  }
0xb0: {  	[tilespmem:s13], [sflag:$0x1] =	stream.indirect_vreg.gather [hbm4b:s5+s3], $0x80, v3, vm0, $0xb8;
	[tilespmem:$0x14100] =	vst v63  }
0xb1: {  	_ = 	snop  }
0xb2: {  	[tilespmem:s14], [sflag:$0x1] =	stream.indirect_vreg.gather [hbm4b:s6+s3], $0x80, v3, vm0, $0xb8;
	[tilespmem:$0x14100] =	vst v63  }
0xb3: {  	v3 =	vld [tilespmem:$0x10];
	_ =	sdelay $0x4  }
0xb4: {  	v59 =	vshll.u32 v3, $0x3  }
0xb5: {  	v3 =	vand.u32 $0x7, v3;
	v4 =	vand.u32 $0xFFFFFFC0, v59  }
0xb6: {  	v3 =	vor.u32 v3, v4  }
0xb7: {  	v4 =	vperm.xlane v3, v0;
	_ =	sdelay $0x1  }
0xb8: {  	v4 =	vadd.s32 v1, v4;
	_ =	sdelay $0x4  }
0xb9: {  	[tilespmem:s15], [sflag:$0x1] =	stream.indirect_vreg.gather [hbm4b:s2+s3], $0x80, v4, vm0, $0xb8;
	[tilespmem:$0x14100] =	vst v63  }
0xba: {  	v3 =	vperm.xlane v3, v2  }
0xbb: {  	[tilespmem:s16], [sflag:$0x1] =	stream.indirect_vreg.gather [hbm4b:s4+s3], $0x80, v4, vm0, $0xb8;
	[tilespmem:$0x14100] =	vst v63  }
0xbc: {  	v3 =	vadd.s32 v1, v3  }
0xbd: {  	[tilespmem:s17], [sflag:$0x1] =	stream.indirect_vreg.gather [hbm4b:s5+s3], $0x80, v4, vm0, $0xb8;
	[tilespmem:$0x14100] =	vst v63  }
0xbe: {  	_ = 	snop  }
0xbf: {  	[tilespmem:s18], [sflag:$0x1] =	stream.indirect_vreg.gather [hbm4b:s6+s3], $0x80, v4, vm0, $0xb8;
	[tilespmem:$0x14100] =	vst v63  }
0xc0: {  	_ = 	snop  }
0xc1: {  	[tilespmem:s19], [sflag:$0x1] =	stream.indirect_vreg.gather [hbm4b:s2+s3], $0x80, v3, vm0, $0xb8;
	[tilespmem:$0x14100] =	vst v63  }
0xc2: {  	_ = 	snop  }
0xc3: {  	[tilespmem:s20], [sflag:$0x1] =	stream.indirect_vreg.gather [hbm4b:s4+s3], $0x80, v3, vm0, $0xb8;
	[tilespmem:$0x14100] =	vst v63  }
0xc4: {  	_ = 	snop  }
0xc5: {  	[tilespmem:s21], [sflag:$0x1] =	stream.indirect_vreg.gather [hbm4b:s5+s3], $0x80, v3, vm0, $0xb8;
	[tilespmem:$0x14100] =	vst v63  }
0xc6: {  	_ = 	snop  }
0xc7: {  	[tilespmem:s22], [sflag:$0x1] =	stream.indirect_vreg.gather [hbm4b:s6+s3], $0x80, v3, vm0, $0xb8;
	[tilespmem:$0x14100] =	vst v63  }
0xc8: {  	v3 =	vld.msk [tilespmem:$0x20], $0xff;
	_ =	sdelay $0x4  }
0xc9: {  	v60 =	vshll.u32 v3, $0x3  }
0xca: {  	v3 =	vand.u32 $0x7, v3;
	v4 =	vand.u32 $0xFFFFFFC0, v60  }
0xcb: {  	v3 =	vor.u32 v3, v4  }
0xcc: {  	v3 =	vperm.xlane v3, v0;
	_ =	sdelay $0x1  }
0xcd: {  	v3 =	vadd.s32 v1, v3;
	_ =	sdelay $0x4  }
0xce: {  	[tilespmem:s23], [sflag:$0x1] =	stream.indirect_vreg.gather [hbm4b:s2+s3], $0x80, v3, vm0, $0xb8;
	[tilespmem:$0x14100] =	vst v63  }
0xcf: {  	_ = 	snop  }
0xd0: {  	[tilespmem:s24], [sflag:$0x1] =	stream.indirect_vreg.gather [hbm4b:s4+s3], $0x80, v3, vm0, $0xb8;
	[tilespmem:$0x14100] =	vst v63  }
0xd1: {  	_ = 	snop  }
0xd2: {  	[tilespmem:s25], [sflag:$0x1] =	stream.indirect_vreg.gather [hbm4b:s5+s3], $0x80, v3, vm0, $0xb8;
	[tilespmem:$0x14100] =	vst v63  }
0xd3: {  	_ = 	snop  }
0xd4: {  	[tilespmem:s26], [sflag:$0x1] =	stream.indirect_vreg.gather [hbm4b:s6+s3], $0x80, v3, vm0, $0xb8;
	[tilespmem:$0x14100] =	vst v63  }
0xd5: {  	_ =	swait.ge [sflag:s29], $0xA000  }
0xd6: {  	[sflag:s29] =	ssyncset.done $0x0  }
0xd7: {  	s1 =	rddreg [dreg:$0x7];
	[sflag:s29] =	ssyncadd.s32 $0xFFFF6000  }
0xd8: {  	[hbm4b:s1+s3] =	stream.linear.scatter [tilespmem:s0], [sflag:$0x3], $0xA000, $0x38;
	[tilespmem:$0x14100] =	vst v63  }
0xd9: {  	_ =	swait.ge [sflag:s8], $0xA000  }
0xda: {  	[sflag:s8] =	ssyncset.done $0x0  }
0xdb: {  	s1 =	simm.s32 $0x80;
	s30 =	rddreg [dreg:$0x8];
	[sflag:s8] =	ssyncadd.s32 $0xFFFF6000  }
0xdc: {  	[tilespmem:s1], [sflag:$0x3] =	stream.linear.gather [hbm4b:s30+s3], $0x28, $0x38;
	[tilespmem:$0x14100] =	vst v63  }
0xdd: {  	_ =	swait.ge [sflag:s8], $0x28  }
0xde: {  	[sflag:s8] =	ssyncset.done $0x0  }
0xdf: {  	[sflag:s8] =	ssyncadd.s32 $0xFFFFFFD8  }
0xe0: {  	v3 =	vld [tilespmem:$0x80];
	_ =	sdelay $0x4  }
0xe1: {  	v61 =	vshll.u32 v3, $0x3  }
0xe2: {  	v3 =	vand.u32 $0x7, v3;
	v4 =	vand.u32 $0xFFFFFFC0, v61  }
0xe3: {  	v3 =	vor.u32 v3, v4  }
0xe4: {  	v4 =	vperm.xlane v3, v0;
	_ =	sdelay $0x1  }
0xe5: {  	v4 =	vadd.s32 v1, v4;
	_ =	sdelay $0x4  }
0xe6: {  	[tilespmem:s0], [sflag:$0x2] =	stream.indirect_vreg.gather [hbm4b:s2+s3], $0x80, v4, vm0, $0xb8;
	[tilespmem:$0x14100] =	vst v63  }
0xe7: {  	s30 =	simm.s32 $0xA900;
	v3 =	vperm.xlane v3, v2  }
0xe8: {  	[tilespmem:s30], [sflag:$0x2] =	stream.indirect_vreg.gather [hbm4b:s4+s3], $0x80, v4, vm0, $0xb8;
	[tilespmem:$0x14100] =	vst v63  }
0xe9: {  	v3 =	vadd.s32 v1, v3;
	s30 =	simm.s32 $0xB100  }
0xea: {  	[tilespmem:s30], [sflag:$0x2] =	stream.indirect_vreg.gather [hbm4b:s5+s3], $0x80, v4, vm0, $0xb8;
	[tilespmem:$0x14100] =	vst v63  }
0xeb: {  	s30 =	simm.s32 $0xB900  }
0xec: {  	[tilespmem:s30], [sflag:$0x2] =	stream.indirect_vreg.gather [hbm4b:s6+s3], $0x80, v4, vm0, $0xb8;
	[tilespmem:$0x14100] =	vst v63  }
0xed: {  	s30 =	simm.s32 $0xC100  }
0xee: {  	[tilespmem:s30], [sflag:$0x2] =	stream.indirect_vreg.gather [hbm4b:s2+s3], $0x80, v3, vm0, $0xb8;
	[tilespmem:$0x14100] =	vst v63  }
0xef: {  	s30 =	simm.s32 $0xC900  }
0xf0: {  	[tilespmem:s30], [sflag:$0x2] =	stream.indirect_vreg.gather [hbm4b:s4+s3], $0x80, v3, vm0, $0xb8;
	[tilespmem:$0x14100] =	vst v63  }
0xf1: {  	s30 =	simm.s32 $0xD100  }
0xf2: {  	[tilespmem:s30], [sflag:$0x2] =	stream.indirect_vreg.gather [hbm4b:s5+s3], $0x80, v3, vm0, $0xb8;
	[tilespmem:$0x14100] =	vst v63  }
0xf3: {  	s30 =	simm.s32 $0xD900  }
0xf4: {  	[tilespmem:s30], [sflag:$0x2] =	stream.indirect_vreg.gather [hbm4b:s6+s3], $0x80, v3, vm0, $0xb8;
	[tilespmem:$0x14100] =	vst v63  }
0xf5: {  	v3 =	vld [tilespmem:$0x90];
	_ =	sdelay $0x4  }
0xf6: {  	v62 =	vshll.u32 v3, $0x3  }
0xf7: {  	v3 =	vand.u32 $0x7, v3;
	v4 =	vand.u32 $0xFFFFFFC0, v62  }
0xf8: {  	v3 =	vor.u32 v3, v4  }
0xf9: {  	v4 =	vperm.xlane v3, v0;
	_ =	sdelay $0x1  }
0xfa: {  	v4 =	vadd.s32 v1, v4;
	_ =	sdelay $0x3  }
0xfb: {  	s30 =	simm.s32 $0xE100  }
0xfc: {  	[tilespmem:s30], [sflag:$0x2] =	stream.indirect_vreg.gather [hbm4b:s2+s3], $0x80, v4, vm0, $0xb8;
	[tilespmem:$0x14100] =	vst v63  }
0xfd: {  	v3 =	vperm.xlane v3, v2;
	s30 =	simm.s32 $0xE900  }
0xfe: {  	[tilespmem:s30], [sflag:$0x2] =	stream.indirect_vreg.gather [hbm4b:s4+s3], $0x80, v4, vm0, $0xb8;
	[tilespmem:$0x14100] =	vst v63  }
0xff: {  	v3 =	vadd.s32 v1, v3;
	s30 =	simm.s32 $0xF100  }
0x100: {  	[tilespmem:s30], [sflag:$0x2] =	stream.indirect_vreg.gather [hbm4b:s5+s3], $0x80, v4, vm0, $0xb8;
	[tilespmem:$0x14100] =	vst v63  }
0x101: {  	s30 =	simm.s32 $0xF900  }
0x102: {  	[tilespmem:s30], [sflag:$0x2] =	stream.indirect_vreg.gather [hbm4b:s6+s3], $0x80, v4, vm0, $0xb8;
	[tilespmem:$0x14100] =	vst v63  }
0x103: {  	s30 =	simm.s32 $0x10100  }
0x104: {  	[tilespmem:s30], [sflag:$0x2] =	stream.indirect_vreg.gather [hbm4b:s2+s3], $0x80, v3, vm0, $0xb8;
	[tilespmem:$0x14100] =	vst v63  }
0x105: {  	s30 =	simm.s32 $0x10900  }
0x106: {  	[tilespmem:s30], [sflag:$0x2] =	stream.indirect_vreg.gather [hbm4b:s4+s3], $0x80, v3, vm0, $0xb8;
	[tilespmem:$0x14100] =	vst v63  }
0x107: {  	s30 =	simm.s32 $0x11100  }
0x108: {  	[tilespmem:s30], [sflag:$0x2] =	stream.indirect_vreg.gather [hbm4b:s5+s3], $0x80, v3, vm0, $0xb8;
	[tilespmem:$0x14100] =	vst v63  }
0x109: {  	s30 =	simm.s32 $0x11900  }
0x10a: {  	[tilespmem:s30], [sflag:$0x2] =	stream.indirect_vreg.gather [hbm4b:s6+s3], $0x80, v3, vm0, $0xb8;
	[tilespmem:$0x14100] =	vst v63  }
0x10b: {  	v3 =	vld.msk [tilespmem:$0xA0], $0xff;
	_ =	sdelay $0x4  }
0x10c: {  	v63 =	vshll.u32 v3, $0x3  }
0x10d: {  	v3 =	vand.u32 $0x7, v3;
	v4 =	vand.u32 $0xFFFFFFC0, v63  }
0x10e: {  	v3 =	vor.u32 v3, v4  }
0x10f: {  	v3 =	vperm.xlane v3, v0;
	_ =	sdelay $0x1  }
0x110: {  	v3 =	vadd.s32 v1, v3;
	_ =	sdelay $0x3  }
0x111: {  	s30 =	simm.s32 $0x12100  }
0x112: {  	[tilespmem:s30], [sflag:$0x2] =	stream.indirect_vreg.gather [hbm4b:s2+s3], $0x80, v3, vm0, $0xb8;
	[tilespmem:$0x14100] =	vst v63  }
0x113: {  	s30 =	simm.s32 $0x12900  }
0x114: {  	[tilespmem:s30], [sflag:$0x2] =	stream.indirect_vreg.gather [hbm4b:s4+s3], $0x80, v3, vm0, $0xb8;
	[tilespmem:$0x14100] =	vst v63  }
0x115: {  	s30 =	simm.s32 $0x13100  }
0x116: {  	[tilespmem:s30], [sflag:$0x2] =	stream.indirect_vreg.gather [hbm4b:s5+s3], $0x80, v3, vm0, $0xb8;
	[tilespmem:$0x14100] =	vst v63  }
0x117: {  	s30 =	simm.s32 $0x13900  }
0x118: {  	[tilespmem:s30], [sflag:$0x2] =	stream.indirect_vreg.gather [hbm4b:s6+s3], $0x80, v3, vm0, $0xb8;
	[tilespmem:$0x14100] =	vst v63  }
0x119: {  	_ =	swait.ge [sflag:s28], $0xA000  }
0x11a: {  	[sflag:s28] =	ssyncset.done $0x0  }
0x11b: {  	s1 =	rddreg [dreg:$0x9];
	[sflag:s28] =	ssyncadd.s32 $0xFFFF6000  }
0x11c: {  	[hbm4b:s1+s3] =	stream.linear.scatter [tilespmem:s31], [sflag:$0x3], $0xA000, $0x38;
	[tilespmem:$0x14100] =	vst v63  }
0x11d: {  	_ =	swait.ge [sflag:s8], $0xA000  }
0x11e: {  	[sflag:s8] =	ssyncset.done $0x0  }
0x11f: {  	[sflag:s8] =	ssyncadd.s32 $0xFFFF6000  }
0x120: {  	_ =	swait.ge [sflag:s29], $0xA000  }
0x121: {  	p0 =	sne.s32 s7, $0x1;
	[sflag:s29] =	ssyncset.done $0x0  }
.Ltmp0:
0x122: {  	s1 =	rddreg [dreg:$0xa];
	[sflag:s29] =	ssyncadd.s32 $0xFFFF6000;
	(pc) =	sbr.rel @p0 .LBB2_1-.Ltmp0, $4  }
0x123: {  	[hbm4b:s1+s3] =	stream.linear.scatter [tilespmem:s0], [sflag:$0x3], $0xA000, $0x38;
	[tilespmem:$0x14100] =	vst v63  }
0x124: {  	_ =	swait.ge [sflag:s8], $0xA000  }
0x125: {  	[sflag:s8] =	ssyncset.done $0x0  }
0x126: {  	s7 =	sadd.s32 $0xFFFFFFFF, s7;
	[sflag:s8] =	ssyncadd.s32 $0xFFFF6000  }
0x127: {  	_ =	sfence.sel $0x180000  }
0x128: {  	[bflag:$0x0] =	sbarrier.arrive $0xFFFF  }
0x129: {  	_ =	strace $0x9000004D  }
0x12a: {  	s0 =	stileid.u32;
	[bflag:$0x2] =	sbarrier.arrive $0xFFFF  }
0x12b: {  	p0 =	sne.s32 s0, $0x0;
	s0 =	rddreg [dreg:$0x2]  }
0x12c: {  	s0 =	sadd.s32 @!p0 $0x100000, s0  }
0x12d: {  	[sflag:s0] =	ssyncadd.tile.s32 @!p0 $0x1;
	_ =	shalt  }
.Lfunc_end2:
_tile_overlayer_lowered:
.L_overlay_start_2:
0x12e: {  	(tag) =	ssettag $0x2  }
0x12f: {  	s0 =	rddreg [dreg:$0x0];
	s2 =	stileid.u32  }
0x130: {  	s1 =	rddreg [dreg:$0x1];
	p0 =	sne.s32 s2, $0x0  }
0x131: {  	s3 =	rddreg [dreg:$0x2];
	[bflag:$0x3] =	sbarrier.arrive $0xFFFF;
	s2 =	simm.s32 @!p0 $0x1C03  }
0x132: {  	[timem:s3], [sflag:s2] =	dma.local @!p0 [hbm:s0], s1  }
0x133: {  	s0 =	simm.s32 @!p0 $0x3  }
0x134: {  	_ =	swait.ge @!p0 [sflag:s0], s1  }
0x135: {  	s1 =	ssub.s32 @!p0 $0x0, s1;
	[sflag:s0] =	ssyncset.done @!p0 $0x0  }
0x136: {  	[sflag:s0] =	ssyncadd.s32 @!p0 s1  }
0x137: {  	[bflag:$0x3] =	sbarrier.arrive $0xFFFF  }
0x138: {  	_ =	shalt  }

// kernel: kernel.18.cloned.1.call-start
scs
__scs_entry_jumppad:
0x0: {  	(pc) =	sbr.rel $0x88, $3  }
0x1: {  	(tag) =	ssettag $0x0;
	lr =	simm.s32 $0x1  }
0x2: {  	[smem:$0x3F9C] =	sst lr;
	_ =	strace $0xD0000000  }
0x3: {  	_ = 	snop  }
0x4: {  	_ = 	snop  }
0x5: {  	_ = 	snop  }
0x6: {  	_ = 	snop  }
0x7: {  	_ = 	snop  }
__scs_overlays_trampoline_lowered:
0x8: {  	[smem:$0x3FAB] =	sst s0  }
0x9: {  	[smem:$0x3FAC] =	sst s1  }
0xa: {  	[smem:$0x3FAD] =	sst s2  }
0xb: {  	[smem:$0x3FAE] =	sst s3  }
0xc: {  	[smem:$0x3FAF] =	sst s4  }
0xd: {  	[smem:$0x3FB0] =	sst s5  }
0xe: {  	[smem:$0x3FB1] =	sst s6  }
0xf: {  	[smem:$0x3FB2] =	sst s7  }
0x10: {  	[smem:$0x3FB3] =	sst s8  }
0x11: {  	[smem:$0x3FB4] =	sst s9;
	s0 =	simm.s32 @!p0 $0x0  }
0x12: {  	s1 =	sld [smem:$0x3F9A];
	s0 =	simm.s32 @p0 $0x1  }
0x13: {  	[smem:$0x3FB5] =	sst s0;
	s0 =	simm.s32 @!p1 $0x0  }
0x14: {  	s2 =	sld [smem:$0x3F99];
	s0 =	simm.s32 @p1 $0x1  }
0x15: {  	[smem:$0x3FB6] =	sst s0;
	s0 =	simm.s32 @!p2 $0x0  }
0x16: {  	s3 =	sld [smem:$0x3FDB];
	s0 =	simm.s32 @p2 $0x1  }
0x17: {  	s4 =	simm.s32 $0x1BF5;
	[smem:$0x3FB8] =	sst s0  }
0x18: {  	s0 =	sld [smem:$0x3F9B];
	_ =	swait.ge [sflag:s4], $0x0  }
0x19: {  	s7 =	sld [smem:$0x3F9C]  }
0x1a: {  	s8 =	sadd.s32 $0xFFFFE003, lr  }
0x1b: {  	s9 =	sadd.s32 $0xFFFFFEF7, lr;
	s5 =	simm.s32 $0xFFFFFFFF;
	p2 =	slt.u32 s8, $0xFFFFF086  }
0x1c: {  	p1 =	slt.u32 s9, $0xF7A;
	s5 =	simm.s32 @!p2 $0x0  }
0x1d: {  	s5 =	simm.s32 @p1 $0x1;
	p0 =	seq.s32 s7, s2  }
0x1e: {  	s7 =	smul.u32 @!p0 $0xF7A, s2;
	p2 =	seq.s32 @!p0 s5, $0x0  }
0x1f: {  	s9 =	smul.u32 $0xF7A, s1;
	s8 =	simm.s32 @!p0 $0x1BF5;
	p2 =	por !p2, p0  }
0x20: {  	[sflag:s8] =	ssyncset.s32 @!p0 $0xFFFFF086;
	s6 =	sadd.s32 @!p0 s3, s7;
	s7 =	simm.s32 @!p0 $0x108  }
0x21: {  	s3 =	sadd.s32 s3, s9;
	s6 =	sadd.s32 @!p0 $0x88, s6;
	s7 =	simm.s32 @p2 $0x1082  }
0x22: {  	[simem:s7], [sflag:s8] =	dma.local @!p0 [hbm:s6], $0xF7A  }
0x23: {  	s9 =	sor.u32 $0xD0000000, s2;
	s6 =	simm.s32 $0x108;
	_ =	swait.ge @!p0 [sflag:s8], $0x0  }
0x24: {  	s3 =	sadd.s32 $0x88, s3;
	s6 =	simm.s32 @!p1 $0x1082;
	[sflag:s4] =	ssyncset.s32 $0xFFFFF086  }
0x25: {  	[simem:s6], [sflag:s4] =	dma.local [hbm:s3], $0xF7A  }
0x26: {  	[smem:$0x3F9C] =	sst s1;
	(tag) =	ssettag s2;
	_ =	strace s9  }
0x27: {  	s1 =	sld [smem:$0x3FAC]  }
0x28: {  	s2 =	sld [smem:$0x3FAD]  }
0x29: {  	s4 =	sld [smem:$0x3FAF]  }
0x2a: {  	p0 =	seq.s32 s5, $0x0;
	s5 =	sld [smem:$0x3FB0]  }
0x2b: {  	s6 =	sld [smem:$0x3FB1]  }
0x2c: {  	s7 =	sld [smem:$0x3FB2]  }
0x2d: {  	s3 =	simm.s32 $0x108;
	s8 =	sld [smem:$0x3FB3]  }
0x2e: {  	s3 =	simm.s32 @!p0 $0x1082;
	s9 =	sld [smem:$0x3FB4]  }
0x2f: {  	lr =	sadd.s32 s0, s3;
	s0 =	sld [smem:$0x3FAB]  }
0x30: {  	s3 =	sld [smem:$0x3FAE]  }
0x31: {  	[smem:$0x3FB7] =	sst s10  }
0x32: {  	s10 =	sld [smem:$0x3FB5];
	_ =	sdelay $0x3  }
0x33: {  	p0 =	seq.s32 s10, $0x1;
	s10 =	sld [smem:$0x3FB7];
	_ =	sdelay $0x3  }
0x34: {  	[smem:$0x3FB7] =	sst s10  }
0x35: {  	s10 =	sld [smem:$0x3FB6];
	_ =	sdelay $0x3  }
0x36: {  	p1 =	seq.s32 s10, $0x1;
	s10 =	sld [smem:$0x3FB7];
	_ =	sdelay $0x3  }
0x37: {  	[smem:$0x3FB7] =	sst s10  }
0x38: {  	s10 =	sld [smem:$0x3FB8]  }
0x39: {  	_ = 	snop;
	(pc) =	sbr.ind lr, $3  }
0x3a: {  	_ = 	snop  }
0x3b: {  	_ = 	snop  }
0x3c: {  	p2 =	seq.s32 s10, $0x1;
	s10 =	sld [smem:$0x3FB7]  }
0x3d: {  	_ =	shalt  }
0x3e: {  	_ =	shalt  }
0x3f: {  	_ =	shalt  }
0x40: {  	_ =	shalt  }
0x41: {  	_ =	shalt  }
0x42: {  	_ =	shalt  }
0x43: {  	_ =	shalt  }
0x44: {  	_ =	shalt  }
0x45: {  	_ =	shalt  }
0x46: {  	_ =	shalt  }
0x47: {  	_ =	shalt  }
0x48: {  	_ =	shalt  }
0x49: {  	_ =	shalt  }
0x4a: {  	_ =	shalt  }
0x4b: {  	_ =	shalt  }
0x4c: {  	_ =	shalt  }
0x4d: {  	_ =	shalt  }
0x4e: {  	_ =	shalt  }
0x4f: {  	_ =	shalt  }
0x50: {  	_ =	shalt  }
0x51: {  	_ =	shalt  }
0x52: {  	_ =	shalt  }
0x53: {  	_ =	shalt  }
0x54: {  	_ =	shalt  }
0x55: {  	_ =	shalt  }
0x56: {  	_ =	shalt  }
0x57: {  	_ =	shalt  }
0x58: {  	_ =	shalt  }
0x59: {  	_ =	shalt  }
0x5a: {  	_ =	shalt  }
0x5b: {  	_ =	shalt  }
0x5c: {  	_ =	shalt  }
0x5d: {  	_ =	shalt  }
0x5e: {  	_ =	shalt  }
0x5f: {  	_ =	shalt  }
0x60: {  	_ =	shalt  }
0x61: {  	_ =	shalt  }
0x62: {  	_ =	shalt  }
0x63: {  	_ =	shalt  }
0x64: {  	_ =	shalt  }
0x65: {  	_ =	shalt  }
0x66: {  	_ =	shalt  }
0x67: {  	_ =	shalt  }
0x68: {  	_ =	shalt  }
0x69: {  	_ =	shalt  }
0x6a: {  	_ =	shalt  }
0x6b: {  	_ =	shalt  }
0x6c: {  	_ =	shalt  }
0x6d: {  	_ =	shalt  }
0x6e: {  	_ =	shalt  }
0x6f: {  	_ =	shalt  }
0x70: {  	_ =	shalt  }
0x71: {  	_ =	shalt  }
0x72: {  	_ =	shalt  }
0x73: {  	_ =	shalt  }
0x74: {  	_ =	shalt  }
0x75: {  	_ =	shalt  }
0x76: {  	_ =	shalt  }
0x77: {  	_ =	shalt  }
0x78: {  	_ =	shalt  }
0x79: {  	_ =	shalt  }
0x7a: {  	_ =	shalt  }
0x7b: {  	_ =	shalt  }
0x7c: {  	_ =	shalt  }
0x7d: {  	_ =	shalt  }
0x7e: {  	_ =	shalt  }
0x7f: {  	_ =	shalt  }
0x80: {  	_ =	shalt  }
0x81: {  	_ =	shalt  }
0x82: {  	_ =	shalt  }
0x83: {  	_ =	shalt  }
0x84: {  	_ =	shalt  }
0x85: {  	_ =	shalt  }
0x86: {  	_ =	shalt  }
0x87: {  	_ =	shalt  }
.Lfunc_end0:
.L_simem_size_0:
called_computation.3_lowered:
.L_overlay_start_0:
0x88: {  	s2 =	sld [smem:$0x3FD9]  }
0x89: {  	s3 =	sld [smem:$0x3FFE];
	_ =	sdelay $0x1  }
0x8a: {  	s1 =	srdreg.scid  }
0x8b: {  	s0 =	sand.u32 $0x1, s1  }
0x8c: {  	s17 =	sshll.u32 s0, $0xA;
	s2 =	sadd.s32 s3, s2  }
0x8d: {  	s2 =	sadd.s32 s2, s17  }
0x8e: {  	[smem:$0x3FC3] =	sst s2  }
0x8f: {  	_ = 	snop  }
0x90: {  	s2 =	sld [smem:$0x3FD0];
	(tm) =	ssettm $0x1  }
0x91: {  	s18 =	sld [smem:$0x3FFB];
	_ =	sdelay $0x3  }
0x92: {  	_ =	strace s18  }
0x93: {  	s3 =	sld [smem:$0x3FFC];
	_ =	sdelay $0x3  }
0x94: {  	_ =	strace s3  }
0x95: {  	s3 =	sld [smem:$0x3FFD];
	_ =	sdelay $0x3  }
0x96: {  	_ =	strace s3  }
0x97: {  	_ =	strace $0x8FFFFFFF  }
0x98: {  	s19 =	sld [smem:$0x3FDB];
	_ =	sdelay $0x1  }
0x99: {  	s4 =	simm.s32 $_scs_section_size  }
0x9a: {  	s5 =	simm.s32 $_size__tile_overlayer_lowered;
	s6 =	simm.s32 $_tile_overlayer_lowered  }
0x9b: {  	s22 =	simm.s32 $0x1BFF;
	s21 =	sshll.u32 s6, $0x1;
	s3 =	sadd.s32 s4, s19  }
0x9c: {  	s7 =	simm.s32 $0x0;
	s20 =	sshll.u32 s5, $0x1;
	s5 =	sadd.s32 s21, s3  }
0x9d: {  	[timem:s7], [sflag:s22] =	dma.local [hbm:s5], s20  }
0x9e: {  	_ =	swait.ge [sflag:s22], s20  }
0x9f: {  	s4 =	ssub.s32 $0x0, s20;
	[sflag:s22] =	ssyncset.done $0x0  }
0xa0: {  	[sflag:s22] =	ssyncadd.s32 s4;
	_ =	sdelay $0x1  }
0xa1: {  	s23 =	simm.s32 $0x1B8B  }
0xa2: {  	_ =	swait.ge [sflag:s23], $0x1  }
0xa3: {  	[sflag:s23] =	ssyncset.done $0x0  }
0xa4: {  	s25 =	simm.s32 $0x1B8E;
	s24 =	sld [smem:$0x3FFE];
	[sflag:s23] =	ssyncadd.s32 $0xFFFFFFFF  }
0xa5: {  	s26 =	simm.s32 $execute0_lowered;
	[smem:$0x3FD2] =	sst s25  }
0xa6: {  	s5 =	sshll.u32 s26, $0x1;
	_ =	strace $0x8000004F;
	[dreg:$0x1] =	wrdreg $0xFFFFFFFF  }
0xa7: {  	s28 =	simm.s32 $_size_execute0_lowered;
	s3 =	sadd.s32 s3, s5;
	[dreg:$0x0] =	wrdreg $0x0  }
0xa8: {  	s5 =	sshll.u32 s28, $0x1;
	[dreg:$0x2] =	wrdreg s3  }
0xa9: {  	[dreg:$0x3] =	wrdreg s5  }
0xaa: {  	[dreg:$0x4] =	wrdreg $0xC0  }
0xab: {  	_ =	task [dreg:s7], $0x5FFFF  }
0xac: {  	[dreg:$0x1] =	wrdreg $0xFFFFFFFF  }
0xad: {  	[dreg:$0x0] =	wrdreg $0x60  }
0xae: {  	[dreg:$0x2] =	wrdreg s24  }
0xaf: {  	[dreg:$0x3] =	wrdreg s2  }
0xb0: {  	[dreg:$0x4] =	wrdreg $0x9  }
0xb1: {  	_ =	task.clear_ibuf [dreg:s7], $0x5FFFF;
	_ =	strace $0x9000004F  }
0xb2: {  	s29 =	simm.s32 $0x9;
	_ =	strace $0x80000051  }
0xb3: {  	_ =	swait.ge [sflag:s29], $0x1  }
0xb4: {  	[sflag:s29] =	ssyncadd.s32 $0xFFFFFFFF  }
0xb5: {  	_ =	strace $0x90000051  }
0xb6: {  	_ =	sfence  }
0xb7: {  	s30 =	sld [smem:$0x0];
	_ =	sdelay $0x2  }
0xb8: {  	s31 =	sshll.u32 s1, $0xD;
	s1 =	sshrl.u32 s1, $0x2  }
0xb9: {  	s3 =	sand.u32 $0x4000, s31;
	s1 =	sadd.s32 s1, s30  }
0xba: {  	s0 =	sor.u32 s3, s0;
	s1 =	sshll.u32 s1, $0x11  }
0xbb: {  	s0 =	sor.u32 s1, s0  }
0xbc: {  	s0 =	sadd.s32 $0x8F2B, s0  }
0xbd: {  	[sflag:s0] =	ssyncadd.remote.s32 $0x1  }
0xbe: {  	_ =	sfence.sel $0xFFFF  }
0xbf: {  	[dreg:$0x0] =	wrdreg $0xFFFFFFFF;
	(pc) =	sbr.abs _section_cstart, $3  }
0xc0: {  	[dreg:$0x1] =	wrdreg $0xFFFFFFFF  }
0xc1: {  	_ =	task.clear_ibuf [dreg:s7], $0x2FFFF;
	_ =	strace $0x9FFFFFFF  }
0xc2: {  	(tm) =	ssettm $0x7FFFFFFF  }
0xc3: {  	_ =	shalt  }
tec
execute0_lowered:
.L_overlay_start_1:
0x0: {  	(tag) =	ssettag $0x1  }
0x1: {  	s0 =	rddreg [dreg:$0x0];
	s1 =	simm.s32 $0x0;
	s2 =	srdreg.scid  }
0x2: {  	s5 =	stileid.u32;
	[smem:$0x7FF] =	sst s1  }
0x3: {  	s2 =	sand.u32 $0x1, s2;
	s3 =	sadd.s32 $0xA00, s0;
	s28 =	sadd.s32 $0x162A00, s0  }
0x4: {  	s5 =	sshll.u32 s5, $0x7;
	s29 =	sadd.s32 $0x162B00, s0;
	s30 =	sadd.s32 $0x162C00, s0  }
0x5: {  	s6 =	sadd.s32 $0x400, s0;
	s31 =	sadd.s32 $0x162D00, s0;
	s4 =	sshll.u32 s2, $0xB  }
0x6: {  	s0 =	simm.s32 $0x5;
	s2 =	ssub.s32 $0x2, s2;
	s4 =	sor.u32 s5, s4  }
0x7: {  	s14 =	sshrl.u32 s2, $0x1;
	s7 =	sshrl.u32 s4, $0x3;
	s8 =	sor.u32 $0x10, s4  }
0x8: {  	s2 =	ssub.s32 s2, s14;
	s9 =	sor.u32 $0x30, s4;
	s11 =	sor.u32 $0x40, s4  }
0x9: {  	s23 =	sor.u32 $0x50, s4;
	s12 =	sor.u32 $0x60, s4;
	s15 =	sadd.s32 s3, s7  }
0xa: {  	s14 =	sor.u32 $0x70, s4;
	s7 =	sadd.s32 s6, s7;
	[dreg:$0x3] =	wrdreg s15  }
0xb: {  	s16 =	sshrl.u32 s8, $0x3;
	s19 =	sshrl.u32 s9, $0x3;
	[dreg:$0x4] =	wrdreg s7  }
0xc: {  	s17 =	sadd.s32 s3, s16;
	s5 =	sadd.s32 s6, s16;
	s16 =	rddreg [dreg:$0x1]  }
0xd: {  	s21 =	sshrl.u32 s11, $0x3;
	s24 =	sshrl.u32 s23, $0x3;
	[dreg:$0x5] =	wrdreg s17  }
0xe: {  	s25 =	sshrl.u32 s12, $0x3;
	s20 =	sadd.s32 s3, s19;
	[dreg:$0x6] =	wrdreg s5  }
0xf: {  	s7 =	sor.u32 $0x20, s4;
	s22 =	sadd.s32 s3, s21;
	[dreg:$0x9] =	wrdreg s20  }
0x10: {  	s13 =	sadd.s32 s3, s24;
	s26 =	sadd.s32 s3, s25;
	[dreg:$0xb] =	wrdreg s22  }
0x11: {  	s15 =	sshrl.u32 s14, $0x3;
	s4 =	sshll.u32 s4, $0x7;
	[dreg:$0xd] =	wrdreg s13  }
0x12: {  	s18 =	sshrl.u32 s7, $0x3;
	[dreg:$0xf] =	wrdreg s26;
	s13 =	sadd.s32 s6, s25  }
0x13: {  	s4 =	sadd.s32 s16, s4;
	s17 =	sshll.u32 s8, $0x7;
	s22 =	sshll.u32 s23, $0x7  }
0x14: {  	s23 =	sshll.u32 s12, $0x7;
	s25 =	sshll.u32 s14, $0x7;
	s26 =	smax.u32 s2, $0x1  }
0x15: {  	s2 =	simm.s32 $0x7200;
	s10 =	sadd.s32 s3, s18;
	[dreg:$0x10] =	wrdreg s13  }
0x16: {  	s8 =	simm.s32 $0xE200;
	s5 =	sadd.s32 s6, s18;
	[dreg:$0x7] =	wrdreg s10  }
0x17: {  	s12 =	simm.s32 $0x1;
	s3 =	sadd.s32 s3, s15;
	[dreg:$0x8] =	wrdreg s5  }
0x18: {  	s14 =	simm.s32 $0x10200;
	s10 =	sadd.s32 s6, s19;
	[dreg:$0x11] =	wrdreg s3  }
0x19: {  	s18 =	sshll.u32 s7, $0x7;
	s5 =	sadd.s32 s6, s21;
	[dreg:$0xa] =	wrdreg s10  }
0x1a: {  	s7 =	simm.s32 $0xDA00;
	[dreg:$0xc] =	wrdreg s5;
	s5 =	sadd.s32 s6, s24  }
0x1b: {  	s13 =	simm.s32 $0x3;
	[dreg:$0xe] =	wrdreg s5;
	s5 =	sadd.s32 s6, s15  }
0x1c: {  	s19 =	sshll.u32 s9, $0x7;
	s21 =	sshll.u32 s11, $0x7;
	[dreg:$0x12] =	wrdreg s5  }
0x1d: {  	s20 =	sadd.s32 s16, s19;
	_ =	strace $0x80000050;
	[dreg:$0x13] =	wrdreg s4  }
0x1e: {  	s3 =	sadd.s32 s16, s25;
	s24 =	sadd.s32 s16, s23;
	[dreg:$0x16] =	wrdreg s20  }
0x1f: {  	s9 =	simm.s32 $0xEA00;
	s11 =	simm.s32 $0xFA00;
	[dreg:$0x19] =	wrdreg s24  }
0x20: {  	s10 =	simm.s32 $0xF200;
	s6 =	simm.s32 $0xD200;
	[dreg:$0x1a] =	wrdreg s3  }
0x21: {  	s5 =	simm.s32 $0xCA00;
	s4 =	sadd.s32 s16, s17;
	[dreg:$0x1b] =	wrdreg s26  }
0x22: {  	s3 =	simm.s32 $0x7A00;
	[dreg:$0x14] =	wrdreg s4;
	s4 =	sadd.s32 s16, s18  }
0x23: {  	v2 =	vlaneseq.u32;
	s17 =	simm.s32 $0x4;
	[dreg:$0x15] =	wrdreg s4;
	s4 =	sadd.s32 s16, s21  }
0x24: {  	vm0 =	vmmov $0xffff;
	v1 =	vshrl.u32 v2, $0x3;
	s18 =	simm.s32 $0x0;
	[dreg:$0x17] =	wrdreg s4;
	s4 =	sadd.s32 s16, s22  }
0x25: {  	v0 =	vand.u32 $0x7, v2;
	v2 =	vor.u32 $0x8, v2;
	v1 =	vmul.u32 $0x8, v1;
	s16 =	simm.s32 $0x2;
	[dreg:$0x18] =	wrdreg s4;
	s4 =	simm.s32 $0xC200  }
.LBB2_1:
0x26: {  	s15 =	rddreg [dreg:$0x3]  }
0x27: {  	[tilespmem:s1], [sflag:$0x5] =	stream.linear.gather [hbm4b:s15+s1], $0x10, $0x38;
	[tilespmem:$0x14200] =	vst v63  }
0x28: {  	_ =	swait.ge [sflag:s0], $0x10  }
0x29: {  	[sflag:s0] =	ssyncset.done $0x0  }
0x2a: {  	s19 =	simm.s32 $0x100;
	s24 =	rddreg [dreg:$0x4];
	[sflag:s0] =	ssyncadd.s32 $0xFFFFFFF0  }
0x2b: {  	[tilespmem:s19], [sflag:$0x5] =	stream.linear.gather [hbm4b:s24+s1], $0x10, $0x38;
	[tilespmem:$0x14200] =	vst v63  }
0x2c: {  	_ =	swait.ge [sflag:s0], $0x10  }
0x2d: {  	[sflag:s0] =	ssyncset.done $0x0  }
0x2e: {  	[sflag:s0] =	ssyncadd.s32 $0xFFFFFFF0  }
0x2f: {  	v3 =	vld [tilespmem:$0x0];
	_ =	sdelay $0x4  }
0x30: {  	v4 =	vshll.u32 v3, $0x3  }
0x31: {  	v3 =	vand.u32 $0x7, v3;
	v4 =	vand.u32 $0xFFFFFFC0, v4  }
0x32: {  	v3 =	vor.u32 v3, v4  }
0x33: {  	v4 =	vperm.xlane v3, v0;
	_ =	sdelay $0x1  }
0x34: {  	v4 =	vadd.s32 v1, v4;
	_ =	sdelay $0x3  }
0x35: {  	s25 =	simm.s32 $0x200  }
0x36: {  	[tilespmem:s25], [sflag:$0x1] =	stream.indirect_vreg.gather [hbm4b:s28+s1], $0x80, v4, vm0, $0xb8;
	[tilespmem:$0x14200] =	vst v63  }
0x37: {  	s26 =	simm.s32 $0xA00;
	v3 =	vperm.xlane v3, v2  }
0x38: {  	[tilespmem:s26], [sflag:$0x1] =	stream.indirect_vreg.gather [hbm4b:s29+s1], $0x80, v4, vm0, $0xb8;
	[tilespmem:$0x14200] =	vst v63  }
0x39: {  	s19 =	simm.s32 $0x1200;
	v3 =	vadd.s32 v1, v3  }
0x3a: {  	[tilespmem:s19], [sflag:$0x1] =	stream.indirect_vreg.gather [hbm4b:s30+s1], $0x80, v4, vm0, $0xb8;
	[tilespmem:$0x14200] =	vst v63  }
0x3b: {  	s20 =	simm.s32 $0x1A00  }
0x3c: {  	[tilespmem:s20], [sflag:$0x1] =	stream.indirect_vreg.gather [hbm4b:s31+s1], $0x80, v4, vm0, $0xb8;
	[tilespmem:$0x14200] =	vst v63  }
0x3d: {  	s21 =	simm.s32 $0x2200  }
0x3e: {  	[tilespmem:s21], [sflag:$0x1] =	stream.indirect_vreg.gather [hbm4b:s28+s1], $0x80, v3, vm0, $0xb8;
	[tilespmem:$0x14200] =	vst v63  }
0x3f: {  	s22 =	simm.s32 $0x2A00  }
0x40: {  	[tilespmem:s22], [sflag:$0x1] =	stream.indirect_vreg.gather [hbm4b:s29+s1], $0x80, v3, vm0, $0xb8;
	[tilespmem:$0x14200] =	vst v63  }
0x41: {  	s23 =	simm.s32 $0x3200  }
0x42: {  	[tilespmem:s23], [sflag:$0x1] =	stream.indirect_vreg.gather [hbm4b:s30+s1], $0x80, v3, vm0, $0xb8;
	[tilespmem:$0x14200] =	vst v63  }
0x43: {  	s24 =	simm.s32 $0x3A00  }
0x44: {  	[tilespmem:s24], [sflag:$0x1] =	stream.indirect_vreg.gather [hbm4b:s31+s1], $0x80, v3, vm0, $0xb8;
	[tilespmem:$0x14200] =	vst v63  }
0x45: {  	v3 =	vld [tilespmem:$0x100];
	_ =	sdelay $0x4  }
0x46: {  	v61 =	vshll.u32 v3, $0x3  }
0x47: {  	v3 =	vand.u32 $0x7, v3;
	v4 =	vand.u32 $0xFFFFFFC0, v61  }
0x48: {  	v3 =	vor.u32 v3, v4  }
0x49: {  	v4 =	vperm.xlane v3, v0;
	_ =	sdelay $0x1  }
0x4a: {  	v4 =	vadd.s32 v1, v4;
	_ =	sdelay $0x3  }
0x4b: {  	s25 =	simm.s32 $0x8200  }
0x4c: {  	[tilespmem:s25], [sflag:$0x3] =	stream.indirect_vreg.gather [hbm4b:s28+s1], $0x80, v4, vm0, $0xb8;
	[tilespmem:$0x14200] =	vst v63  }
0x4d: {  	s26 =	simm.s32 $0x8A00;
	v3 =	vperm.xlane v3, v2  }
0x4e: {  	[tilespmem:s26], [sflag:$0x3] =	stream.indirect_vreg.gather [hbm4b:s29+s1], $0x80, v4, vm0, $0xb8;
	[tilespmem:$0x14200] =	vst v63  }
0x4f: {  	s19 =	simm.s32 $0x9200;
	v3 =	vadd.s32 v1, v3  }
0x50: {  	[tilespmem:s19], [sflag:$0x3] =	stream.indirect_vreg.gather [hbm4b:s30+s1], $0x80, v4, vm0, $0xb8;
	[tilespmem:$0x14200] =	vst v63  }
0x51: {  	s20 =	simm.s32 $0x9A00  }
0x52: {  	[tilespmem:s20], [sflag:$0x3] =	stream.indirect_vreg.gather [hbm4b:s31+s1], $0x80, v4, vm0, $0xb8;
	[tilespmem:$0x14200] =	vst v63  }
0x53: {  	s21 =	simm.s32 $0xA200  }
0x54: {  	[tilespmem:s21], [sflag:$0x3] =	stream.indirect_vreg.gather [hbm4b:s28+s1], $0x80, v3, vm0, $0xb8;
	[tilespmem:$0x14200] =	vst v63  }
0x55: {  	s22 =	simm.s32 $0xAA00  }
0x56: {  	[tilespmem:s22], [sflag:$0x3] =	stream.indirect_vreg.gather [hbm4b:s29+s1], $0x80, v3, vm0, $0xb8;
	[tilespmem:$0x14200] =	vst v63  }
0x57: {  	s23 =	simm.s32 $0xB200  }
0x58: {  	[tilespmem:s23], [sflag:$0x3] =	stream.indirect_vreg.gather [hbm4b:s30+s1], $0x80, v3, vm0, $0xb8;
	[tilespmem:$0x14200] =	vst v63  }
0x59: {  	s24 =	simm.s32 $0xBA00  }
0x5a: {  	[tilespmem:s24], [sflag:$0x3] =	stream.indirect_vreg.gather [hbm4b:s31+s1], $0x80, v3, vm0, $0xb8;
	[tilespmem:$0x14200] =	vst v63  }
0x5b: {  	s25 =	rddreg [dreg:$0x5];
	s26 =	simm.s32 $0x80  }
0x5c: {  	[tilespmem:s26], [sflag:$0x5] =	stream.linear.gather [hbm4b:s25+s1], $0x10, $0x38;
	[tilespmem:$0x14200] =	vst v63  }
0x5d: {  	_ =	swait.ge [sflag:s0], $0x10  }
0x5e: {  	[sflag:s0] =	ssyncset.done $0x0  }
0x5f: {  	s20 =	simm.s32 $0x180;
	s19 =	rddreg [dreg:$0x6];
	[sflag:s0] =	ssyncadd.s32 $0xFFFFFFF0  }
0x60: {  	[tilespmem:s20], [sflag:$0x5] =	stream.linear.gather [hbm4b:s19+s1], $0x10, $0x38;
	[tilespmem:$0x14200] =	vst v63  }
0x61: {  	_ =	swait.ge [sflag:s0], $0x10  }
0x62: {  	[sflag:s0] =	ssyncset.done $0x0  }
0x63: {  	[sflag:s0] =	ssyncadd.s32 $0xFFFFFFF0  }
0x64: {  	v3 =	vld [tilespmem:$0x80];
	_ =	sdelay $0x4  }
0x65: {  	v62 =	vshll.u32 v3, $0x3  }
0x66: {  	v3 =	vand.u32 $0x7, v3;
	v4 =	vand.u32 $0xFFFFFFC0, v62  }
0x67: {  	v3 =	vor.u32 v3, v4  }
0x68: {  	v4 =	vperm.xlane v3, v0;
	_ =	sdelay $0x1  }
0x69: {  	v4 =	vadd.s32 v1, v4;
	_ =	sdelay $0x3  }
0x6a: {  	s21 =	simm.s32 $0x4200  }
0x6b: {  	[tilespmem:s21], [sflag:$0x2] =	stream.indirect_vreg.gather [hbm4b:s28+s1], $0x80, v4, vm0, $0xb8;
	[tilespmem:$0x14200] =	vst v63  }
0x6c: {  	s22 =	simm.s32 $0x4A00;
	v3 =	vperm.xlane v3, v2  }
0x6d: {  	[tilespmem:s22], [sflag:$0x2] =	stream.indirect_vreg.gather [hbm4b:s29+s1], $0x80, v4, vm0, $0xb8;
	[tilespmem:$0x14200] =	vst v63  }
0x6e: {  	s23 =	simm.s32 $0x5200;
	v3 =	vadd.s32 v1, v3  }
0x6f: {  	[tilespmem:s23], [sflag:$0x2] =	stream.indirect_vreg.gather [hbm4b:s30+s1], $0x80, v4, vm0, $0xb8;
	[tilespmem:$0x14200] =	vst v63  }
0x70: {  	s24 =	simm.s32 $0x5A00  }
0x71: {  	[tilespmem:s24], [sflag:$0x2] =	stream.indirect_vreg.gather [hbm4b:s31+s1], $0x80, v4, vm0, $0xb8;
	[tilespmem:$0x14200] =	vst v63  }
0x72: {  	s25 =	simm.s32 $0x6200  }
0x73: {  	[tilespmem:s25], [sflag:$0x2] =	stream.indirect_vreg.gather [hbm4b:s28+s1], $0x80, v3, vm0, $0xb8;
	[tilespmem:$0x14200] =	vst v63  }
0x74: {  	s26 =	simm.s32 $0x6A00  }
0x75: {  	[tilespmem:s26], [sflag:$0x2] =	stream.indirect_vreg.gather [hbm4b:s29+s1], $0x80, v3, vm0, $0xb8;
	[tilespmem:$0x14200] =	vst v63  }
0x76: {  	_ = 	snop  }
0x77: {  	[tilespmem:s2], [sflag:$0x2] =	stream.indirect_vreg.gather [hbm4b:s30+s1], $0x80, v3, vm0, $0xb8;
	[tilespmem:$0x14200] =	vst v63  }
0x78: {  	_ = 	snop  }
0x79: {  	[tilespmem:s3], [sflag:$0x2] =	stream.indirect_vreg.gather [hbm4b:s31+s1], $0x80, v3, vm0, $0xb8;
	[tilespmem:$0x14200] =	vst v63  }
0x7a: {  	v3 =	vld [tilespmem:$0x180];
	_ =	sdelay $0x4  }
0x7b: {  	v63 =	vshll.u32 v3, $0x3  }
0x7c: {  	v3 =	vand.u32 $0x7, v3;
	v4 =	vand.u32 $0xFFFFFFC0, v63  }
0x7d: {  	v3 =	vor.u32 v3, v4  }
0x7e: {  	v4 =	vperm.xlane v3, v0;
	_ =	sdelay $0x1  }
0x7f: {  	v4 =	vadd.s32 v1, v4;
	_ =	sdelay $0x4  }
0x80: {  	[tilespmem:s4], [sflag:$0x4] =	stream.indirect_vreg.gather [hbm4b:s28+s1], $0x80, v4, vm0, $0xb8;
	[tilespmem:$0x14200] =	vst v63  }
0x81: {  	v3 =	vperm.xlane v3, v2  }
0x82: {  	[tilespmem:s5], [sflag:$0x4] =	stream.indirect_vreg.gather [hbm4b:s29+s1], $0x80, v4, vm0, $0xb8;
	[tilespmem:$0x14200] =	vst v63  }
0x83: {  	v3 =	vadd.s32 v1, v3  }
0x84: {  	[tilespmem:s6], [sflag:$0x4] =	stream.indirect_vreg.gather [hbm4b:s30+s1], $0x80, v4, vm0, $0xb8;
	[tilespmem:$0x14200] =	vst v63  }
0x85: {  	_ = 	snop  }
0x86: {  	[tilespmem:s7], [sflag:$0x4] =	stream.indirect_vreg.gather [hbm4b:s31+s1], $0x80, v4, vm0, $0xb8;
	[tilespmem:$0x14200] =	vst v63  }
0x87: {  	_ = 	snop  }
0x88: {  	[tilespmem:s8], [sflag:$0x4] =	stream.indirect_vreg.gather [hbm4b:s28+s1], $0x80, v3, vm0, $0xb8;
	[tilespmem:$0x14200] =	vst v63  }
0x89: {  	_ = 	snop  }
0x8a: {  	[tilespmem:s9], [sflag:$0x4] =	stream.indirect_vreg.gather [hbm4b:s29+s1], $0x80, v3, vm0, $0xb8;
	[tilespmem:$0x14200] =	vst v63  }
0x8b: {  	_ = 	snop  }
0x8c: {  	[tilespmem:s10], [sflag:$0x4] =	stream.indirect_vreg.gather [hbm4b:s30+s1], $0x80, v3, vm0, $0xb8;
	[tilespmem:$0x14200] =	vst v63  }
0x8d: {  	_ = 	snop  }
0x8e: {  	[tilespmem:s11], [sflag:$0x4] =	stream.indirect_vreg.gather [hbm4b:s31+s1], $0x80, v3, vm0, $0xb8;
	[tilespmem:$0x14200] =	vst v63  }
0x8f: {  	_ =	swait.ge [sflag:s12], $0x4000  }
0x90: {  	[sflag:s12] =	ssyncset.done $0x0  }
0x91: {  	[sflag:s12] =	ssyncadd.s32 $0xFFFFC000  }
0x92: {  	_ =	swait.ge [sflag:s13], $0x4000  }
0x93: {  	[sflag:s13] =	ssyncset.done $0x0  }
0x94: {  	s19 =	simm.s32 $0x0;
	[sflag:s13] =	ssyncadd.s32 $0xFFFFC000  }
.LBB2_2:
0x95: {  	s20 =	sshll.u32 s19, $0xA;
	s21 =	sshll.u32 s19, $0x7  }
0x96: {  	s22 =	simm.s32 $0x0;
	s20 =	sand.u32 $0x2000, s20;
	s21 =	sand.u32 $0x380, s21  }
0x97: {  	s25 =	sand.u32 $0x40, s22;
	s21 =	sor.u32 s20, s21  }
0x98: {  	s22 =	sand.u32 $0x1C00, s22;
	s20 =	sor.u32 s25, s21  }
0x99: {  	s20 =	sor.u32 s22, s20  }
0x9a: {  	v8 =	vld [tilespmem:s20+$0x230]  }
0x9b: {  	v9 =	vld [tilespmem:s20+$0x8230]  }
0x9c: {  	v4 =	vld [tilespmem:s20+$0x200]  }
0x9d: {  	v5 =	vld [tilespmem:s20+$0x8200]  }
0x9e: {  	s26 =	simm.s32 $0x40;
	v3 =	vld [tilespmem:s20+$0x210]  }
0x9f: {  	s23 =	sand.u32 $0x40, s26;
	s22 =	simm.s32 $0x200;
	v6 =	vld [tilespmem:s20+$0x8210]  }
0xa0: {  	s25 =	sor.u32 s23, s21;
	s23 =	simm.s32 $0x80;
	s24 =	sand.u32 $0x1C00, s22;
	v7 =	vld [tilespmem:s20+$0x220];
	v8 =	vadd.f32 v9, v8  }
.LBB2_3:
0xa1: {  	p0 =	sne.s32 s23, $0x3C0;
	v9 =	vld [tilespmem:s20+$0x8220];
	s26 =	smov.u32 s20;
	s20 =	sor.u32 s24, s25  }
0xa2: {  	v10 =	vld [tilespmem:s20+$0x230];
	v5 =	vadd.f32 v5, v4;
	[tilespmem:s26+$0x10230] =	vst v8  }
0xa3: {  	v8 =	vld [tilespmem:s20+$0x8230]  }
.Ltmp0:
0xa4: {  	v4 =	vld [tilespmem:s20+$0x200];
	[tilespmem:s26+$0x10200] =	vst v5;
	v6 =	vadd.f32 v6, v3;
	(pc) =	sbr.rel @p0 .LBB2_3-.Ltmp0, $4  }
0xa5: {  	v5 =	vld [tilespmem:s20+$0x8200]  }
0xa6: {  	v3 =	vld [tilespmem:s20+$0x210];
	[tilespmem:s26+$0x10210] =	vst v6;
	v9 =	vadd.f32 v9, v7  }
0xa7: {  	s25 =	sand.u32 $0x40, s23;
	s22 =	sadd.s32 $0x200, s22;
	v6 =	vld [tilespmem:s20+$0x8210]  }
0xa8: {  	s23 =	sadd.s32 $0x40, s23;
	s24 =	sand.u32 $0x1C00, s22;
	s25 =	sor.u32 s25, s21;
	v7 =	vld [tilespmem:s20+$0x220];
	v8 =	vadd.f32 v8, v10;
	[tilespmem:s26+$0x10220] =	vst v9  }
0xa9: {  	s21 =	sor.u32 s24, s25;
	v9 =	vld [tilespmem:s20+$0x8220]  }
0xaa: {  	v10 =	vld [tilespmem:s21+$0x230];
	[tilespmem:s20+$0x10230] =	vst v8;
	v4 =	vadd.f32 v5, v4  }
0xab: {  	v59 =	vld [tilespmem:s21+$0x8230]  }
0xac: {  	v8 =	vld [tilespmem:s21+$0x200];
	[tilespmem:s20+$0x10200] =	vst v4;
	v3 =	vadd.f32 v6, v3  }
0xad: {  	v4 =	vld [tilespmem:s21+$0x8200]  }
0xae: {  	v60 =	vld [tilespmem:s21+$0x210];
	[tilespmem:s20+$0x10210] =	vst v3;
	v3 =	vadd.f32 v9, v7  }
0xaf: {  	v61 =	vld [tilespmem:s21+$0x8210]  }
0xb0: {  	v62 =	vld [tilespmem:s21+$0x220];
	[tilespmem:s20+$0x10220] =	vst v3  }
0xb1: {  	v3 =	vld [tilespmem:s21+$0x8220]  }
0xb2: {  	s19 =	sadd.s32 $0x1, s19  }
0xb3: {  	p0 =	sne.s32 s19, $0x10;
	v5 =	vadd.f32 v59, v10  }
.Ltmp1:
0xb4: {  	v4 =	vadd.f32 v4, v8;
	(pc) =	sbr.rel @p0 .LBB2_2-.Ltmp1, $4  }
0xb5: {  	[tilespmem:s21+$0x10230] =	vst v5;
	v63 =	vadd.f32 v61, v60  }
0xb6: {  	[tilespmem:s21+$0x10200] =	vst v4;
	v3 =	vadd.f32 v3, v62  }
0xb7: {  	[tilespmem:s21+$0x10210] =	vst v63  }
0xb8: {  	[tilespmem:s21+$0x10220] =	vst v3  }
0xb9: {  	s19 =	simm.s32 $0x0;
	s15 =	rddreg [dreg:$0x13]  }
0xba: {  	[hbm4b:s15+s19] =	stream.linear.scatter [tilespmem:s14], [sflag:$0x5], $0x4000, $0x38;
	[tilespmem:$0x14200] =	vst v63  }
0xbb: {  	_ =	swait.ge [sflag:s0], $0x4000  }
0xbc: {  	[sflag:s0] =	ssyncset.done $0x0  }
0xbd: {  	s23 =	rddreg [dreg:$0x7];
	[sflag:s0] =	ssyncadd.s32 $0xFFFFC000  }
0xbe: {  	[tilespmem:s19], [sflag:$0x5] =	stream.linear.gather [hbm4b:s23+s19], $0x10, $0x38;
	[tilespmem:$0x14200] =	vst v63  }
0xbf: {  	_ =	swait.ge [sflag:s0], $0x10  }
0xc0: {  	[sflag:s0] =	ssyncset.done $0x0  }
0xc1: {  	s20 =	simm.s32 $0x100;
	s24 =	rddreg [dreg:$0x8];
	[sflag:s0] =	ssyncadd.s32 $0xFFFFFFF0  }
0xc2: {  	[tilespmem:s20], [sflag:$0x5] =	stream.linear.gather [hbm4b:s24+s19], $0x10, $0x38;
	[tilespmem:$0x14200] =	vst v63  }
0xc3: {  	_ =	swait.ge [sflag:s0], $0x10  }
0xc4: {  	[sflag:s0] =	ssyncset.done $0x0  }
0xc5: {  	[sflag:s0] =	ssyncadd.s32 $0xFFFFFFF0  }
0xc6: {  	v3 =	vld [tilespmem:$0x0];
	_ =	sdelay $0x4  }
0xc7: {  	v4 =	vshll.u32 v3, $0x3  }
0xc8: {  	v3 =	vand.u32 $0x7, v3;
	v4 =	vand.u32 $0xFFFFFFC0, v4  }
0xc9: {  	v3 =	vor.u32 v3, v4  }
0xca: {  	v4 =	vperm.xlane v3, v0;
	_ =	sdelay $0x1  }
0xcb: {  	v4 =	vadd.s32 v1, v4;
	_ =	sdelay $0x3  }
0xcc: {  	s25 =	simm.s32 $0x200  }
0xcd: {  	[tilespmem:s25], [sflag:$0x1] =	stream.indirect_vreg.gather [hbm4b:s28+s19], $0x80, v4, vm0, $0xb8;
	[tilespmem:$0x14200] =	vst v63  }
0xce: {  	s26 =	simm.s32 $0xA00;
	v3 =	vperm.xlane v3, v2  }
0xcf: {  	[tilespmem:s26], [sflag:$0x1] =	stream.indirect_vreg.gather [hbm4b:s29+s19], $0x80, v4, vm0, $0xb8;
	[tilespmem:$0x14200] =	vst v63  }
0xd0: {  	s20 =	simm.s32 $0x1200;
	v3 =	vadd.s32 v1, v3  }
0xd1: {  	[tilespmem:s20], [sflag:$0x1] =	stream.indirect_vreg.gather [hbm4b:s30+s19], $0x80, v4, vm0, $0xb8;
	[tilespmem:$0x14200] =	vst v63  }
0xd2: {  	s21 =	simm.s32 $0x1A00  }
0xd3: {  	[tilespmem:s21], [sflag:$0x1] =	stream.indirect_vreg.gather [hbm4b:s31+s19], $0x80, v4, vm0, $0xb8;
	[tilespmem:$0x14200] =	vst v63  }
0xd4: {  	s22 =	simm.s32 $0x2200  }
0xd5: {  	[tilespmem:s22], [sflag:$0x1] =	stream.indirect_vreg.gather [hbm4b:s28+s19], $0x80, v3, vm0, $0xb8;
	[tilespmem:$0x14200] =	vst v63  }
0xd6: {  	s23 =	simm.s32 $0x2A00  }
0xd7: {  	[tilespmem:s23], [sflag:$0x1] =	stream.indirect_vreg.gather [hbm4b:s29+s19], $0x80, v3, vm0, $0xb8;
	[tilespmem:$0x14200] =	vst v63  }
0xd8: {  	s24 =	simm.s32 $0x3200  }
0xd9: {  	[tilespmem:s24], [sflag:$0x1] =	stream.indirect_vreg.gather [hbm4b:s30+s19], $0x80, v3, vm0, $0xb8;
	[tilespmem:$0x14200] =	vst v63  }
0xda: {  	s25 =	simm.s32 $0x3A00  }
0xdb: {  	[tilespmem:s25], [sflag:$0x1] =	stream.indirect_vreg.gather [hbm4b:s31+s19], $0x80, v3, vm0, $0xb8;
	[tilespmem:$0x14200] =	vst v63  }
0xdc: {  	v3 =	vld [tilespmem:$0x100];
	_ =	sdelay $0x4  }
0xdd: {  	v63 =	vshll.u32 v3, $0x3  }
0xde: {  	v3 =	vand.u32 $0x7, v3;
	v4 =	vand.u32 $0xFFFFFFC0, v63  }
0xdf: {  	v3 =	vor.u32 v3, v4  }
0xe0: {  	v4 =	vperm.xlane v3, v0;
	_ =	sdelay $0x1  }
0xe1: {  	v4 =	vadd.s32 v1, v4;
	_ =	sdelay $0x3  }
0xe2: {  	s26 =	simm.s32 $0x8200  }
0xe3: {  	[tilespmem:s26], [sflag:$0x3] =	stream.indirect_vreg.gather [hbm4b:s28+s19], $0x80, v4, vm0, $0xb8;
	[tilespmem:$0x14200] =	vst v63  }
0xe4: {  	s20 =	simm.s32 $0x8A00;
	v3 =	vperm.xlane v3, v2  }
0xe5: {  	[tilespmem:s20], [sflag:$0x3] =	stream.indirect_vreg.gather [hbm4b:s29+s19], $0x80, v4, vm0, $0xb8;
	[tilespmem:$0x14200] =	vst v63  }
0xe6: {  	s21 =	simm.s32 $0x9200;
	v3 =	vadd.s32 v1, v3  }
0xe7: {  	[tilespmem:s21], [sflag:$0x3] =	stream.indirect_vreg.gather [hbm4b:s30+s19], $0x80, v4, vm0, $0xb8;
	[tilespmem:$0x14200] =	vst v63  }
0xe8: {  	s22 =	simm.s32 $0x9A00  }
0xe9: {  	[tilespmem:s22], [sflag:$0x3] =	stream.indirect_vreg.gather [hbm4b:s31+s19], $0x80, v4, vm0, $0xb8;
	[tilespmem:$0x14200] =	vst v63  }
0xea: {  	s23 =	simm.s32 $0xA200  }
0xeb: {  	[tilespmem:s23], [sflag:$0x3] =	stream.indirect_vreg.gather [hbm4b:s28+s19], $0x80, v3, vm0, $0xb8;
	[tilespmem:$0x14200] =	vst v63  }
0xec: {  	s24 =	simm.s32 $0xAA00  }
0xed: {  	[tilespmem:s24], [sflag:$0x3] =	stream.indirect_vreg.gather [hbm4b:s29+s19], $0x80, v3, vm0, $0xb8;
	[tilespmem:$0x14200] =	vst v63  }
0xee: {  	s25 =	simm.s32 $0xB200  }
0xef: {  	[tilespmem:s25], [sflag:$0x3] =	stream.indirect_vreg.gather [hbm4b:s30+s19], $0x80, v3, vm0, $0xb8;
	[tilespmem:$0x14200] =	vst v63  }
0xf0: {  	s26 =	simm.s32 $0xBA00  }
0xf1: {  	[tilespmem:s26], [sflag:$0x3] =	stream.indirect_vreg.gather [hbm4b:s31+s19], $0x80, v3, vm0, $0xb8;
	[tilespmem:$0x14200] =	vst v63  }
0xf2: {  	_ =	swait.ge [sflag:s16], $0x4000  }
0xf3: {  	[sflag:s16] =	ssyncset.done $0x0  }
0xf4: {  	[sflag:s16] =	ssyncadd.s32 $0xFFFFC000  }
0xf5: {  	_ =	swait.ge [sflag:s17], $0x4000  }
0xf6: {  	[sflag:s17] =	ssyncset.done $0x0  }
0xf7: {  	s20 =	simm.s32 $0x0;
	[sflag:s17] =	ssyncadd.s32 $0xFFFFC000  }
.LBB2_6:
0xf8: {  	s21 =	sshll.u32 s20, $0xA;
	s22 =	sshll.u32 s20, $0x7  }
0xf9: {  	s21 =	sand.u32 $0x2000, s21;
	s22 =	sand.u32 $0x380, s22  }
0xfa: {  	s25 =	sand.u32 $0x40, s19;
	s22 =	sor.u32 s21, s22  }
0xfb: {  	s23 =	sand.u32 $0x1C00, s19;
	s21 =	sor.u32 s25, s22  }
0xfc: {  	s21 =	sor.u32 s23, s21  }
0xfd: {  	v8 =	vld [tilespmem:s21+$0x4230]  }
0xfe: {  	v9 =	vld [tilespmem:s21+$0xC230]  }
0xff: {  	v4 =	vld [tilespmem:s21+$0x4200]  }
0x100: {  	v5 =	vld [tilespmem:s21+$0xC200]  }
0x101: {  	s26 =	simm.s32 $0x40;
	v3 =	vld [tilespmem:s21+$0x4210]  }
0x102: {  	s24 =	sand.u32 $0x40, s26;
	s23 =	simm.s32 $0x200;
	v6 =	vld [tilespmem:s21+$0xC210]  }
0x103: {  	s26 =	sor.u32 s24, s22;
	s24 =	simm.s32 $0x80;
	s25 =	sand.u32 $0x1C00, s23;
	v7 =	vld [tilespmem:s21+$0x4220];
	v8 =	vadd.f32 v9, v8  }
.LBB2_7:
0x104: {  	p0 =	sne.s32 s24, $0x3C0;
	v9 =	vld [tilespmem:s21+$0xC220];
	s15 =	smov.u32 s21;
	s21 =	sor.u32 s25, s26  }
0x105: {  	v10 =	vld [tilespmem:s21+$0x4230];
	v5 =	vadd.f32 v5, v4;
	[tilespmem:s15+$0x10230] =	vst v8  }
0x106: {  	v8 =	vld [tilespmem:s21+$0xC230]  }
.Ltmp2:
0x107: {  	v4 =	vld [tilespmem:s21+$0x4200];
	[tilespmem:s15+$0x10200] =	vst v5;
	v6 =	vadd.f32 v6, v3;
	(pc) =	sbr.rel @p0 .LBB2_7-.Ltmp2, $4  }
0x108: {  	v5 =	vld [tilespmem:s21+$0xC200]  }
0x109: {  	v3 =	vld [tilespmem:s21+$0x4210];
	[tilespmem:s15+$0x10210] =	vst v6;
	v9 =	vadd.f32 v9, v7  }
0x10a: {  	s26 =	sand.u32 $0x40, s24;
	s23 =	sadd.s32 $0x200, s23;
	v6 =	vld [tilespmem:s21+$0xC210]  }
0x10b: {  	s24 =	sadd.s32 $0x40, s24;
	s25 =	sand.u32 $0x1C00, s23;
	s26 =	sor.u32 s26, s22;
	v7 =	vld [tilespmem:s21+$0x4220];
	v8 =	vadd.f32 v8, v10;
	[tilespmem:s15+$0x10220] =	vst v9  }
0x10c: {  	s15 =	sor.u32 s25, s26;
	v9 =	vld [tilespmem:s21+$0xC220]  }
0x10d: {  	v10 =	vld [tilespmem:s15+$0x4230];
	[tilespmem:s21+$0x10230] =	vst v8;
	v4 =	vadd.f32 v5, v4  }
0x10e: {  	v59 =	vld [tilespmem:s15+$0xC230]  }
0x10f: {  	v8 =	vld [tilespmem:s15+$0x4200];
	[tilespmem:s21+$0x10200] =	vst v4;
	v3 =	vadd.f32 v6, v3  }
0x110: {  	v4 =	vld [tilespmem:s15+$0xC200]  }
0x111: {  	v60 =	vld [tilespmem:s15+$0x4210];
	[tilespmem:s21+$0x10210] =	vst v3;
	v3 =	vadd.f32 v9, v7  }
0x112: {  	v61 =	vld [tilespmem:s15+$0xC210]  }
0x113: {  	v62 =	vld [tilespmem:s15+$0x4220];
	[tilespmem:s21+$0x10220] =	vst v3  }
0x114: {  	v3 =	vld [tilespmem:s15+$0xC220]  }
0x115: {  	s20 =	sadd.s32 $0x1, s20  }
0x116: {  	p0 =	sne.s32 s20, $0x10;
	v5 =	vadd.f32 v59, v10  }
.Ltmp3:
0x117: {  	v4 =	vadd.f32 v4, v8;
	(pc) =	sbr.rel @p0 .LBB2_6-.Ltmp3, $4  }
0x118: {  	[tilespmem:s15+$0x10230] =	vst v5;
	v63 =	vadd.f32 v61, v60  }
0x119: {  	[tilespmem:s15+$0x10200] =	vst v4;
	v3 =	vadd.f32 v3, v62  }
0x11a: {  	[tilespmem:s15+$0x10210] =	vst v63  }
0x11b: {  	[tilespmem:s15+$0x10220] =	vst v3  }
0x11c: {  	s19 =	simm.s32 $0x0;
	s15 =	rddreg [dreg:$0x14]  }
0x11d: {  	[hbm4b:s15+s19] =	stream.linear.scatter [tilespmem:s14], [sflag:$0x5], $0x4000, $0x38;
	[tilespmem:$0x14200] =	vst v63  }
0x11e: {  	_ =	swait.ge [sflag:s0], $0x4000  }
0x11f: {  	[sflag:s0] =	ssyncset.done $0x0  }
0x120: {  	s20 =	simm.s32 $0x80;
	s24 =	rddreg [dreg:$0x9];
	[sflag:s0] =	ssyncadd.s32 $0xFFFFC000  }
0x121: {  	[tilespmem:s20], [sflag:$0x5] =	stream.linear.gather [hbm4b:s24+s19], $0x10, $0x38;
	[tilespmem:$0x14200] =	vst v63  }
0x122: {  	_ =	swait.ge [sflag:s0], $0x10  }
0x123: {  	[sflag:s0] =	ssyncset.done $0x0  }
0x124: {  	s26 =	simm.s32 $0x180;
	s25 =	rddreg [dreg:$0xa];
	[sflag:s0] =	ssyncadd.s32 $0xFFFFFFF0  }
0x125: {  	[tilespmem:s26], [sflag:$0x5] =	stream.linear.gather [hbm4b:s25+s19], $0x10, $0x38;
	[tilespmem:$0x14200] =	vst v63  }
0x126: {  	_ =	swait.ge [sflag:s0], $0x10  }
0x127: {  	[sflag:s0] =	ssyncset.done $0x0  }
0x128: {  	[sflag:s0] =	ssyncadd.s32 $0xFFFFFFF0  }
0x129: {  	v3 =	vld [tilespmem:$0x80];
	_ =	sdelay $0x4  }
0x12a: {  	v4 =	vshll.u32 v3, $0x3  }
0x12b: {  	v3 =	vand.u32 $0x7, v3;
	v4 =	vand.u32 $0xFFFFFFC0, v4  }
0x12c: {  	v3 =	vor.u32 v3, v4  }
0x12d: {  	v4 =	vperm.xlane v3, v0;
	_ =	sdelay $0x1  }
0x12e: {  	v4 =	vadd.s32 v1, v4;
	_ =	sdelay $0x3  }
0x12f: {  	s21 =	simm.s32 $0x4200  }
0x130: {  	[tilespmem:s21], [sflag:$0x2] =	stream.indirect_vreg.gather [hbm4b:s28+s19], $0x80, v4, vm0, $0xb8;
	[tilespmem:$0x14200] =	vst v63  }
0x131: {  	s22 =	simm.s32 $0x4A00;
	v3 =	vperm.xlane v3, v2  }
0x132: {  	[tilespmem:s22], [sflag:$0x2] =	stream.indirect_vreg.gather [hbm4b:s29+s19], $0x80, v4, vm0, $0xb8;
	[tilespmem:$0x14200] =	vst v63  }
0x133: {  	s23 =	simm.s32 $0x5200;
	v3 =	vadd.s32 v1, v3  }
0x134: {  	[tilespmem:s23], [sflag:$0x2] =	stream.indirect_vreg.gather [hbm4b:s30+s19], $0x80, v4, vm0, $0xb8;
	[tilespmem:$0x14200] =	vst v63  }
0x135: {  	s24 =	simm.s32 $0x5A00  }
0x136: {  	[tilespmem:s24], [sflag:$0x2] =	stream.indirect_vreg.gather [hbm4b:s31+s19], $0x80, v4, vm0, $0xb8;
	[tilespmem:$0x14200] =	vst v63  }
0x137: {  	s25 =	simm.s32 $0x6200  }
0x138: {  	[tilespmem:s25], [sflag:$0x2] =	stream.indirect_vreg.gather [hbm4b:s28+s19], $0x80, v3, vm0, $0xb8;
	[tilespmem:$0x14200] =	vst v63  }
0x139: {  	s26 =	simm.s32 $0x6A00  }
0x13a: {  	[tilespmem:s26], [sflag:$0x2] =	stream.indirect_vreg.gather [hbm4b:s29+s19], $0x80, v3, vm0, $0xb8;
	[tilespmem:$0x14200] =	vst v63  }
0x13b: {  	_ = 	snop  }
0x13c: {  	[tilespmem:s2], [sflag:$0x2] =	stream.indirect_vreg.gather [hbm4b:s30+s19], $0x80, v3, vm0, $0xb8;
	[tilespmem:$0x14200] =	vst v63  }
0x13d: {  	_ = 	snop  }
0x13e: {  	[tilespmem:s3], [sflag:$0x2] =	stream.indirect_vreg.gather [hbm4b:s31+s19], $0x80, v3, vm0, $0xb8;
	[tilespmem:$0x14200] =	vst v63  }
0x13f: {  	v3 =	vld [tilespmem:$0x180];
	_ =	sdelay $0x4  }
0x140: {  	v63 =	vshll.u32 v3, $0x3  }
0x141: {  	v3 =	vand.u32 $0x7, v3;
	v4 =	vand.u32 $0xFFFFFFC0, v63  }
0x142: {  	v3 =	vor.u32 v3, v4  }
0x143: {  	v4 =	vperm.xlane v3, v0;
	_ =	sdelay $0x1  }
0x144: {  	v4 =	vadd.s32 v1, v4;
	_ =	sdelay $0x4  }
0x145: {  	[tilespmem:s4], [sflag:$0x4] =	stream.indirect_vreg.gather [hbm4b:s28+s19], $0x80, v4, vm0, $0xb8;
	[tilespmem:$0x14200] =	vst v63  }
0x146: {  	v3 =	vperm.xlane v3, v2  }
0x147: {  	[tilespmem:s5], [sflag:$0x4] =	stream.indirect_vreg.gather [hbm4b:s29+s19], $0x80, v4, vm0, $0xb8;
	[tilespmem:$0x14200] =	vst v63  }
0x148: {  	v3 =	vadd.s32 v1, v3  }
0x149: {  	[tilespmem:s6], [sflag:$0x4] =	stream.indirect_vreg.gather [hbm4b:s30+s19], $0x80, v4, vm0, $0xb8;
	[tilespmem:$0x14200] =	vst v63  }
0x14a: {  	_ = 	snop  }
0x14b: {  	[tilespmem:s7], [sflag:$0x4] =	stream.indirect_vreg.gather [hbm4b:s31+s19], $0x80, v4, vm0, $0xb8;
	[tilespmem:$0x14200] =	vst v63  }
0x14c: {  	_ = 	snop  }
0x14d: {  	[tilespmem:s8], [sflag:$0x4] =	stream.indirect_vreg.gather [hbm4b:s28+s19], $0x80, v3, vm0, $0xb8;
	[tilespmem:$0x14200] =	vst v63  }
0x14e: {  	_ = 	snop  }
0x14f: {  	[tilespmem:s9], [sflag:$0x4] =	stream.indirect_vreg.gather [hbm4b:s29+s19], $0x80, v3, vm0, $0xb8;
	[tilespmem:$0x14200] =	vst v63  }
0x150: {  	_ = 	snop  }
0x151: {  	[tilespmem:s10], [sflag:$0x4] =	stream.indirect_vreg.gather [hbm4b:s30+s19], $0x80, v3, vm0, $0xb8;
	[tilespmem:$0x14200] =	vst v63  }
0x152: {  	_ = 	snop  }
0x153: {  	[tilespmem:s11], [sflag:$0x4] =	stream.indirect_vreg.gather [hbm4b:s31+s19], $0x80, v3, vm0, $0xb8;
	[tilespmem:$0x14200] =	vst v63  }
0x154: {  	_ =	swait.ge [sflag:s12], $0x4000  }
0x155: {  	[sflag:s12] =	ssyncset.done $0x0  }
0x156: {  	[sflag:s12] =	ssyncadd.s32 $0xFFFFC000  }
0x157: {  	_ =	swait.ge [sflag:s13], $0x4000  }
0x158: {  	[sflag:s13] =	ssyncset.done $0x0  }
0x159: {  	s20 =	simm.s32 $0x0;
	[sflag:s13] =	ssyncadd.s32 $0xFFFFC000  }
.LBB2_10:
0x15a: {  	s15 =	sshll.u32 s20, $0xA;
	s21 =	sshll.u32 s20, $0x7  }
0x15b: {  	s15 =	sand.u32 $0x2000, s15;
	s21 =	sand.u32 $0x380, s21  }
0x15c: {  	s24 =	sand.u32 $0x40, s19;
	s22 =	sor.u32 s15, s21  }
0x15d: {  	s25 =	sand.u32 $0x1C00, s19;
	s15 =	sor.u32 s24, s22  }
0x15e: {  	s21 =	sor.u32 s25, s15  }
0x15f: {  	v8 =	vld [tilespmem:s21+$0x230]  }
0x160: {  	v9 =	vld [tilespmem:s21+$0x8230]  }
0x161: {  	v4 =	vld [tilespmem:s21+$0x200]  }
0x162: {  	v5 =	vld [tilespmem:s21+$0x8200]  }
0x163: {  	s26 =	simm.s32 $0x40;
	v3 =	vld [tilespmem:s21+$0x210]  }
0x164: {  	s23 =	simm.s32 $0x200;
	s15 =	sand.u32 $0x40, s26;
	v6 =	vld [tilespmem:s21+$0x8210]  }
0x165: {  	s24 =	simm.s32 $0x80;
	s25 =	sand.u32 $0x1C00, s23;
	s26 =	sor.u32 s15, s22;
	v7 =	vld [tilespmem:s21+$0x220];
	v8 =	vadd.f32 v9, v8  }
.LBB2_11:
0x166: {  	p0 =	sne.s32 s24, $0x3C0;
	v9 =	vld [tilespmem:s21+$0x8220];
	s15 =	smov.u32 s21;
	s21 =	sor.u32 s25, s26  }
0x167: {  	v10 =	vld [tilespmem:s21+$0x230];
	v5 =	vadd.f32 v5, v4;
	[tilespmem:s15+$0x10230] =	vst v8  }
0x168: {  	v8 =	vld [tilespmem:s21+$0x8230]  }
.Ltmp4:
0x169: {  	v4 =	vld [tilespmem:s21+$0x200];
	[tilespmem:s15+$0x10200] =	vst v5;
	v6 =	vadd.f32 v6, v3;
	(pc) =	sbr.rel @p0 .LBB2_11-.Ltmp4, $4  }
0x16a: {  	v5 =	vld [tilespmem:s21+$0x8200]  }
0x16b: {  	v3 =	vld [tilespmem:s21+$0x210];
	[tilespmem:s15+$0x10210] =	vst v6;
	v9 =	vadd.f32 v9, v7  }
0x16c: {  	s26 =	sand.u32 $0x40, s24;
	s23 =	sadd.s32 $0x200, s23;
	v6 =	vld [tilespmem:s21+$0x8210]  }
0x16d: {  	s24 =	sadd.s32 $0x40, s24;
	s25 =	sand.u32 $0x1C00, s23;
	s26 =	sor.u32 s26, s22;
	v7 =	vld [tilespmem:s21+$0x220];
	v8 =	vadd.f32 v8, v10;
	[tilespmem:s15+$0x10220] =	vst v9  }
0x16e: {  	s15 =	sor.u32 s25, s26;
	v9 =	vld [tilespmem:s21+$0x8220]  }
0x16f: {  	v10 =	vld [tilespmem:s15+$0x230];
	[tilespmem:s21+$0x10230] =	vst v8;
	v4 =	vadd.f32 v5, v4  }
0x170: {  	v59 =	vld [tilespmem:s15+$0x8230]  }
0x171: {  	v8 =	vld [tilespmem:s15+$0x200];
	[tilespmem:s21+$0x10200] =	vst v4;
	v3 =	vadd.f32 v6, v3  }
0x172: {  	v4 =	vld [tilespmem:s15+$0x8200]  }
0x173: {  	v60 =	vld [tilespmem:s15+$0x210];
	[tilespmem:s21+$0x10210] =	vst v3;
	v3 =	vadd.f32 v9, v7  }
0x174: {  	v61 =	vld [tilespmem:s15+$0x8210]  }
0x175: {  	v62 =	vld [tilespmem:s15+$0x220];
	[tilespmem:s21+$0x10220] =	vst v3  }
0x176: {  	v3 =	vld [tilespmem:s15+$0x8220]  }
0x177: {  	s20 =	sadd.s32 $0x1, s20  }
0x178: {  	p0 =	sne.s32 s20, $0x10;
	v5 =	vadd.f32 v59, v10  }
.Ltmp5:
0x179: {  	v4 =	vadd.f32 v4, v8;
	(pc) =	sbr.rel @p0 .LBB2_10-.Ltmp5, $4  }
0x17a: {  	[tilespmem:s15+$0x10230] =	vst v5;
	v63 =	vadd.f32 v61, v60  }
0x17b: {  	[tilespmem:s15+$0x10200] =	vst v4;
	v3 =	vadd.f32 v3, v62  }
0x17c: {  	[tilespmem:s15+$0x10210] =	vst v63  }
0x17d: {  	[tilespmem:s15+$0x10220] =	vst v3  }
0x17e: {  	s19 =	simm.s32 $0x0;
	s15 =	rddreg [dreg:$0x15]  }
0x17f: {  	[hbm4b:s15+s19] =	stream.linear.scatter [tilespmem:s14], [sflag:$0x5], $0x4000, $0x38;
	[tilespmem:$0x14200] =	vst v63  }
0x180: {  	_ =	swait.ge [sflag:s0], $0x4000  }
0x181: {  	[sflag:s0] =	ssyncset.done $0x0  }
0x182: {  	s23 =	rddreg [dreg:$0xb];
	[sflag:s0] =	ssyncadd.s32 $0xFFFFC000  }
0x183: {  	[tilespmem:s19], [sflag:$0x5] =	stream.linear.gather [hbm4b:s23+s19], $0x10, $0x38;
	[tilespmem:$0x14200] =	vst v63  }
0x184: {  	_ =	swait.ge [sflag:s0], $0x10  }
0x185: {  	[sflag:s0] =	ssyncset.done $0x0  }
0x186: {  	s20 =	simm.s32 $0x100;
	s24 =	rddreg [dreg:$0xc];
	[sflag:s0] =	ssyncadd.s32 $0xFFFFFFF0  }
0x187: {  	[tilespmem:s20], [sflag:$0x5] =	stream.linear.gather [hbm4b:s24+s19], $0x10, $0x38;
	[tilespmem:$0x14200] =	vst v63  }
0x188: {  	_ =	swait.ge [sflag:s0], $0x10  }
0x189: {  	[sflag:s0] =	ssyncset.done $0x0  }
0x18a: {  	[sflag:s0] =	ssyncadd.s32 $0xFFFFFFF0  }
0x18b: {  	v3 =	vld [tilespmem:$0x0];
	_ =	sdelay $0x4  }
0x18c: {  	v4 =	vshll.u32 v3, $0x3  }
0x18d: {  	v3 =	vand.u32 $0x7, v3;
	v4 =	vand.u32 $0xFFFFFFC0, v4  }
0x18e: {  	v3 =	vor.u32 v3, v4  }
0x18f: {  	v4 =	vperm.xlane v3, v0;
	_ =	sdelay $0x1  }
0x190: {  	v4 =	vadd.s32 v1, v4;
	_ =	sdelay $0x3  }
0x191: {  	s25 =	simm.s32 $0x200  }
0x192: {  	[tilespmem:s25], [sflag:$0x1] =	stream.indirect_vreg.gather [hbm4b:s28+s19], $0x80, v4, vm0, $0xb8;
	[tilespmem:$0x14200] =	vst v63  }
0x193: {  	s26 =	simm.s32 $0xA00;
	v3 =	vperm.xlane v3, v2  }
0x194: {  	[tilespmem:s26], [sflag:$0x1] =	stream.indirect_vreg.gather [hbm4b:s29+s19], $0x80, v4, vm0, $0xb8;
	[tilespmem:$0x14200] =	vst v63  }
0x195: {  	s20 =	simm.s32 $0x1200;
	v3 =	vadd.s32 v1, v3  }
0x196: {  	[tilespmem:s20], [sflag:$0x1] =	stream.indirect_vreg.gather [hbm4b:s30+s19], $0x80, v4, vm0, $0xb8;
	[tilespmem:$0x14200] =	vst v63  }
0x197: {  	s21 =	simm.s32 $0x1A00  }
0x198: {  	[tilespmem:s21], [sflag:$0x1] =	stream.indirect_vreg.gather [hbm4b:s31+s19], $0x80, v4, vm0, $0xb8;
	[tilespmem:$0x14200] =	vst v63  }
0x199: {  	s22 =	simm.s32 $0x2200  }
0x19a: {  	[tilespmem:s22], [sflag:$0x1] =	stream.indirect_vreg.gather [hbm4b:s28+s19], $0x80, v3, vm0, $0xb8;
	[tilespmem:$0x14200] =	vst v63  }
0x19b: {  	s23 =	simm.s32 $0x2A00  }
0x19c: {  	[tilespmem:s23], [sflag:$0x1] =	stream.indirect_vreg.gather [hbm4b:s29+s19], $0x80, v3, vm0, $0xb8;
	[tilespmem:$0x14200] =	vst v63  }
0x19d: {  	s24 =	simm.s32 $0x3200  }
0x19e: {  	[tilespmem:s24], [sflag:$0x1] =	stream.indirect_vreg.gather [hbm4b:s30+s19], $0x80, v3, vm0, $0xb8;
	[tilespmem:$0x14200] =	vst v63  }
0x19f: {  	s25 =	simm.s32 $0x3A00  }
0x1a0: {  	[tilespmem:s25], [sflag:$0x1] =	stream.indirect_vreg.gather [hbm4b:s31+s19], $0x80, v3, vm0, $0xb8;
	[tilespmem:$0x14200] =	vst v63  }
0x1a1: {  	v3 =	vld [tilespmem:$0x100];
	_ =	sdelay $0x4  }
0x1a2: {  	v63 =	vshll.u32 v3, $0x3  }
0x1a3: {  	v3 =	vand.u32 $0x7, v3;
	v4 =	vand.u32 $0xFFFFFFC0, v63  }
0x1a4: {  	v3 =	vor.u32 v3, v4  }
0x1a5: {  	v4 =	vperm.xlane v3, v0;
	_ =	sdelay $0x1  }
0x1a6: {  	v4 =	vadd.s32 v1, v4;
	_ =	sdelay $0x3  }
0x1a7: {  	s26 =	simm.s32 $0x8200  }
0x1a8: {  	[tilespmem:s26], [sflag:$0x3] =	stream.indirect_vreg.gather [hbm4b:s28+s19], $0x80, v4, vm0, $0xb8;
	[tilespmem:$0x14200] =	vst v63  }
0x1a9: {  	s20 =	simm.s32 $0x8A00;
	v3 =	vperm.xlane v3, v2  }
0x1aa: {  	[tilespmem:s20], [sflag:$0x3] =	stream.indirect_vreg.gather [hbm4b:s29+s19], $0x80, v4, vm0, $0xb8;
	[tilespmem:$0x14200] =	vst v63  }
0x1ab: {  	s21 =	simm.s32 $0x9200;
	v3 =	vadd.s32 v1, v3  }
0x1ac: {  	[tilespmem:s21], [sflag:$0x3] =	stream.indirect_vreg.gather [hbm4b:s30+s19], $0x80, v4, vm0, $0xb8;
	[tilespmem:$0x14200] =	vst v63  }
0x1ad: {  	s22 =	simm.s32 $0x9A00  }
0x1ae: {  	[tilespmem:s22], [sflag:$0x3] =	stream.indirect_vreg.gather [hbm4b:s31+s19], $0x80, v4, vm0, $0xb8;
	[tilespmem:$0x14200] =	vst v63  }
0x1af: {  	s23 =	simm.s32 $0xA200  }
0x1b0: {  	[tilespmem:s23], [sflag:$0x3] =	stream.indirect_vreg.gather [hbm4b:s28+s19], $0x80, v3, vm0, $0xb8;
	[tilespmem:$0x14200] =	vst v63  }
0x1b1: {  	s24 =	simm.s32 $0xAA00  }
0x1b2: {  	[tilespmem:s24], [sflag:$0x3] =	stream.indirect_vreg.gather [hbm4b:s29+s19], $0x80, v3, vm0, $0xb8;
	[tilespmem:$0x14200] =	vst v63  }
0x1b3: {  	s25 =	simm.s32 $0xB200  }
0x1b4: {  	[tilespmem:s25], [sflag:$0x3] =	stream.indirect_vreg.gather [hbm4b:s30+s19], $0x80, v3, vm0, $0xb8;
	[tilespmem:$0x14200] =	vst v63  }
0x1b5: {  	s26 =	simm.s32 $0xBA00  }
0x1b6: {  	[tilespmem:s26], [sflag:$0x3] =	stream.indirect_vreg.gather [hbm4b:s31+s19], $0x80, v3, vm0, $0xb8;
	[tilespmem:$0x14200] =	vst v63  }
0x1b7: {  	_ =	swait.ge [sflag:s16], $0x4000  }
0x1b8: {  	[sflag:s16] =	ssyncset.done $0x0  }
0x1b9: {  	[sflag:s16] =	ssyncadd.s32 $0xFFFFC000  }
0x1ba: {  	_ =	swait.ge [sflag:s17], $0x4000  }
0x1bb: {  	[sflag:s17] =	ssyncset.done $0x0  }
0x1bc: {  	s20 =	simm.s32 $0x0;
	[sflag:s17] =	ssyncadd.s32 $0xFFFFC000  }
.LBB2_14:
0x1bd: {  	s15 =	sshll.u32 s20, $0xA;
	s21 =	sshll.u32 s20, $0x7  }
0x1be: {  	s15 =	sand.u32 $0x2000, s15;
	s21 =	sand.u32 $0x380, s21  }
0x1bf: {  	s24 =	sand.u32 $0x40, s19;
	s22 =	sor.u32 s15, s21  }
0x1c0: {  	s25 =	sand.u32 $0x1C00, s19;
	s15 =	sor.u32 s24, s22  }
0x1c1: {  	s21 =	sor.u32 s25, s15  }
0x1c2: {  	v8 =	vld [tilespmem:s21+$0x4230]  }
0x1c3: {  	v9 =	vld [tilespmem:s21+$0xC230]  }
0x1c4: {  	v4 =	vld [tilespmem:s21+$0x4200]  }
0x1c5: {  	v5 =	vld [tilespmem:s21+$0xC200]  }
0x1c6: {  	s26 =	simm.s32 $0x40;
	v3 =	vld [tilespmem:s21+$0x4210]  }
0x1c7: {  	s23 =	simm.s32 $0x200;
	s15 =	sand.u32 $0x40, s26;
	v6 =	vld [tilespmem:s21+$0xC210]  }
0x1c8: {  	s24 =	simm.s32 $0x80;
	s25 =	sand.u32 $0x1C00, s23;
	s26 =	sor.u32 s15, s22;
	v7 =	vld [tilespmem:s21+$0x4220];
	v8 =	vadd.f32 v9, v8  }
.LBB2_15:
0x1c9: {  	p0 =	sne.s32 s24, $0x3C0;
	v9 =	vld [tilespmem:s21+$0xC220];
	s15 =	smov.u32 s21;
	s21 =	sor.u32 s25, s26  }
0x1ca: {  	v10 =	vld [tilespmem:s21+$0x4230];
	v5 =	vadd.f32 v5, v4;
	[tilespmem:s15+$0x10230] =	vst v8  }
0x1cb: {  	v8 =	vld [tilespmem:s21+$0xC230]  }
.Ltmp6:
0x1cc: {  	v4 =	vld [tilespmem:s21+$0x4200];
	[tilespmem:s15+$0x10200] =	vst v5;
	v6 =	vadd.f32 v6, v3;
	(pc) =	sbr.rel @p0 .LBB2_15-.Ltmp6, $4  }
0x1cd: {  	v5 =	vld [tilespmem:s21+$0xC200]  }
0x1ce: {  	v3 =	vld [tilespmem:s21+$0x4210];
	[tilespmem:s15+$0x10210] =	vst v6;
	v9 =	vadd.f32 v9, v7  }
0x1cf: {  	s26 =	sand.u32 $0x40, s24;
	s23 =	sadd.s32 $0x200, s23;
	v6 =	vld [tilespmem:s21+$0xC210]  }
0x1d0: {  	s24 =	sadd.s32 $0x40, s24;
	s25 =	sand.u32 $0x1C00, s23;
	s26 =	sor.u32 s26, s22;
	v7 =	vld [tilespmem:s21+$0x4220];
	v8 =	vadd.f32 v8, v10;
	[tilespmem:s15+$0x10220] =	vst v9  }
0x1d1: {  	s15 =	sor.u32 s25, s26;
	v9 =	vld [tilespmem:s21+$0xC220]  }
0x1d2: {  	v10 =	vld [tilespmem:s15+$0x4230];
	[tilespmem:s21+$0x10230] =	vst v8;
	v4 =	vadd.f32 v5, v4  }
0x1d3: {  	v59 =	vld [tilespmem:s15+$0xC230]  }
0x1d4: {  	v8 =	vld [tilespmem:s15+$0x4200];
	[tilespmem:s21+$0x10200] =	vst v4;
	v3 =	vadd.f32 v6, v3  }
0x1d5: {  	v4 =	vld [tilespmem:s15+$0xC200]  }
0x1d6: {  	v60 =	vld [tilespmem:s15+$0x4210];
	[tilespmem:s21+$0x10210] =	vst v3;
	v3 =	vadd.f32 v9, v7  }
0x1d7: {  	v61 =	vld [tilespmem:s15+$0xC210]  }
0x1d8: {  	v62 =	vld [tilespmem:s15+$0x4220];
	[tilespmem:s21+$0x10220] =	vst v3  }
0x1d9: {  	v3 =	vld [tilespmem:s15+$0xC220]  }
0x1da: {  	s20 =	sadd.s32 $0x1, s20  }
0x1db: {  	p0 =	sne.s32 s20, $0x10;
	v5 =	vadd.f32 v59, v10  }
.Ltmp7:
0x1dc: {  	v4 =	vadd.f32 v4, v8;
	(pc) =	sbr.rel @p0 .LBB2_14-.Ltmp7, $4  }
0x1dd: {  	[tilespmem:s15+$0x10230] =	vst v5;
	v63 =	vadd.f32 v61, v60  }
0x1de: {  	[tilespmem:s15+$0x10200] =	vst v4;
	v3 =	vadd.f32 v3, v62  }
0x1df: {  	[tilespmem:s15+$0x10210] =	vst v63  }
0x1e0: {  	[tilespmem:s15+$0x10220] =	vst v3  }
0x1e1: {  	s19 =	simm.s32 $0x0;
	s15 =	rddreg [dreg:$0x16]  }
0x1e2: {  	[hbm4b:s15+s19] =	stream.linear.scatter [tilespmem:s14], [sflag:$0x5], $0x4000, $0x38;
	[tilespmem:$0x14200] =	vst v63  }
0x1e3: {  	_ =	swait.ge [sflag:s0], $0x4000  }
0x1e4: {  	[sflag:s0] =	ssyncset.done $0x0  }
0x1e5: {  	s20 =	simm.s32 $0x80;
	s24 =	rddreg [dreg:$0xd];
	[sflag:s0] =	ssyncadd.s32 $0xFFFFC000  }
0x1e6: {  	[tilespmem:s20], [sflag:$0x5] =	stream.linear.gather [hbm4b:s24+s19], $0x10, $0x38;
	[tilespmem:$0x14200] =	vst v63  }
0x1e7: {  	_ =	swait.ge [sflag:s0], $0x10  }
0x1e8: {  	[sflag:s0] =	ssyncset.done $0x0  }
0x1e9: {  	s26 =	simm.s32 $0x180;
	s25 =	rddreg [dreg:$0xe];
	[sflag:s0] =	ssyncadd.s32 $0xFFFFFFF0  }
0x1ea: {  	[tilespmem:s26], [sflag:$0x5] =	stream.linear.gather [hbm4b:s25+s19], $0x10, $0x38;
	[tilespmem:$0x14200] =	vst v63  }
0x1eb: {  	_ =	swait.ge [sflag:s0], $0x10  }
0x1ec: {  	[sflag:s0] =	ssyncset.done $0x0  }
0x1ed: {  	[sflag:s0] =	ssyncadd.s32 $0xFFFFFFF0  }
0x1ee: {  	v3 =	vld [tilespmem:$0x80];
	_ =	sdelay $0x4  }
0x1ef: {  	v4 =	vshll.u32 v3, $0x3  }
0x1f0: {  	v3 =	vand.u32 $0x7, v3;
	v4 =	vand.u32 $0xFFFFFFC0, v4  }
0x1f1: {  	v3 =	vor.u32 v3, v4  }
0x1f2: {  	v4 =	vperm.xlane v3, v0;
	_ =	sdelay $0x1  }
0x1f3: {  	v4 =	vadd.s32 v1, v4;
	_ =	sdelay $0x3  }
0x1f4: {  	s21 =	simm.s32 $0x4200  }
0x1f5: {  	[tilespmem:s21], [sflag:$0x2] =	stream.indirect_vreg.gather [hbm4b:s28+s19], $0x80, v4, vm0, $0xb8;
	[tilespmem:$0x14200] =	vst v63  }
0x1f6: {  	s22 =	simm.s32 $0x4A00;
	v3 =	vperm.xlane v3, v2  }
0x1f7: {  	[tilespmem:s22], [sflag:$0x2] =	stream.indirect_vreg.gather [hbm4b:s29+s19], $0x80, v4, vm0, $0xb8;
	[tilespmem:$0x14200] =	vst v63  }
0x1f8: {  	s23 =	simm.s32 $0x5200;
	v3 =	vadd.s32 v1, v3  }
0x1f9: {  	[tilespmem:s23], [sflag:$0x2] =	stream.indirect_vreg.gather [hbm4b:s30+s19], $0x80, v4, vm0, $0xb8;
	[tilespmem:$0x14200] =	vst v63  }
0x1fa: {  	s24 =	simm.s32 $0x5A00  }
0x1fb: {  	[tilespmem:s24], [sflag:$0x2] =	stream.indirect_vreg.gather [hbm4b:s31+s19], $0x80, v4, vm0, $0xb8;
	[tilespmem:$0x14200] =	vst v63  }
0x1fc: {  	s25 =	simm.s32 $0x6200  }
0x1fd: {  	[tilespmem:s25], [sflag:$0x2] =	stream.indirect_vreg.gather [hbm4b:s28+s19], $0x80, v3, vm0, $0xb8;
	[tilespmem:$0x14200] =	vst v63  }
0x1fe: {  	s26 =	simm.s32 $0x6A00  }
0x1ff: {  	[tilespmem:s26], [sflag:$0x2] =	stream.indirect_vreg.gather [hbm4b:s29+s19], $0x80, v3, vm0, $0xb8;
	[tilespmem:$0x14200] =	vst v63  }
0x200: {  	_ = 	snop  }
0x201: {  	[tilespmem:s2], [sflag:$0x2] =	stream.indirect_vreg.gather [hbm4b:s30+s19], $0x80, v3, vm0, $0xb8;
	[tilespmem:$0x14200] =	vst v63  }
0x202: {  	_ = 	snop  }
0x203: {  	[tilespmem:s3], [sflag:$0x2] =	stream.indirect_vreg.gather [hbm4b:s31+s19], $0x80, v3, vm0, $0xb8;
	[tilespmem:$0x14200] =	vst v63  }
0x204: {  	v3 =	vld [tilespmem:$0x180];
	_ =	sdelay $0x4  }
0x205: {  	v63 =	vshll.u32 v3, $0x3  }
0x206: {  	v3 =	vand.u32 $0x7, v3;
	v4 =	vand.u32 $0xFFFFFFC0, v63  }
0x207: {  	v3 =	vor.u32 v3, v4  }
0x208: {  	v4 =	vperm.xlane v3, v0;
	_ =	sdelay $0x1  }
0x209: {  	v4 =	vadd.s32 v1, v4;
	_ =	sdelay $0x4  }
0x20a: {  	[tilespmem:s4], [sflag:$0x4] =	stream.indirect_vreg.gather [hbm4b:s28+s19], $0x80, v4, vm0, $0xb8;
	[tilespmem:$0x14200] =	vst v63  }
0x20b: {  	v3 =	vperm.xlane v3, v2  }
0x20c: {  	[tilespmem:s5], [sflag:$0x4] =	stream.indirect_vreg.gather [hbm4b:s29+s19], $0x80, v4, vm0, $0xb8;
	[tilespmem:$0x14200] =	vst v63  }
0x20d: {  	v3 =	vadd.s32 v1, v3  }
0x20e: {  	[tilespmem:s6], [sflag:$0x4] =	stream.indirect_vreg.gather [hbm4b:s30+s19], $0x80, v4, vm0, $0xb8;
	[tilespmem:$0x14200] =	vst v63  }
0x20f: {  	_ = 	snop  }
0x210: {  	[tilespmem:s7], [sflag:$0x4] =	stream.indirect_vreg.gather [hbm4b:s31+s19], $0x80, v4, vm0, $0xb8;
	[tilespmem:$0x14200] =	vst v63  }
0x211: {  	_ = 	snop  }
0x212: {  	[tilespmem:s8], [sflag:$0x4] =	stream.indirect_vreg.gather [hbm4b:s28+s19], $0x80, v3, vm0, $0xb8;
	[tilespmem:$0x14200] =	vst v63  }
0x213: {  	_ = 	snop  }
0x214: {  	[tilespmem:s9], [sflag:$0x4] =	stream.indirect_vreg.gather [hbm4b:s29+s19], $0x80, v3, vm0, $0xb8;
	[tilespmem:$0x14200] =	vst v63  }
0x215: {  	_ = 	snop  }
0x216: {  	[tilespmem:s10], [sflag:$0x4] =	stream.indirect_vreg.gather [hbm4b:s30+s19], $0x80, v3, vm0, $0xb8;
	[tilespmem:$0x14200] =	vst v63  }
0x217: {  	_ = 	snop  }
0x218: {  	[tilespmem:s11], [sflag:$0x4] =	stream.indirect_vreg.gather [hbm4b:s31+s19], $0x80, v3, vm0, $0xb8;
	[tilespmem:$0x14200] =	vst v63  }
0x219: {  	_ =	swait.ge [sflag:s12], $0x4000  }
0x21a: {  	[sflag:s12] =	ssyncset.done $0x0  }
0x21b: {  	[sflag:s12] =	ssyncadd.s32 $0xFFFFC000  }
0x21c: {  	_ =	swait.ge [sflag:s13], $0x4000  }
0x21d: {  	[sflag:s13] =	ssyncset.done $0x0  }
0x21e: {  	s20 =	simm.s32 $0x0;
	[sflag:s13] =	ssyncadd.s32 $0xFFFFC000  }
.LBB2_18:
0x21f: {  	s15 =	sshll.u32 s20, $0xA;
	s21 =	sshll.u32 s20, $0x7  }
0x220: {  	s15 =	sand.u32 $0x2000, s15;
	s21 =	sand.u32 $0x380, s21  }
0x221: {  	s24 =	sand.u32 $0x40, s19;
	s22 =	sor.u32 s15, s21  }
0x222: {  	s25 =	sand.u32 $0x1C00, s19;
	s15 =	sor.u32 s24, s22  }
0x223: {  	s21 =	sor.u32 s25, s15  }
0x224: {  	v8 =	vld [tilespmem:s21+$0x230]  }
0x225: {  	v9 =	vld [tilespmem:s21+$0x8230]  }
0x226: {  	v4 =	vld [tilespmem:s21+$0x200]  }
0x227: {  	v5 =	vld [tilespmem:s21+$0x8200]  }
0x228: {  	s26 =	simm.s32 $0x40;
	v3 =	vld [tilespmem:s21+$0x210]  }
0x229: {  	s23 =	simm.s32 $0x200;
	s15 =	sand.u32 $0x40, s26;
	v6 =	vld [tilespmem:s21+$0x8210]  }
0x22a: {  	s24 =	simm.s32 $0x80;
	s25 =	sand.u32 $0x1C00, s23;
	s26 =	sor.u32 s15, s22;
	v7 =	vld [tilespmem:s21+$0x220];
	v8 =	vadd.f32 v9, v8  }
.LBB2_19:
0x22b: {  	p0 =	sne.s32 s24, $0x3C0;
	v9 =	vld [tilespmem:s21+$0x8220];
	s15 =	smov.u32 s21;
	s21 =	sor.u32 s25, s26  }
0x22c: {  	v10 =	vld [tilespmem:s21+$0x230];
	v5 =	vadd.f32 v5, v4;
	[tilespmem:s15+$0x10230] =	vst v8  }
0x22d: {  	v8 =	vld [tilespmem:s21+$0x8230]  }
.Ltmp8:
0x22e: {  	v4 =	vld [tilespmem:s21+$0x200];
	[tilespmem:s15+$0x10200] =	vst v5;
	v6 =	vadd.f32 v6, v3;
	(pc) =	sbr.rel @p0 .LBB2_19-.Ltmp8, $4  }
0x22f: {  	v5 =	vld [tilespmem:s21+$0x8200]  }
0x230: {  	v3 =	vld [tilespmem:s21+$0x210];
	[tilespmem:s15+$0x10210] =	vst v6;
	v9 =	vadd.f32 v9, v7  }
0x231: {  	s26 =	sand.u32 $0x40, s24;
	s23 =	sadd.s32 $0x200, s23;
	v6 =	vld [tilespmem:s21+$0x8210]  }
0x232: {  	s24 =	sadd.s32 $0x40, s24;
	s25 =	sand.u32 $0x1C00, s23;
	s26 =	sor.u32 s26, s22;
	v7 =	vld [tilespmem:s21+$0x220];
	v8 =	vadd.f32 v8, v10;
	[tilespmem:s15+$0x10220] =	vst v9  }
0x233: {  	s15 =	sor.u32 s25, s26;
	v9 =	vld [tilespmem:s21+$0x8220]  }
0x234: {  	v10 =	vld [tilespmem:s15+$0x230];
	[tilespmem:s21+$0x10230] =	vst v8;
	v4 =	vadd.f32 v5, v4  }
0x235: {  	v59 =	vld [tilespmem:s15+$0x8230]  }
0x236: {  	v8 =	vld [tilespmem:s15+$0x200];
	[tilespmem:s21+$0x10200] =	vst v4;
	v3 =	vadd.f32 v6, v3  }
0x237: {  	v4 =	vld [tilespmem:s15+$0x8200]  }
0x238: {  	v60 =	vld [tilespmem:s15+$0x210];
	[tilespmem:s21+$0x10210] =	vst v3;
	v3 =	vadd.f32 v9, v7  }
0x239: {  	v61 =	vld [tilespmem:s15+$0x8210]  }
0x23a: {  	v62 =	vld [tilespmem:s15+$0x220];
	[tilespmem:s21+$0x10220] =	vst v3  }
0x23b: {  	v3 =	vld [tilespmem:s15+$0x8220]  }
0x23c: {  	s20 =	sadd.s32 $0x1, s20  }
0x23d: {  	p0 =	sne.s32 s20, $0x10;
	v5 =	vadd.f32 v59, v10  }
.Ltmp9:
0x23e: {  	v4 =	vadd.f32 v4, v8;
	(pc) =	sbr.rel @p0 .LBB2_18-.Ltmp9, $4  }
0x23f: {  	[tilespmem:s15+$0x10230] =	vst v5;
	v63 =	vadd.f32 v61, v60  }
0x240: {  	[tilespmem:s15+$0x10200] =	vst v4;
	v3 =	vadd.f32 v3, v62  }
0x241: {  	[tilespmem:s15+$0x10210] =	vst v63  }
0x242: {  	[tilespmem:s15+$0x10220] =	vst v3  }
0x243: {  	s19 =	simm.s32 $0x0;
	s15 =	rddreg [dreg:$0x17]  }
0x244: {  	[hbm4b:s15+s19] =	stream.linear.scatter [tilespmem:s14], [sflag:$0x5], $0x4000, $0x38;
	[tilespmem:$0x14200] =	vst v63  }
0x245: {  	_ =	swait.ge [sflag:s0], $0x4000  }
0x246: {  	[sflag:s0] =	ssyncset.done $0x0  }
0x247: {  	s23 =	rddreg [dreg:$0xf];
	[sflag:s0] =	ssyncadd.s32 $0xFFFFC000  }
0x248: {  	[tilespmem:s19], [sflag:$0x5] =	stream.linear.gather [hbm4b:s23+s19], $0x10, $0x38;
	[tilespmem:$0x14200] =	vst v63  }
0x249: {  	_ =	swait.ge [sflag:s0], $0x10  }
0x24a: {  	[sflag:s0] =	ssyncset.done $0x0  }
0x24b: {  	s20 =	simm.s32 $0x100;
	s24 =	rddreg [dreg:$0x10];
	[sflag:s0] =	ssyncadd.s32 $0xFFFFFFF0  }
0x24c: {  	[tilespmem:s20], [sflag:$0x5] =	stream.linear.gather [hbm4b:s24+s19], $0x10, $0x38;
	[tilespmem:$0x14200] =	vst v63  }
0x24d: {  	_ =	swait.ge [sflag:s0], $0x10  }
0x24e: {  	[sflag:s0] =	ssyncset.done $0x0  }
0x24f: {  	[sflag:s0] =	ssyncadd.s32 $0xFFFFFFF0  }
0x250: {  	v3 =	vld [tilespmem:$0x0];
	_ =	sdelay $0x4  }
0x251: {  	v4 =	vshll.u32 v3, $0x3  }
0x252: {  	v3 =	vand.u32 $0x7, v3;
	v4 =	vand.u32 $0xFFFFFFC0, v4  }
0x253: {  	v3 =	vor.u32 v3, v4  }
0x254: {  	v4 =	vperm.xlane v3, v0;
	_ =	sdelay $0x1  }
0x255: {  	v4 =	vadd.s32 v1, v4;
	_ =	sdelay $0x3  }
0x256: {  	s25 =	simm.s32 $0x200  }
0x257: {  	[tilespmem:s25], [sflag:$0x1] =	stream.indirect_vreg.gather [hbm4b:s28+s19], $0x80, v4, vm0, $0xb8;
	[tilespmem:$0x14200] =	vst v63  }
0x258: {  	s26 =	simm.s32 $0xA00;
	v3 =	vperm.xlane v3, v2  }
0x259: {  	[tilespmem:s26], [sflag:$0x1] =	stream.indirect_vreg.gather [hbm4b:s29+s19], $0x80, v4, vm0, $0xb8;
	[tilespmem:$0x14200] =	vst v63  }
0x25a: {  	s20 =	simm.s32 $0x1200;
	v3 =	vadd.s32 v1, v3  }
0x25b: {  	[tilespmem:s20], [sflag:$0x1] =	stream.indirect_vreg.gather [hbm4b:s30+s19], $0x80, v4, vm0, $0xb8;
	[tilespmem:$0x14200] =	vst v63  }
0x25c: {  	s21 =	simm.s32 $0x1A00  }
0x25d: {  	[tilespmem:s21], [sflag:$0x1] =	stream.indirect_vreg.gather [hbm4b:s31+s19], $0x80, v4, vm0, $0xb8;
	[tilespmem:$0x14200] =	vst v63  }
0x25e: {  	s22 =	simm.s32 $0x2200  }
0x25f: {  	[tilespmem:s22], [sflag:$0x1] =	stream.indirect_vreg.gather [hbm4b:s28+s19], $0x80, v3, vm0, $0xb8;
	[tilespmem:$0x14200] =	vst v63  }
0x260: {  	s23 =	simm.s32 $0x2A00  }
0x261: {  	[tilespmem:s23], [sflag:$0x1] =	stream.indirect_vreg.gather [hbm4b:s29+s19], $0x80, v3, vm0, $0xb8;
	[tilespmem:$0x14200] =	vst v63  }
0x262: {  	s24 =	simm.s32 $0x3200  }
0x263: {  	[tilespmem:s24], [sflag:$0x1] =	stream.indirect_vreg.gather [hbm4b:s30+s19], $0x80, v3, vm0, $0xb8;
	[tilespmem:$0x14200] =	vst v63  }
0x264: {  	s25 =	simm.s32 $0x3A00  }
0x265: {  	[tilespmem:s25], [sflag:$0x1] =	stream.indirect_vreg.gather [hbm4b:s31+s19], $0x80, v3, vm0, $0xb8;
	[tilespmem:$0x14200] =	vst v63  }
0x266: {  	v3 =	vld [tilespmem:$0x100];
	_ =	sdelay $0x4  }
0x267: {  	v63 =	vshll.u32 v3, $0x3  }
0x268: {  	v3 =	vand.u32 $0x7, v3;
	v4 =	vand.u32 $0xFFFFFFC0, v63  }
0x269: {  	v3 =	vor.u32 v3, v4  }
0x26a: {  	v4 =	vperm.xlane v3, v0;
	_ =	sdelay $0x1  }
0x26b: {  	v4 =	vadd.s32 v1, v4;
	_ =	sdelay $0x3  }
0x26c: {  	s26 =	simm.s32 $0x8200  }
0x26d: {  	[tilespmem:s26], [sflag:$0x3] =	stream.indirect_vreg.gather [hbm4b:s28+s19], $0x80, v4, vm0, $0xb8;
	[tilespmem:$0x14200] =	vst v63  }
0x26e: {  	s20 =	simm.s32 $0x8A00;
	v3 =	vperm.xlane v3, v2  }
0x26f: {  	[tilespmem:s20], [sflag:$0x3] =	stream.indirect_vreg.gather [hbm4b:s29+s19], $0x80, v4, vm0, $0xb8;
	[tilespmem:$0x14200] =	vst v63  }
0x270: {  	s21 =	simm.s32 $0x9200;
	v3 =	vadd.s32 v1, v3  }
0x271: {  	[tilespmem:s21], [sflag:$0x3] =	stream.indirect_vreg.gather [hbm4b:s30+s19], $0x80, v4, vm0, $0xb8;
	[tilespmem:$0x14200] =	vst v63  }
0x272: {  	s22 =	simm.s32 $0x9A00  }
0x273: {  	[tilespmem:s22], [sflag:$0x3] =	stream.indirect_vreg.gather [hbm4b:s31+s19], $0x80, v4, vm0, $0xb8;
	[tilespmem:$0x14200] =	vst v63  }
0x274: {  	s23 =	simm.s32 $0xA200  }
0x275: {  	[tilespmem:s23], [sflag:$0x3] =	stream.indirect_vreg.gather [hbm4b:s28+s19], $0x80, v3, vm0, $0xb8;
	[tilespmem:$0x14200] =	vst v63  }
0x276: {  	s24 =	simm.s32 $0xAA00  }
0x277: {  	[tilespmem:s24], [sflag:$0x3] =	stream.indirect_vreg.gather [hbm4b:s29+s19], $0x80, v3, vm0, $0xb8;
	[tilespmem:$0x14200] =	vst v63  }
0x278: {  	s25 =	simm.s32 $0xB200  }
0x279: {  	[tilespmem:s25], [sflag:$0x3] =	stream.indirect_vreg.gather [hbm4b:s30+s19], $0x80, v3, vm0, $0xb8;
	[tilespmem:$0x14200] =	vst v63  }
0x27a: {  	s26 =	simm.s32 $0xBA00  }
0x27b: {  	[tilespmem:s26], [sflag:$0x3] =	stream.indirect_vreg.gather [hbm4b:s31+s19], $0x80, v3, vm0, $0xb8;
	[tilespmem:$0x14200] =	vst v63  }
0x27c: {  	_ =	swait.ge [sflag:s16], $0x4000  }
0x27d: {  	[sflag:s16] =	ssyncset.done $0x0  }
0x27e: {  	[sflag:s16] =	ssyncadd.s32 $0xFFFFC000  }
0x27f: {  	_ =	swait.ge [sflag:s17], $0x4000  }
0x280: {  	[sflag:s17] =	ssyncset.done $0x0  }
0x281: {  	s20 =	simm.s32 $0x0;
	[sflag:s17] =	ssyncadd.s32 $0xFFFFC000  }
.LBB2_22:
0x282: {  	s15 =	sshll.u32 s20, $0xA;
	s21 =	sshll.u32 s20, $0x7  }
0x283: {  	s15 =	sand.u32 $0x2000, s15;
	s21 =	sand.u32 $0x380, s21  }
0x284: {  	s24 =	sand.u32 $0x40, s19;
	s22 =	sor.u32 s15, s21  }
0x285: {  	s25 =	sand.u32 $0x1C00, s19;
	s15 =	sor.u32 s24, s22  }
0x286: {  	s21 =	sor.u32 s25, s15  }
0x287: {  	v8 =	vld [tilespmem:s21+$0x4230]  }
0x288: {  	v9 =	vld [tilespmem:s21+$0xC230]  }
0x289: {  	v4 =	vld [tilespmem:s21+$0x4200]  }
0x28a: {  	v5 =	vld [tilespmem:s21+$0xC200]  }
0x28b: {  	s26 =	simm.s32 $0x40;
	v3 =	vld [tilespmem:s21+$0x4210]  }
0x28c: {  	s23 =	simm.s32 $0x200;
	s15 =	sand.u32 $0x40, s26;
	v6 =	vld [tilespmem:s21+$0xC210]  }
0x28d: {  	s24 =	simm.s32 $0x80;
	s25 =	sand.u32 $0x1C00, s23;
	s26 =	sor.u32 s15, s22;
	v7 =	vld [tilespmem:s21+$0x4220];
	v8 =	vadd.f32 v9, v8  }
.LBB2_23:
0x28e: {  	p0 =	sne.s32 s24, $0x3C0;
	v9 =	vld [tilespmem:s21+$0xC220];
	s15 =	smov.u32 s21;
	s21 =	sor.u32 s25, s26  }
0x28f: {  	v10 =	vld [tilespmem:s21+$0x4230];
	v5 =	vadd.f32 v5, v4;
	[tilespmem:s15+$0x10230] =	vst v8  }
0x290: {  	v8 =	vld [tilespmem:s21+$0xC230]  }
.Ltmp10:
0x291: {  	v4 =	vld [tilespmem:s21+$0x4200];
	[tilespmem:s15+$0x10200] =	vst v5;
	v6 =	vadd.f32 v6, v3;
	(pc) =	sbr.rel @p0 .LBB2_23-.Ltmp10, $4  }
0x292: {  	v5 =	vld [tilespmem:s21+$0xC200]  }
0x293: {  	v3 =	vld [tilespmem:s21+$0x4210];
	[tilespmem:s15+$0x10210] =	vst v6;
	v9 =	vadd.f32 v9, v7  }
0x294: {  	s26 =	sand.u32 $0x40, s24;
	s23 =	sadd.s32 $0x200, s23;
	v6 =	vld [tilespmem:s21+$0xC210]  }
0x295: {  	s24 =	sadd.s32 $0x40, s24;
	s25 =	sand.u32 $0x1C00, s23;
	s26 =	sor.u32 s26, s22;
	v7 =	vld [tilespmem:s21+$0x4220];
	v8 =	vadd.f32 v8, v10;
	[tilespmem:s15+$0x10220] =	vst v9  }
0x296: {  	s15 =	sor.u32 s25, s26;
	v9 =	vld [tilespmem:s21+$0xC220]  }
0x297: {  	v10 =	vld [tilespmem:s15+$0x4230];
	[tilespmem:s21+$0x10230] =	vst v8;
	v4 =	vadd.f32 v5, v4  }
0x298: {  	v59 =	vld [tilespmem:s15+$0xC230]  }
0x299: {  	v8 =	vld [tilespmem:s15+$0x4200];
	[tilespmem:s21+$0x10200] =	vst v4;
	v3 =	vadd.f32 v6, v3  }
0x29a: {  	v4 =	vld [tilespmem:s15+$0xC200]  }
0x29b: {  	v60 =	vld [tilespmem:s15+$0x4210];
	[tilespmem:s21+$0x10210] =	vst v3;
	v3 =	vadd.f32 v9, v7  }
0x29c: {  	v61 =	vld [tilespmem:s15+$0xC210]  }
0x29d: {  	v62 =	vld [tilespmem:s15+$0x4220];
	[tilespmem:s21+$0x10220] =	vst v3  }
0x29e: {  	v3 =	vld [tilespmem:s15+$0xC220]  }
0x29f: {  	s20 =	sadd.s32 $0x1, s20  }
0x2a0: {  	p0 =	sne.s32 s20, $0x10;
	v5 =	vadd.f32 v59, v10  }
.Ltmp11:
0x2a1: {  	v4 =	vadd.f32 v4, v8;
	(pc) =	sbr.rel @p0 .LBB2_22-.Ltmp11, $4  }
0x2a2: {  	[tilespmem:s15+$0x10230] =	vst v5;
	v63 =	vadd.f32 v61, v60  }
0x2a3: {  	[tilespmem:s15+$0x10200] =	vst v4;
	v3 =	vadd.f32 v3, v62  }
0x2a4: {  	[tilespmem:s15+$0x10210] =	vst v63  }
0x2a5: {  	[tilespmem:s15+$0x10220] =	vst v3  }
0x2a6: {  	s19 =	simm.s32 $0x0;
	s15 =	rddreg [dreg:$0x18]  }
0x2a7: {  	[hbm4b:s15+s19] =	stream.linear.scatter [tilespmem:s14], [sflag:$0x5], $0x4000, $0x38;
	[tilespmem:$0x14200] =	vst v63  }
0x2a8: {  	_ =	swait.ge [sflag:s0], $0x4000  }
0x2a9: {  	[sflag:s0] =	ssyncset.done $0x0  }
0x2aa: {  	s20 =	simm.s32 $0x80;
	s24 =	rddreg [dreg:$0x11];
	[sflag:s0] =	ssyncadd.s32 $0xFFFFC000  }
0x2ab: {  	[tilespmem:s20], [sflag:$0x5] =	stream.linear.gather [hbm4b:s24+s19], $0x10, $0x38;
	[tilespmem:$0x14200] =	vst v63  }
0x2ac: {  	_ =	swait.ge [sflag:s0], $0x10  }
0x2ad: {  	[sflag:s0] =	ssyncset.done $0x0  }
0x2ae: {  	s26 =	simm.s32 $0x180;
	s25 =	rddreg [dreg:$0x12];
	[sflag:s0] =	ssyncadd.s32 $0xFFFFFFF0  }
0x2af: {  	[tilespmem:s26], [sflag:$0x5] =	stream.linear.gather [hbm4b:s25+s19], $0x10, $0x38;
	[tilespmem:$0x14200] =	vst v63  }
0x2b0: {  	_ =	swait.ge [sflag:s0], $0x10  }
0x2b1: {  	[sflag:s0] =	ssyncset.done $0x0  }
0x2b2: {  	[sflag:s0] =	ssyncadd.s32 $0xFFFFFFF0  }
0x2b3: {  	v3 =	vld [tilespmem:$0x80];
	_ =	sdelay $0x4  }
0x2b4: {  	v4 =	vshll.u32 v3, $0x3  }
0x2b5: {  	v3 =	vand.u32 $0x7, v3;
	v4 =	vand.u32 $0xFFFFFFC0, v4  }
0x2b6: {  	v3 =	vor.u32 v3, v4  }
0x2b7: {  	v4 =	vperm.xlane v3, v0;
	_ =	sdelay $0x1  }
0x2b8: {  	v4 =	vadd.s32 v1, v4;
	_ =	sdelay $0x3  }
0x2b9: {  	s21 =	simm.s32 $0x4200  }
0x2ba: {  	[tilespmem:s21], [sflag:$0x2] =	stream.indirect_vreg.gather [hbm4b:s28+s19], $0x80, v4, vm0, $0xb8;
	[tilespmem:$0x14200] =	vst v63  }
0x2bb: {  	s22 =	simm.s32 $0x4A00;
	v3 =	vperm.xlane v3, v2  }
0x2bc: {  	[tilespmem:s22], [sflag:$0x2] =	stream.indirect_vreg.gather [hbm4b:s29+s19], $0x80, v4, vm0, $0xb8;
	[tilespmem:$0x14200] =	vst v63  }
0x2bd: {  	s23 =	simm.s32 $0x5200;
	v3 =	vadd.s32 v1, v3  }
0x2be: {  	[tilespmem:s23], [sflag:$0x2] =	stream.indirect_vreg.gather [hbm4b:s30+s19], $0x80, v4, vm0, $0xb8;
	[tilespmem:$0x14200] =	vst v63  }
0x2bf: {  	s24 =	simm.s32 $0x5A00  }
0x2c0: {  	[tilespmem:s24], [sflag:$0x2] =	stream.indirect_vreg.gather [hbm4b:s31+s19], $0x80, v4, vm0, $0xb8;
	[tilespmem:$0x14200] =	vst v63  }
0x2c1: {  	s25 =	simm.s32 $0x6200  }
0x2c2: {  	[tilespmem:s25], [sflag:$0x2] =	stream.indirect_vreg.gather [hbm4b:s28+s19], $0x80, v3, vm0, $0xb8;
	[tilespmem:$0x14200] =	vst v63  }
0x2c3: {  	s26 =	simm.s32 $0x6A00  }
0x2c4: {  	[tilespmem:s26], [sflag:$0x2] =	stream.indirect_vreg.gather [hbm4b:s29+s19], $0x80, v3, vm0, $0xb8;
	[tilespmem:$0x14200] =	vst v63  }
0x2c5: {  	_ = 	snop  }
0x2c6: {  	[tilespmem:s2], [sflag:$0x2] =	stream.indirect_vreg.gather [hbm4b:s30+s19], $0x80, v3, vm0, $0xb8;
	[tilespmem:$0x14200] =	vst v63  }
0x2c7: {  	_ = 	snop  }
0x2c8: {  	[tilespmem:s3], [sflag:$0x2] =	stream.indirect_vreg.gather [hbm4b:s31+s19], $0x80, v3, vm0, $0xb8;
	[tilespmem:$0x14200] =	vst v63  }
0x2c9: {  	v3 =	vld [tilespmem:$0x180];
	_ =	sdelay $0x4  }
0x2ca: {  	v63 =	vshll.u32 v3, $0x3  }
0x2cb: {  	v3 =	vand.u32 $0x7, v3;
	v4 =	vand.u32 $0xFFFFFFC0, v63  }
0x2cc: {  	v3 =	vor.u32 v3, v4  }
0x2cd: {  	v4 =	vperm.xlane v3, v0;
	_ =	sdelay $0x1  }
0x2ce: {  	v4 =	vadd.s32 v1, v4;
	_ =	sdelay $0x4  }
0x2cf: {  	[tilespmem:s4], [sflag:$0x4] =	stream.indirect_vreg.gather [hbm4b:s28+s19], $0x80, v4, vm0, $0xb8;
	[tilespmem:$0x14200] =	vst v63  }
0x2d0: {  	v3 =	vperm.xlane v3, v2  }
0x2d1: {  	[tilespmem:s5], [sflag:$0x4] =	stream.indirect_vreg.gather [hbm4b:s29+s19], $0x80, v4, vm0, $0xb8;
	[tilespmem:$0x14200] =	vst v63  }
0x2d2: {  	v3 =	vadd.s32 v1, v3  }
0x2d3: {  	[tilespmem:s6], [sflag:$0x4] =	stream.indirect_vreg.gather [hbm4b:s30+s19], $0x80, v4, vm0, $0xb8;
	[tilespmem:$0x14200] =	vst v63  }
0x2d4: {  	_ = 	snop  }
0x2d5: {  	[tilespmem:s7], [sflag:$0x4] =	stream.indirect_vreg.gather [hbm4b:s31+s19], $0x80, v4, vm0, $0xb8;
	[tilespmem:$0x14200] =	vst v63  }
0x2d6: {  	_ = 	snop  }
0x2d7: {  	[tilespmem:s8], [sflag:$0x4] =	stream.indirect_vreg.gather [hbm4b:s28+s19], $0x80, v3, vm0, $0xb8;
	[tilespmem:$0x14200] =	vst v63  }
0x2d8: {  	_ = 	snop  }
0x2d9: {  	[tilespmem:s9], [sflag:$0x4] =	stream.indirect_vreg.gather [hbm4b:s29+s19], $0x80, v3, vm0, $0xb8;
	[tilespmem:$0x14200] =	vst v63  }
0x2da: {  	_ = 	snop  }
0x2db: {  	[tilespmem:s10], [sflag:$0x4] =	stream.indirect_vreg.gather [hbm4b:s30+s19], $0x80, v3, vm0, $0xb8;
	[tilespmem:$0x14200] =	vst v63  }
0x2dc: {  	_ = 	snop  }
0x2dd: {  	[tilespmem:s11], [sflag:$0x4] =	stream.indirect_vreg.gather [hbm4b:s31+s19], $0x80, v3, vm0, $0xb8;
	[tilespmem:$0x14200] =	vst v63  }
0x2de: {  	_ =	swait.ge [sflag:s12], $0x4000  }
0x2df: {  	[sflag:s12] =	ssyncset.done $0x0  }
0x2e0: {  	[sflag:s12] =	ssyncadd.s32 $0xFFFFC000  }
0x2e1: {  	_ =	swait.ge [sflag:s13], $0x4000  }
0x2e2: {  	[sflag:s13] =	ssyncset.done $0x0  }
0x2e3: {  	s20 =	simm.s32 $0x0;
	[sflag:s13] =	ssyncadd.s32 $0xFFFFC000  }
.LBB2_26:
0x2e4: {  	s15 =	sshll.u32 s20, $0xA;
	s21 =	sshll.u32 s20, $0x7  }
0x2e5: {  	s15 =	sand.u32 $0x2000, s15;
	s21 =	sand.u32 $0x380, s21  }
0x2e6: {  	s24 =	sand.u32 $0x40, s19;
	s22 =	sor.u32 s15, s21  }
0x2e7: {  	s25 =	sand.u32 $0x1C00, s19;
	s15 =	sor.u32 s24, s22  }
0x2e8: {  	s21 =	sor.u32 s25, s15  }
0x2e9: {  	v8 =	vld [tilespmem:s21+$0x230]  }
0x2ea: {  	v9 =	vld [tilespmem:s21+$0x8230]  }
0x2eb: {  	v4 =	vld [tilespmem:s21+$0x200]  }
0x2ec: {  	v5 =	vld [tilespmem:s21+$0x8200]  }
0x2ed: {  	s26 =	simm.s32 $0x40;
	v3 =	vld [tilespmem:s21+$0x210]  }
0x2ee: {  	s23 =	simm.s32 $0x200;
	s15 =	sand.u32 $0x40, s26;
	v6 =	vld [tilespmem:s21+$0x8210]  }
0x2ef: {  	s24 =	simm.s32 $0x80;
	s25 =	sand.u32 $0x1C00, s23;
	s26 =	sor.u32 s15, s22;
	v7 =	vld [tilespmem:s21+$0x220];
	v8 =	vadd.f32 v9, v8  }
.LBB2_27:
0x2f0: {  	p0 =	sne.s32 s24, $0x3C0;
	v9 =	vld [tilespmem:s21+$0x8220];
	s15 =	smov.u32 s21;
	s21 =	sor.u32 s25, s26  }
0x2f1: {  	v10 =	vld [tilespmem:s21+$0x230];
	v5 =	vadd.f32 v5, v4;
	[tilespmem:s15+$0x10230] =	vst v8  }
0x2f2: {  	v8 =	vld [tilespmem:s21+$0x8230]  }
.Ltmp12:
0x2f3: {  	v4 =	vld [tilespmem:s21+$0x200];
	[tilespmem:s15+$0x10200] =	vst v5;
	v6 =	vadd.f32 v6, v3;
	(pc) =	sbr.rel @p0 .LBB2_27-.Ltmp12, $4  }
0x2f4: {  	v5 =	vld [tilespmem:s21+$0x8200]  }
0x2f5: {  	v3 =	vld [tilespmem:s21+$0x210];
	[tilespmem:s15+$0x10210] =	vst v6;
	v9 =	vadd.f32 v9, v7  }
0x2f6: {  	s26 =	sand.u32 $0x40, s24;
	s23 =	sadd.s32 $0x200, s23;
	v6 =	vld [tilespmem:s21+$0x8210]  }
0x2f7: {  	s24 =	sadd.s32 $0x40, s24;
	s25 =	sand.u32 $0x1C00, s23;
	s26 =	sor.u32 s26, s22;
	v7 =	vld [tilespmem:s21+$0x220];
	v8 =	vadd.f32 v8, v10;
	[tilespmem:s15+$0x10220] =	vst v9  }
0x2f8: {  	s15 =	sor.u32 s25, s26;
	v9 =	vld [tilespmem:s21+$0x8220]  }
0x2f9: {  	v10 =	vld [tilespmem:s15+$0x230];
	[tilespmem:s21+$0x10230] =	vst v8;
	v4 =	vadd.f32 v5, v4  }
0x2fa: {  	v59 =	vld [tilespmem:s15+$0x8230]  }
0x2fb: {  	v8 =	vld [tilespmem:s15+$0x200];
	[tilespmem:s21+$0x10200] =	vst v4;
	v3 =	vadd.f32 v6, v3  }
0x2fc: {  	v4 =	vld [tilespmem:s15+$0x8200]  }
0x2fd: {  	v60 =	vld [tilespmem:s15+$0x210];
	[tilespmem:s21+$0x10210] =	vst v3;
	v3 =	vadd.f32 v9, v7  }
0x2fe: {  	v61 =	vld [tilespmem:s15+$0x8210]  }
0x2ff: {  	v62 =	vld [tilespmem:s15+$0x220];
	[tilespmem:s21+$0x10220] =	vst v3  }
0x300: {  	v3 =	vld [tilespmem:s15+$0x8220]  }
0x301: {  	s20 =	sadd.s32 $0x1, s20  }
0x302: {  	p0 =	sne.s32 s20, $0x10;
	v5 =	vadd.f32 v59, v10  }
.Ltmp13:
0x303: {  	v4 =	vadd.f32 v4, v8;
	(pc) =	sbr.rel @p0 .LBB2_26-.Ltmp13, $4  }
0x304: {  	[tilespmem:s15+$0x10230] =	vst v5;
	v63 =	vadd.f32 v61, v60  }
0x305: {  	[tilespmem:s15+$0x10200] =	vst v4;
	v3 =	vadd.f32 v3, v62  }
0x306: {  	[tilespmem:s15+$0x10210] =	vst v63  }
0x307: {  	[tilespmem:s15+$0x10220] =	vst v3  }
0x308: {  	s19 =	simm.s32 $0x0;
	s15 =	rddreg [dreg:$0x19]  }
0x309: {  	[hbm4b:s15+s19] =	stream.linear.scatter [tilespmem:s14], [sflag:$0x5], $0x4000, $0x38;
	[tilespmem:$0x14200] =	vst v63  }
0x30a: {  	_ =	swait.ge [sflag:s0], $0x4000  }
0x30b: {  	[sflag:s0] =	ssyncset.done $0x0  }
0x30c: {  	[sflag:s0] =	ssyncadd.s32 $0xFFFFC000  }
0x30d: {  	_ =	swait.ge [sflag:s16], $0x4000  }
0x30e: {  	[sflag:s16] =	ssyncset.done $0x0  }
0x30f: {  	[sflag:s16] =	ssyncadd.s32 $0xFFFFC000  }
0x310: {  	_ =	swait.ge [sflag:s17], $0x4000  }
0x311: {  	[sflag:s17] =	ssyncset.done $0x0  }
0x312: {  	s20 =	simm.s32 $0x0;
	[sflag:s17] =	ssyncadd.s32 $0xFFFFC000  }
.LBB2_30:
0x313: {  	s15 =	sshll.u32 s20, $0xA;
	s21 =	sshll.u32 s20, $0x7  }
0x314: {  	s15 =	sand.u32 $0x2000, s15;
	s21 =	sand.u32 $0x380, s21  }
0x315: {  	s24 =	sand.u32 $0x40, s19;
	s22 =	sor.u32 s15, s21  }
0x316: {  	s25 =	sand.u32 $0x1C00, s19;
	s15 =	sor.u32 s24, s22  }
0x317: {  	s21 =	sor.u32 s25, s15  }
0x318: {  	v8 =	vld [tilespmem:s21+$0x4230]  }
0x319: {  	v9 =	vld [tilespmem:s21+$0xC230]  }
0x31a: {  	v4 =	vld [tilespmem:s21+$0x4200]  }
0x31b: {  	v5 =	vld [tilespmem:s21+$0xC200]  }
0x31c: {  	s26 =	simm.s32 $0x40;
	v3 =	vld [tilespmem:s21+$0x4210]  }
0x31d: {  	s23 =	simm.s32 $0x200;
	s15 =	sand.u32 $0x40, s26;
	v6 =	vld [tilespmem:s21+$0xC210]  }
0x31e: {  	s24 =	simm.s32 $0x80;
	s25 =	sand.u32 $0x1C00, s23;
	s26 =	sor.u32 s15, s22;
	v7 =	vld [tilespmem:s21+$0x4220];
	v8 =	vadd.f32 v9, v8  }
.LBB2_31:
0x31f: {  	p0 =	sne.s32 s24, $0x3C0;
	v9 =	vld [tilespmem:s21+$0xC220];
	s15 =	smov.u32 s21;
	s21 =	sor.u32 s25, s26  }
0x320: {  	v10 =	vld [tilespmem:s21+$0x4230];
	v5 =	vadd.f32 v5, v4;
	[tilespmem:s15+$0x10230] =	vst v8  }
0x321: {  	v8 =	vld [tilespmem:s21+$0xC230]  }
.Ltmp14:
0x322: {  	v4 =	vld [tilespmem:s21+$0x4200];
	[tilespmem:s15+$0x10200] =	vst v5;
	v6 =	vadd.f32 v6, v3;
	(pc) =	sbr.rel @p0 .LBB2_31-.Ltmp14, $4  }
0x323: {  	v5 =	vld [tilespmem:s21+$0xC200]  }
0x324: {  	v3 =	vld [tilespmem:s21+$0x4210];
	[tilespmem:s15+$0x10210] =	vst v6;
	v9 =	vadd.f32 v9, v7  }
0x325: {  	s26 =	sand.u32 $0x40, s24;
	s23 =	sadd.s32 $0x200, s23;
	v6 =	vld [tilespmem:s21+$0xC210]  }
0x326: {  	s24 =	sadd.s32 $0x40, s24;
	s25 =	sand.u32 $0x1C00, s23;
	s26 =	sor.u32 s26, s22;
	v7 =	vld [tilespmem:s21+$0x4220];
	v8 =	vadd.f32 v8, v10;
	[tilespmem:s15+$0x10220] =	vst v9  }
0x327: {  	s15 =	sor.u32 s25, s26;
	v9 =	vld [tilespmem:s21+$0xC220]  }
0x328: {  	v10 =	vld [tilespmem:s15+$0x4230];
	[tilespmem:s21+$0x10230] =	vst v8;
	v4 =	vadd.f32 v5, v4  }
0x329: {  	v59 =	vld [tilespmem:s15+$0xC230]  }
0x32a: {  	v8 =	vld [tilespmem:s15+$0x4200];
	[tilespmem:s21+$0x10200] =	vst v4;
	v3 =	vadd.f32 v6, v3  }
0x32b: {  	v4 =	vld [tilespmem:s15+$0xC200]  }
0x32c: {  	v60 =	vld [tilespmem:s15+$0x4210];
	[tilespmem:s21+$0x10210] =	vst v3;
	v3 =	vadd.f32 v9, v7  }
0x32d: {  	v61 =	vld [tilespmem:s15+$0xC210]  }
0x32e: {  	v62 =	vld [tilespmem:s15+$0x4220];
	[tilespmem:s21+$0x10220] =	vst v3  }
0x32f: {  	v3 =	vld [tilespmem:s15+$0xC220]  }
0x330: {  	s20 =	sadd.s32 $0x1, s20  }
0x331: {  	p0 =	sne.s32 s20, $0x10;
	v5 =	vadd.f32 v59, v10  }
.Ltmp15:
0x332: {  	v4 =	vadd.f32 v4, v8;
	(pc) =	sbr.rel @p0 .LBB2_30-.Ltmp15, $4  }
0x333: {  	[tilespmem:s15+$0x10230] =	vst v5;
	v63 =	vadd.f32 v61, v60  }
0x334: {  	[tilespmem:s15+$0x10200] =	vst v4;
	v3 =	vadd.f32 v3, v62  }
0x335: {  	[tilespmem:s15+$0x10210] =	vst v63  }
0x336: {  	[tilespmem:s15+$0x10220] =	vst v3  }
0x337: {  	s15 =	rddreg [dreg:$0x1a]  }
0x338: {  	[hbm4b:s15+s1] =	stream.linear.scatter [tilespmem:s14], [sflag:$0x5], $0x4000, $0x38;
	[tilespmem:$0x14200] =	vst v63  }
0x339: {  	_ =	swait.ge [sflag:s0], $0x4000  }
0x33a: {  	s18 =	sadd.s32 $0x1, s18;
	s26 =	rddreg [dreg:$0x1b]  }
0x33b: {  	p0 =	sne.s32 s18, s26  }
.Ltmp16:
0x33c: {  	_ = 	snop;
	(pc) =	sbr.rel @p0 .LBB2_1-.Ltmp16, $3  }
0x33d: {  	_ =	sdelay $0x1  }
0x33e: {  	[sflag:s0] =	ssyncset.done $0x0  }
0x33f: {  	[sflag:s0] =	ssyncadd.s32 $0xFFFFC000  }
0x340: {  	_ =	sfence.sel $0x180000  }
0x341: {  	[bflag:$0x0] =	sbarrier.arrive $0xFFFF  }
0x342: {  	_ =	strace $0x90000050  }
0x343: {  	s0 =	stileid.u32;
	[bflag:$0x2] =	sbarrier.arrive $0xFFFF  }
0x344: {  	p0 =	sne.s32 s0, $0x0;
	s0 =	rddreg [dreg:$0x2]  }
0x345: {  	s0 =	sadd.s32 @!p0 $0x100000, s0  }
0x346: {  	[sflag:s0] =	ssyncadd.tile.s32 @!p0 $0x1;
	_ =	shalt  }
.Lfunc_end2:
_tile_overlayer_lowered:
.L_overlay_start_2:
0x347: {  	(tag) =	ssettag $0x2  }
0x348: {  	s0 =	rddreg [dreg:$0x0];
	s2 =	stileid.u32  }
0x349: {  	s1 =	rddreg [dreg:$0x1];
	p0 =	sne.s32 s2, $0x0  }
0x34a: {  	s3 =	rddreg [dreg:$0x2];
	[bflag:$0x3] =	sbarrier.arrive $0xFFFF;
	s2 =	simm.s32 @!p0 $0x1C05  }
0x34b: {  	[timem:s3], [sflag:s2] =	dma.local @!p0 [hbm:s0], s1  }
0x34c: {  	s0 =	simm.s32 @!p0 $0x5  }
0x34d: {  	_ =	swait.ge @!p0 [sflag:s0], s1  }
0x34e: {  	s1 =	ssub.s32 @!p0 $0x0, s1;
	[sflag:s0] =	ssyncset.done @!p0 $0x0  }
0x34f: {  	[sflag:s0] =	ssyncadd.s32 @!p0 s1  }
0x350: {  	[bflag:$0x3] =	sbarrier.arrive $0xFFFF  }
0x351: {  	_ =	shalt  }

// kernel: kernel.9.cloned.1.call-start
scs
__scs_entry_jumppad:
0x0: {  	(pc) =	sbr.rel $0x88, $3  }
0x1: {  	(tag) =	ssettag $0x0;
	lr =	simm.s32 $0x1  }
0x2: {  	[smem:$0x3F9C] =	sst lr;
	_ =	strace $0xD0000000  }
0x3: {  	_ = 	snop  }
0x4: {  	_ = 	snop  }
0x5: {  	_ = 	snop  }
0x6: {  	_ = 	snop  }
0x7: {  	_ = 	snop  }
__scs_overlays_trampoline_lowered:
0x8: {  	[smem:$0x3FAB] =	sst s0  }
0x9: {  	[smem:$0x3FAC] =	sst s1  }
0xa: {  	[smem:$0x3FAD] =	sst s2  }
0xb: {  	[smem:$0x3FAE] =	sst s3  }
0xc: {  	[smem:$0x3FAF] =	sst s4  }
0xd: {  	[smem:$0x3FB0] =	sst s5  }
0xe: {  	[smem:$0x3FB1] =	sst s6  }
0xf: {  	[smem:$0x3FB2] =	sst s7  }
0x10: {  	[smem:$0x3FB3] =	sst s8  }
0x11: {  	[smem:$0x3FB4] =	sst s9;
	s0 =	simm.s32 @!p0 $0x0  }
0x12: {  	s1 =	sld [smem:$0x3F9A];
	s0 =	simm.s32 @p0 $0x1  }
0x13: {  	[smem:$0x3FB5] =	sst s0;
	s0 =	simm.s32 @!p1 $0x0  }
0x14: {  	s2 =	sld [smem:$0x3F99];
	s0 =	simm.s32 @p1 $0x1  }
0x15: {  	[smem:$0x3FB6] =	sst s0;
	s0 =	simm.s32 @!p2 $0x0  }
0x16: {  	s3 =	sld [smem:$0x3FDB];
	s0 =	simm.s32 @p2 $0x1  }
0x17: {  	s4 =	simm.s32 $0x1BF5;
	[smem:$0x3FB8] =	sst s0  }
0x18: {  	s0 =	sld [smem:$0x3F9B];
	_ =	swait.ge [sflag:s4], $0x0  }
0x19: {  	s7 =	sld [smem:$0x3F9C]  }
0x1a: {  	s8 =	sadd.s32 $0xFFFFE003, lr  }
0x1b: {  	s9 =	sadd.s32 $0xFFFFFEF7, lr;
	s5 =	simm.s32 $0xFFFFFFFF;
	p2 =	slt.u32 s8, $0xFFFFF086  }
0x1c: {  	p1 =	slt.u32 s9, $0xF7A;
	s5 =	simm.s32 @!p2 $0x0  }
0x1d: {  	s5 =	simm.s32 @p1 $0x1;
	p0 =	seq.s32 s7, s2  }
0x1e: {  	s7 =	smul.u32 @!p0 $0xF7A, s2;
	p2 =	seq.s32 @!p0 s5, $0x0  }
0x1f: {  	s9 =	smul.u32 $0xF7A, s1;
	s8 =	simm.s32 @!p0 $0x1BF5;
	p2 =	por !p2, p0  }
0x20: {  	[sflag:s8] =	ssyncset.s32 @!p0 $0xFFFFF086;
	s6 =	sadd.s32 @!p0 s3, s7;
	s7 =	simm.s32 @!p0 $0x108  }
0x21: {  	s3 =	sadd.s32 s3, s9;
	s6 =	sadd.s32 @!p0 $0x88, s6;
	s7 =	simm.s32 @p2 $0x1082  }
0x22: {  	[simem:s7], [sflag:s8] =	dma.local @!p0 [hbm:s6], $0xF7A  }
0x23: {  	s9 =	sor.u32 $0xD0000000, s2;
	s6 =	simm.s32 $0x108;
	_ =	swait.ge @!p0 [sflag:s8], $0x0  }
0x24: {  	s3 =	sadd.s32 $0x88, s3;
	s6 =	simm.s32 @!p1 $0x1082;
	[sflag:s4] =	ssyncset.s32 $0xFFFFF086  }
0x25: {  	[simem:s6], [sflag:s4] =	dma.local [hbm:s3], $0xF7A  }
0x26: {  	[smem:$0x3F9C] =	sst s1;
	(tag) =	ssettag s2;
	_ =	strace s9  }
0x27: {  	s1 =	sld [smem:$0x3FAC]  }
0x28: {  	s2 =	sld [smem:$0x3FAD]  }
0x29: {  	s4 =	sld [smem:$0x3FAF]  }
0x2a: {  	p0 =	seq.s32 s5, $0x0;
	s5 =	sld [smem:$0x3FB0]  }
0x2b: {  	s6 =	sld [smem:$0x3FB1]  }
0x2c: {  	s7 =	sld [smem:$0x3FB2]  }
0x2d: {  	s3 =	simm.s32 $0x108;
	s8 =	sld [smem:$0x3FB3]  }
0x2e: {  	s3 =	simm.s32 @!p0 $0x1082;
	s9 =	sld [smem:$0x3FB4]  }
0x2f: {  	lr =	sadd.s32 s0, s3;
	s0 =	sld [smem:$0x3FAB]  }
0x30: {  	s3 =	sld [smem:$0x3FAE]  }
0x31: {  	[smem:$0x3FB7] =	sst s10  }
0x32: {  	s10 =	sld [smem:$0x3FB5];
	_ =	sdelay $0x3  }
0x33: {  	p0 =	seq.s32 s10, $0x1;
	s10 =	sld [smem:$0x3FB7];
	_ =	sdelay $0x3  }
0x34: {  	[smem:$0x3FB7] =	sst s10  }
0x35: {  	s10 =	sld [smem:$0x3FB6];
	_ =	sdelay $0x3  }
0x36: {  	p1 =	seq.s32 s10, $0x1;
	s10 =	sld [smem:$0x3FB7];
	_ =	sdelay $0x3  }
0x37: {  	[smem:$0x3FB7] =	sst s10  }
0x38: {  	s10 =	sld [smem:$0x3FB8]  }
0x39: {  	_ = 	snop;
	(pc) =	sbr.ind lr, $3  }
0x3a: {  	_ = 	snop  }
0x3b: {  	_ = 	snop  }
0x3c: {  	p2 =	seq.s32 s10, $0x1;
	s10 =	sld [smem:$0x3FB7]  }
0x3d: {  	_ =	shalt  }
0x3e: {  	_ =	shalt  }
0x3f: {  	_ =	shalt  }
0x40: {  	_ =	shalt  }
0x41: {  	_ =	shalt  }
0x42: {  	_ =	shalt  }
0x43: {  	_ =	shalt  }
0x44: {  	_ =	shalt  }
0x45: {  	_ =	shalt  }
0x46: {  	_ =	shalt  }
0x47: {  	_ =	shalt  }
0x48: {  	_ =	shalt  }
0x49: {  	_ =	shalt  }
0x4a: {  	_ =	shalt  }
0x4b: {  	_ =	shalt  }
0x4c: {  	_ =	shalt  }
0x4d: {  	_ =	shalt  }
0x4e: {  	_ =	shalt  }
0x4f: {  	_ =	shalt  }
0x50: {  	_ =	shalt  }
0x51: {  	_ =	shalt  }
0x52: {  	_ =	shalt  }
0x53: {  	_ =	shalt  }
0x54: {  	_ =	shalt  }
0x55: {  	_ =	shalt  }
0x56: {  	_ =	shalt  }
0x57: {  	_ =	shalt  }
0x58: {  	_ =	shalt  }
0x59: {  	_ =	shalt  }
0x5a: {  	_ =	shalt  }
0x5b: {  	_ =	shalt  }
0x5c: {  	_ =	shalt  }
0x5d: {  	_ =	shalt  }
0x5e: {  	_ =	shalt  }
0x5f: {  	_ =	shalt  }
0x60: {  	_ =	shalt  }
0x61: {  	_ =	shalt  }
0x62: {  	_ =	shalt  }
0x63: {  	_ =	shalt  }
0x64: {  	_ =	shalt  }
0x65: {  	_ =	shalt  }
0x66: {  	_ =	shalt  }
0x67: {  	_ =	shalt  }
0x68: {  	_ =	shalt  }
0x69: {  	_ =	shalt  }
0x6a: {  	_ =	shalt  }
0x6b: {  	_ =	shalt  }
0x6c: {  	_ =	shalt  }
0x6d: {  	_ =	shalt  }
0x6e: {  	_ =	shalt  }
0x6f: {  	_ =	shalt  }
0x70: {  	_ =	shalt  }
0x71: {  	_ =	shalt  }
0x72: {  	_ =	shalt  }
0x73: {  	_ =	shalt  }
0x74: {  	_ =	shalt  }
0x75: {  	_ =	shalt  }
0x76: {  	_ =	shalt  }
0x77: {  	_ =	shalt  }
0x78: {  	_ =	shalt  }
0x79: {  	_ =	shalt  }
0x7a: {  	_ =	shalt  }
0x7b: {  	_ =	shalt  }
0x7c: {  	_ =	shalt  }
0x7d: {  	_ =	shalt  }
0x7e: {  	_ =	shalt  }
0x7f: {  	_ =	shalt  }
0x80: {  	_ =	shalt  }
0x81: {  	_ =	shalt  }
0x82: {  	_ =	shalt  }
0x83: {  	_ =	shalt  }
0x84: {  	_ =	shalt  }
0x85: {  	_ =	shalt  }
0x86: {  	_ =	shalt  }
0x87: {  	_ =	shalt  }
.Lfunc_end0:
.L_simem_size_0:
called_computation_lowered:
.L_overlay_start_0:
0x88: {  	s2 =	sld [smem:$0x3FD9]  }
0x89: {  	s3 =	sld [smem:$0x3FFE];
	_ =	sdelay $0x1  }
0x8a: {  	s1 =	srdreg.scid  }
0x8b: {  	s0 =	sand.u32 $0x1, s1  }
0x8c: {  	s17 =	sshll.u32 s0, $0xA;
	s2 =	sadd.s32 s3, s2  }
0x8d: {  	s2 =	sadd.s32 s2, s17  }
0x8e: {  	[smem:$0x3FC3] =	sst s2  }
0x8f: {  	_ = 	snop  }
0x90: {  	s2 =	sld [smem:$0x3FD0];
	(tm) =	ssettm $0x1  }
0x91: {  	s18 =	sld [smem:$0x3FFB];
	_ =	sdelay $0x3  }
0x92: {  	_ =	strace s18  }
0x93: {  	s3 =	sld [smem:$0x3FFC];
	_ =	sdelay $0x3  }
0x94: {  	_ =	strace s3  }
0x95: {  	s3 =	sld [smem:$0x3FFD];
	_ =	sdelay $0x3  }
0x96: {  	_ =	strace s3  }
0x97: {  	_ =	strace $0x8FFFFFFF  }
0x98: {  	s19 =	sld [smem:$0x3FDB];
	_ =	sdelay $0x1  }
0x99: {  	s4 =	simm.s32 $_scs_section_size  }
0x9a: {  	s5 =	simm.s32 $_size__tile_overlayer_lowered;
	s6 =	simm.s32 $_tile_overlayer_lowered  }
0x9b: {  	s22 =	simm.s32 $0x1BFF;
	s21 =	sshll.u32 s6, $0x1;
	s3 =	sadd.s32 s4, s19  }
0x9c: {  	s7 =	simm.s32 $0x0;
	s20 =	sshll.u32 s5, $0x1;
	s5 =	sadd.s32 s21, s3  }
0x9d: {  	[timem:s7], [sflag:s22] =	dma.local [hbm:s5], s20  }
0x9e: {  	_ =	swait.ge [sflag:s22], s20  }
0x9f: {  	s4 =	ssub.s32 $0x0, s20;
	[sflag:s22] =	ssyncset.done $0x0  }
0xa0: {  	[sflag:s22] =	ssyncadd.s32 s4;
	_ =	sdelay $0x1  }
0xa1: {  	s23 =	simm.s32 $0x1B8B  }
0xa2: {  	_ =	swait.ge [sflag:s23], $0x1  }
0xa3: {  	[sflag:s23] =	ssyncset.done $0x0  }
0xa4: {  	s25 =	simm.s32 $0x1B8E;
	s24 =	sld [smem:$0x3FFE];
	[sflag:s23] =	ssyncadd.s32 $0xFFFFFFFF  }
0xa5: {  	s26 =	simm.s32 $execute0_lowered;
	[smem:$0x3FD2] =	sst s25  }
0xa6: {  	s5 =	sshll.u32 s26, $0x1;
	_ =	strace $0x80000046;
	[dreg:$0x1] =	wrdreg $0xFFFFFFFF  }
0xa7: {  	s28 =	simm.s32 $_size_execute0_lowered;
	s3 =	sadd.s32 s3, s5;
	[dreg:$0x0] =	wrdreg $0x0  }
0xa8: {  	s5 =	sshll.u32 s28, $0x1;
	[dreg:$0x2] =	wrdreg s3  }
0xa9: {  	[dreg:$0x3] =	wrdreg s5  }
0xaa: {  	[dreg:$0x4] =	wrdreg $0xC0  }
0xab: {  	_ =	task [dreg:s7], $0x5FFFF  }
0xac: {  	[dreg:$0x1] =	wrdreg $0xFFFFFFFF  }
0xad: {  	[dreg:$0x0] =	wrdreg $0x60  }
0xae: {  	[dreg:$0x2] =	wrdreg s24  }
0xaf: {  	[dreg:$0x3] =	wrdreg s2  }
0xb0: {  	[dreg:$0x4] =	wrdreg $0xB000  }
0xb1: {  	[dreg:$0x5] =	wrdreg $0xD800  }
0xb2: {  	[dreg:$0x6] =	wrdreg $0x9  }
0xb3: {  	_ =	task.clear_ibuf [dreg:s7], $0x7FFFF;
	_ =	strace $0x90000046  }
0xb4: {  	s29 =	simm.s32 $0x9;
	_ =	strace $0x80000048  }
0xb5: {  	_ =	swait.ge [sflag:s29], $0x1  }
0xb6: {  	[sflag:s29] =	ssyncadd.s32 $0xFFFFFFFF  }
0xb7: {  	_ =	strace $0x90000048  }
0xb8: {  	_ =	sfence  }
0xb9: {  	s30 =	sld [smem:$0x0];
	_ =	sdelay $0x2  }
0xba: {  	s31 =	sshll.u32 s1, $0xD;
	s1 =	sshrl.u32 s1, $0x2  }
0xbb: {  	s3 =	sand.u32 $0x4000, s31;
	s1 =	sadd.s32 s1, s30  }
0xbc: {  	s0 =	sor.u32 s3, s0;
	s1 =	sshll.u32 s1, $0x11  }
0xbd: {  	s0 =	sor.u32 s1, s0  }
0xbe: {  	s0 =	sadd.s32 $0x8F2B, s0  }
0xbf: {  	[sflag:s0] =	ssyncadd.remote.s32 $0x1  }
0xc0: {  	_ =	sfence.sel $0xFFFF  }
0xc1: {  	[dreg:$0x0] =	wrdreg $0xFFFFFFFF;
	(pc) =	sbr.abs _section_cstart, $3  }
0xc2: {  	[dreg:$0x1] =	wrdreg $0xFFFFFFFF  }
0xc3: {  	_ =	task.clear_ibuf [dreg:s7], $0x2FFFF;
	_ =	strace $0x9FFFFFFF  }
0xc4: {  	(tm) =	ssettm $0x7FFFFFFF  }
0xc5: {  	_ =	shalt  }
tec
execute0_lowered:
.L_overlay_start_1:
0x0: {  	(tag) =	ssettag $0x1  }
0x1: {  	s24 =	rddreg [dreg:$0x0]  }
0x2: {  	s0 =	rddreg [dreg:$0x1]  }
0x3: {  	s1 =	rddreg [dreg:$0x2]  }
0x4: {  	s3 =	simm.s32 $0x0;
	s25 =	stileid.u32;
	[dreg:$0x5] =	wrdreg s0  }
0x5: {  	[smem:$0x7FF] =	sst s3;
	p0 =	sne.s32 s25, $0x0  }
0x6: {  	s2 =	rddreg [dreg:$0x3];
	_ =	strace $0x80000047;
	s4 =	sshrl.u32 @!p0 s1, $0x3  }
0x7: {  	s5 =	simm.s32 @!p0 $0x1C01;
	s6 =	simm.s32 @!p0 $0x1;
	s7 =	rddreg [dreg:$0x5]  }
0x8: {  	[spmem:s4], [sflag:s5] =	dma.local @!p0 [hbm:s7], $0x500  }
0x9: {  	_ =	swait.ge @!p0 [sflag:s6], $0x500  }
0xa: {  	[sflag:s6] =	ssyncset.done @!p0 $0x0  }
0xb: {  	s8 =	sshrl.u32 @!p0 s2, $0x3;
	s7 =	sadd.s32 $0x21800, s24;
	[sflag:s6] =	ssyncadd.s32 @!p0 $0xFFFFFB00  }
0xc: {  	[spmem:s8], [sflag:s5] =	dma.local @!p0 [hbm:s7], $0x500  }
0xd: {  	_ =	swait.ge @!p0 [sflag:s6], $0x500  }
0xe: {  	s9 =	sshll.u32 s25, $0x6;
	[sflag:s6] =	ssyncset.done @!p0 $0x0  }
0xf: {  	s13 =	sadd.s32 s9, s24;
	[sflag:s6] =	ssyncadd.s32 @!p0 $0xFFFFFB00  }
0x10: {  	s9 =	simm.s32 $0x1;
	s10 =	sadd.s32 $0x21000, s13;
	[bflag:$0x0] =	sbarrier.arrive $0xFFFF  }
0x11: {  	[tilespmem:s3], [sflag:$0x1] =	stream.linear.gather [hbm4b:s10+s3], $0x200, $0x38;
	[tilespmem:$0x1000] =	vst v63  }
0x12: {  	_ =	swait.ge [sflag:s9], $0x200  }
0x13: {  	[sflag:s9] =	ssyncset.done $0x0  }
0x14: {  	s12 =	simm.s32 $0x200;
	s11 =	sadd.s32 $0x400, s13;
	[sflag:s9] =	ssyncadd.s32 $0xFFFFFE00  }
0x15: {  	[tilespmem:s12], [sflag:$0x1] =	stream.linear.gather [hbm4b:s11+s3], $0x200, $0x38;
	[tilespmem:$0x1000] =	vst v63  }
0x16: {  	_ =	swait.ge [sflag:s9], $0x200  }
0x17: {  	[sflag:s9] =	ssyncset.done $0x0  }
0x18: {  	s14 =	simm.s32 $0x400;
	s13 =	sadd.s32 $0x21400, s13;
	[sflag:s9] =	ssyncadd.s32 $0xFFFFFE00  }
0x19: {  	[tilespmem:s14], [sflag:$0x1] =	stream.linear.gather [hbm4b:s13+s3], $0x200, $0x38;
	[tilespmem:$0x1000] =	vst v63  }
0x1a: {  	_ =	swait.ge [sflag:s9], $0x200  }
0x1b: {  	[sflag:s9] =	ssyncset.done $0x0  }
0x1c: {  	s15 =	simm.s32 $0x80;
	[sflag:s9] =	ssyncadd.s32 $0xFFFFFE00  }
0x1d: {  	[spmem:s1] =	stream.indirect.scatter.add.s32 [tilespmem:s12], [sflag:$0x1], $0x1, s3, s15, $0xb8;
	[tilespmem:$0x1000] =	vst v63  }
0x1e: {  	_ =	swait.ge [sflag:s9], $0x80  }
0x1f: {  	[sflag:s9] =	ssyncset.done $0x0  }
0x20: {  	[sflag:s9] =	ssyncadd.s32 $0xFFFFFF80  }
0x21: {  	[spmem:s2] =	stream.indirect.scatter.add.f32 [tilespmem:s14], [sflag:$0x1], $0x1, s3, s15, $0xb8;
	[tilespmem:$0x1000] =	vst v63  }
0x22: {  	_ =	swait.ge [sflag:s9], $0x80  }
0x23: {  	[sflag:s9] =	ssyncset.done $0x0  }
0x24: {  	s16 =	simm.s32 $0x280;
	[sflag:s9] =	ssyncadd.s32 $0xFFFFFF80  }
0x25: {  	[spmem:s1] =	stream.indirect.scatter.add.s32 [tilespmem:s16], [sflag:$0x1], $0x1, s15, s15, $0xb8;
	[tilespmem:$0x1000] =	vst v63  }
0x26: {  	_ =	swait.ge [sflag:s9], $0x80  }
0x27: {  	[sflag:s9] =	ssyncset.done $0x0  }
0x28: {  	s17 =	simm.s32 $0x480;
	[sflag:s9] =	ssyncadd.s32 $0xFFFFFF80  }
0x29: {  	[spmem:s2] =	stream.indirect.scatter.add.f32 [tilespmem:s17], [sflag:$0x1], $0x1, s15, s15, $0xb8;
	[tilespmem:$0x1000] =	vst v63  }
0x2a: {  	_ =	swait.ge [sflag:s9], $0x80  }
0x2b: {  	[sflag:s9] =	ssyncset.done $0x0  }
0x2c: {  	s18 =	simm.s32 $0x100;
	s19 =	simm.s32 $0x300;
	[sflag:s9] =	ssyncadd.s32 $0xFFFFFF80  }
0x2d: {  	[spmem:s1] =	stream.indirect.scatter.add.s32 [tilespmem:s19], [sflag:$0x1], $0x1, s18, s15, $0xb8;
	[tilespmem:$0x1000] =	vst v63  }
0x2e: {  	_ =	swait.ge [sflag:s9], $0x80  }
0x2f: {  	[sflag:s9] =	ssyncset.done $0x0  }
0x30: {  	s20 =	simm.s32 $0x500;
	[sflag:s9] =	ssyncadd.s32 $0xFFFFFF80  }
0x31: {  	[spmem:s2] =	stream.indirect.scatter.add.f32 [tilespmem:s20], [sflag:$0x1], $0x1, s18, s15, $0xb8;
	[tilespmem:$0x1000] =	vst v63  }
0x32: {  	s21 =	simm.s32 $0x180;
	s22 =	simm.s32 $0x380;
	_ =	swait.ge [sflag:s9], $0x80  }
0x33: {  	s23 =	simm.s32 $0x580;
	s26 =	srdreg.scid;
	[sflag:s9] =	ssyncset.done $0x0  }
0x34: {  	s26 =	sand.u32 $0x1, s26;
	s29 =	smul.u32 $0x280, s25;
	[sflag:s9] =	ssyncadd.s32 $0xFFFFFF80  }
0x35: {  	[spmem:s1] =	stream.indirect.scatter.add.s32 [tilespmem:s22], [sflag:$0x1], $0x1, s21, s15, $0xb8;
	[tilespmem:$0x1000] =	vst v63  }
0x36: {  	s30 =	sadd.s32 $0x22400, s24;
	s31 =	sadd.s32 $0x21E00, s24;
	_ =	swait.ge [sflag:s9], $0x80  }
0x37: {  	p1 =	seq.s32 s26, $0x1;
	s0 =	ssub.s32 $0x2, s26;
	[sflag:s9] =	ssyncset.done $0x0  }
0x38: {  	s25 =	simm.s32 @p1 $0x880;
	s26 =	sadd.s32 s29, s2;
	[sflag:s9] =	ssyncadd.s32 $0xFFFFFF80  }
0x39: {  	[spmem:s2] =	stream.indirect.scatter.add.f32 [tilespmem:s23], [sflag:$0x1], $0x1, s21, s15, $0xb8;
	[tilespmem:$0x1000] =	vst v63  }
0x3a: {  	s31 =	smov.u32 @p1 s30;
	s30 =	sshrl.u32 s0, $0x1;
	_ =	swait.ge [sflag:s9], $0x80  }
0x3b: {  	s24 =	sadd.s32 s29, s1;
	s0 =	ssub.s32 s0, s30;
	[sflag:s9] =	ssyncset.done $0x0  }
0x3c: {  	s29 =	sshrl.u32 s29, $0x3;
	s0 =	smax.u32 s0, $0x1;
	[sflag:s9] =	ssyncadd.s32 $0xFFFFFF80  }
0x3d: {  	s29 =	sadd.s32 s31, s29;
	s31 =	sadd.s32 $0xFFFFFFFF, s0;
	[bflag:$0x0] =	sbarrier.arrive $0xFFFF  }
0x3e: {  	[tilespmem:s25], [sflag:$0x1] =	stream.linear.gather @p1 [spmem:s24], $0x280, $0x38;
	[tilespmem:$0x1000] =	vst v63  }
0x3f: {  	s28 =	simm.s32 @!p1 $0x600;
	p2 =	sne.s32 s31, $0x0  }
0x40: {  	[tilespmem:s28], [sflag:$0x1] =	stream.linear.gather @!p1 [spmem:s26], $0x280, $0x38;
	[tilespmem:$0x1000] =	vst v63  }
.Ltmp0:
0x41: {  	_ =	swait.ge [sflag:s9], $0x280;
	(pc) =	sbr.rel @!p2 .LBB2_2-.Ltmp0, $4  }
0x42: {  	s30 =	simm.s32 @!p1 $0x600;
	[sflag:s9] =	ssyncset.done $0x0  }
0x43: {  	s30 =	simm.s32 @p1 $0x880;
	[sflag:s9] =	ssyncadd.s32 $0xFFFFFD80  }
0x44: {  	[hbm4b:s29+s3] =	stream.linear.scatter [tilespmem:s30], [sflag:$0x1], $0x280, $0x38;
	[tilespmem:$0x1000] =	vst v63  }
0x45: {  	_ =	swait.ge [sflag:s9], $0x280  }
.LBB2_1:
0x46: {  	[sflag:s9] =	ssyncset.done $0x0  }
0x47: {  	s0 =	rddreg [dreg:$0x5];
	[sflag:s9] =	ssyncadd.s32 $0xFFFFFD80  }
0x48: {  	[spmem:s4], [sflag:s5] =	dma.local @!p0 [hbm:s0], $0x500  }
0x49: {  	_ =	swait.ge @!p0 [sflag:s6], $0x500  }
0x4a: {  	[sflag:s6] =	ssyncset.done @!p0 $0x0  }
0x4b: {  	[sflag:s6] =	ssyncadd.s32 @!p0 $0xFFFFFB00  }
0x4c: {  	[spmem:s8], [sflag:s5] =	dma.local @!p0 [hbm:s7], $0x500  }
0x4d: {  	_ =	swait.ge @!p0 [sflag:s6], $0x500  }
0x4e: {  	[sflag:s6] =	ssyncset.done @!p0 $0x0  }
0x4f: {  	[sflag:s6] =	ssyncadd.s32 @!p0 $0xFFFFFB00  }
0x50: {  	[bflag:$0x0] =	sbarrier.arrive $0xFFFF  }
0x51: {  	[tilespmem:s3], [sflag:$0x1] =	stream.linear.gather [hbm4b:s10+s3], $0x200, $0x38;
	[tilespmem:$0x1000] =	vst v63  }
0x52: {  	_ =	swait.ge [sflag:s9], $0x200  }
0x53: {  	[sflag:s9] =	ssyncset.done $0x0  }
0x54: {  	[sflag:s9] =	ssyncadd.s32 $0xFFFFFE00  }
0x55: {  	[tilespmem:s12], [sflag:$0x1] =	stream.linear.gather [hbm4b:s11+s3], $0x200, $0x38;
	[tilespmem:$0x1000] =	vst v63  }
0x56: {  	_ =	swait.ge [sflag:s9], $0x200  }
0x57: {  	[sflag:s9] =	ssyncset.done $0x0  }
0x58: {  	[sflag:s9] =	ssyncadd.s32 $0xFFFFFE00  }
0x59: {  	[tilespmem:s14], [sflag:$0x1] =	stream.linear.gather [hbm4b:s13+s3], $0x200, $0x38;
	[tilespmem:$0x1000] =	vst v63  }
0x5a: {  	_ =	swait.ge [sflag:s9], $0x200  }
0x5b: {  	[sflag:s9] =	ssyncset.done $0x0  }
0x5c: {  	[sflag:s9] =	ssyncadd.s32 $0xFFFFFE00  }
0x5d: {  	[spmem:s1] =	stream.indirect.scatter.add.s32 [tilespmem:s12], [sflag:$0x1], $0x1, s3, s15, $0xb8;
	[tilespmem:$0x1000] =	vst v63  }
0x5e: {  	_ =	swait.ge [sflag:s9], $0x80  }
0x5f: {  	[sflag:s9] =	ssyncset.done $0x0  }
0x60: {  	[sflag:s9] =	ssyncadd.s32 $0xFFFFFF80  }
0x61: {  	[spmem:s2] =	stream.indirect.scatter.add.f32 [tilespmem:s14], [sflag:$0x1], $0x1, s3, s15, $0xb8;
	[tilespmem:$0x1000] =	vst v63  }
0x62: {  	_ =	swait.ge [sflag:s9], $0x80  }
0x63: {  	[sflag:s9] =	ssyncset.done $0x0  }
0x64: {  	[sflag:s9] =	ssyncadd.s32 $0xFFFFFF80  }
0x65: {  	[spmem:s1] =	stream.indirect.scatter.add.s32 [tilespmem:s16], [sflag:$0x1], $0x1, s15, s15, $0xb8;
	[tilespmem:$0x1000] =	vst v63  }
0x66: {  	_ =	swait.ge [sflag:s9], $0x80  }
0x67: {  	[sflag:s9] =	ssyncset.done $0x0  }
0x68: {  	[sflag:s9] =	ssyncadd.s32 $0xFFFFFF80  }
0x69: {  	[spmem:s2] =	stream.indirect.scatter.add.f32 [tilespmem:s17], [sflag:$0x1], $0x1, s15, s15, $0xb8;
	[tilespmem:$0x1000] =	vst v63  }
0x6a: {  	_ =	swait.ge [sflag:s9], $0x80  }
0x6b: {  	[sflag:s9] =	ssyncset.done $0x0  }
0x6c: {  	[sflag:s9] =	ssyncadd.s32 $0xFFFFFF80  }
0x6d: {  	[spmem:s1] =	stream.indirect.scatter.add.s32 [tilespmem:s19], [sflag:$0x1], $0x1, s18, s15, $0xb8;
	[tilespmem:$0x1000] =	vst v63  }
0x6e: {  	_ =	swait.ge [sflag:s9], $0x80  }
0x6f: {  	[sflag:s9] =	ssyncset.done $0x0  }
0x70: {  	[sflag:s9] =	ssyncadd.s32 $0xFFFFFF80  }
0x71: {  	[spmem:s2] =	stream.indirect.scatter.add.f32 [tilespmem:s20], [sflag:$0x1], $0x1, s18, s15, $0xb8;
	[tilespmem:$0x1000] =	vst v63  }
0x72: {  	_ =	swait.ge [sflag:s9], $0x80  }
0x73: {  	[sflag:s9] =	ssyncset.done $0x0  }
0x74: {  	[sflag:s9] =	ssyncadd.s32 $0xFFFFFF80  }
0x75: {  	[spmem:s1] =	stream.indirect.scatter.add.s32 [tilespmem:s22], [sflag:$0x1], $0x1, s21, s15, $0xb8;
	[tilespmem:$0x1000] =	vst v63  }
0x76: {  	_ =	swait.ge [sflag:s9], $0x80  }
0x77: {  	[sflag:s9] =	ssyncset.done $0x0  }
0x78: {  	[sflag:s9] =	ssyncadd.s32 $0xFFFFFF80  }
0x79: {  	[spmem:s2] =	stream.indirect.scatter.add.f32 [tilespmem:s23], [sflag:$0x1], $0x1, s21, s15, $0xb8;
	[tilespmem:$0x1000] =	vst v63  }
0x7a: {  	_ =	swait.ge [sflag:s9], $0x80  }
0x7b: {  	[sflag:s9] =	ssyncset.done $0x0  }
0x7c: {  	[sflag:s9] =	ssyncadd.s32 $0xFFFFFF80  }
0x7d: {  	s31 =	sadd.s32 $0xFFFFFFFF, s31;
	[bflag:$0x0] =	sbarrier.arrive $0xFFFF  }
0x7e: {  	[tilespmem:s25], [sflag:$0x1] =	stream.linear.gather @p1 [spmem:s24], $0x280, $0x38;
	[tilespmem:$0x1000] =	vst v63  }
0x7f: {  	p2 =	sne.s32 s31, $0x0  }
0x80: {  	[tilespmem:s28], [sflag:$0x1] =	stream.linear.gather @!p1 [spmem:s26], $0x280, $0x38;
	[tilespmem:$0x1000] =	vst v63  }
.Ltmp1:
0x81: {  	_ =	swait.ge [sflag:s9], $0x280;
	(pc) =	sbr.rel @p2 .LBB2_1-.Ltmp1, $4  }
0x82: {  	[sflag:s9] =	ssyncset.done $0x0  }
0x83: {  	[sflag:s9] =	ssyncadd.s32 $0xFFFFFD80  }
0x84: {  	[hbm4b:s29+s3] =	stream.linear.scatter [tilespmem:s30], [sflag:$0x1], $0x280, $0x38;
	[tilespmem:$0x1000] =	vst v63  }
0x85: {  	_ =	swait.ge [sflag:s9], $0x280  }
.LBB2_2:
0x86: {  	[sflag:s9] =	ssyncset.done $0x0  }
0x87: {  	[sflag:s9] =	ssyncadd.s32 $0xFFFFFD80  }
0x88: {  	_ =	sfence.sel $0x180000  }
0x89: {  	[bflag:$0x0] =	sbarrier.arrive $0xFFFF  }
0x8a: {  	_ =	strace $0x90000047  }
0x8b: {  	[bflag:$0x2] =	sbarrier.arrive $0xFFFF  }
0x8c: {  	s0 =	rddreg [dreg:$0x4]  }
0x8d: {  	s0 =	sadd.s32 @!p0 $0x100000, s0  }
0x8e: {  	[sflag:s0] =	ssyncadd.tile.s32 @!p0 $0x1;
	_ =	shalt  }
.Lfunc_end2:
_tile_overlayer_lowered:
.L_overlay_start_2:
0x8f: {  	(tag) =	ssettag $0x2  }
0x90: {  	s0 =	rddreg [dreg:$0x0];
	s2 =	stileid.u32  }
0x91: {  	s1 =	rddreg [dreg:$0x1];
	p0 =	sne.s32 s2, $0x0  }
0x92: {  	s3 =	rddreg [dreg:$0x2];
	[bflag:$0x3] =	sbarrier.arrive $0xFFFF;
	s2 =	simm.s32 @!p0 $0x1C01  }
0x93: {  	[timem:s3], [sflag:s2] =	dma.local @!p0 [hbm:s0], s1  }
0x94: {  	s0 =	simm.s32 @!p0 $0x1  }
0x95: {  	_ =	swait.ge @!p0 [sflag:s0], s1  }
0x96: {  	s1 =	ssub.s32 @!p0 $0x0, s1;
	[sflag:s0] =	ssyncset.done @!p0 $0x0  }
0x97: {  	[sflag:s0] =	ssyncadd.s32 @!p0 s1  }
0x98: {  	[bflag:$0x3] =	sbarrier.arrive $0xFFFF  }
0x99: {  	_ =	shalt  }

</sc_bundles>
